<compile_context>
chip_gen: v7x
topology: tpu7x:2x2x1
jax: 0.10.2.dev20260603
libtpu: 0.0.44.dev20260713+nightly
codegen_flags: <defaults>
</compile_context>

<pallas_src>
import functools
import jax
import jax.numpy as jnp
from jax import lax
from jax.experimental import pallas as pl
from jax.experimental.pallas import tpu as pltpu
from jax.experimental.pallas import tpu_sc as plsc

NC, NS, L = 2, 16, 16
NW = NC * NS
N_NODES = 10000
HID = 16
CH = 128
NPAD = 10112
RPT = NPAD // NS
NBUF = 8

_mesh = plsc.VectorSubcoreMesh(core_axis_name="c", subcore_axis_name="s",
                               num_cores=NC, num_subcores=NS)


def _zero_rows(buf, nrows):
    def body(i, _):
        buf[i, :] = jnp.zeros((L,), jnp.float32)
        return 0
    lax.fori_loop(0, nrows, body, 0)


def _rsqrt16(x):
    i = plsc.bitcast(x, jnp.int32)
    i = 0x5F3759DF - lax.shift_right_logical(i, 1)
    y = plsc.bitcast(i, jnp.float32)
    for _ in range(3):
        y = y * (1.5 - 0.5 * x * y * y)
    return y


def _make_deg_kernel(nchunk):
    @functools.partial(
        pl.kernel,
        out_type=jax.ShapeDtypeStruct((NC, NPAD, L), jnp.float32),
        mesh=_mesh,
        scratch_types=[
            pltpu.VMEM((nchunk, CH), jnp.int32),
            pltpu.VMEM((CH, L), jnp.float32),
            pltpu.VMEM((RPT, L), jnp.float32),
            pltpu.VMEM_SHARED((NPAD, L), jnp.float32),
            pltpu.SemaphoreType.DMA,
        ],
        compiler_params=pltpu.CompilerParams(use_tc_tiling_on_sc=False, needs_layout_passes=False),
    )
    def deg_kernel(dst_hbm, out_hbm, dst_v, ones_v, zbuf, acc, sem):
        c = lax.axis_index("c")
        s = lax.axis_index("s")
        wid = c * NS + s
        _zero_rows(zbuf, RPT)
        pltpu.sync_copy(zbuf, acc.at[pl.ds(s * RPT, RPT)])

        def fill_ones(i, _):
            ones_v[i, :] = jnp.ones((L,), jnp.float32)
            return 0
        lax.fori_loop(0, CH, fill_ones, 0)
        pltpu.sync_copy(dst_hbm.at[wid], dst_v)
        plsc.subcore_barrier()

        def fire(j, _):
            pltpu.async_copy(ones_v, acc.at[dst_v.at[j]], sem, add=True)
            return 0
        lax.fori_loop(0, nchunk, fire, 0)

        def drain(j, _):
            pltpu.make_async_copy(ones_v, acc.at[dst_v.at[j]], sem).wait()
            return 0
        lax.fori_loop(0, nchunk, drain, 0)
        plsc.subcore_barrier()
        pltpu.sync_copy(acc.at[pl.ds(s * RPT, RPT)],
                        out_hbm.at[c, pl.ds(s * RPT, RPT)])

    return deg_kernel


def _agg_core(nchunk, src_v, dst_v, gbuf, tbl, acc, gsem, ssem):
    def gissue(j, slot):
        pltpu.async_copy(tbl.at[src_v.at[j]], gbuf.at[slot], gsem.at[slot])

    def gwait(j, slot):
        pltpu.make_async_copy(tbl.at[src_v.at[j]], gbuf.at[slot],
                              gsem.at[slot]).wait()

    def sissue(j, slot):
        pltpu.async_copy(gbuf.at[slot], acc.at[dst_v.at[j]], ssem.at[slot],
                         add=True)

    def swait(j, slot):
        pltpu.make_async_copy(gbuf.at[slot], acc.at[dst_v.at[j]],
                              ssem.at[slot]).wait()

    la = NBUF // 2
    for j0 in range(la):
        gissue(j0, j0)
    ngroups = (nchunk + NBUF - 1) // NBUF

    def group(g, _):
        base = g * NBUF
        for b in range(NBUF):
            j = base + b
            b2 = (b + la) % NBUF

            @pl.when(j < nchunk)
            def _():
                gwait(j, b)
                sissue(j, b)

                @pl.when(j >= la)
                def _():
                    swait(j - la, b2)

                @pl.when(j + la < nchunk)
                def _():
                    gissue(j + la, b2)
        return 0

    lax.fori_loop(0, ngroups, group, 0)
    for k in range(la):
        j = nchunk - la + k
        swait(j, j % NBUF)


def _make_agg1_kernel(nchunk):
    @functools.partial(
        pl.kernel,
        out_type=[
            jax.ShapeDtypeStruct((NC, NPAD, L), jnp.float32),
            jax.ShapeDtypeStruct((NPAD, L), jnp.float32),
            jax.ShapeDtypeStruct((NPAD, L), jnp.float32),
        ],
        mesh=_mesh,
        scratch_types=[
            pltpu.VMEM((nchunk, CH), jnp.int32),
            pltpu.VMEM((nchunk, CH), jnp.int32),
            pltpu.VMEM((NBUF, CH, L), jnp.float32),
            pltpu.VMEM((RPT, L), jnp.float32),
            pltpu.VMEM((RPT, L), jnp.float32),
            pltpu.VMEM((RPT, L), jnp.float32),
            pltpu.VMEM((RPT, L), jnp.float32),
            pltpu.VMEM_SHARED((NPAD, L), jnp.float32),
            pltpu.VMEM_SHARED((NPAD, L), jnp.float32),
            pltpu.SemaphoreType.DMA((NBUF,)),
            pltpu.SemaphoreType.DMA((NBUF,)),
        ],
        compiler_params=pltpu.CompilerParams(use_tc_tiling_on_sc=False, needs_layout_passes=False),
    )
    def agg1_kernel(h_hbm, deg_hbm, src_hbm, dst_hbm,
                    out_hbm, g1_hbm, dis_hbm,
                    src_v, dst_v, gbuf, hv, av, bv, zbuf, tbl, acc,
                    gsem, ssem):
        c = lax.axis_index("c")
        s = lax.axis_index("s")
        wid = c * NS + s
        r0 = s * RPT
        _zero_rows(zbuf, RPT)
        c0 = pltpu.async_copy(zbuf, acc.at[pl.ds(r0, RPT)], ssem.at[0])
        c1 = pltpu.async_copy(h_hbm.at[pl.ds(r0, RPT)], hv, gsem.at[0])
        c2 = pltpu.async_copy(deg_hbm.at[0, pl.ds(r0, RPT)], av, gsem.at[1])
        c3 = pltpu.async_copy(deg_hbm.at[1, pl.ds(r0, RPT)], bv, gsem.at[2])
        c4 = pltpu.async_copy(src_hbm.at[wid], src_v, gsem.at[3])
        c5 = pltpu.async_copy(dst_hbm.at[wid], dst_v, ssem.at[1])
        c1.wait()
        c2.wait()
        c3.wait()

        def build(i, _):
            for u in range(4):
                r = i * 4 + u
                cnt = av[r, :] + bv[r, :] + 1.0
                dis = _rsqrt16(cnt)
                av[r, :] = dis
                bv[r, :] = dis * hv[r, :]
            return 0
        lax.fori_loop(0, RPT // 4, build, 0)
        pltpu.sync_copy(bv, tbl.at[pl.ds(r0, RPT)])

        @pl.when(c == 0)
        def _():
            pltpu.sync_copy(bv, g1_hbm.at[pl.ds(r0, RPT)])
            pltpu.sync_copy(av, dis_hbm.at[pl.ds(r0, RPT)])
        c0.wait()
        c4.wait()
        c5.wait()
        plsc.subcore_barrier()

        _agg_core(nchunk, src_v, dst_v, gbuf, tbl, acc, gsem, ssem)
        plsc.subcore_barrier()
        pltpu.sync_copy(acc.at[pl.ds(r0, RPT)],
                        out_hbm.at[c, pl.ds(r0, RPT)])

    return agg1_kernel


def _make_agg2_kernel(nchunk):
    @functools.partial(
        pl.kernel,
        out_type=[
            jax.ShapeDtypeStruct((NC, NPAD, L), jnp.float32),
            jax.ShapeDtypeStruct((NPAD, L), jnp.float32),
        ],
        mesh=_mesh,
        scratch_types=[
            pltpu.VMEM((nchunk, CH), jnp.int32),
            pltpu.VMEM((nchunk, CH), jnp.int32),
            pltpu.VMEM((NBUF, CH, L), jnp.float32),
            pltpu.VMEM((RPT, L), jnp.float32),
            pltpu.VMEM((RPT, L), jnp.float32),
            pltpu.VMEM((RPT, L), jnp.float32),
            pltpu.VMEM((RPT, L), jnp.float32),
            pltpu.VMEM((RPT, L), jnp.float32),
            pltpu.VMEM_SHARED((NPAD, L), jnp.float32),
            pltpu.VMEM_SHARED((NPAD, L), jnp.float32),
            pltpu.SemaphoreType.DMA((NBUF,)),
            pltpu.SemaphoreType.DMA((NBUF,)),
        ],
        compiler_params=pltpu.CompilerParams(use_tc_tiling_on_sc=False, needs_layout_passes=False),
    )
    def agg2_kernel(g1_hbm, p_hbm, dis_hbm, b1_hbm, src_hbm, dst_hbm,
                    out_hbm, q_hbm,
                    src_v, dst_v, gbuf, gv, av, bv, dv, zbuf, tbl, acc,
                    gsem, ssem):
        c = lax.axis_index("c")
        s = lax.axis_index("s")
        wid = c * NS + s
        r0 = s * RPT
        _zero_rows(zbuf, RPT)
        c0 = pltpu.async_copy(zbuf, acc.at[pl.ds(r0, RPT)], ssem.at[0])
        c1 = pltpu.async_copy(g1_hbm.at[pl.ds(r0, RPT)], gv, gsem.at[0])
        c2 = pltpu.async_copy(p_hbm.at[0, pl.ds(r0, RPT)], av, gsem.at[1])
        c3 = pltpu.async_copy(p_hbm.at[1, pl.ds(r0, RPT)], bv, gsem.at[2])
        c4 = pltpu.async_copy(dis_hbm.at[pl.ds(r0, RPT)], dv, gsem.at[3])
        c5 = pltpu.async_copy(src_hbm.at[wid], src_v, ssem.at[1])
        c6 = pltpu.async_copy(dst_hbm.at[wid], dst_v, ssem.at[2])
        pltpu.sync_copy(b1_hbm, zbuf.at[pl.ds(0, 1)])
        b1 = zbuf[0, :]
        c1.wait()
        c2.wait()
        c3.wait()
        c4.wait()

        def build(i, _):
            for u in range(4):
                r = i * 4 + u
                dis = dv[r, :]
                a = dis * (av[r, :] + bv[r, :] + gv[r, :]) + b1
                bv[r, :] = dis * jnp.maximum(a, 0.0)
            return 0
        lax.fori_loop(0, RPT // 4, build, 0)
        pltpu.sync_copy(bv, tbl.at[pl.ds(r0, RPT)])

        @pl.when(c == 0)
        def _():
            pltpu.sync_copy(bv, q_hbm.at[pl.ds(r0, RPT)])
        c0.wait()
        c5.wait()
        c6.wait()
        plsc.subcore_barrier()

        _agg_core(nchunk, src_v, dst_v, gbuf, tbl, acc, gsem, ssem)
        plsc.subcore_barrier()
        pltpu.sync_copy(acc.at[pl.ds(r0, RPT)],
                        out_hbm.at[c, pl.ds(r0, RPT)])

    return agg2_kernel


def _matmul_kernel(x_ref, w_ref, h_ref):
    h_ref[...] = jnp.dot(x_ref[...], w_ref[...],
                         preferred_element_type=jnp.float32)


def _final_kernel(p_ref, q_ref, dis_ref, w_ref, b_ref, o_ref):
    n = o_ref.shape[0]
    s = p_ref[0, :n, :] + p_ref[1, :n, :]
    o = dis_ref[:n, :] * (s + q_ref[:n, :])
    o_ref[...] = (jnp.dot(o, w_ref[...], preferred_element_type=jnp.float32)
                  + b_ref[...])


def kernel(x, edge_index, W1, b1, W2, b2):
    n, f_in = x.shape
    hid = W1.shape[1]
    c_out = W2.shape[1]
    e = edge_index.shape[1]

    per_dma = NW * CH
    nchunk = -(-e // per_dma)
    ep = nchunk * per_dma
    src = edge_index[0]
    dst = edge_index[1]
    padv = (n + jnp.arange(ep - e, dtype=jnp.int32) % (NPAD - n)
            ).astype(jnp.int32)
    srcw = jnp.concatenate([src, padv]).reshape(NW, nchunk, CH)
    dstw = jnp.concatenate([dst, padv]).reshape(NW, nchunk, CH)

    deg_k = _make_deg_kernel(nchunk)
    agg1_k = _make_agg1_kernel(nchunk)
    agg2_k = _make_agg2_kernel(nchunk)

    deg_parts = deg_k(dstw)

    mblk = 1000
    grid = (n // mblk,)
    h = pl.pallas_call(
        _matmul_kernel,
        grid=grid,
        in_specs=[
            pl.BlockSpec((mblk, f_in), lambda i: (i, 0)),
            pl.BlockSpec((f_in, hid), lambda i: (0, 0)),
        ],
        out_specs=pl.BlockSpec((mblk, hid), lambda i: (i, 0)),
        out_shape=jax.ShapeDtypeStruct((n, hid), jnp.float32),
    )(x, W1)
    hp = jnp.pad(h, ((0, NPAD - n), (0, 0)))

    s1_parts, g1p, dis_tp = agg1_k(hp, deg_parts, srcw, dstw)

    s2_parts, qp = agg2_k(g1p, s1_parts, dis_tp,
                          jnp.broadcast_to(b1, (1, hid)), srcw, dstw)

    outp = pl.pallas_call(
        _final_kernel,
        out_shape=jax.ShapeDtypeStruct((n, c_out), jnp.float32),
    )(s2_parts, qp, dis_tp, W2, jnp.broadcast_to(b2, (1, c_out)))
    return outp

# --- scband reference (transcript-rebuilt; emitter-appended) ---
"""Pipeline reference for scband-qgcn-22849226014951 (READ-ONLY COPY).

The authoritative reference and input builder live on the scoring server;
editing this copy changes nothing except your own understanding.
"""

import jax, jax.numpy as jnp
import numpy as np

N = 10000
E = 640000
F_IN = 3703
HID = 16
C = 6


def gcn_conv(x, edge_index, W, b):
    # PyG-style GCNConv: add self-loops, symmetric normalization, sum-aggregate
    num_nodes = x.shape[0]
    src = edge_index[0]
    dst = edge_index[1]
    loop = jnp.arange(num_nodes, dtype=src.dtype)
    src = jnp.concatenate([src, loop])
    dst = jnp.concatenate([dst, loop])
    deg = jnp.zeros((num_nodes,), dtype=x.dtype).at[dst].add(1.0)
    deg_inv_sqrt = jnp.where(deg > 0, jax.lax.rsqrt(jnp.maximum(deg, 1e-12)), 0.0)
    norm = deg_inv_sqrt[src] * deg_inv_sqrt[dst]
    h = x @ W
    msg = h[src] * norm[:, None]
    out = jnp.zeros((num_nodes, h.shape[1]), dtype=x.dtype).at[dst].add(msg)
    return out + b


def setup_inputs(seed: int = 0):
    key = jax.random.key(seed)
    k1, k2, k3, k4 = jax.random.split(key, 4)
    x = jax.random.normal(k1, (N, F_IN), dtype=jnp.float32)
    edge_index = jax.random.randint(k2, (2, E), 0, N, dtype=jnp.int32)
    W1 = jax.random.normal(k3, (F_IN, HID), dtype=jnp.float32) * (1.0 / np.sqrt(F_IN))
    b1 = jnp.zeros((HID,), dtype=jnp.float32)
    W2 = jax.random.normal(k4, (HID, C), dtype=jnp.float32) * (1.0 / np.sqrt(HID))
    b2 = jnp.zeros((C,), dtype=jnp.float32)
    return {"x": x, "edge_index": edge_index, "W1": W1, "b1": b1, "W2": W2, "b2": b2}


def reference(x, edge_index, W1, b1, W2, b2):
    h = gcn_conv(x, edge_index, W1, b1)
    h = jax.nn.relu(h)
    # dropout(p=0.5) is identity in eval mode (training=False)
    out = gcn_conv(h, edge_index, W2, b2)
    return out

if __name__ == "__main__":
    import jax
    _d = setup_inputs()
    print(jax.jit(kernel)(*tuple(_d.values())))

</pallas_src>

<mosaic_0001>
#map = affine_map<(d0, d1) -> (0, 0)>
#map1 = affine_map<(d0, d1) -> (0, 0, 0)>
module attributes {stable_mosaic.version = 14 : i64} {
  func.func @agg1_kernel(%arg0: i32, %arg1: i32, %arg2: memref<10112x16xf32, #tpu.memory_space<hbm>>, %arg3: memref<2x10112x16xf32, #tpu.memory_space<hbm>>, %arg4: memref<32x157x128xi32, #tpu.memory_space<hbm>>, %arg5: memref<32x157x128xi32, #tpu.memory_space<hbm>>, %arg6: memref<2x10112x16xf32, #tpu.memory_space<hbm>>, %arg7: memref<10112x16xf32, #tpu.memory_space<hbm>>, %arg8: memref<10112x16xf32, #tpu.memory_space<hbm>>, %arg9: memref<157x128xi32, #tpu.memory_space<vmem>>, %arg10: memref<157x128xi32, #tpu.memory_space<vmem>>, %arg11: memref<8x128x16xf32, #tpu.memory_space<vmem>>, %arg12: memref<632x16xf32, #tpu.memory_space<vmem>>, %arg13: memref<632x16xf32, #tpu.memory_space<vmem>>, %arg14: memref<632x16xf32, #tpu.memory_space<vmem>>, %arg15: memref<632x16xf32, #tpu.memory_space<vmem>>, %arg16: memref<10112x16xf32, #tpu.memory_space<vmem_shared>>, %arg17: memref<10112x16xf32, #tpu.memory_space<vmem_shared>>, %arg18: memref<8x!tpu.dma_semaphore, #tpu.memory_space<semaphore_mem>>, %arg19: memref<8x!tpu.dma_semaphore, #tpu.memory_space<semaphore_mem>>) attributes {dimension_semantics = [#tpu.dimension_semantics<core_parallel>, #tpu.dimension_semantics<subcore_parallel>], iteration_bounds = array<i64: 2, 16>, scalar_prefetch = 0 : i64, scratch_operands = 11 : i64, tpu.core_type = #tpu.core_type<sc_vector_subcore>, window_params = [{transform_indices = #map}, {transform_indices = #map1}, {transform_indices = #map1}, {transform_indices = #map1}, {transform_indices = #map1}, {transform_indices = #map}, {transform_indices = #map}]} {
    %mul3A = arith.constant 16 : i32
    %mul3A_0 = arith.muli %arg0, %mul3A : i32
    %add3A = arith.addi %mul3A_0, %arg1 : i32
    %mul3A_1 = arith.constant 632 : i32
    %mul3A_2 = arith.muli %arg1, %mul3A_1 : i32
    %scan3A = arith.constant 0 : i32
    %scan3A_3 = arith.constant 0 : i32
    %scan3A_4 = arith.constant 632 : i32
    %scan3A_5 = arith.addi %scan3A_3, %scan3A_4 : i32
    %scan3A_6 = arith.constant 1 : i32
    %scan3A_7 = scf.for %scan3A_256 = %scan3A_3 to %scan3A_5 step %scan3A_6 iter_args(%scan3A_257 = %scan3A) -> (i32)  : i32 {
      %broadcast_in_dim3A = arith.constant 0.000000e+00 : f32
      %broadcast_in_dim3A_258 = vector.broadcast %broadcast_in_dim3A : f32 to vector<16xf32>
      %swap3A = arith.index_cast %scan3A_256 : i32 to index
      %swap3A_259 = arith.constant 0 : index
      %swap3A_260 = tpu.vector_load %arg15[%swap3A, %swap3A_259] {strides = array<i32>} : memref<632x16xf32, #tpu.memory_space<vmem>>, vector<16xf32>,
      tpu.vector_store %arg15[%swap3A, %swap3A_259], %broadcast_in_dim3A_258 {strides = array<i32>} : memref<632x16xf32, #tpu.memory_space<vmem>>, vector<16xf32>,
      %scan3A_261 = arith.constant 0 : i32
      scf.yield %scan3A_261 : i32
    }
    %scan3A_8 = arith.constant 632 : i32
    %dma_start3A = arith.constant 0 : i32
    %dma_start3A_9 = arith.constant 0 : i32
    %dma_start3A_10 = tpu.memref_slice %arg17[%mul3A_2, %dma_start3A_9] : memref<10112x16xf32, #tpu.memory_space<vmem_shared>> -> memref<632x16xf32, #tpu.memory_space<vmem_shared>>
    %dma_start3A_11 = tpu.memref_slice %arg19[%dma_start3A] : memref<8x!tpu.dma_semaphore, #tpu.memory_space<semaphore_mem>> -> memref<1x!tpu.dma_semaphore, #tpu.memory_space<semaphore_mem>>
    %dma_start3A_12 = tpu.memref_squeeze %dma_start3A_11 : memref<1x!tpu.dma_semaphore, #tpu.memory_space<semaphore_mem>> -> memref<!tpu.dma_semaphore, #tpu.memory_space<semaphore_mem>>
    %dma_start3A_13 = arith.constant 0 : i32
    %dma_start3A_14 = tpu.memref_slice %arg17[%mul3A_2, %dma_start3A_13] : memref<10112x16xf32, #tpu.memory_space<vmem_shared>> -> memref<632x16xf32, #tpu.memory_space<vmem_shared>>
    tpu.enqueue_dma source(%arg15 : memref<632x16xf32, #tpu.memory_space<vmem>>) target(%dma_start3A_14 : memref<632x16xf32, #tpu.memory_space<vmem_shared>>) target_semaphore(%dma_start3A_12 : memref<!tpu.dma_semaphore, #tpu.memory_space<semaphore_mem>>)
    %dma_start3A_15 = arith.constant 0 : i32
    %dma_start3A_16 = arith.constant 0 : i32
    %dma_start3A_17 = tpu.memref_slice %arg2[%mul3A_2, %dma_start3A_16] : memref<10112x16xf32, #tpu.memory_space<hbm>> -> memref<632x16xf32, #tpu.memory_space<hbm>>
    %dma_start3A_18 = tpu.memref_slice %arg18[%dma_start3A_15] : memref<8x!tpu.dma_semaphore, #tpu.memory_space<semaphore_mem>> -> memref<1x!tpu.dma_semaphore, #tpu.memory_space<semaphore_mem>>
    %dma_start3A_19 = tpu.memref_squeeze %dma_start3A_18 : memref<1x!tpu.dma_semaphore, #tpu.memory_space<semaphore_mem>> -> memref<!tpu.dma_semaphore, #tpu.memory_space<semaphore_mem>>
    %dma_start3A_20 = arith.constant 0 : i32
    %dma_start3A_21 = tpu.memref_slice %arg2[%mul3A_2, %dma_start3A_20] : memref<10112x16xf32, #tpu.memory_space<hbm>> -> memref<632x16xf32, #tpu.memory_space<hbm>>
    tpu.enqueue_dma source(%dma_start3A_21 : memref<632x16xf32, #tpu.memory_space<hbm>>) target(%arg12 : memref<632x16xf32, #tpu.memory_space<vmem>>) target_semaphore(%dma_start3A_19 : memref<!tpu.dma_semaphore, #tpu.memory_space<semaphore_mem>>)
    %dma_start3A_22 = arith.constant 0 : i32
    %dma_start3A_23 = arith.constant 1 : i32
    %dma_start3A_24 = arith.constant 0 : i32
    %dma_start3A_25 = tpu.memref_slice %arg3[%dma_start3A_22, %mul3A_2, %dma_start3A_24] : memref<2x10112x16xf32, #tpu.memory_space<hbm>> -> memref<1x632x16xf32, #tpu.memory_space<hbm>>
    %dma_start3A_26 = tpu.memref_squeeze %dma_start3A_25 : memref<1x632x16xf32, #tpu.memory_space<hbm>> -> memref<632x16xf32, #tpu.memory_space<hbm>>
    %dma_start3A_27 = tpu.memref_slice %arg18[%dma_start3A_23] : memref<8x!tpu.dma_semaphore, #tpu.memory_space<semaphore_mem>> -> memref<1x!tpu.dma_semaphore, #tpu.memory_space<semaphore_mem>>
    %dma_start3A_28 = tpu.memref_squeeze %dma_start3A_27 : memref<1x!tpu.dma_semaphore, #tpu.memory_space<semaphore_mem>> -> memref<!tpu.dma_semaphore, #tpu.memory_space<semaphore_mem>>
    %dma_start3A_29 = arith.constant 0 : i32
    %dma_start3A_30 = tpu.memref_slice %arg3[%dma_start3A_22, %mul3A_2, %dma_start3A_29] : memref<2x10112x16xf32, #tpu.memory_space<hbm>> -> memref<1x632x16xf32, #tpu.memory_space<hbm>>
    %dma_start3A_31 = tpu.memref_squeeze %dma_start3A_30 : memref<1x632x16xf32, #tpu.memory_space<hbm>> -> memref<632x16xf32, #tpu.memory_space<hbm>>
    tpu.enqueue_dma source(%dma_start3A_31 : memref<632x16xf32, #tpu.memory_space<hbm>>) target(%arg13 : memref<632x16xf32, #tpu.memory_space<vmem>>) target_semaphore(%dma_start3A_28 : memref<!tpu.dma_semaphore, #tpu.memory_space<semaphore_mem>>)
    %dma_start3A_32 = arith.constant 1 : i32
    %dma_start3A_33 = arith.constant 2 : i32
    %dma_start3A_34 = arith.constant 0 : i32
    %dma_start3A_35 = tpu.memref_slice %arg3[%dma_start3A_32, %mul3A_2, %dma_start3A_34] : memref<2x10112x16xf32, #tpu.memory_space<hbm>> -> memref<1x632x16xf32, #tpu.memory_space<hbm>>
    %dma_start3A_36 = tpu.memref_squeeze %dma_start3A_35 : memref<1x632x16xf32, #tpu.memory_space<hbm>> -> memref<632x16xf32, #tpu.memory_space<hbm>>
    %dma_start3A_37 = tpu.memref_slice %arg18[%dma_start3A_33] : memref<8x!tpu.dma_semaphore, #tpu.memory_space<semaphore_mem>> -> memref<1x!tpu.dma_semaphore, #tpu.memory_space<semaphore_mem>>
    %dma_start3A_38 = tpu.memref_squeeze %dma_start3A_37 : memref<1x!tpu.dma_semaphore, #tpu.memory_space<semaphore_mem>> -> memref<!tpu.dma_semaphore, #tpu.memory_space<semaphore_mem>>
    %dma_start3A_39 = arith.constant 0 : i32
    %dma_start3A_40 = tpu.memref_slice %arg3[%dma_start3A_32, %mul3A_2, %dma_start3A_39] : memref<2x10112x16xf32, #tpu.memory_space<hbm>> -> memref<1x632x16xf32, #tpu.memory_space<hbm>>
    %dma_start3A_41 = tpu.memref_squeeze %dma_start3A_40 : memref<1x632x16xf32, #tpu.memory_space<hbm>> -> memref<632x16xf32, #tpu.memory_space<hbm>>
    tpu.enqueue_dma source(%dma_start3A_41 : memref<632x16xf32, #tpu.memory_space<hbm>>) target(%arg14 : memref<632x16xf32, #tpu.memory_space<vmem>>) target_semaphore(%dma_start3A_38 : memref<!tpu.dma_semaphore, #tpu.memory_space<semaphore_mem>>)
    %dma_start3A_42 = arith.constant 3 : i32
    %dma_start3A_43 = arith.constant 0 : i32
    %dma_start3A_44 = arith.constant 0 : i32
    %dma_start3A_45 = tpu.memref_slice %arg4[%add3A, %dma_start3A_43, %dma_start3A_44] : memref<32x157x128xi32, #tpu.memory_space<hbm>> -> memref<1x157x128xi32, #tpu.memory_space<hbm>>
    %dma_start3A_46 = tpu.memref_squeeze %dma_start3A_45 : memref<1x157x128xi32, #tpu.memory_space<hbm>> -> memref<157x128xi32, #tpu.memory_space<hbm>>
    %dma_start3A_47 = tpu.memref_slice %arg18[%dma_start3A_42] : memref<8x!tpu.dma_semaphore, #tpu.memory_space<semaphore_mem>> -> memref<1x!tpu.dma_semaphore, #tpu.memory_space<semaphore_mem>>
    %dma_start3A_48 = tpu.memref_squeeze %dma_start3A_47 : memref<1x!tpu.dma_semaphore, #tpu.memory_space<semaphore_mem>> -> memref<!tpu.dma_semaphore, #tpu.memory_space<semaphore_mem>>
    %dma_start3A_49 = arith.constant 0 : i32
    %dma_start3A_50 = arith.constant 0 : i32
    %dma_start3A_51 = tpu.memref_slice %arg4[%add3A, %dma_start3A_49, %dma_start3A_50] : memref<32x157x128xi32, #tpu.memory_space<hbm>> -> memref<1x157x128xi32, #tpu.memory_space<hbm>>
    %dma_start3A_52 = tpu.memref_squeeze %dma_start3A_51 : memref<1x157x128xi32, #tpu.memory_space<hbm>> -> memref<157x128xi32, #tpu.memory_space<hbm>>
    tpu.enqueue_dma source(%dma_start3A_52 : memref<157x128xi32, #tpu.memory_space<hbm>>) target(%arg9 : memref<157x128xi32, #tpu.memory_space<vmem>>) target_semaphore(%dma_start3A_48 : memref<!tpu.dma_semaphore, #tpu.memory_space<semaphore_mem>>)
    %dma_start3A_53 = arith.constant 1 : i32
    %dma_start3A_54 = arith.constant 0 : i32
    %dma_start3A_55 = arith.constant 0 : i32
    %dma_start3A_56 = tpu.memref_slice %arg5[%add3A, %dma_start3A_54, %dma_start3A_55] : memref<32x157x128xi32, #tpu.memory_space<hbm>> -> memref<1x157x128xi32, #tpu.memory_space<hbm>>
    %dma_start3A_57 = tpu.memref_squeeze %dma_start3A_56 : memref<1x157x128xi32, #tpu.memory_space<hbm>> -> memref<157x128xi32, #tpu.memory_space<hbm>>
    %dma_start3A_58 = tpu.memref_slice %arg19[%dma_start3A_53] : memref<8x!tpu.dma_semaphore, #tpu.memory_space<semaphore_mem>> -> memref<1x!tpu.dma_semaphore, #tpu.memory_space<semaphore_mem>>
    %dma_start3A_59 = tpu.memref_squeeze %dma_start3A_58 : memref<1x!tpu.dma_semaphore, #tpu.memory_space<semaphore_mem>> -> memref<!tpu.dma_semaphore, #tpu.memory_space<semaphore_mem>>
    %dma_start3A_60 = arith.constant 0 : i32
    %dma_start3A_61 = arith.constant 0 : i32
    %dma_start3A_62 = tpu.memref_slice %arg5[%add3A, %dma_start3A_60, %dma_start3A_61] : memref<32x157x128xi32, #tpu.memory_space<hbm>> -> memref<1x157x128xi32, #tpu.memory_space<hbm>>
    %dma_start3A_63 = tpu.memref_squeeze %dma_start3A_62 : memref<1x157x128xi32, #tpu.memory_space<hbm>> -> memref<157x128xi32, #tpu.memory_space<hbm>>
    tpu.enqueue_dma source(%dma_start3A_63 : memref<157x128xi32, #tpu.memory_space<hbm>>) target(%arg10 : memref<157x128xi32, #tpu.memory_space<vmem>>) target_semaphore(%dma_start3A_59 : memref<!tpu.dma_semaphore, #tpu.memory_space<semaphore_mem>>)
    %dma_wait3A = arith.constant 0 : i32
    %dma_wait3A_64 = arith.constant 0 : i32
    %dma_wait3A_65 = tpu.memref_slice %arg2[%mul3A_2, %dma_wait3A_64] : memref<10112x16xf32, #tpu.memory_space<hbm>> -> memref<632x16xf32, #tpu.memory_space<hbm>>
    %dma_wait3A_66 = tpu.memref_slice %arg18[%dma_wait3A] : memref<8x!tpu.dma_semaphore, #tpu.memory_space<semaphore_mem>> -> memref<1x!tpu.dma_semaphore, #tpu.memory_space<semaphore_mem>>
    %dma_wait3A_67 = tpu.memref_squeeze %dma_wait3A_66 : memref<1x!tpu.dma_semaphore, #tpu.memory_space<semaphore_mem>> -> memref<!tpu.dma_semaphore, #tpu.memory_space<semaphore_mem>>
    %dma_wait3A_68 = arith.constant 0 : i32
    %dma_wait3A_69 = tpu.memref_slice %arg2[%mul3A_2, %dma_wait3A_68] : memref<10112x16xf32, #tpu.memory_space<hbm>> -> memref<632x16xf32, #tpu.memory_space<hbm>>
    tpu.wait_dma2 semaphore(%dma_wait3A_67 : memref<!tpu.dma_semaphore, #tpu.memory_space<semaphore_mem>>) src(%dma_wait3A_69 : memref<632x16xf32, #tpu.memory_space<hbm>>) dst(%arg12 : memref<632x16xf32, #tpu.memory_space<vmem>>)
    %dma_wait3A_70 = arith.constant 0 : i32
    %dma_wait3A_71 = arith.constant 1 : i32
    %dma_wait3A_72 = arith.constant 0 : i32
    %dma_wait3A_73 = tpu.memref_slice %arg3[%dma_wait3A_70, %mul3A_2, %dma_wait3A_72] : memref<2x10112x16xf32, #tpu.memory_space<hbm>> -> memref<1x632x16xf32, #tpu.memory_space<hbm>>
    %dma_wait3A_74 = tpu.memref_squeeze %dma_wait3A_73 : memref<1x632x16xf32, #tpu.memory_space<hbm>> -> memref<632x16xf32, #tpu.memory_space<hbm>>
    %dma_wait3A_75 = tpu.memref_slice %arg18[%dma_wait3A_71] : memref<8x!tpu.dma_semaphore, #tpu.memory_space<semaphore_mem>> -> memref<1x!tpu.dma_semaphore, #tpu.memory_space<semaphore_mem>>
    %dma_wait3A_76 = tpu.memref_squeeze %dma_wait3A_75 : memref<1x!tpu.dma_semaphore, #tpu.memory_space<semaphore_mem>> -> memref<!tpu.dma_semaphore, #tpu.memory_space<semaphore_mem>>
    %dma_wait3A_77 = arith.constant 0 : i32
    %dma_wait3A_78 = tpu.memref_slice %arg3[%dma_wait3A_70, %mul3A_2, %dma_wait3A_77] : memref<2x10112x16xf32, #tpu.memory_space<hbm>> -> memref<1x632x16xf32, #tpu.memory_space<hbm>>
    %dma_wait3A_79 = tpu.memref_squeeze %dma_wait3A_78 : memref<1x632x16xf32, #tpu.memory_space<hbm>> -> memref<632x16xf32, #tpu.memory_space<hbm>>
    tpu.wait_dma2 semaphore(%dma_wait3A_76 : memref<!tpu.dma_semaphore, #tpu.memory_space<semaphore_mem>>) src(%dma_wait3A_79 : memref<632x16xf32, #tpu.memory_space<hbm>>) dst(%arg13 : memref<632x16xf32, #tpu.memory_space<vmem>>)
    %dma_wait3A_80 = arith.constant 1 : i32
    %dma_wait3A_81 = arith.constant 2 : i32
    %dma_wait3A_82 = arith.constant 0 : i32
    %dma_wait3A_83 = tpu.memref_slice %arg3[%dma_wait3A_80, %mul3A_2, %dma_wait3A_82] : memref<2x10112x16xf32, #tpu.memory_space<hbm>> -> memref<1x632x16xf32, #tpu.memory_space<hbm>>
    %dma_wait3A_84 = tpu.memref_squeeze %dma_wait3A_83 : memref<1x632x16xf32, #tpu.memory_space<hbm>> -> memref<632x16xf32, #tpu.memory_space<hbm>>
    %dma_wait3A_85 = tpu.memref_slice %arg18[%dma_wait3A_81] : memref<8x!tpu.dma_semaphore, #tpu.memory_space<semaphore_mem>> -> memref<1x!tpu.dma_semaphore, #tpu.memory_space<semaphore_mem>>
    %dma_wait3A_86 = tpu.memref_squeeze %dma_wait3A_85 : memref<1x!tpu.dma_semaphore, #tpu.memory_space<semaphore_mem>> -> memref<!tpu.dma_semaphore, #tpu.memory_space<semaphore_mem>>
    %dma_wait3A_87 = arith.constant 0 : i32
    %dma_wait3A_88 = tpu.memref_slice %arg3[%dma_wait3A_80, %mul3A_2, %dma_wait3A_87] : memref<2x10112x16xf32, #tpu.memory_space<hbm>> -> memref<1x632x16xf32, #tpu.memory_space<hbm>>
    %dma_wait3A_89 = tpu.memref_squeeze %dma_wait3A_88 : memref<1x632x16xf32, #tpu.memory_space<hbm>> -> memref<632x16xf32, #tpu.memory_space<hbm>>
    tpu.wait_dma2 semaphore(%dma_wait3A_86 : memref<!tpu.dma_semaphore, #tpu.memory_space<semaphore_mem>>) src(%dma_wait3A_89 : memref<632x16xf32, #tpu.memory_space<hbm>>) dst(%arg14 : memref<632x16xf32, #tpu.memory_space<vmem>>)
    %scan3A_90 = arith.constant 0 : i32
    %scan3A_91 = arith.constant 0 : i32
    %scan3A_92 = arith.constant 158 : i32
    %scan3A_93 = arith.addi %scan3A_91, %scan3A_92 : i32
    %scan3A_94 = arith.constant 1 : i32
    %scan3A_95 = scf.for %scan3A_256 = %scan3A_91 to %scan3A_93 step %scan3A_94 iter_args(%scan3A_257 = %scan3A_90) -> (i32)  : i32 {
      %mul3A_258 = arith.constant 4 : i32
      %mul3A_259 = arith.muli %scan3A_256, %mul3A_258 : i32
      %add3A_260 = arith.constant 0 : i32
      %add3A_261 = arith.addi %mul3A_259, %add3A_260 : i32
      %get3A = arith.index_cast %add3A_261 : i32 to index
      %get3A_262 = arith.constant 0 : index
      %get3A_263 = tpu.vector_load %arg13[%get3A, %get3A_262] {strides = array<i32>} : memref<632x16xf32, #tpu.memory_space<vmem>>, vector<16xf32>,
      %get3A_264 = arith.index_cast %add3A_261 : i32 to index
      %get3A_265 = arith.constant 0 : index
      %get3A_266 = tpu.vector_load %arg14[%get3A_264, %get3A_265] {strides = array<i32>} : memref<632x16xf32, #tpu.memory_space<vmem>>, vector<16xf32>,
      %add3A_267 = arith.addf %get3A_263, %get3A_266 : vector<16xf32>
      %add3A_268 = arith.constant 1.000000e+00 : f32
      %add3A_269 = vector.broadcast %add3A_268 : f32 to vector<16xf32>
      %add3A_270 = arith.addf %add3A_267, %add3A_269 : vector<16xf32>
      %bitcast3A = vector.bitcast %add3A_270 : vector<16xf32> to vector<16xi32>
      %shift_right_logical3A = arith.constant 1 : i32
      %shift_right_logical3A_271 = vector.broadcast %shift_right_logical3A : i32 to vector<16xi32>
      %shift_right_logical3A_272 = arith.shrui %bitcast3A, %shift_right_logical3A_271 : vector<16xi32>
      %sub3A = arith.constant 1597463007 : i32
      %sub3A_273 = vector.broadcast %sub3A : i32 to vector<16xi32>
      %sub3A_274 = arith.subi %sub3A_273, %shift_right_logical3A_272 : vector<16xi32>
      %bitcast3A_275 = vector.bitcast %sub3A_274 : vector<16xi32> to vector<16xf32>
      %mul3A_276 = arith.constant 5.000000e-01 : f32
      %mul3A_277 = vector.broadcast %mul3A_276 : f32 to vector<16xf32>
      %mul3A_278 = arith.mulf %mul3A_277, %add3A_270 : vector<16xf32>
      %mul3A_279 = arith.mulf %mul3A_278, %bitcast3A_275 : vector<16xf32>
      %mul3A_280 = arith.mulf %mul3A_279, %bitcast3A_275 : vector<16xf32>
      %sub3A_281 = arith.constant 1.500000e+00 : f32
      %sub3A_282 = vector.broadcast %sub3A_281 : f32 to vector<16xf32>
      %sub3A_283 = arith.subf %sub3A_282, %mul3A_280 : vector<16xf32>
      %mul3A_284 = arith.mulf %bitcast3A_275, %sub3A_283 : vector<16xf32>
      %mul3A_285 = arith.constant 5.000000e-01 : f32
      %mul3A_286 = vector.broadcast %mul3A_285 : f32 to vector<16xf32>
      %mul3A_287 = arith.mulf %mul3A_286, %add3A_270 : vector<16xf32>
      %mul3A_288 = arith.mulf %mul3A_287, %mul3A_284 : vector<16xf32>
      %mul3A_289 = arith.mulf %mul3A_288, %mul3A_284 : vector<16xf32>
      %sub3A_290 = arith.constant 1.500000e+00 : f32
      %sub3A_291 = vector.broadcast %sub3A_290 : f32 to vector<16xf32>
      %sub3A_292 = arith.subf %sub3A_291, %mul3A_289 : vector<16xf32>
      %mul3A_293 = arith.mulf %mul3A_284, %sub3A_292 : vector<16xf32>
      %mul3A_294 = arith.constant 5.000000e-01 : f32
      %mul3A_295 = vector.broadcast %mul3A_294 : f32 to vector<16xf32>
      %mul3A_296 = arith.mulf %mul3A_295, %add3A_270 : vector<16xf32>
      %mul3A_297 = arith.mulf %mul3A_296, %mul3A_293 : vector<16xf32>
      %mul3A_298 = arith.mulf %mul3A_297, %mul3A_293 : vector<16xf32>
      %sub3A_299 = arith.constant 1.500000e+00 : f32
      %sub3A_300 = vector.broadcast %sub3A_299 : f32 to vector<16xf32>
      %sub3A_301 = arith.subf %sub3A_300, %mul3A_298 : vector<16xf32>
      %mul3A_302 = arith.mulf %mul3A_293, %sub3A_301 : vector<16xf32>
      %swap3A = arith.index_cast %add3A_261 : i32 to index
      %swap3A_303 = arith.constant 0 : index
      %swap3A_304 = tpu.vector_load %arg13[%swap3A, %swap3A_303] {strides = array<i32>} : memref<632x16xf32, #tpu.memory_space<vmem>>, vector<16xf32>,
      tpu.vector_store %arg13[%swap3A, %swap3A_303], %mul3A_302 {strides = array<i32>} : memref<632x16xf32, #tpu.memory_space<vmem>>, vector<16xf32>,
      %get3A_305 = arith.index_cast %add3A_261 : i32 to index
      %get3A_306 = arith.constant 0 : index
      %get3A_307 = tpu.vector_load %arg12[%get3A_305, %get3A_306] {strides = array<i32>} : memref<632x16xf32, #tpu.memory_space<vmem>>, vector<16xf32>,
      %mul3A_308 = arith.mulf %mul3A_302, %get3A_307 : vector<16xf32>
      %swap3A_309 = arith.index_cast %add3A_261 : i32 to index
      %swap3A_310 = arith.constant 0 : index
      %swap3A_311 = tpu.vector_load %arg14[%swap3A_309, %swap3A_310] {strides = array<i32>} : memref<632x16xf32, #tpu.memory_space<vmem>>, vector<16xf32>,
      tpu.vector_store %arg14[%swap3A_309, %swap3A_310], %mul3A_308 {strides = array<i32>} : memref<632x16xf32, #tpu.memory_space<vmem>>, vector<16xf32>,
      %mul3A_312 = arith.constant 4 : i32
      %mul3A_313 = arith.muli %scan3A_256, %mul3A_312 : i32
      %add3A_314 = arith.constant 1 : i32
      %add3A_315 = arith.addi %mul3A_313, %add3A_314 : i32
      %get3A_316 = arith.index_cast %add3A_315 : i32 to index
      %get3A_317 = arith.constant 0 : index
      %get3A_318 = tpu.vector_load %arg13[%get3A_316, %get3A_317] {strides = array<i32>} : memref<632x16xf32, #tpu.memory_space<vmem>>, vector<16xf32>,
      %get3A_319 = arith.index_cast %add3A_315 : i32 to index
      %get3A_320 = arith.constant 0 : index
      %get3A_321 = tpu.vector_load %arg14[%get3A_319, %get3A_320] {strides = array<i32>} : memref<632x16xf32, #tpu.memory_space<vmem>>, vector<16xf32>,
      %add3A_322 = arith.addf %get3A_318, %get3A_321 : vector<16xf32>
      %add3A_323 = arith.constant 1.000000e+00 : f32
      %add3A_324 = vector.broadcast %add3A_323 : f32 to vector<16xf32>
      %add3A_325 = arith.addf %add3A_322, %add3A_324 : vector<16xf32>
      %bitcast3A_326 = vector.bitcast %add3A_325 : vector<16xf32> to vector<16xi32>
      %shift_right_logical3A_327 = arith.constant 1 : i32
      %shift_right_logical3A_328 = vector.broadcast %shift_right_logical3A_327 : i32 to vector<16xi32>
      %shift_right_logical3A_329 = arith.shrui %bitcast3A_326, %shift_right_logical3A_328 : vector<16xi32>
      %sub3A_330 = arith.constant 1597463007 : i32
      %sub3A_331 = vector.broadcast %sub3A_330 : i32 to vector<16xi32>
      %sub3A_332 = arith.subi %sub3A_331, %shift_right_logical3A_329 : vector<16xi32>
      %bitcast3A_333 = vector.bitcast %sub3A_332 : vector<16xi32> to vector<16xf32>
      %mul3A_334 = arith.constant 5.000000e-01 : f32
      %mul3A_335 = vector.broadcast %mul3A_334 : f32 to vector<16xf32>
      %mul3A_336 = arith.mulf %mul3A_335, %add3A_325 : vector<16xf32>
      %mul3A_337 = arith.mulf %mul3A_336, %bitcast3A_333 : vector<16xf32>
      %mul3A_338 = arith.mulf %mul3A_337, %bitcast3A_333 : vector<16xf32>
      %sub3A_339 = arith.constant 1.500000e+00 : f32
      %sub3A_340 = vector.broadcast %sub3A_339 : f32 to vector<16xf32>
      %sub3A_341 = arith.subf %sub3A_340, %mul3A_338 : vector<16xf32>
      %mul3A_342 = arith.mulf %bitcast3A_333, %sub3A_341 : vector<16xf32>
      %mul3A_343 = arith.constant 5.000000e-01 : f32
      %mul3A_344 = vector.broadcast %mul3A_343 : f32 to vector<16xf32>
      %mul3A_345 = arith.mulf %mul3A_344, %add3A_325 : vector<16xf32>
      %mul3A_346 = arith.mulf %mul3A_345, %mul3A_342 : vector<16xf32>
      %mul3A_347 = arith.mulf %mul3A_346, %mul3A_342 : vector<16xf32>
      %sub3A_348 = arith.constant 1.500000e+00 : f32
      %sub3A_349 = vector.broadcast %sub3A_348 : f32 to vector<16xf32>
      %sub3A_350 = arith.subf %sub3A_349, %mul3A_347 : vector<16xf32>
      %mul3A_351 = arith.mulf %mul3A_342, %sub3A_350 : vector<16xf32>
      %mul3A_352 = arith.constant 5.000000e-01 : f32
      %mul3A_353 = vector.broadcast %mul3A_352 : f32 to vector<16xf32>
      %mul3A_354 = arith.mulf %mul3A_353, %add3A_325 : vector<16xf32>
      %mul3A_355 = arith.mulf %mul3A_354, %mul3A_351 : vector<16xf32>
      %mul3A_356 = arith.mulf %mul3A_355, %mul3A_351 : vector<16xf32>
      %sub3A_357 = arith.constant 1.500000e+00 : f32
      %sub3A_358 = vector.broadcast %sub3A_357 : f32 to vector<16xf32>
      %sub3A_359 = arith.subf %sub3A_358, %mul3A_356 : vector<16xf32>
      %mul3A_360 = arith.mulf %mul3A_351, %sub3A_359 : vector<16xf32>
      %swap3A_361 = arith.index_cast %add3A_315 : i32 to index
      %swap3A_362 = arith.constant 0 : index
      %swap3A_363 = tpu.vector_load %arg13[%swap3A_361, %swap3A_362] {strides = array<i32>} : memref<632x16xf32, #tpu.memory_space<vmem>>, vector<16xf32>,
      tpu.vector_store %arg13[%swap3A_361, %swap3A_362], %mul3A_360 {strides = array<i32>} : memref<632x16xf32, #tpu.memory_space<vmem>>, vector<16xf32>,
      %get3A_364 = arith.index_cast %add3A_315 : i32 to index
      %get3A_365 = arith.constant 0 : index
      %get3A_366 = tpu.vector_load %arg12[%get3A_364, %get3A_365] {strides = array<i32>} : memref<632x16xf32, #tpu.memory_space<vmem>>, vector<16xf32>,
      %mul3A_367 = arith.mulf %mul3A_360, %get3A_366 : vector<16xf32>
      %swap3A_368 = arith.index_cast %add3A_315 : i32 to index
      %swap3A_369 = arith.constant 0 : index
      %swap3A_370 = tpu.vector_load %arg14[%swap3A_368, %swap3A_369] {strides = array<i32>} : memref<632x16xf32, #tpu.memory_space<vmem>>, vector<16xf32>,
      tpu.vector_store %arg14[%swap3A_368, %swap3A_369], %mul3A_367 {strides = array<i32>} : memref<632x16xf32, #tpu.memory_space<vmem>>, vector<16xf32>,
      %mul3A_371 = arith.constant 4 : i32
      %mul3A_372 = arith.muli %scan3A_256, %mul3A_371 : i32
      %add3A_373 = arith.constant 2 : i32
      %add3A_374 = arith.addi %mul3A_372, %add3A_373 : i32
      %get3A_375 = arith.index_cast %add3A_374 : i32 to index
      %get3A_376 = arith.constant 0 : index
      %get3A_377 = tpu.vector_load %arg13[%get3A_375, %get3A_376] {strides = array<i32>} : memref<632x16xf32, #tpu.memory_space<vmem>>, vector<16xf32>,
      %get3A_378 = arith.index_cast %add3A_374 : i32 to index
      %get3A_379 = arith.constant 0 : index
      %get3A_380 = tpu.vector_load %arg14[%get3A_378, %get3A_379] {strides = array<i32>} : memref<632x16xf32, #tpu.memory_space<vmem>>, vector<16xf32>,
      %add3A_381 = arith.addf %get3A_377, %get3A_380 : vector<16xf32>
      %add3A_382 = arith.constant 1.000000e+00 : f32
      %add3A_383 = vector.broadcast %add3A_382 : f32 to vector<16xf32>
      %add3A_384 = arith.addf %add3A_381, %add3A_383 : vector<16xf32>
      %bitcast3A_385 = vector.bitcast %add3A_384 : vector<16xf32> to vector<16xi32>
      %shift_right_logical3A_386 = arith.constant 1 : i32
      %shift_right_logical3A_387 = vector.broadcast %shift_right_logical3A_386 : i32 to vector<16xi32>
      %shift_right_logical3A_388 = arith.shrui %bitcast3A_385, %shift_right_logical3A_387 : vector<16xi32>
      %sub3A_389 = arith.constant 1597463007 : i32
      %sub3A_390 = vector.broadcast %sub3A_389 : i32 to vector<16xi32>
      %sub3A_391 = arith.subi %sub3A_390, %shift_right_logical3A_388 : vector<16xi32>
      %bitcast3A_392 = vector.bitcast %sub3A_391 : vector<16xi32> to vector<16xf32>
      %mul3A_393 = arith.constant 5.000000e-01 : f32
      %mul3A_394 = vector.broadcast %mul3A_393 : f32 to vector<16xf32>
      %mul3A_395 = arith.mulf %mul3A_394, %add3A_384 : vector<16xf32>
      %mul3A_396 = arith.mulf %mul3A_395, %bitcast3A_392 : vector<16xf32>
      %mul3A_397 = arith.mulf %mul3A_396, %bitcast3A_392 : vector<16xf32>
      %sub3A_398 = arith.constant 1.500000e+00 : f32
      %sub3A_399 = vector.broadcast %sub3A_398 : f32 to vector<16xf32>
      %sub3A_400 = arith.subf %sub3A_399, %mul3A_397 : vector<16xf32>
      %mul3A_401 = arith.mulf %bitcast3A_392, %sub3A_400 : vector<16xf32>
      %mul3A_402 = arith.constant 5.000000e-01 : f32
      %mul3A_403 = vector.broadcast %mul3A_402 : f32 to vector<16xf32>
      %mul3A_404 = arith.mulf %mul3A_403, %add3A_384 : vector<16xf32>
      %mul3A_405 = arith.mulf %mul3A_404, %mul3A_401 : vector<16xf32>
      %mul3A_406 = arith.mulf %mul3A_405, %mul3A_401 : vector<16xf32>
      %sub3A_407 = arith.constant 1.500000e+00 : f32
      %sub3A_408 = vector.broadcast %sub3A_407 : f32 to vector<16xf32>
      %sub3A_409 = arith.subf %sub3A_408, %mul3A_406 : vector<16xf32>
      %mul3A_410 = arith.mulf %mul3A_401, %sub3A_409 : vector<16xf32>
      %mul3A_411 = arith.constant 5.000000e-01 : f32
      %mul3A_412 = vector.broadcast %mul3A_411 : f32 to vector<16xf32>
      %mul3A_413 = arith.mulf %mul3A_412, %add3A_384 : vector<16xf32>
      %mul3A_414 = arith.mulf %mul3A_413, %mul3A_410 : vector<16xf32>
      %mul3A_415 = arith.mulf %mul3A_414, %mul3A_410 : vector<16xf32>
      %sub3A_416 = arith.constant 1.500000e+00 : f32
      %sub3A_417 = vector.broadcast %sub3A_416 : f32 to vector<16xf32>
      %sub3A_418 = arith.subf %sub3A_417, %mul3A_415 : vector<16xf32>
      %mul3A_419 = arith.mulf %mul3A_410, %sub3A_418 : vector<16xf32>
      %swap3A_420 = arith.index_cast %add3A_374 : i32 to index
      %swap3A_421 = arith.constant 0 : index
      %swap3A_422 = tpu.vector_load %arg13[%swap3A_420, %swap3A_421] {strides = array<i32>} : memref<632x16xf32, #tpu.memory_space<vmem>>, vector<16xf32>,
      tpu.vector_store %arg13[%swap3A_420, %swap3A_421], %mul3A_419 {strides = array<i32>} : memref<632x16xf32, #tpu.memory_space<vmem>>, vector<16xf32>,
      %get3A_423 = arith.index_cast %add3A_374 : i32 to index
      %get3A_424 = arith.constant 0 : index
      %get3A_425 = tpu.vector_load %arg12[%get3A_423, %get3A_424] {strides = array<i32>} : memref<632x16xf32, #tpu.memory_space<vmem>>, vector<16xf32>,
      %mul3A_426 = arith.mulf %mul3A_419, %get3A_425 : vector<16xf32>
      %swap3A_427 = arith.index_cast %add3A_374 : i32 to index
      %swap3A_428 = arith.constant 0 : index
      %swap3A_429 = tpu.vector_load %arg14[%swap3A_427, %swap3A_428] {strides = array<i32>} : memref<632x16xf32, #tpu.memory_space<vmem>>, vector<16xf32>,
      tpu.vector_store %arg14[%swap3A_427, %swap3A_428], %mul3A_426 {strides = array<i32>} : memref<632x16xf32, #tpu.memory_space<vmem>>, vector<16xf32>,
      %mul3A_430 = arith.constant 4 : i32
      %mul3A_431 = arith.muli %scan3A_256, %mul3A_430 : i32
      %add3A_432 = arith.constant 3 : i32
      %add3A_433 = arith.addi %mul3A_431, %add3A_432 : i32
      %get3A_434 = arith.index_cast %add3A_433 : i32 to index
      %get3A_435 = arith.constant 0 : index
      %get3A_436 = tpu.vector_load %arg13[%get3A_434, %get3A_435] {strides = array<i32>} : memref<632x16xf32, #tpu.memory_space<vmem>>, vector<16xf32>,
      %get3A_437 = arith.index_cast %add3A_433 : i32 to index
      %get3A_438 = arith.constant 0 : index
      %get3A_439 = tpu.vector_load %arg14[%get3A_437, %get3A_438] {strides = array<i32>} : memref<632x16xf32, #tpu.memory_space<vmem>>, vector<16xf32>,
      %add3A_440 = arith.addf %get3A_436, %get3A_439 : vector<16xf32>
      %add3A_441 = arith.constant 1.000000e+00 : f32
      %add3A_442 = vector.broadcast %add3A_441 : f32 to vector<16xf32>
      %add3A_443 = arith.addf %add3A_440, %add3A_442 : vector<16xf32>
      %bitcast3A_444 = vector.bitcast %add3A_443 : vector<16xf32> to vector<16xi32>
      %shift_right_logical3A_445 = arith.constant 1 : i32
      %shift_right_logical3A_446 = vector.broadcast %shift_right_logical3A_445 : i32 to vector<16xi32>
      %shift_right_logical3A_447 = arith.shrui %bitcast3A_444, %shift_right_logical3A_446 : vector<16xi32>
      %sub3A_448 = arith.constant 1597463007 : i32
      %sub3A_449 = vector.broadcast %sub3A_448 : i32 to vector<16xi32>
      %sub3A_450 = arith.subi %sub3A_449, %shift_right_logical3A_447 : vector<16xi32>
      %bitcast3A_451 = vector.bitcast %sub3A_450 : vector<16xi32> to vector<16xf32>
      %mul3A_452 = arith.constant 5.000000e-01 : f32
      %mul3A_453 = vector.broadcast %mul3A_452 : f32 to vector<16xf32>
      %mul3A_454 = arith.mulf %mul3A_453, %add3A_443 : vector<16xf32>
      %mul3A_455 = arith.mulf %mul3A_454, %bitcast3A_451 : vector<16xf32>
      %mul3A_456 = arith.mulf %mul3A_455, %bitcast3A_451 : vector<16xf32>
      %sub3A_457 = arith.constant 1.500000e+00 : f32
      %sub3A_458 = vector.broadcast %sub3A_457 : f32 to vector<16xf32>
      %sub3A_459 = arith.subf %sub3A_458, %mul3A_456 : vector<16xf32>
      %mul3A_460 = arith.mulf %bitcast3A_451, %sub3A_459 : vector<16xf32>
      %mul3A_461 = arith.constant 5.000000e-01 : f32
      %mul3A_462 = vector.broadcast %mul3A_461 : f32 to vector<16xf32>
      %mul3A_463 = arith.mulf %mul3A_462, %add3A_443 : vector<16xf32>
      %mul3A_464 = arith.mulf %mul3A_463, %mul3A_460 : vector<16xf32>
      %mul3A_465 = arith.mulf %mul3A_464, %mul3A_460 : vector<16xf32>
      %sub3A_466 = arith.constant 1.500000e+00 : f32
      %sub3A_467 = vector.broadcast %sub3A_466 : f32 to vector<16xf32>
      %sub3A_468 = arith.subf %sub3A_467, %mul3A_465 : vector<16xf32>
      %mul3A_469 = arith.mulf %mul3A_460, %sub3A_468 : vector<16xf32>
      %mul3A_470 = arith.constant 5.000000e-01 : f32
      %mul3A_471 = vector.broadcast %mul3A_470 : f32 to vector<16xf32>
      %mul3A_472 = arith.mulf %mul3A_471, %add3A_443 : vector<16xf32>
      %mul3A_473 = arith.mulf %mul3A_472, %mul3A_469 : vector<16xf32>
      %mul3A_474 = arith.mulf %mul3A_473, %mul3A_469 : vector<16xf32>
      %sub3A_475 = arith.constant 1.500000e+00 : f32
      %sub3A_476 = vector.broadcast %sub3A_475 : f32 to vector<16xf32>
      %sub3A_477 = arith.subf %sub3A_476, %mul3A_474 : vector<16xf32>
      %mul3A_478 = arith.mulf %mul3A_469, %sub3A_477 : vector<16xf32>
      %swap3A_479 = arith.index_cast %add3A_433 : i32 to index
      %swap3A_480 = arith.constant 0 : index
      %swap3A_481 = tpu.vector_load %arg13[%swap3A_479, %swap3A_480] {strides = array<i32>} : memref<632x16xf32, #tpu.memory_space<vmem>>, vector<16xf32>,
      tpu.vector_store %arg13[%swap3A_479, %swap3A_480], %mul3A_478 {strides = array<i32>} : memref<632x16xf32, #tpu.memory_space<vmem>>, vector<16xf32>,
      %get3A_482 = arith.index_cast %add3A_433 : i32 to index
      %get3A_483 = arith.constant 0 : index
      %get3A_484 = tpu.vector_load %arg12[%get3A_482, %get3A_483] {strides = array<i32>} : memref<632x16xf32, #tpu.memory_space<vmem>>, vector<16xf32>,
      %mul3A_485 = arith.mulf %mul3A_478, %get3A_484 : vector<16xf32>
      %swap3A_486 = arith.index_cast %add3A_433 : i32 to index
      %swap3A_487 = arith.constant 0 : index
      %swap3A_488 = tpu.vector_load %arg14[%swap3A_486, %swap3A_487] {strides = array<i32>} : memref<632x16xf32, #tpu.memory_space<vmem>>, vector<16xf32>,
      tpu.vector_store %arg14[%swap3A_486, %swap3A_487], %mul3A_485 {strides = array<i32>} : memref<632x16xf32, #tpu.memory_space<vmem>>, vector<16xf32>,
      %scan3A_489 = arith.constant 0 : i32
      scf.yield %scan3A_489 : i32
    }
    %scan3A_96 = arith.constant 158 : i32
    "tpu.region"() ({
      %run_scoped3A = tpu.sem_alloc : memref<!tpu.dma_semaphore, #tpu.memory_space<semaphore_mem>>
      %dma_start3A_256 = arith.constant 0 : i32
      %dma_start3A_257 = tpu.memref_slice %arg16[%mul3A_2, %dma_start3A_256] : memref<10112x16xf32, #tpu.memory_space<vmem_shared>> -> memref<632x16xf32, #tpu.memory_space<vmem_shared>>
      %dma_start3A_258 = arith.constant 0 : i32
      %dma_start3A_259 = tpu.memref_slice %arg16[%mul3A_2, %dma_start3A_258] : memref<10112x16xf32, #tpu.memory_space<vmem_shared>> -> memref<632x16xf32, #tpu.memory_space<vmem_shared>>
      tpu.enqueue_dma source(%arg14 : memref<632x16xf32, #tpu.memory_space<vmem>>) target(%dma_start3A_259 : memref<632x16xf32, #tpu.memory_space<vmem_shared>>) target_semaphore(%run_scoped3A : memref<!tpu.dma_semaphore, #tpu.memory_space<semaphore_mem>>)
      %dma_wait3A_260 = arith.constant 0 : i32
      %dma_wait3A_261 = tpu.memref_slice %arg16[%mul3A_2, %dma_wait3A_260] : memref<10112x16xf32, #tpu.memory_space<vmem_shared>> -> memref<632x16xf32, #tpu.memory_space<vmem_shared>>
      %dma_wait3A_262 = arith.constant 0 : i32
      %dma_wait3A_263 = tpu.memref_slice %arg16[%mul3A_2, %dma_wait3A_262] : memref<10112x16xf32, #tpu.memory_space<vmem_shared>> -> memref<632x16xf32, #tpu.memory_space<vmem_shared>>
      tpu.wait_dma2 semaphore(%run_scoped3A : memref<!tpu.dma_semaphore, #tpu.memory_space<semaphore_mem>>) src(%arg14 : memref<632x16xf32, #tpu.memory_space<vmem>>) dst(%dma_wait3A_263 : memref<632x16xf32, #tpu.memory_space<vmem_shared>>)
      tpu.yield
    }) : () -> ()
    %eq3A = arith.constant 0 : i32
    %eq3A_97 = arith.cmpi eq, %arg0, %eq3A : i32
    %convert_element_type3A = arith.extui %eq3A_97 : i1 to i32
    %cond3A = arith.constant 0 : i32
    %cond3A_98 = arith.cmpi ne, %convert_element_type3A, %cond3A : i32
    scf.if %cond3A_98 {
      "tpu.region"() ({
        %run_scoped3A = tpu.sem_alloc : memref<!tpu.dma_semaphore, #tpu.memory_space<semaphore_mem>>
        %dma_start3A_256 = arith.constant 0 : i32
        %dma_start3A_257 = tpu.memref_slice %arg7[%mul3A_2, %dma_start3A_256] : memref<10112x16xf32, #tpu.memory_space<hbm>> -> memref<632x16xf32, #tpu.memory_space<hbm>>
        %dma_start3A_258 = arith.constant 0 : i32
        %dma_start3A_259 = tpu.memref_slice %arg7[%mul3A_2, %dma_start3A_258] : memref<10112x16xf32, #tpu.memory_space<hbm>> -> memref<632x16xf32, #tpu.memory_space<hbm>>
        tpu.enqueue_dma source(%arg14 : memref<632x16xf32, #tpu.memory_space<vmem>>) target(%dma_start3A_259 : memref<632x16xf32, #tpu.memory_space<hbm>>) target_semaphore(%run_scoped3A : memref<!tpu.dma_semaphore, #tpu.memory_space<semaphore_mem>>)
        %dma_wait3A_260 = arith.constant 0 : i32
        %dma_wait3A_261 = tpu.memref_slice %arg7[%mul3A_2, %dma_wait3A_260] : memref<10112x16xf32, #tpu.memory_space<hbm>> -> memref<632x16xf32, #tpu.memory_space<hbm>>
        %dma_wait3A_262 = arith.constant 0 : i32
        %dma_wait3A_263 = tpu.memref_slice %arg7[%mul3A_2, %dma_wait3A_262] : memref<10112x16xf32, #tpu.memory_space<hbm>> -> memref<632x16xf32, #tpu.memory_space<hbm>>
        tpu.wait_dma2 semaphore(%run_scoped3A : memref<!tpu.dma_semaphore, #tpu.memory_space<semaphore_mem>>) src(%arg14 : memref<632x16xf32, #tpu.memory_space<vmem>>) dst(%dma_wait3A_263 : memref<632x16xf32, #tpu.memory_space<hbm>>)
        tpu.yield
      }) : () -> ()
      "tpu.region"() ({
        %run_scoped3A = tpu.sem_alloc : memref<!tpu.dma_semaphore, #tpu.memory_space<semaphore_mem>>
        %dma_start3A_256 = arith.constant 0 : i32
        %dma_start3A_257 = tpu.memref_slice %arg8[%mul3A_2, %dma_start3A_256] : memref<10112x16xf32, #tpu.memory_space<hbm>> -> memref<632x16xf32, #tpu.memory_space<hbm>>
        %dma_start3A_258 = arith.constant 0 : i32
        %dma_start3A_259 = tpu.memref_slice %arg8[%mul3A_2, %dma_start3A_258] : memref<10112x16xf32, #tpu.memory_space<hbm>> -> memref<632x16xf32, #tpu.memory_space<hbm>>
        tpu.enqueue_dma source(%arg13 : memref<632x16xf32, #tpu.memory_space<vmem>>) target(%dma_start3A_259 : memref<632x16xf32, #tpu.memory_space<hbm>>) target_semaphore(%run_scoped3A : memref<!tpu.dma_semaphore, #tpu.memory_space<semaphore_mem>>)
        %dma_wait3A_260 = arith.constant 0 : i32
        %dma_wait3A_261 = tpu.memref_slice %arg8[%mul3A_2, %dma_wait3A_260] : memref<10112x16xf32, #tpu.memory_space<hbm>> -> memref<632x16xf32, #tpu.memory_space<hbm>>
        %dma_wait3A_262 = arith.constant 0 : i32
        %dma_wait3A_263 = tpu.memref_slice %arg8[%mul3A_2, %dma_wait3A_262] : memref<10112x16xf32, #tpu.memory_space<hbm>> -> memref<632x16xf32, #tpu.memory_space<hbm>>
        tpu.wait_dma2 semaphore(%run_scoped3A : memref<!tpu.dma_semaphore, #tpu.memory_space<semaphore_mem>>) src(%arg13 : memref<632x16xf32, #tpu.memory_space<vmem>>) dst(%dma_wait3A_263 : memref<632x16xf32, #tpu.memory_space<hbm>>)
        tpu.yield
      }) : () -> ()
    } else {
    }
    %dma_wait3A_99 = arith.constant 0 : i32
    %dma_wait3A_100 = arith.constant 0 : i32
    %dma_wait3A_101 = tpu.memref_slice %arg17[%mul3A_2, %dma_wait3A_100] : memref<10112x16xf32, #tpu.memory_space<vmem_shared>> -> memref<632x16xf32, #tpu.memory_space<vmem_shared>>
    %dma_wait3A_102 = tpu.memref_slice %arg19[%dma_wait3A_99] : memref<8x!tpu.dma_semaphore, #tpu.memory_space<semaphore_mem>> -> memref<1x!tpu.dma_semaphore, #tpu.memory_space<semaphore_mem>>
    %dma_wait3A_103 = tpu.memref_squeeze %dma_wait3A_102 : memref<1x!tpu.dma_semaphore, #tpu.memory_space<semaphore_mem>> -> memref<!tpu.dma_semaphore, #tpu.memory_space<semaphore_mem>>
    %dma_wait3A_104 = arith.constant 0 : i32
    %dma_wait3A_105 = tpu.memref_slice %arg17[%mul3A_2, %dma_wait3A_104] : memref<10112x16xf32, #tpu.memory_space<vmem_shared>> -> memref<632x16xf32, #tpu.memory_space<vmem_shared>>
    tpu.wait_dma2 semaphore(%dma_wait3A_103 : memref<!tpu.dma_semaphore, #tpu.memory_space<semaphore_mem>>) src(%arg15 : memref<632x16xf32, #tpu.memory_space<vmem>>) dst(%dma_wait3A_105 : memref<632x16xf32, #tpu.memory_space<vmem_shared>>)
    %dma_wait3A_106 = arith.constant 3 : i32
    %dma_wait3A_107 = arith.constant 0 : i32
    %dma_wait3A_108 = arith.constant 0 : i32
    %dma_wait3A_109 = tpu.memref_slice %arg4[%add3A, %dma_wait3A_107, %dma_wait3A_108] : memref<32x157x128xi32, #tpu.memory_space<hbm>> -> memref<1x157x128xi32, #tpu.memory_space<hbm>>
    %dma_wait3A_110 = tpu.memref_squeeze %dma_wait3A_109 : memref<1x157x128xi32, #tpu.memory_space<hbm>> -> memref<157x128xi32, #tpu.memory_space<hbm>>
    %dma_wait3A_111 = tpu.memref_slice %arg18[%dma_wait3A_106] : memref<8x!tpu.dma_semaphore, #tpu.memory_space<semaphore_mem>> -> memref<1x!tpu.dma_semaphore, #tpu.memory_space<semaphore_mem>>
    %dma_wait3A_112 = tpu.memref_squeeze %dma_wait3A_111 : memref<1x!tpu.dma_semaphore, #tpu.memory_space<semaphore_mem>> -> memref<!tpu.dma_semaphore, #tpu.memory_space<semaphore_mem>>
    %dma_wait3A_113 = arith.constant 0 : i32
    %dma_wait3A_114 = arith.constant 0 : i32
    %dma_wait3A_115 = tpu.memref_slice %arg4[%add3A, %dma_wait3A_113, %dma_wait3A_114] : memref<32x157x128xi32, #tpu.memory_space<hbm>> -> memref<1x157x128xi32, #tpu.memory_space<hbm>>
    %dma_wait3A_116 = tpu.memref_squeeze %dma_wait3A_115 : memref<1x157x128xi32, #tpu.memory_space<hbm>> -> memref<157x128xi32, #tpu.memory_space<hbm>>
    tpu.wait_dma2 semaphore(%dma_wait3A_112 : memref<!tpu.dma_semaphore, #tpu.memory_space<semaphore_mem>>) src(%dma_wait3A_116 : memref<157x128xi32, #tpu.memory_space<hbm>>) dst(%arg9 : memref<157x128xi32, #tpu.memory_space<vmem>>)
    %dma_wait3A_117 = arith.constant 1 : i32
    %dma_wait3A_118 = arith.constant 0 : i32
    %dma_wait3A_119 = arith.constant 0 : i32
    %dma_wait3A_120 = tpu.memref_slice %arg5[%add3A, %dma_wait3A_118, %dma_wait3A_119] : memref<32x157x128xi32, #tpu.memory_space<hbm>> -> memref<1x157x128xi32, #tpu.memory_space<hbm>>
    %dma_wait3A_121 = tpu.memref_squeeze %dma_wait3A_120 : memref<1x157x128xi32, #tpu.memory_space<hbm>> -> memref<157x128xi32, #tpu.memory_space<hbm>>
    %dma_wait3A_122 = tpu.memref_slice %arg19[%dma_wait3A_117] : memref<8x!tpu.dma_semaphore, #tpu.memory_space<semaphore_mem>> -> memref<1x!tpu.dma_semaphore, #tpu.memory_space<semaphore_mem>>
    %dma_wait3A_123 = tpu.memref_squeeze %dma_wait3A_122 : memref<1x!tpu.dma_semaphore, #tpu.memory_space<semaphore_mem>> -> memref<!tpu.dma_semaphore, #tpu.memory_space<semaphore_mem>>
    %dma_wait3A_124 = arith.constant 0 : i32
    %dma_wait3A_125 = arith.constant 0 : i32
    %dma_wait3A_126 = tpu.memref_slice %arg5[%add3A, %dma_wait3A_124, %dma_wait3A_125] : memref<32x157x128xi32, #tpu.memory_space<hbm>> -> memref<1x157x128xi32, #tpu.memory_space<hbm>>
    %dma_wait3A_127 = tpu.memref_squeeze %dma_wait3A_126 : memref<1x157x128xi32, #tpu.memory_space<hbm>> -> memref<157x128xi32, #tpu.memory_space<hbm>>
    tpu.wait_dma2 semaphore(%dma_wait3A_123 : memref<!tpu.dma_semaphore, #tpu.memory_space<semaphore_mem>>) src(%dma_wait3A_127 : memref<157x128xi32, #tpu.memory_space<hbm>>) dst(%arg10 : memref<157x128xi32, #tpu.memory_space<vmem>>)
    %barrier3A = arith.constant 0 : index
    tpu.barrier barrier_id(%barrier3A)
    %dma_start3A_128 = arith.constant 0 : i32
    %dma_start3A_129 = arith.constant 0 : i32
    %dma_start3A_130 = arith.constant 0 : i32
    %dma_start3A_131 = arith.constant 0 : i32
    %dma_start3A_132 = arith.constant 0 : i32
    %dma_start3A_133 = tpu.memref_slice %arg11[%dma_start3A_129, %dma_start3A_131, %dma_start3A_132] : memref<8x128x16xf32, #tpu.memory_space<vmem>> -> memref<1x128x16xf32, #tpu.memory_space<vmem>>
    %dma_start3A_134 = tpu.memref_squeeze %dma_start3A_133 : memref<1x128x16xf32, #tpu.memory_space<vmem>> -> memref<128x16xf32, #tpu.memory_space<vmem>>
    %dma_start3A_135 = arith.constant 0 : i32
    %dma_start3A_136 = tpu.memref_slice %arg9[%dma_start3A_128, %dma_start3A_135] : memref<157x128xi32, #tpu.memory_space<vmem>> -> memref<1x128xi32, #tpu.memory_space<vmem>>
    %dma_start3A_137 = tpu.memref_squeeze %dma_start3A_136 : memref<1x128xi32, #tpu.memory_space<vmem>> -> memref<128xi32, #tpu.memory_space<vmem>>
    %dma_start3A_138 = arith.constant 0 : i32
    %dma_start3A_139 = arith.constant 0 : i32
    %dma_start3A_140 = tpu.memref_slice %arg16[%dma_start3A_138, %dma_start3A_139] : memref<10112x16xf32, #tpu.memory_space<vmem_shared>> -> memref<10112x16xf32, #tpu.memory_space<vmem_shared>>
    %dma_start3A_141 = tpu.memref_slice %arg18[%dma_start3A_130] : memref<8x!tpu.dma_semaphore, #tpu.memory_space<semaphore_mem>> -> memref<1x!tpu.dma_semaphore, #tpu.memory_space<semaphore_mem>>
    %dma_start3A_142 = tpu.memref_squeeze %dma_start3A_141 : memref<1x!tpu.dma_semaphore, #tpu.memory_space<semaphore_mem>> -> memref<!tpu.dma_semaphore, #tpu.memory_space<semaphore_mem>>
    tpu.enqueue_indirect_dma source(%dma_start3A_140 : memref<10112x16xf32, #tpu.memory_space<vmem_shared>>) target(%dma_start3A_134 : memref<128x16xf32, #tpu.memory_space<vmem>>) offsets(%dma_start3A_137 : memref<128xi32, #tpu.memory_space<vmem>>) semaphore(%dma_start3A_142 : memref<!tpu.dma_semaphore, #tpu.memory_space<semaphore_mem>>)
    %dma_start3A_143 = arith.constant 1 : i32
    %dma_start3A_144 = arith.constant 1 : i32
    %dma_start3A_145 = arith.constant 1 : i32
    %dma_start3A_146 = arith.constant 0 : i32
    %dma_start3A_147 = arith.constant 0 : i32
    %dma_start3A_148 = tpu.memref_slice %arg11[%dma_start3A_144, %dma_start3A_146, %dma_start3A_147] : memref<8x128x16xf32, #tpu.memory_space<vmem>> -> memref<1x128x16xf32, #tpu.memory_space<vmem>>
    %dma_start3A_149 = tpu.memref_squeeze %dma_start3A_148 : memref<1x128x16xf32, #tpu.memory_space<vmem>> -> memref<128x16xf32, #tpu.memory_space<vmem>>
    %dma_start3A_150 = arith.constant 0 : i32
    %dma_start3A_151 = tpu.memref_slice %arg9[%dma_start3A_143, %dma_start3A_150] : memref<157x128xi32, #tpu.memory_space<vmem>> -> memref<1x128xi32, #tpu.memory_space<vmem>>
    %dma_start3A_152 = tpu.memref_squeeze %dma_start3A_151 : memref<1x128xi32, #tpu.memory_space<vmem>> -> memref<128xi32, #tpu.memory_space<vmem>>
    %dma_start3A_153 = arith.constant 0 : i32
    %dma_start3A_154 = arith.constant 0 : i32
    %dma_start3A_155 = tpu.memref_slice %arg16[%dma_start3A_153, %dma_start3A_154] : memref<10112x16xf32, #tpu.memory_space<vmem_shared>> -> memref<10112x16xf32, #tpu.memory_space<vmem_shared>>
    %dma_start3A_156 = tpu.memref_slice %arg18[%dma_start3A_145] : memref<8x!tpu.dma_semaphore, #tpu.memory_space<semaphore_mem>> -> memref<1x!tpu.dma_semaphore, #tpu.memory_space<semaphore_mem>>
    %dma_start3A_157 = tpu.memref_squeeze %dma_start3A_156 : memref<1x!tpu.dma_semaphore, #tpu.memory_space<semaphore_mem>> -> memref<!tpu.dma_semaphore, #tpu.memory_space<semaphore_mem>>
    tpu.enqueue_indirect_dma source(%dma_start3A_155 : memref<10112x16xf32, #tpu.memory_space<vmem_shared>>) target(%dma_start3A_149 : memref<128x16xf32, #tpu.memory_space<vmem>>) offsets(%dma_start3A_152 : memref<128xi32, #tpu.memory_space<vmem>>) semaphore(%dma_start3A_157 : memref<!tpu.dma_semaphore, #tpu.memory_space<semaphore_mem>>)
    %dma_start3A_158 = arith.constant 2 : i32
    %dma_start3A_159 = arith.constant 2 : i32
    %dma_start3A_160 = arith.constant 2 : i32
    %dma_start3A_161 = arith.constant 0 : i32
    %dma_start3A_162 = arith.constant 0 : i32
    %dma_start3A_163 = tpu.memref_slice %arg11[%dma_start3A_159, %dma_start3A_161, %dma_start3A_162] : memref<8x128x16xf32, #tpu.memory_space<vmem>> -> memref<1x128x16xf32, #tpu.memory_space<vmem>>
    %dma_start3A_164 = tpu.memref_squeeze %dma_start3A_163 : memref<1x128x16xf32, #tpu.memory_space<vmem>> -> memref<128x16xf32, #tpu.memory_space<vmem>>
    %dma_start3A_165 = arith.constant 0 : i32
    %dma_start3A_166 = tpu.memref_slice %arg9[%dma_start3A_158, %dma_start3A_165] : memref<157x128xi32, #tpu.memory_space<vmem>> -> memref<1x128xi32, #tpu.memory_space<vmem>>
    %dma_start3A_167 = tpu.memref_squeeze %dma_start3A_166 : memref<1x128xi32, #tpu.memory_space<vmem>> -> memref<128xi32, #tpu.memory_space<vmem>>
    %dma_start3A_168 = arith.constant 0 : i32
    %dma_start3A_169 = arith.constant 0 : i32
    %dma_start3A_170 = tpu.memref_slice %arg16[%dma_start3A_168, %dma_start3A_169] : memref<10112x16xf32, #tpu.memory_space<vmem_shared>> -> memref<10112x16xf32, #tpu.memory_space<vmem_shared>>
    %dma_start3A_171 = tpu.memref_slice %arg18[%dma_start3A_160] : memref<8x!tpu.dma_semaphore, #tpu.memory_space<semaphore_mem>> -> memref<1x!tpu.dma_semaphore, #tpu.memory_space<semaphore_mem>>
    %dma_start3A_172 = tpu.memref_squeeze %dma_start3A_171 : memref<1x!tpu.dma_semaphore, #tpu.memory_space<semaphore_mem>> -> memref<!tpu.dma_semaphore, #tpu.memory_space<semaphore_mem>>
    tpu.enqueue_indirect_dma source(%dma_start3A_170 : memref<10112x16xf32, #tpu.memory_space<vmem_shared>>) target(%dma_start3A_164 : memref<128x16xf32, #tpu.memory_space<vmem>>) offsets(%dma_start3A_167 : memref<128xi32, #tpu.memory_space<vmem>>) semaphore(%dma_start3A_172 : memref<!tpu.dma_semaphore, #tpu.memory_space<semaphore_mem>>)
    %dma_start3A_173 = arith.constant 3 : i32
    %dma_start3A_174 = arith.constant 3 : i32
    %dma_start3A_175 = arith.constant 3 : i32
    %dma_start3A_176 = arith.constant 0 : i32
    %dma_start3A_177 = arith.constant 0 : i32
    %dma_start3A_178 = tpu.memref_slice %arg11[%dma_start3A_174, %dma_start3A_176, %dma_start3A_177] : memref<8x128x16xf32, #tpu.memory_space<vmem>> -> memref<1x128x16xf32, #tpu.memory_space<vmem>>
    %dma_start3A_179 = tpu.memref_squeeze %dma_start3A_178 : memref<1x128x16xf32, #tpu.memory_space<vmem>> -> memref<128x16xf32, #tpu.memory_space<vmem>>
    %dma_start3A_180 = arith.constant 0 : i32
    %dma_start3A_181 = tpu.memref_slice %arg9[%dma_start3A_173, %dma_start3A_180] : memref<157x128xi32, #tpu.memory_space<vmem>> -> memref<1x128xi32, #tpu.memory_space<vmem>>
    %dma_start3A_182 = tpu.memref_squeeze %dma_start3A_181 : memref<1x128xi32, #tpu.memory_space<vmem>> -> memref<128xi32, #tpu.memory_space<vmem>>
    %dma_start3A_183 = arith.constant 0 : i32
    %dma_start3A_184 = arith.constant 0 : i32
    %dma_start3A_185 = tpu.memref_slice %arg16[%dma_start3A_183, %dma_start3A_184] : memref<10112x16xf32, #tpu.memory_space<vmem_shared>> -> memref<10112x16xf32, #tpu.memory_space<vmem_shared>>
    %dma_start3A_186 = tpu.memref_slice %arg18[%dma_start3A_175] : memref<8x!tpu.dma_semaphore, #tpu.memory_space<semaphore_mem>> -> memref<1x!tpu.dma_semaphore, #tpu.memory_space<semaphore_mem>>
    %dma_start3A_187 = tpu.memref_squeeze %dma_start3A_186 : memref<1x!tpu.dma_semaphore, #tpu.memory_space<semaphore_mem>> -> memref<!tpu.dma_semaphore, #tpu.memory_space<semaphore_mem>>
    tpu.enqueue_indirect_dma source(%dma_start3A_185 : memref<10112x16xf32, #tpu.memory_space<vmem_shared>>) target(%dma_start3A_179 : memref<128x16xf32, #tpu.memory_space<vmem>>) offsets(%dma_start3A_182 : memref<128xi32, #tpu.memory_space<vmem>>) semaphore(%dma_start3A_187 : memref<!tpu.dma_semaphore, #tpu.memory_space<semaphore_mem>>)
    %scan3A_188 = arith.constant 0 : i32
    %scan3A_189 = arith.constant 0 : i32
    %scan3A_190 = arith.constant 20 : i32
    %scan3A_191 = arith.addi %scan3A_189, %scan3A_190 : i32
    %scan3A_192 = arith.constant 1 : i32
    %scan3A_193 = scf.for %scan3A_256 = %scan3A_189 to %scan3A_191 step %scan3A_192 iter_args(%scan3A_257 = %scan3A_188) -> (i32)  : i32 {
      %mul3A_258 = arith.constant 8 : i32
      %mul3A_259 = arith.muli %scan3A_256, %mul3A_258 : i32
      %add3A_260 = arith.constant 0 : i32
      %add3A_261 = arith.addi %mul3A_259, %add3A_260 : i32
      %lt3A = arith.constant 157 : i32
      %lt3A_262 = arith.cmpi slt, %add3A_261, %lt3A : i32
      %convert_element_type3A_263 = arith.extui %lt3A_262 : i1 to i32
      %cond3A_264 = arith.constant 0 : i32
      %cond3A_265 = arith.cmpi ne, %convert_element_type3A_263, %cond3A_264 : i32
      scf.if %cond3A_265 {
        %dma_wait3A_316 = arith.constant 0 : i32
        %dma_wait3A_317 = arith.constant 0 : i32
        %dma_wait3A_318 = arith.constant 0 : i32
        %dma_wait3A_319 = arith.constant 0 : i32
        %dma_wait3A_320 = tpu.memref_slice %arg11[%dma_wait3A_316, %dma_wait3A_318, %dma_wait3A_319] : memref<8x128x16xf32, #tpu.memory_space<vmem>> -> memref<1x128x16xf32, #tpu.memory_space<vmem>>
        %dma_wait3A_321 = tpu.memref_squeeze %dma_wait3A_320 : memref<1x128x16xf32, #tpu.memory_space<vmem>> -> memref<128x16xf32, #tpu.memory_space<vmem>>
        %dma_wait3A_322 = arith.constant 0 : i32
        %dma_wait3A_323 = tpu.memref_slice %arg9[%add3A_261, %dma_wait3A_322] : memref<157x128xi32, #tpu.memory_space<vmem>> -> memref<1x128xi32, #tpu.memory_space<vmem>>
        %dma_wait3A_324 = tpu.memref_squeeze %dma_wait3A_323 : memref<1x128xi32, #tpu.memory_space<vmem>> -> memref<128xi32, #tpu.memory_space<vmem>>
        %dma_wait3A_325 = arith.constant 0 : i32
        %dma_wait3A_326 = arith.constant 0 : i32
        %dma_wait3A_327 = tpu.memref_slice %arg16[%dma_wait3A_325, %dma_wait3A_326] : memref<10112x16xf32, #tpu.memory_space<vmem_shared>> -> memref<10112x16xf32, #tpu.memory_space<vmem_shared>>
        %dma_wait3A_328 = tpu.memref_slice %arg18[%dma_wait3A_317] : memref<8x!tpu.dma_semaphore, #tpu.memory_space<semaphore_mem>> -> memref<1x!tpu.dma_semaphore, #tpu.memory_space<semaphore_mem>>
        %dma_wait3A_329 = tpu.memref_squeeze %dma_wait3A_328 : memref<1x!tpu.dma_semaphore, #tpu.memory_space<semaphore_mem>> -> memref<!tpu.dma_semaphore, #tpu.memory_space<semaphore_mem>>
        tpu.wait_indirect_dma semaphore(%dma_wait3A_329 : memref<!tpu.dma_semaphore, #tpu.memory_space<semaphore_mem>>) src(%dma_wait3A_327 : memref<10112x16xf32, #tpu.memory_space<vmem_shared>>) dst(%dma_wait3A_321 : memref<128x16xf32, #tpu.memory_space<vmem>>)
        %dma_start3A_330 = arith.constant 0 : i32
        %dma_start3A_331 = arith.constant 0 : i32
        %dma_start3A_332 = arith.constant 0 : i32
        %dma_start3A_333 = arith.constant 0 : i32
        %dma_start3A_334 = tpu.memref_slice %arg11[%dma_start3A_330, %dma_start3A_332, %dma_start3A_333] : memref<8x128x16xf32, #tpu.memory_space<vmem>> -> memref<1x128x16xf32, #tpu.memory_space<vmem>>
        %dma_start3A_335 = tpu.memref_squeeze %dma_start3A_334 : memref<1x128x16xf32, #tpu.memory_space<vmem>> -> memref<128x16xf32, #tpu.memory_space<vmem>>
        %dma_start3A_336 = arith.constant 0 : i32
        %dma_start3A_337 = tpu.memref_slice %arg10[%add3A_261, %dma_start3A_336] : memref<157x128xi32, #tpu.memory_space<vmem>> -> memref<1x128xi32, #tpu.memory_space<vmem>>
        %dma_start3A_338 = tpu.memref_squeeze %dma_start3A_337 : memref<1x128xi32, #tpu.memory_space<vmem>> -> memref<128xi32, #tpu.memory_space<vmem>>
        %dma_start3A_339 = arith.constant 0 : i32
        %dma_start3A_340 = arith.constant 0 : i32
        %dma_start3A_341 = tpu.memref_slice %arg17[%dma_start3A_339, %dma_start3A_340] : memref<10112x16xf32, #tpu.memory_space<vmem_shared>> -> memref<10112x16xf32, #tpu.memory_space<vmem_shared>>
        %dma_start3A_342 = tpu.memref_slice %arg19[%dma_start3A_331] : memref<8x!tpu.dma_semaphore, #tpu.memory_space<semaphore_mem>> -> memref<1x!tpu.dma_semaphore, #tpu.memory_space<semaphore_mem>>
        %dma_start3A_343 = tpu.memref_squeeze %dma_start3A_342 : memref<1x!tpu.dma_semaphore, #tpu.memory_space<semaphore_mem>> -> memref<!tpu.dma_semaphore, #tpu.memory_space<semaphore_mem>>
        tpu.enqueue_indirect_dma source(%dma_start3A_335 : memref<128x16xf32, #tpu.memory_space<vmem>>) target(%dma_start3A_341 : memref<10112x16xf32, #tpu.memory_space<vmem_shared>>) offsets(%dma_start3A_338 : memref<128xi32, #tpu.memory_space<vmem>>) semaphore(%dma_start3A_343 : memref<!tpu.dma_semaphore, #tpu.memory_space<semaphore_mem>>) {add = true}
        %ge3A = arith.constant 4 : i32
        %ge3A_344 = arith.cmpi sge, %add3A_261, %ge3A : i32
        %convert_element_type3A_345 = arith.extui %ge3A_344 : i1 to i32
        %cond3A_346 = arith.constant 0 : i32
        %cond3A_347 = arith.cmpi ne, %convert_element_type3A_345, %cond3A_346 : i32
        scf.if %cond3A_347 {
          %sub3A = arith.constant 4 : i32
          %sub3A_355 = arith.subi %add3A_261, %sub3A : i32
          %dma_wait3A_356 = arith.constant 4 : i32
          %dma_wait3A_357 = arith.constant 4 : i32
          %dma_wait3A_358 = arith.constant 0 : i32
          %dma_wait3A_359 = arith.constant 0 : i32
          %dma_wait3A_360 = tpu.memref_slice %arg11[%dma_wait3A_356, %dma_wait3A_358, %dma_wait3A_359] : memref<8x128x16xf32, #tpu.memory_space<vmem>> -> memref<1x128x16xf32, #tpu.memory_space<vmem>>
          %dma_wait3A_361 = tpu.memref_squeeze %dma_wait3A_360 : memref<1x128x16xf32, #tpu.memory_space<vmem>> -> memref<128x16xf32, #tpu.memory_space<vmem>>
          %dma_wait3A_362 = arith.constant 0 : i32
          %dma_wait3A_363 = tpu.memref_slice %arg10[%sub3A_355, %dma_wait3A_362] : memref<157x128xi32, #tpu.memory_space<vmem>> -> memref<1x128xi32, #tpu.memory_space<vmem>>
          %dma_wait3A_364 = tpu.memref_squeeze %dma_wait3A_363 : memref<1x128xi32, #tpu.memory_space<vmem>> -> memref<128xi32, #tpu.memory_space<vmem>>
          %dma_wait3A_365 = arith.constant 0 : i32
          %dma_wait3A_366 = arith.constant 0 : i32
          %dma_wait3A_367 = tpu.memref_slice %arg17[%dma_wait3A_365, %dma_wait3A_366] : memref<10112x16xf32, #tpu.memory_space<vmem_shared>> -> memref<10112x16xf32, #tpu.memory_space<vmem_shared>>
          %dma_wait3A_368 = tpu.memref_slice %arg19[%dma_wait3A_357] : memref<8x!tpu.dma_semaphore, #tpu.memory_space<semaphore_mem>> -> memref<1x!tpu.dma_semaphore, #tpu.memory_space<semaphore_mem>>
          %dma_wait3A_369 = tpu.memref_squeeze %dma_wait3A_368 : memref<1x!tpu.dma_semaphore, #tpu.memory_space<semaphore_mem>> -> memref<!tpu.dma_semaphore, #tpu.memory_space<semaphore_mem>>
          tpu.wait_indirect_dma semaphore(%dma_wait3A_369 : memref<!tpu.dma_semaphore, #tpu.memory_space<semaphore_mem>>) src(%dma_wait3A_361 : memref<128x16xf32, #tpu.memory_space<vmem>>) dst(%dma_wait3A_367 : memref<10112x16xf32, #tpu.memory_space<vmem_shared>>)
        } else {
        }
        %add3A_348 = arith.constant 4 : i32
        %add3A_349 = arith.addi %add3A_261, %add3A_348 : i32
        %lt3A_350 = arith.constant 157 : i32
        %lt3A_351 = arith.cmpi slt, %add3A_349, %lt3A_350 : i32
        %convert_element_type3A_352 = arith.extui %lt3A_351 : i1 to i32
        %cond3A_353 = arith.constant 0 : i32
        %cond3A_354 = arith.cmpi ne, %convert_element_type3A_352, %cond3A_353 : i32
        scf.if %cond3A_354 {
          %add3A_355 = arith.constant 4 : i32
          %add3A_356 = arith.addi %add3A_261, %add3A_355 : i32
          %dma_start3A_357 = arith.constant 4 : i32
          %dma_start3A_358 = arith.constant 4 : i32
          %dma_start3A_359 = arith.constant 0 : i32
          %dma_start3A_360 = arith.constant 0 : i32
          %dma_start3A_361 = tpu.memref_slice %arg11[%dma_start3A_357, %dma_start3A_359, %dma_start3A_360] : memref<8x128x16xf32, #tpu.memory_space<vmem>> -> memref<1x128x16xf32, #tpu.memory_space<vmem>>
          %dma_start3A_362 = tpu.memref_squeeze %dma_start3A_361 : memref<1x128x16xf32, #tpu.memory_space<vmem>> -> memref<128x16xf32, #tpu.memory_space<vmem>>
          %dma_start3A_363 = arith.constant 0 : i32
          %dma_start3A_364 = tpu.memref_slice %arg9[%add3A_356, %dma_start3A_363] : memref<157x128xi32, #tpu.memory_space<vmem>> -> memref<1x128xi32, #tpu.memory_space<vmem>>
          %dma_start3A_365 = tpu.memref_squeeze %dma_start3A_364 : memref<1x128xi32, #tpu.memory_space<vmem>> -> memref<128xi32, #tpu.memory_space<vmem>>
          %dma_start3A_366 = arith.constant 0 : i32
          %dma_start3A_367 = arith.constant 0 : i32
          %dma_start3A_368 = tpu.memref_slice %arg16[%dma_start3A_366, %dma_start3A_367] : memref<10112x16xf32, #tpu.memory_space<vmem_shared>> -> memref<10112x16xf32, #tpu.memory_space<vmem_shared>>
          %dma_start3A_369 = tpu.memref_slice %arg18[%dma_start3A_358] : memref<8x!tpu.dma_semaphore, #tpu.memory_space<semaphore_mem>> -> memref<1x!tpu.dma_semaphore, #tpu.memory_space<semaphore_mem>>
          %dma_start3A_370 = tpu.memref_squeeze %dma_start3A_369 : memref<1x!tpu.dma_semaphore, #tpu.memory_space<semaphore_mem>> -> memref<!tpu.dma_semaphore, #tpu.memory_space<semaphore_mem>>
          tpu.enqueue_indirect_dma source(%dma_start3A_368 : memref<10112x16xf32, #tpu.memory_space<vmem_shared>>) target(%dma_start3A_362 : memref<128x16xf32, #tpu.memory_space<vmem>>) offsets(%dma_start3A_365 : memref<128xi32, #tpu.memory_space<vmem>>) semaphore(%dma_start3A_370 : memref<!tpu.dma_semaphore, #tpu.memory_space<semaphore_mem>>)
        } else {
        }
      } else {
      }
      %add3A_266 = arith.constant 1 : i32
      %add3A_267 = arith.addi %mul3A_259, %add3A_266 : i32
      %lt3A_268 = arith.constant 157 : i32
      %lt3A_269 = arith.cmpi slt, %add3A_267, %lt3A_268 : i32
      %convert_element_type3A_270 = arith.extui %lt3A_269 : i1 to i32
      %cond3A_271 = arith.constant 0 : i32
      %cond3A_272 = arith.cmpi ne, %convert_element_type3A_270, %cond3A_271 : i32
      scf.if %cond3A_272 {
        %dma_wait3A_316 = arith.constant 1 : i32
        %dma_wait3A_317 = arith.constant 1 : i32
        %dma_wait3A_318 = arith.constant 0 : i32
        %dma_wait3A_319 = arith.constant 0 : i32
        %dma_wait3A_320 = tpu.memref_slice %arg11[%dma_wait3A_316, %dma_wait3A_318, %dma_wait3A_319] : memref<8x128x16xf32, #tpu.memory_space<vmem>> -> memref<1x128x16xf32, #tpu.memory_space<vmem>>
        %dma_wait3A_321 = tpu.memref_squeeze %dma_wait3A_320 : memref<1x128x16xf32, #tpu.memory_space<vmem>> -> memref<128x16xf32, #tpu.memory_space<vmem>>
        %dma_wait3A_322 = arith.constant 0 : i32
        %dma_wait3A_323 = tpu.memref_slice %arg9[%add3A_267, %dma_wait3A_322] : memref<157x128xi32, #tpu.memory_space<vmem>> -> memref<1x128xi32, #tpu.memory_space<vmem>>
        %dma_wait3A_324 = tpu.memref_squeeze %dma_wait3A_323 : memref<1x128xi32, #tpu.memory_space<vmem>> -> memref<128xi32, #tpu.memory_space<vmem>>
        %dma_wait3A_325 = arith.constant 0 : i32
        %dma_wait3A_326 = arith.constant 0 : i32
        %dma_wait3A_327 = tpu.memref_slice %arg16[%dma_wait3A_325, %dma_wait3A_326] : memref<10112x16xf32, #tpu.memory_space<vmem_shared>> -> memref<10112x16xf32, #tpu.memory_space<vmem_shared>>
        %dma_wait3A_328 = tpu.memref_slice %arg18[%dma_wait3A_317] : memref<8x!tpu.dma_semaphore, #tpu.memory_space<semaphore_mem>> -> memref<1x!tpu.dma_semaphore, #tpu.memory_space<semaphore_mem>>
        %dma_wait3A_329 = tpu.memref_squeeze %dma_wait3A_328 : memref<1x!tpu.dma_semaphore, #tpu.memory_space<semaphore_mem>> -> memref<!tpu.dma_semaphore, #tpu.memory_space<semaphore_mem>>
        tpu.wait_indirect_dma semaphore(%dma_wait3A_329 : memref<!tpu.dma_semaphore, #tpu.memory_space<semaphore_mem>>) src(%dma_wait3A_327 : memref<10112x16xf32, #tpu.memory_space<vmem_shared>>) dst(%dma_wait3A_321 : memref<128x16xf32, #tpu.memory_space<vmem>>)
        %dma_start3A_330 = arith.constant 1 : i32
        %dma_start3A_331 = arith.constant 1 : i32
        %dma_start3A_332 = arith.constant 0 : i32
        %dma_start3A_333 = arith.constant 0 : i32
        %dma_start3A_334 = tpu.memref_slice %arg11[%dma_start3A_330, %dma_start3A_332, %dma_start3A_333] : memref<8x128x16xf32, #tpu.memory_space<vmem>> -> memref<1x128x16xf32, #tpu.memory_space<vmem>>
        %dma_start3A_335 = tpu.memref_squeeze %dma_start3A_334 : memref<1x128x16xf32, #tpu.memory_space<vmem>> -> memref<128x16xf32, #tpu.memory_space<vmem>>
        %dma_start3A_336 = arith.constant 0 : i32
        %dma_start3A_337 = tpu.memref_slice %arg10[%add3A_267, %dma_start3A_336] : memref<157x128xi32, #tpu.memory_space<vmem>> -> memref<1x128xi32, #tpu.memory_space<vmem>>
        %dma_start3A_338 = tpu.memref_squeeze %dma_start3A_337 : memref<1x128xi32, #tpu.memory_space<vmem>> -> memref<128xi32, #tpu.memory_space<vmem>>
        %dma_start3A_339 = arith.constant 0 : i32
        %dma_start3A_340 = arith.constant 0 : i32
        %dma_start3A_341 = tpu.memref_slice %arg17[%dma_start3A_339, %dma_start3A_340] : memref<10112x16xf32, #tpu.memory_space<vmem_shared>> -> memref<10112x16xf32, #tpu.memory_space<vmem_shared>>
        %dma_start3A_342 = tpu.memref_slice %arg19[%dma_start3A_331] : memref<8x!tpu.dma_semaphore, #tpu.memory_space<semaphore_mem>> -> memref<1x!tpu.dma_semaphore, #tpu.memory_space<semaphore_mem>>
        %dma_start3A_343 = tpu.memref_squeeze %dma_start3A_342 : memref<1x!tpu.dma_semaphore, #tpu.memory_space<semaphore_mem>> -> memref<!tpu.dma_semaphore, #tpu.memory_space<semaphore_mem>>
        tpu.enqueue_indirect_dma source(%dma_start3A_335 : memref<128x16xf32, #tpu.memory_space<vmem>>) target(%dma_start3A_341 : memref<10112x16xf32, #tpu.memory_space<vmem_shared>>) offsets(%dma_start3A_338 : memref<128xi32, #tpu.memory_space<vmem>>) semaphore(%dma_start3A_343 : memref<!tpu.dma_semaphore, #tpu.memory_space<semaphore_mem>>) {add = true}
        %ge3A = arith.constant 4 : i32
        %ge3A_344 = arith.cmpi sge, %add3A_267, %ge3A : i32
        %convert_element_type3A_345 = arith.extui %ge3A_344 : i1 to i32
        %cond3A_346 = arith.constant 0 : i32
        %cond3A_347 = arith.cmpi ne, %convert_element_type3A_345, %cond3A_346 : i32
        scf.if %cond3A_347 {
          %sub3A = arith.constant 4 : i32
          %sub3A_355 = arith.subi %add3A_267, %sub3A : i32
          %dma_wait3A_356 = arith.constant 5 : i32
          %dma_wait3A_357 = arith.constant 5 : i32
          %dma_wait3A_358 = arith.constant 0 : i32
          %dma_wait3A_359 = arith.constant 0 : i32
          %dma_wait3A_360 = tpu.memref_slice %arg11[%dma_wait3A_356, %dma_wait3A_358, %dma_wait3A_359] : memref<8x128x16xf32, #tpu.memory_space<vmem>> -> memref<1x128x16xf32, #tpu.memory_space<vmem>>
          %dma_wait3A_361 = tpu.memref_squeeze %dma_wait3A_360 : memref<1x128x16xf32, #tpu.memory_space<vmem>> -> memref<128x16xf32, #tpu.memory_space<vmem>>
          %dma_wait3A_362 = arith.constant 0 : i32
          %dma_wait3A_363 = tpu.memref_slice %arg10[%sub3A_355, %dma_wait3A_362] : memref<157x128xi32, #tpu.memory_space<vmem>> -> memref<1x128xi32, #tpu.memory_space<vmem>>
          %dma_wait3A_364 = tpu.memref_squeeze %dma_wait3A_363 : memref<1x128xi32, #tpu.memory_space<vmem>> -> memref<128xi32, #tpu.memory_space<vmem>>
          %dma_wait3A_365 = arith.constant 0 : i32
          %dma_wait3A_366 = arith.constant 0 : i32
          %dma_wait3A_367 = tpu.memref_slice %arg17[%dma_wait3A_365, %dma_wait3A_366] : memref<10112x16xf32, #tpu.memory_space<vmem_shared>> -> memref<10112x16xf32, #tpu.memory_space<vmem_shared>>
          %dma_wait3A_368 = tpu.memref_slice %arg19[%dma_wait3A_357] : memref<8x!tpu.dma_semaphore, #tpu.memory_space<semaphore_mem>> -> memref<1x!tpu.dma_semaphore, #tpu.memory_space<semaphore_mem>>
          %dma_wait3A_369 = tpu.memref_squeeze %dma_wait3A_368 : memref<1x!tpu.dma_semaphore, #tpu.memory_space<semaphore_mem>> -> memref<!tpu.dma_semaphore, #tpu.memory_space<semaphore_mem>>
          tpu.wait_indirect_dma semaphore(%dma_wait3A_369 : memref<!tpu.dma_semaphore, #tpu.memory_space<semaphore_mem>>) src(%dma_wait3A_361 : memref<128x16xf32, #tpu.memory_space<vmem>>) dst(%dma_wait3A_367 : memref<10112x16xf32, #tpu.memory_space<vmem_shared>>)
        } else {
        }
        %add3A_348 = arith.constant 4 : i32
        %add3A_349 = arith.addi %add3A_267, %add3A_348 : i32
        %lt3A_350 = arith.constant 157 : i32
        %lt3A_351 = arith.cmpi slt, %add3A_349, %lt3A_350 : i32
        %convert_element_type3A_352 = arith.extui %lt3A_351 : i1 to i32
        %cond3A_353 = arith.constant 0 : i32
        %cond3A_354 = arith.cmpi ne, %convert_element_type3A_352, %cond3A_353 : i32
        scf.if %cond3A_354 {
          %add3A_355 = arith.constant 4 : i32
          %add3A_356 = arith.addi %add3A_267, %add3A_355 : i32
          %dma_start3A_357 = arith.constant 5 : i32
          %dma_start3A_358 = arith.constant 5 : i32
          %dma_start3A_359 = arith.constant 0 : i32
          %dma_start3A_360 = arith.constant 0 : i32
          %dma_start3A_361 = tpu.memref_slice %arg11[%dma_start3A_357, %dma_start3A_359, %dma_start3A_360] : memref<8x128x16xf32, #tpu.memory_space<vmem>> -> memref<1x128x16xf32, #tpu.memory_space<vmem>>
          %dma_start3A_362 = tpu.memref_squeeze %dma_start3A_361 : memref<1x128x16xf32, #tpu.memory_space<vmem>> -> memref<128x16xf32, #tpu.memory_space<vmem>>
          %dma_start3A_363 = arith.constant 0 : i32
          %dma_start3A_364 = tpu.memref_slice %arg9[%add3A_356, %dma_start3A_363] : memref<157x128xi32, #tpu.memory_space<vmem>> -> memref<1x128xi32, #tpu.memory_space<vmem>>
          %dma_start3A_365 = tpu.memref_squeeze %dma_start3A_364 : memref<1x128xi32, #tpu.memory_space<vmem>> -> memref<128xi32, #tpu.memory_space<vmem>>
          %dma_start3A_366 = arith.constant 0 : i32
          %dma_start3A_367 = arith.constant 0 : i32
          %dma_start3A_368 = tpu.memref_slice %arg16[%dma_start3A_366, %dma_start3A_367] : memref<10112x16xf32, #tpu.memory_space<vmem_shared>> -> memref<10112x16xf32, #tpu.memory_space<vmem_shared>>
          %dma_start3A_369 = tpu.memref_slice %arg18[%dma_start3A_358] : memref<8x!tpu.dma_semaphore, #tpu.memory_space<semaphore_mem>> -> memref<1x!tpu.dma_semaphore, #tpu.memory_space<semaphore_mem>>
          %dma_start3A_370 = tpu.memref_squeeze %dma_start3A_369 : memref<1x!tpu.dma_semaphore, #tpu.memory_space<semaphore_mem>> -> memref<!tpu.dma_semaphore, #tpu.memory_space<semaphore_mem>>
          tpu.enqueue_indirect_dma source(%dma_start3A_368 : memref<10112x16xf32, #tpu.memory_space<vmem_shared>>) target(%dma_start3A_362 : memref<128x16xf32, #tpu.memory_space<vmem>>) offsets(%dma_start3A_365 : memref<128xi32, #tpu.memory_space<vmem>>) semaphore(%dma_start3A_370 : memref<!tpu.dma_semaphore, #tpu.memory_space<semaphore_mem>>)
        } else {
        }
      } else {
      }
      %add3A_273 = arith.constant 2 : i32
      %add3A_274 = arith.addi %mul3A_259, %add3A_273 : i32
      %lt3A_275 = arith.constant 157 : i32
      %lt3A_276 = arith.cmpi slt, %add3A_274, %lt3A_275 : i32
      %convert_element_type3A_277 = arith.extui %lt3A_276 : i1 to i32
      %cond3A_278 = arith.constant 0 : i32
      %cond3A_279 = arith.cmpi ne, %convert_element_type3A_277, %cond3A_278 : i32
      scf.if %cond3A_279 {
        %dma_wait3A_316 = arith.constant 2 : i32
        %dma_wait3A_317 = arith.constant 2 : i32
        %dma_wait3A_318 = arith.constant 0 : i32
        %dma_wait3A_319 = arith.constant 0 : i32
        %dma_wait3A_320 = tpu.memref_slice %arg11[%dma_wait3A_316, %dma_wait3A_318, %dma_wait3A_319] : memref<8x128x16xf32, #tpu.memory_space<vmem>> -> memref<1x128x16xf32, #tpu.memory_space<vmem>>
        %dma_wait3A_321 = tpu.memref_squeeze %dma_wait3A_320 : memref<1x128x16xf32, #tpu.memory_space<vmem>> -> memref<128x16xf32, #tpu.memory_space<vmem>>
        %dma_wait3A_322 = arith.constant 0 : i32
        %dma_wait3A_323 = tpu.memref_slice %arg9[%add3A_274, %dma_wait3A_322] : memref<157x128xi32, #tpu.memory_space<vmem>> -> memref<1x128xi32, #tpu.memory_space<vmem>>
        %dma_wait3A_324 = tpu.memref_squeeze %dma_wait3A_323 : memref<1x128xi32, #tpu.memory_space<vmem>> -> memref<128xi32, #tpu.memory_space<vmem>>
        %dma_wait3A_325 = arith.constant 0 : i32
        %dma_wait3A_326 = arith.constant 0 : i32
        %dma_wait3A_327 = tpu.memref_slice %arg16[%dma_wait3A_325, %dma_wait3A_326] : memref<10112x16xf32, #tpu.memory_space<vmem_shared>> -> memref<10112x16xf32, #tpu.memory_space<vmem_shared>>
        %dma_wait3A_328 = tpu.memref_slice %arg18[%dma_wait3A_317] : memref<8x!tpu.dma_semaphore, #tpu.memory_space<semaphore_mem>> -> memref<1x!tpu.dma_semaphore, #tpu.memory_space<semaphore_mem>>
        %dma_wait3A_329 = tpu.memref_squeeze %dma_wait3A_328 : memref<1x!tpu.dma_semaphore, #tpu.memory_space<semaphore_mem>> -> memref<!tpu.dma_semaphore, #tpu.memory_space<semaphore_mem>>
        tpu.wait_indirect_dma semaphore(%dma_wait3A_329 : memref<!tpu.dma_semaphore, #tpu.memory_space<semaphore_mem>>) src(%dma_wait3A_327 : memref<10112x16xf32, #tpu.memory_space<vmem_shared>>) dst(%dma_wait3A_321 : memref<128x16xf32, #tpu.memory_space<vmem>>)
        %dma_start3A_330 = arith.constant 2 : i32
        %dma_start3A_331 = arith.constant 2 : i32
        %dma_start3A_332 = arith.constant 0 : i32
        %dma_start3A_333 = arith.constant 0 : i32
        %dma_start3A_334 = tpu.memref_slice %arg11[%dma_start3A_330, %dma_start3A_332, %dma_start3A_333] : memref<8x128x16xf32, #tpu.memory_space<vmem>> -> memref<1x128x16xf32, #tpu.memory_space<vmem>>
        %dma_start3A_335 = tpu.memref_squeeze %dma_start3A_334 : memref<1x128x16xf32, #tpu.memory_space<vmem>> -> memref<128x16xf32, #tpu.memory_space<vmem>>
        %dma_start3A_336 = arith.constant 0 : i32
        %dma_start3A_337 = tpu.memref_slice %arg10[%add3A_274, %dma_start3A_336] : memref<157x128xi32, #tpu.memory_space<vmem>> -> memref<1x128xi32, #tpu.memory_space<vmem>>
        %dma_start3A_338 = tpu.memref_squeeze %dma_start3A_337 : memref<1x128xi32, #tpu.memory_space<vmem>> -> memref<128xi32, #tpu.memory_space<vmem>>
        %dma_start3A_339 = arith.constant 0 : i32
        %dma_start3A_340 = arith.constant 0 : i32
        %dma_start3A_341 = tpu.memref_slice %arg17[%dma_start3A_339, %dma_start3A_340] : memref<10112x16xf32, #tpu.memory_space<vmem_shared>> -> memref<10112x16xf32, #tpu.memory_space<vmem_shared>>
        %dma_start3A_342 = tpu.memref_slice %arg19[%dma_start3A_331] : memref<8x!tpu.dma_semaphore, #tpu.memory_space<semaphore_mem>> -> memref<1x!tpu.dma_semaphore, #tpu.memory_space<semaphore_mem>>
        %dma_start3A_343 = tpu.memref_squeeze %dma_start3A_342 : memref<1x!tpu.dma_semaphore, #tpu.memory_space<semaphore_mem>> -> memref<!tpu.dma_semaphore, #tpu.memory_space<semaphore_mem>>
        tpu.enqueue_indirect_dma source(%dma_start3A_335 : memref<128x16xf32, #tpu.memory_space<vmem>>) target(%dma_start3A_341 : memref<10112x16xf32, #tpu.memory_space<vmem_shared>>) offsets(%dma_start3A_338 : memref<128xi32, #tpu.memory_space<vmem>>) semaphore(%dma_start3A_343 : memref<!tpu.dma_semaphore, #tpu.memory_space<semaphore_mem>>) {add = true}
        %ge3A = arith.constant 4 : i32
        %ge3A_344 = arith.cmpi sge, %add3A_274, %ge3A : i32
        %convert_element_type3A_345 = arith.extui %ge3A_344 : i1 to i32
        %cond3A_346 = arith.constant 0 : i32
        %cond3A_347 = arith.cmpi ne, %convert_element_type3A_345, %cond3A_346 : i32
        scf.if %cond3A_347 {
          %sub3A = arith.constant 4 : i32
          %sub3A_355 = arith.subi %add3A_274, %sub3A : i32
          %dma_wait3A_356 = arith.constant 6 : i32
          %dma_wait3A_357 = arith.constant 6 : i32
          %dma_wait3A_358 = arith.constant 0 : i32
          %dma_wait3A_359 = arith.constant 0 : i32
          %dma_wait3A_360 = tpu.memref_slice %arg11[%dma_wait3A_356, %dma_wait3A_358, %dma_wait3A_359] : memref<8x128x16xf32, #tpu.memory_space<vmem>> -> memref<1x128x16xf32, #tpu.memory_space<vmem>>
          %dma_wait3A_361 = tpu.memref_squeeze %dma_wait3A_360 : memref<1x128x16xf32, #tpu.memory_space<vmem>> -> memref<128x16xf32, #tpu.memory_space<vmem>>
          %dma_wait3A_362 = arith.constant 0 : i32
          %dma_wait3A_363 = tpu.memref_slice %arg10[%sub3A_355, %dma_wait3A_362] : memref<157x128xi32, #tpu.memory_space<vmem>> -> memref<1x128xi32, #tpu.memory_space<vmem>>
          %dma_wait3A_364 = tpu.memref_squeeze %dma_wait3A_363 : memref<1x128xi32, #tpu.memory_space<vmem>> -> memref<128xi32, #tpu.memory_space<vmem>>
          %dma_wait3A_365 = arith.constant 0 : i32
          %dma_wait3A_366 = arith.constant 0 : i32
          %dma_wait3A_367 = tpu.memref_slice %arg17[%dma_wait3A_365, %dma_wait3A_366] : memref<10112x16xf32, #tpu.memory_space<vmem_shared>> -> memref<10112x16xf32, #tpu.memory_space<vmem_shared>>
          %dma_wait3A_368 = tpu.memref_slice %arg19[%dma_wait3A_357] : memref<8x!tpu.dma_semaphore, #tpu.memory_space<semaphore_mem>> -> memref<1x!tpu.dma_semaphore, #tpu.memory_space<semaphore_mem>>
          %dma_wait3A_369 = tpu.memref_squeeze %dma_wait3A_368 : memref<1x!tpu.dma_semaphore, #tpu.memory_space<semaphore_mem>> -> memref<!tpu.dma_semaphore, #tpu.memory_space<semaphore_mem>>
          tpu.wait_indirect_dma semaphore(%dma_wait3A_369 : memref<!tpu.dma_semaphore, #tpu.memory_space<semaphore_mem>>) src(%dma_wait3A_361 : memref<128x16xf32, #tpu.memory_space<vmem>>) dst(%dma_wait3A_367 : memref<10112x16xf32, #tpu.memory_space<vmem_shared>>)
        } else {
        }
        %add3A_348 = arith.constant 4 : i32
        %add3A_349 = arith.addi %add3A_274, %add3A_348 : i32
        %lt3A_350 = arith.constant 157 : i32
        %lt3A_351 = arith.cmpi slt, %add3A_349, %lt3A_350 : i32
        %convert_element_type3A_352 = arith.extui %lt3A_351 : i1 to i32
        %cond3A_353 = arith.constant 0 : i32
        %cond3A_354 = arith.cmpi ne, %convert_element_type3A_352, %cond3A_353 : i32
        scf.if %cond3A_354 {
          %add3A_355 = arith.constant 4 : i32
          %add3A_356 = arith.addi %add3A_274, %add3A_355 : i32
          %dma_start3A_357 = arith.constant 6 : i32
          %dma_start3A_358 = arith.constant 6 : i32
          %dma_start3A_359 = arith.constant 0 : i32
          %dma_start3A_360 = arith.constant 0 : i32
          %dma_start3A_361 = tpu.memref_slice %arg11[%dma_start3A_357, %dma_start3A_359, %dma_start3A_360] : memref<8x128x16xf32, #tpu.memory_space<vmem>> -> memref<1x128x16xf32, #tpu.memory_space<vmem>>
          %dma_start3A_362 = tpu.memref_squeeze %dma_start3A_361 : memref<1x128x16xf32, #tpu.memory_space<vmem>> -> memref<128x16xf32, #tpu.memory_space<vmem>>
          %dma_start3A_363 = arith.constant 0 : i32
          %dma_start3A_364 = tpu.memref_slice %arg9[%add3A_356, %dma_start3A_363] : memref<157x128xi32, #tpu.memory_space<vmem>> -> memref<1x128xi32, #tpu.memory_space<vmem>>
          %dma_start3A_365 = tpu.memref_squeeze %dma_start3A_364 : memref<1x128xi32, #tpu.memory_space<vmem>> -> memref<128xi32, #tpu.memory_space<vmem>>
          %dma_start3A_366 = arith.constant 0 : i32
          %dma_start3A_367 = arith.constant 0 : i32
          %dma_start3A_368 = tpu.memref_slice %arg16[%dma_start3A_366, %dma_start3A_367] : memref<10112x16xf32, #tpu.memory_space<vmem_shared>> -> memref<10112x16xf32, #tpu.memory_space<vmem_shared>>
          %dma_start3A_369 = tpu.memref_slice %arg18[%dma_start3A_358] : memref<8x!tpu.dma_semaphore, #tpu.memory_space<semaphore_mem>> -> memref<1x!tpu.dma_semaphore, #tpu.memory_space<semaphore_mem>>
          %dma_start3A_370 = tpu.memref_squeeze %dma_start3A_369 : memref<1x!tpu.dma_semaphore, #tpu.memory_space<semaphore_mem>> -> memref<!tpu.dma_semaphore, #tpu.memory_space<semaphore_mem>>
          tpu.enqueue_indirect_dma source(%dma_start3A_368 : memref<10112x16xf32, #tpu.memory_space<vmem_shared>>) target(%dma_start3A_362 : memref<128x16xf32, #tpu.memory_space<vmem>>) offsets(%dma_start3A_365 : memref<128xi32, #tpu.memory_space<vmem>>) semaphore(%dma_start3A_370 : memref<!tpu.dma_semaphore, #tpu.memory_space<semaphore_mem>>)
        } else {
        }
      } else {
      }
      %add3A_280 = arith.constant 3 : i32
      %add3A_281 = arith.addi %mul3A_259, %add3A_280 : i32
      %lt3A_282 = arith.constant 157 : i32
      %lt3A_283 = arith.cmpi slt, %add3A_281, %lt3A_282 : i32
      %convert_element_type3A_284 = arith.extui %lt3A_283 : i1 to i32
      %cond3A_285 = arith.constant 0 : i32
      %cond3A_286 = arith.cmpi ne, %convert_element_type3A_284, %cond3A_285 : i32
      scf.if %cond3A_286 {
        %dma_wait3A_316 = arith.constant 3 : i32
        %dma_wait3A_317 = arith.constant 3 : i32
        %dma_wait3A_318 = arith.constant 0 : i32
        %dma_wait3A_319 = arith.constant 0 : i32
        %dma_wait3A_320 = tpu.memref_slice %arg11[%dma_wait3A_316, %dma_wait3A_318, %dma_wait3A_319] : memref<8x128x16xf32, #tpu.memory_space<vmem>> -> memref<1x128x16xf32, #tpu.memory_space<vmem>>
        %dma_wait3A_321 = tpu.memref_squeeze %dma_wait3A_320 : memref<1x128x16xf32, #tpu.memory_space<vmem>> -> memref<128x16xf32, #tpu.memory_space<vmem>>
        %dma_wait3A_322 = arith.constant 0 : i32
        %dma_wait3A_323 = tpu.memref_slice %arg9[%add3A_281, %dma_wait3A_322] : memref<157x128xi32, #tpu.memory_space<vmem>> -> memref<1x128xi32, #tpu.memory_space<vmem>>
        %dma_wait3A_324 = tpu.memref_squeeze %dma_wait3A_323 : memref<1x128xi32, #tpu.memory_space<vmem>> -> memref<128xi32, #tpu.memory_space<vmem>>
        %dma_wait3A_325 = arith.constant 0 : i32
        %dma_wait3A_326 = arith.constant 0 : i32
        %dma_wait3A_327 = tpu.memref_slice %arg16[%dma_wait3A_325, %dma_wait3A_326] : memref<10112x16xf32, #tpu.memory_space<vmem_shared>> -> memref<10112x16xf32, #tpu.memory_space<vmem_shared>>
        %dma_wait3A_328 = tpu.memref_slice %arg18[%dma_wait3A_317] : memref<8x!tpu.dma_semaphore, #tpu.memory_space<semaphore_mem>> -> memref<1x!tpu.dma_semaphore, #tpu.memory_space<semaphore_mem>>
        %dma_wait3A_329 = tpu.memref_squeeze %dma_wait3A_328 : memref<1x!tpu.dma_semaphore, #tpu.memory_space<semaphore_mem>> -> memref<!tpu.dma_semaphore, #tpu.memory_space<semaphore_mem>>
        tpu.wait_indirect_dma semaphore(%dma_wait3A_329 : memref<!tpu.dma_semaphore, #tpu.memory_space<semaphore_mem>>) src(%dma_wait3A_327 : memref<10112x16xf32, #tpu.memory_space<vmem_shared>>) dst(%dma_wait3A_321 : memref<128x16xf32, #tpu.memory_space<vmem>>)
        %dma_start3A_330 = arith.constant 3 : i32
        %dma_start3A_331 = arith.constant 3 : i32
        %dma_start3A_332 = arith.constant 0 : i32
        %dma_start3A_333 = arith.constant 0 : i32
        %dma_start3A_334 = tpu.memref_slice %arg11[%dma_start3A_330, %dma_start3A_332, %dma_start3A_333] : memref<8x128x16xf32, #tpu.memory_space<vmem>> -> memref<1x128x16xf32, #tpu.memory_space<vmem>>
        %dma_start3A_335 = tpu.memref_squeeze %dma_start3A_334 : memref<1x128x16xf32, #tpu.memory_space<vmem>> -> memref<128x16xf32, #tpu.memory_space<vmem>>
        %dma_start3A_336 = arith.constant 0 : i32
        %dma_start3A_337 = tpu.memref_slice %arg10[%add3A_281, %dma_start3A_336] : memref<157x128xi32, #tpu.memory_space<vmem>> -> memref<1x128xi32, #tpu.memory_space<vmem>>
        %dma_start3A_338 = tpu.memref_squeeze %dma_start3A_337 : memref<1x128xi32, #tpu.memory_space<vmem>> -> memref<128xi32, #tpu.memory_space<vmem>>
        %dma_start3A_339 = arith.constant 0 : i32
        %dma_start3A_340 = arith.constant 0 : i32
        %dma_start3A_341 = tpu.memref_slice %arg17[%dma_start3A_339, %dma_start3A_340] : memref<10112x16xf32, #tpu.memory_space<vmem_shared>> -> memref<10112x16xf32, #tpu.memory_space<vmem_shared>>
        %dma_start3A_342 = tpu.memref_slice %arg19[%dma_start3A_331] : memref<8x!tpu.dma_semaphore, #tpu.memory_space<semaphore_mem>> -> memref<1x!tpu.dma_semaphore, #tpu.memory_space<semaphore_mem>>
        %dma_start3A_343 = tpu.memref_squeeze %dma_start3A_342 : memref<1x!tpu.dma_semaphore, #tpu.memory_space<semaphore_mem>> -> memref<!tpu.dma_semaphore, #tpu.memory_space<semaphore_mem>>
        tpu.enqueue_indirect_dma source(%dma_start3A_335 : memref<128x16xf32, #tpu.memory_space<vmem>>) target(%dma_start3A_341 : memref<10112x16xf32, #tpu.memory_space<vmem_shared>>) offsets(%dma_start3A_338 : memref<128xi32, #tpu.memory_space<vmem>>) semaphore(%dma_start3A_343 : memref<!tpu.dma_semaphore, #tpu.memory_space<semaphore_mem>>) {add = true}
        %ge3A = arith.constant 4 : i32
        %ge3A_344 = arith.cmpi sge, %add3A_281, %ge3A : i32
        %convert_element_type3A_345 = arith.extui %ge3A_344 : i1 to i32
        %cond3A_346 = arith.constant 0 : i32
        %cond3A_347 = arith.cmpi ne, %convert_element_type3A_345, %cond3A_346 : i32
        scf.if %cond3A_347 {
          %sub3A = arith.constant 4 : i32
          %sub3A_355 = arith.subi %add3A_281, %sub3A : i32
          %dma_wait3A_356 = arith.constant 7 : i32
          %dma_wait3A_357 = arith.constant 7 : i32
          %dma_wait3A_358 = arith.constant 0 : i32
          %dma_wait3A_359 = arith.constant 0 : i32
          %dma_wait3A_360 = tpu.memref_slice %arg11[%dma_wait3A_356, %dma_wait3A_358, %dma_wait3A_359] : memref<8x128x16xf32, #tpu.memory_space<vmem>> -> memref<1x128x16xf32, #tpu.memory_space<vmem>>
          %dma_wait3A_361 = tpu.memref_squeeze %dma_wait3A_360 : memref<1x128x16xf32, #tpu.memory_space<vmem>> -> memref<128x16xf32, #tpu.memory_space<vmem>>
          %dma_wait3A_362 = arith.constant 0 : i32
          %dma_wait3A_363 = tpu.memref_slice %arg10[%sub3A_355, %dma_wait3A_362] : memref<157x128xi32, #tpu.memory_space<vmem>> -> memref<1x128xi32, #tpu.memory_space<vmem>>
          %dma_wait3A_364 = tpu.memref_squeeze %dma_wait3A_363 : memref<1x128xi32, #tpu.memory_space<vmem>> -> memref<128xi32, #tpu.memory_space<vmem>>
          %dma_wait3A_365 = arith.constant 0 : i32
          %dma_wait3A_366 = arith.constant 0 : i32
          %dma_wait3A_367 = tpu.memref_slice %arg17[%dma_wait3A_365, %dma_wait3A_366] : memref<10112x16xf32, #tpu.memory_space<vmem_shared>> -> memref<10112x16xf32, #tpu.memory_space<vmem_shared>>
          %dma_wait3A_368 = tpu.memref_slice %arg19[%dma_wait3A_357] : memref<8x!tpu.dma_semaphore, #tpu.memory_space<semaphore_mem>> -> memref<1x!tpu.dma_semaphore, #tpu.memory_space<semaphore_mem>>
          %dma_wait3A_369 = tpu.memref_squeeze %dma_wait3A_368 : memref<1x!tpu.dma_semaphore, #tpu.memory_space<semaphore_mem>> -> memref<!tpu.dma_semaphore, #tpu.memory_space<semaphore_mem>>
          tpu.wait_indirect_dma semaphore(%dma_wait3A_369 : memref<!tpu.dma_semaphore, #tpu.memory_space<semaphore_mem>>) src(%dma_wait3A_361 : memref<128x16xf32, #tpu.memory_space<vmem>>) dst(%dma_wait3A_367 : memref<10112x16xf32, #tpu.memory_space<vmem_shared>>)
        } else {
        }
        %add3A_348 = arith.constant 4 : i32
        %add3A_349 = arith.addi %add3A_281, %add3A_348 : i32
        %lt3A_350 = arith.constant 157 : i32
        %lt3A_351 = arith.cmpi slt, %add3A_349, %lt3A_350 : i32
        %convert_element_type3A_352 = arith.extui %lt3A_351 : i1 to i32
        %cond3A_353 = arith.constant 0 : i32
        %cond3A_354 = arith.cmpi ne, %convert_element_type3A_352, %cond3A_353 : i32
        scf.if %cond3A_354 {
          %add3A_355 = arith.constant 4 : i32
          %add3A_356 = arith.addi %add3A_281, %add3A_355 : i32
          %dma_start3A_357 = arith.constant 7 : i32
          %dma_start3A_358 = arith.constant 7 : i32
          %dma_start3A_359 = arith.constant 0 : i32
          %dma_start3A_360 = arith.constant 0 : i32
          %dma_start3A_361 = tpu.memref_slice %arg11[%dma_start3A_357, %dma_start3A_359, %dma_start3A_360] : memref<8x128x16xf32, #tpu.memory_space<vmem>> -> memref<1x128x16xf32, #tpu.memory_space<vmem>>
          %dma_start3A_362 = tpu.memref_squeeze %dma_start3A_361 : memref<1x128x16xf32, #tpu.memory_space<vmem>> -> memref<128x16xf32, #tpu.memory_space<vmem>>
          %dma_start3A_363 = arith.constant 0 : i32
          %dma_start3A_364 = tpu.memref_slice %arg9[%add3A_356, %dma_start3A_363] : memref<157x128xi32, #tpu.memory_space<vmem>> -> memref<1x128xi32, #tpu.memory_space<vmem>>
          %dma_start3A_365 = tpu.memref_squeeze %dma_start3A_364 : memref<1x128xi32, #tpu.memory_space<vmem>> -> memref<128xi32, #tpu.memory_space<vmem>>
          %dma_start3A_366 = arith.constant 0 : i32
          %dma_start3A_367 = arith.constant 0 : i32
          %dma_start3A_368 = tpu.memref_slice %arg16[%dma_start3A_366, %dma_start3A_367] : memref<10112x16xf32, #tpu.memory_space<vmem_shared>> -> memref<10112x16xf32, #tpu.memory_space<vmem_shared>>
          %dma_start3A_369 = tpu.memref_slice %arg18[%dma_start3A_358] : memref<8x!tpu.dma_semaphore, #tpu.memory_space<semaphore_mem>> -> memref<1x!tpu.dma_semaphore, #tpu.memory_space<semaphore_mem>>
          %dma_start3A_370 = tpu.memref_squeeze %dma_start3A_369 : memref<1x!tpu.dma_semaphore, #tpu.memory_space<semaphore_mem>> -> memref<!tpu.dma_semaphore, #tpu.memory_space<semaphore_mem>>
          tpu.enqueue_indirect_dma source(%dma_start3A_368 : memref<10112x16xf32, #tpu.memory_space<vmem_shared>>) target(%dma_start3A_362 : memref<128x16xf32, #tpu.memory_space<vmem>>) offsets(%dma_start3A_365 : memref<128xi32, #tpu.memory_space<vmem>>) semaphore(%dma_start3A_370 : memref<!tpu.dma_semaphore, #tpu.memory_space<semaphore_mem>>)
        } else {
        }
      } else {
      }
      %add3A_287 = arith.constant 4 : i32
      %add3A_288 = arith.addi %mul3A_259, %add3A_287 : i32
      %lt3A_289 = arith.constant 157 : i32
      %lt3A_290 = arith.cmpi slt, %add3A_288, %lt3A_289 : i32
      %convert_element_type3A_291 = arith.extui %lt3A_290 : i1 to i32
      %cond3A_292 = arith.constant 0 : i32
      %cond3A_293 = arith.cmpi ne, %convert_element_type3A_291, %cond3A_292 : i32
      scf.if %cond3A_293 {
        %dma_wait3A_316 = arith.constant 4 : i32
        %dma_wait3A_317 = arith.constant 4 : i32
        %dma_wait3A_318 = arith.constant 0 : i32
        %dma_wait3A_319 = arith.constant 0 : i32
        %dma_wait3A_320 = tpu.memref_slice %arg11[%dma_wait3A_316, %dma_wait3A_318, %dma_wait3A_319] : memref<8x128x16xf32, #tpu.memory_space<vmem>> -> memref<1x128x16xf32, #tpu.memory_space<vmem>>
        %dma_wait3A_321 = tpu.memref_squeeze %dma_wait3A_320 : memref<1x128x16xf32, #tpu.memory_space<vmem>> -> memref<128x16xf32, #tpu.memory_space<vmem>>
        %dma_wait3A_322 = arith.constant 0 : i32
        %dma_wait3A_323 = tpu.memref_slice %arg9[%add3A_288, %dma_wait3A_322] : memref<157x128xi32, #tpu.memory_space<vmem>> -> memref<1x128xi32, #tpu.memory_space<vmem>>
        %dma_wait3A_324 = tpu.memref_squeeze %dma_wait3A_323 : memref<1x128xi32, #tpu.memory_space<vmem>> -> memref<128xi32, #tpu.memory_space<vmem>>
        %dma_wait3A_325 = arith.constant 0 : i32
        %dma_wait3A_326 = arith.constant 0 : i32
        %dma_wait3A_327 = tpu.memref_slice %arg16[%dma_wait3A_325, %dma_wait3A_326] : memref<10112x16xf32, #tpu.memory_space<vmem_shared>> -> memref<10112x16xf32, #tpu.memory_space<vmem_shared>>
        %dma_wait3A_328 = tpu.memref_slice %arg18[%dma_wait3A_317] : memref<8x!tpu.dma_semaphore, #tpu.memory_space<semaphore_mem>> -> memref<1x!tpu.dma_semaphore, #tpu.memory_space<semaphore_mem>>
        %dma_wait3A_329 = tpu.memref_squeeze %dma_wait3A_328 : memref<1x!tpu.dma_semaphore, #tpu.memory_space<semaphore_mem>> -> memref<!tpu.dma_semaphore, #tpu.memory_space<semaphore_mem>>
        tpu.wait_indirect_dma semaphore(%dma_wait3A_329 : memref<!tpu.dma_semaphore, #tpu.memory_space<semaphore_mem>>) src(%dma_wait3A_327 : memref<10112x16xf32, #tpu.memory_space<vmem_shared>>) dst(%dma_wait3A_321 : memref<128x16xf32, #tpu.memory_space<vmem>>)
        %dma_start3A_330 = arith.constant 4 : i32
        %dma_start3A_331 = arith.constant 4 : i32
        %dma_start3A_332 = arith.constant 0 : i32
        %dma_start3A_333 = arith.constant 0 : i32
        %dma_start3A_334 = tpu.memref_slice %arg11[%dma_start3A_330, %dma_start3A_332, %dma_start3A_333] : memref<8x128x16xf32, #tpu.memory_space<vmem>> -> memref<1x128x16xf32, #tpu.memory_space<vmem>>
        %dma_start3A_335 = tpu.memref_squeeze %dma_start3A_334 : memref<1x128x16xf32, #tpu.memory_space<vmem>> -> memref<128x16xf32, #tpu.memory_space<vmem>>
        %dma_start3A_336 = arith.constant 0 : i32
        %dma_start3A_337 = tpu.memref_slice %arg10[%add3A_288, %dma_start3A_336] : memref<157x128xi32, #tpu.memory_space<vmem>> -> memref<1x128xi32, #tpu.memory_space<vmem>>
        %dma_start3A_338 = tpu.memref_squeeze %dma_start3A_337 : memref<1x128xi32, #tpu.memory_space<vmem>> -> memref<128xi32, #tpu.memory_space<vmem>>
        %dma_start3A_339 = arith.constant 0 : i32
        %dma_start3A_340 = arith.constant 0 : i32
        %dma_start3A_341 = tpu.memref_slice %arg17[%dma_start3A_339, %dma_start3A_340] : memref<10112x16xf32, #tpu.memory_space<vmem_shared>> -> memref<10112x16xf32, #tpu.memory_space<vmem_shared>>
        %dma_start3A_342 = tpu.memref_slice %arg19[%dma_start3A_331] : memref<8x!tpu.dma_semaphore, #tpu.memory_space<semaphore_mem>> -> memref<1x!tpu.dma_semaphore, #tpu.memory_space<semaphore_mem>>
        %dma_start3A_343 = tpu.memref_squeeze %dma_start3A_342 : memref<1x!tpu.dma_semaphore, #tpu.memory_space<semaphore_mem>> -> memref<!tpu.dma_semaphore, #tpu.memory_space<semaphore_mem>>
        tpu.enqueue_indirect_dma source(%dma_start3A_335 : memref<128x16xf32, #tpu.memory_space<vmem>>) target(%dma_start3A_341 : memref<10112x16xf32, #tpu.memory_space<vmem_shared>>) offsets(%dma_start3A_338 : memref<128xi32, #tpu.memory_space<vmem>>) semaphore(%dma_start3A_343 : memref<!tpu.dma_semaphore, #tpu.memory_space<semaphore_mem>>) {add = true}
        %ge3A = arith.constant 4 : i32
        %ge3A_344 = arith.cmpi sge, %add3A_288, %ge3A : i32
        %convert_element_type3A_345 = arith.extui %ge3A_344 : i1 to i32
        %cond3A_346 = arith.constant 0 : i32
        %cond3A_347 = arith.cmpi ne, %convert_element_type3A_345, %cond3A_346 : i32
        scf.if %cond3A_347 {
          %sub3A = arith.constant 4 : i32
          %sub3A_355 = arith.subi %add3A_288, %sub3A : i32
          %dma_wait3A_356 = arith.constant 0 : i32
          %dma_wait3A_357 = arith.constant 0 : i32
          %dma_wait3A_358 = arith.constant 0 : i32
          %dma_wait3A_359 = arith.constant 0 : i32
          %dma_wait3A_360 = tpu.memref_slice %arg11[%dma_wait3A_356, %dma_wait3A_358, %dma_wait3A_359] : memref<8x128x16xf32, #tpu.memory_space<vmem>> -> memref<1x128x16xf32, #tpu.memory_space<vmem>>
          %dma_wait3A_361 = tpu.memref_squeeze %dma_wait3A_360 : memref<1x128x16xf32, #tpu.memory_space<vmem>> -> memref<128x16xf32, #tpu.memory_space<vmem>>
          %dma_wait3A_362 = arith.constant 0 : i32
          %dma_wait3A_363 = tpu.memref_slice %arg10[%sub3A_355, %dma_wait3A_362] : memref<157x128xi32, #tpu.memory_space<vmem>> -> memref<1x128xi32, #tpu.memory_space<vmem>>
          %dma_wait3A_364 = tpu.memref_squeeze %dma_wait3A_363 : memref<1x128xi32, #tpu.memory_space<vmem>> -> memref<128xi32, #tpu.memory_space<vmem>>
          %dma_wait3A_365 = arith.constant 0 : i32
          %dma_wait3A_366 = arith.constant 0 : i32
          %dma_wait3A_367 = tpu.memref_slice %arg17[%dma_wait3A_365, %dma_wait3A_366] : memref<10112x16xf32, #tpu.memory_space<vmem_shared>> -> memref<10112x16xf32, #tpu.memory_space<vmem_shared>>
          %dma_wait3A_368 = tpu.memref_slice %arg19[%dma_wait3A_357] : memref<8x!tpu.dma_semaphore, #tpu.memory_space<semaphore_mem>> -> memref<1x!tpu.dma_semaphore, #tpu.memory_space<semaphore_mem>>
          %dma_wait3A_369 = tpu.memref_squeeze %dma_wait3A_368 : memref<1x!tpu.dma_semaphore, #tpu.memory_space<semaphore_mem>> -> memref<!tpu.dma_semaphore, #tpu.memory_space<semaphore_mem>>
          tpu.wait_indirect_dma semaphore(%dma_wait3A_369 : memref<!tpu.dma_semaphore, #tpu.memory_space<semaphore_mem>>) src(%dma_wait3A_361 : memref<128x16xf32, #tpu.memory_space<vmem>>) dst(%dma_wait3A_367 : memref<10112x16xf32, #tpu.memory_space<vmem_shared>>)
        } else {
        }
        %add3A_348 = arith.constant 4 : i32
        %add3A_349 = arith.addi %add3A_288, %add3A_348 : i32
        %lt3A_350 = arith.constant 157 : i32
        %lt3A_351 = arith.cmpi slt, %add3A_349, %lt3A_350 : i32
        %convert_element_type3A_352 = arith.extui %lt3A_351 : i1 to i32
        %cond3A_353 = arith.constant 0 : i32
        %cond3A_354 = arith.cmpi ne, %convert_element_type3A_352, %cond3A_353 : i32
        scf.if %cond3A_354 {
          %add3A_355 = arith.constant 4 : i32
          %add3A_356 = arith.addi %add3A_288, %add3A_355 : i32
          %dma_start3A_357 = arith.constant 0 : i32
          %dma_start3A_358 = arith.constant 0 : i32
          %dma_start3A_359 = arith.constant 0 : i32
          %dma_start3A_360 = arith.constant 0 : i32
          %dma_start3A_361 = tpu.memref_slice %arg11[%dma_start3A_357, %dma_start3A_359, %dma_start3A_360] : memref<8x128x16xf32, #tpu.memory_space<vmem>> -> memref<1x128x16xf32, #tpu.memory_space<vmem>>
          %dma_start3A_362 = tpu.memref_squeeze %dma_start3A_361 : memref<1x128x16xf32, #tpu.memory_space<vmem>> -> memref<128x16xf32, #tpu.memory_space<vmem>>
          %dma_start3A_363 = arith.constant 0 : i32
          %dma_start3A_364 = tpu.memref_slice %arg9[%add3A_356, %dma_start3A_363] : memref<157x128xi32, #tpu.memory_space<vmem>> -> memref<1x128xi32, #tpu.memory_space<vmem>>
          %dma_start3A_365 = tpu.memref_squeeze %dma_start3A_364 : memref<1x128xi32, #tpu.memory_space<vmem>> -> memref<128xi32, #tpu.memory_space<vmem>>
          %dma_start3A_366 = arith.constant 0 : i32
          %dma_start3A_367 = arith.constant 0 : i32
          %dma_start3A_368 = tpu.memref_slice %arg16[%dma_start3A_366, %dma_start3A_367] : memref<10112x16xf32, #tpu.memory_space<vmem_shared>> -> memref<10112x16xf32, #tpu.memory_space<vmem_shared>>
          %dma_start3A_369 = tpu.memref_slice %arg18[%dma_start3A_358] : memref<8x!tpu.dma_semaphore, #tpu.memory_space<semaphore_mem>> -> memref<1x!tpu.dma_semaphore, #tpu.memory_space<semaphore_mem>>
          %dma_start3A_370 = tpu.memref_squeeze %dma_start3A_369 : memref<1x!tpu.dma_semaphore, #tpu.memory_space<semaphore_mem>> -> memref<!tpu.dma_semaphore, #tpu.memory_space<semaphore_mem>>
          tpu.enqueue_indirect_dma source(%dma_start3A_368 : memref<10112x16xf32, #tpu.memory_space<vmem_shared>>) target(%dma_start3A_362 : memref<128x16xf32, #tpu.memory_space<vmem>>) offsets(%dma_start3A_365 : memref<128xi32, #tpu.memory_space<vmem>>) semaphore(%dma_start3A_370 : memref<!tpu.dma_semaphore, #tpu.memory_space<semaphore_mem>>)
        } else {
        }
      } else {
      }
      %add3A_294 = arith.constant 5 : i32
      %add3A_295 = arith.addi %mul3A_259, %add3A_294 : i32
      %lt3A_296 = arith.constant 157 : i32
      %lt3A_297 = arith.cmpi slt, %add3A_295, %lt3A_296 : i32
      %convert_element_type3A_298 = arith.extui %lt3A_297 : i1 to i32
      %cond3A_299 = arith.constant 0 : i32
      %cond3A_300 = arith.cmpi ne, %convert_element_type3A_298, %cond3A_299 : i32
      scf.if %cond3A_300 {
        %dma_wait3A_316 = arith.constant 5 : i32
        %dma_wait3A_317 = arith.constant 5 : i32
        %dma_wait3A_318 = arith.constant 0 : i32
        %dma_wait3A_319 = arith.constant 0 : i32
        %dma_wait3A_320 = tpu.memref_slice %arg11[%dma_wait3A_316, %dma_wait3A_318, %dma_wait3A_319] : memref<8x128x16xf32, #tpu.memory_space<vmem>> -> memref<1x128x16xf32, #tpu.memory_space<vmem>>
        %dma_wait3A_321 = tpu.memref_squeeze %dma_wait3A_320 : memref<1x128x16xf32, #tpu.memory_space<vmem>> -> memref<128x16xf32, #tpu.memory_space<vmem>>
        %dma_wait3A_322 = arith.constant 0 : i32
        %dma_wait3A_323 = tpu.memref_slice %arg9[%add3A_295, %dma_wait3A_322] : memref<157x128xi32, #tpu.memory_space<vmem>> -> memref<1x128xi32, #tpu.memory_space<vmem>>
        %dma_wait3A_324 = tpu.memref_squeeze %dma_wait3A_323 : memref<1x128xi32, #tpu.memory_space<vmem>> -> memref<128xi32, #tpu.memory_space<vmem>>
        %dma_wait3A_325 = arith.constant 0 : i32
        %dma_wait3A_326 = arith.constant 0 : i32
        %dma_wait3A_327 = tpu.memref_slice %arg16[%dma_wait3A_325, %dma_wait3A_326] : memref<10112x16xf32, #tpu.memory_space<vmem_shared>> -> memref<10112x16xf32, #tpu.memory_space<vmem_shared>>
        %dma_wait3A_328 = tpu.memref_slice %arg18[%dma_wait3A_317] : memref<8x!tpu.dma_semaphore, #tpu.memory_space<semaphore_mem>> -> memref<1x!tpu.dma_semaphore, #tpu.memory_space<semaphore_mem>>
        %dma_wait3A_329 = tpu.memref_squeeze %dma_wait3A_328 : memref<1x!tpu.dma_semaphore, #tpu.memory_space<semaphore_mem>> -> memref<!tpu.dma_semaphore, #tpu.memory_space<semaphore_mem>>
        tpu.wait_indirect_dma semaphore(%dma_wait3A_329 : memref<!tpu.dma_semaphore, #tpu.memory_space<semaphore_mem>>) src(%dma_wait3A_327 : memref<10112x16xf32, #tpu.memory_space<vmem_shared>>) dst(%dma_wait3A_321 : memref<128x16xf32, #tpu.memory_space<vmem>>)
        %dma_start3A_330 = arith.constant 5 : i32
        %dma_start3A_331 = arith.constant 5 : i32
        %dma_start3A_332 = arith.constant 0 : i32
        %dma_start3A_333 = arith.constant 0 : i32
        %dma_start3A_334 = tpu.memref_slice %arg11[%dma_start3A_330, %dma_start3A_332, %dma_start3A_333] : memref<8x128x16xf32, #tpu.memory_space<vmem>> -> memref<1x128x16xf32, #tpu.memory_space<vmem>>
        %dma_start3A_335 = tpu.memref_squeeze %dma_start3A_334 : memref<1x128x16xf32, #tpu.memory_space<vmem>> -> memref<128x16xf32, #tpu.memory_space<vmem>>
        %dma_start3A_336 = arith.constant 0 : i32
        %dma_start3A_337 = tpu.memref_slice %arg10[%add3A_295, %dma_start3A_336] : memref<157x128xi32, #tpu.memory_space<vmem>> -> memref<1x128xi32, #tpu.memory_space<vmem>>
        %dma_start3A_338 = tpu.memref_squeeze %dma_start3A_337 : memref<1x128xi32, #tpu.memory_space<vmem>> -> memref<128xi32, #tpu.memory_space<vmem>>
        %dma_start3A_339 = arith.constant 0 : i32
        %dma_start3A_340 = arith.constant 0 : i32
        %dma_start3A_341 = tpu.memref_slice %arg17[%dma_start3A_339, %dma_start3A_340] : memref<10112x16xf32, #tpu.memory_space<vmem_shared>> -> memref<10112x16xf32, #tpu.memory_space<vmem_shared>>
        %dma_start3A_342 = tpu.memref_slice %arg19[%dma_start3A_331] : memref<8x!tpu.dma_semaphore, #tpu.memory_space<semaphore_mem>> -> memref<1x!tpu.dma_semaphore, #tpu.memory_space<semaphore_mem>>
        %dma_start3A_343 = tpu.memref_squeeze %dma_start3A_342 : memref<1x!tpu.dma_semaphore, #tpu.memory_space<semaphore_mem>> -> memref<!tpu.dma_semaphore, #tpu.memory_space<semaphore_mem>>
        tpu.enqueue_indirect_dma source(%dma_start3A_335 : memref<128x16xf32, #tpu.memory_space<vmem>>) target(%dma_start3A_341 : memref<10112x16xf32, #tpu.memory_space<vmem_shared>>) offsets(%dma_start3A_338 : memref<128xi32, #tpu.memory_space<vmem>>) semaphore(%dma_start3A_343 : memref<!tpu.dma_semaphore, #tpu.memory_space<semaphore_mem>>) {add = true}
        %ge3A = arith.constant 4 : i32
        %ge3A_344 = arith.cmpi sge, %add3A_295, %ge3A : i32
        %convert_element_type3A_345 = arith.extui %ge3A_344 : i1 to i32
        %cond3A_346 = arith.constant 0 : i32
        %cond3A_347 = arith.cmpi ne, %convert_element_type3A_345, %cond3A_346 : i32
        scf.if %cond3A_347 {
          %sub3A = arith.constant 4 : i32
          %sub3A_355 = arith.subi %add3A_295, %sub3A : i32
          %dma_wait3A_356 = arith.constant 1 : i32
          %dma_wait3A_357 = arith.constant 1 : i32
          %dma_wait3A_358 = arith.constant 0 : i32
          %dma_wait3A_359 = arith.constant 0 : i32
          %dma_wait3A_360 = tpu.memref_slice %arg11[%dma_wait3A_356, %dma_wait3A_358, %dma_wait3A_359] : memref<8x128x16xf32, #tpu.memory_space<vmem>> -> memref<1x128x16xf32, #tpu.memory_space<vmem>>
          %dma_wait3A_361 = tpu.memref_squeeze %dma_wait3A_360 : memref<1x128x16xf32, #tpu.memory_space<vmem>> -> memref<128x16xf32, #tpu.memory_space<vmem>>
          %dma_wait3A_362 = arith.constant 0 : i32
          %dma_wait3A_363 = tpu.memref_slice %arg10[%sub3A_355, %dma_wait3A_362] : memref<157x128xi32, #tpu.memory_space<vmem>> -> memref<1x128xi32, #tpu.memory_space<vmem>>
          %dma_wait3A_364 = tpu.memref_squeeze %dma_wait3A_363 : memref<1x128xi32, #tpu.memory_space<vmem>> -> memref<128xi32, #tpu.memory_space<vmem>>
          %dma_wait3A_365 = arith.constant 0 : i32
          %dma_wait3A_366 = arith.constant 0 : i32
          %dma_wait3A_367 = tpu.memref_slice %arg17[%dma_wait3A_365, %dma_wait3A_366] : memref<10112x16xf32, #tpu.memory_space<vmem_shared>> -> memref<10112x16xf32, #tpu.memory_space<vmem_shared>>
          %dma_wait3A_368 = tpu.memref_slice %arg19[%dma_wait3A_357] : memref<8x!tpu.dma_semaphore, #tpu.memory_space<semaphore_mem>> -> memref<1x!tpu.dma_semaphore, #tpu.memory_space<semaphore_mem>>
          %dma_wait3A_369 = tpu.memref_squeeze %dma_wait3A_368 : memref<1x!tpu.dma_semaphore, #tpu.memory_space<semaphore_mem>> -> memref<!tpu.dma_semaphore, #tpu.memory_space<semaphore_mem>>
          tpu.wait_indirect_dma semaphore(%dma_wait3A_369 : memref<!tpu.dma_semaphore, #tpu.memory_space<semaphore_mem>>) src(%dma_wait3A_361 : memref<128x16xf32, #tpu.memory_space<vmem>>) dst(%dma_wait3A_367 : memref<10112x16xf32, #tpu.memory_space<vmem_shared>>)
        } else {
        }
        %add3A_348 = arith.constant 4 : i32
        %add3A_349 = arith.addi %add3A_295, %add3A_348 : i32
        %lt3A_350 = arith.constant 157 : i32
        %lt3A_351 = arith.cmpi slt, %add3A_349, %lt3A_350 : i32
        %convert_element_type3A_352 = arith.extui %lt3A_351 : i1 to i32
        %cond3A_353 = arith.constant 0 : i32
        %cond3A_354 = arith.cmpi ne, %convert_element_type3A_352, %cond3A_353 : i32
        scf.if %cond3A_354 {
          %add3A_355 = arith.constant 4 : i32
          %add3A_356 = arith.addi %add3A_295, %add3A_355 : i32
          %dma_start3A_357 = arith.constant 1 : i32
          %dma_start3A_358 = arith.constant 1 : i32
          %dma_start3A_359 = arith.constant 0 : i32
          %dma_start3A_360 = arith.constant 0 : i32
          %dma_start3A_361 = tpu.memref_slice %arg11[%dma_start3A_357, %dma_start3A_359, %dma_start3A_360] : memref<8x128x16xf32, #tpu.memory_space<vmem>> -> memref<1x128x16xf32, #tpu.memory_space<vmem>>
          %dma_start3A_362 = tpu.memref_squeeze %dma_start3A_361 : memref<1x128x16xf32, #tpu.memory_space<vmem>> -> memref<128x16xf32, #tpu.memory_space<vmem>>
          %dma_start3A_363 = arith.constant 0 : i32
          %dma_start3A_364 = tpu.memref_slice %arg9[%add3A_356, %dma_start3A_363] : memref<157x128xi32, #tpu.memory_space<vmem>> -> memref<1x128xi32, #tpu.memory_space<vmem>>
          %dma_start3A_365 = tpu.memref_squeeze %dma_start3A_364 : memref<1x128xi32, #tpu.memory_space<vmem>> -> memref<128xi32, #tpu.memory_space<vmem>>
          %dma_start3A_366 = arith.constant 0 : i32
          %dma_start3A_367 = arith.constant 0 : i32
          %dma_start3A_368 = tpu.memref_slice %arg16[%dma_start3A_366, %dma_start3A_367] : memref<10112x16xf32, #tpu.memory_space<vmem_shared>> -> memref<10112x16xf32, #tpu.memory_space<vmem_shared>>
          %dma_start3A_369 = tpu.memref_slice %arg18[%dma_start3A_358] : memref<8x!tpu.dma_semaphore, #tpu.memory_space<semaphore_mem>> -> memref<1x!tpu.dma_semaphore, #tpu.memory_space<semaphore_mem>>
          %dma_start3A_370 = tpu.memref_squeeze %dma_start3A_369 : memref<1x!tpu.dma_semaphore, #tpu.memory_space<semaphore_mem>> -> memref<!tpu.dma_semaphore, #tpu.memory_space<semaphore_mem>>
          tpu.enqueue_indirect_dma source(%dma_start3A_368 : memref<10112x16xf32, #tpu.memory_space<vmem_shared>>) target(%dma_start3A_362 : memref<128x16xf32, #tpu.memory_space<vmem>>) offsets(%dma_start3A_365 : memref<128xi32, #tpu.memory_space<vmem>>) semaphore(%dma_start3A_370 : memref<!tpu.dma_semaphore, #tpu.memory_space<semaphore_mem>>)
        } else {
        }
      } else {
      }
      %add3A_301 = arith.constant 6 : i32
      %add3A_302 = arith.addi %mul3A_259, %add3A_301 : i32
      %lt3A_303 = arith.constant 157 : i32
      %lt3A_304 = arith.cmpi slt, %add3A_302, %lt3A_303 : i32
      %convert_element_type3A_305 = arith.extui %lt3A_304 : i1 to i32
      %cond3A_306 = arith.constant 0 : i32
      %cond3A_307 = arith.cmpi ne, %convert_element_type3A_305, %cond3A_306 : i32
      scf.if %cond3A_307 {
        %dma_wait3A_316 = arith.constant 6 : i32
        %dma_wait3A_317 = arith.constant 6 : i32
        %dma_wait3A_318 = arith.constant 0 : i32
        %dma_wait3A_319 = arith.constant 0 : i32
        %dma_wait3A_320 = tpu.memref_slice %arg11[%dma_wait3A_316, %dma_wait3A_318, %dma_wait3A_319] : memref<8x128x16xf32, #tpu.memory_space<vmem>> -> memref<1x128x16xf32, #tpu.memory_space<vmem>>
        %dma_wait3A_321 = tpu.memref_squeeze %dma_wait3A_320 : memref<1x128x16xf32, #tpu.memory_space<vmem>> -> memref<128x16xf32, #tpu.memory_space<vmem>>
        %dma_wait3A_322 = arith.constant 0 : i32
        %dma_wait3A_323 = tpu.memref_slice %arg9[%add3A_302, %dma_wait3A_322] : memref<157x128xi32, #tpu.memory_space<vmem>> -> memref<1x128xi32, #tpu.memory_space<vmem>>
        %dma_wait3A_324 = tpu.memref_squeeze %dma_wait3A_323 : memref<1x128xi32, #tpu.memory_space<vmem>> -> memref<128xi32, #tpu.memory_space<vmem>>
        %dma_wait3A_325 = arith.constant 0 : i32
        %dma_wait3A_326 = arith.constant 0 : i32
        %dma_wait3A_327 = tpu.memref_slice %arg16[%dma_wait3A_325, %dma_wait3A_326] : memref<10112x16xf32, #tpu.memory_space<vmem_shared>> -> memref<10112x16xf32, #tpu.memory_space<vmem_shared>>
        %dma_wait3A_328 = tpu.memref_slice %arg18[%dma_wait3A_317] : memref<8x!tpu.dma_semaphore, #tpu.memory_space<semaphore_mem>> -> memref<1x!tpu.dma_semaphore, #tpu.memory_space<semaphore_mem>>
        %dma_wait3A_329 = tpu.memref_squeeze %dma_wait3A_328 : memref<1x!tpu.dma_semaphore, #tpu.memory_space<semaphore_mem>> -> memref<!tpu.dma_semaphore, #tpu.memory_space<semaphore_mem>>
        tpu.wait_indirect_dma semaphore(%dma_wait3A_329 : memref<!tpu.dma_semaphore, #tpu.memory_space<semaphore_mem>>) src(%dma_wait3A_327 : memref<10112x16xf32, #tpu.memory_space<vmem_shared>>) dst(%dma_wait3A_321 : memref<128x16xf32, #tpu.memory_space<vmem>>)
        %dma_start3A_330 = arith.constant 6 : i32
        %dma_start3A_331 = arith.constant 6 : i32
        %dma_start3A_332 = arith.constant 0 : i32
        %dma_start3A_333 = arith.constant 0 : i32
        %dma_start3A_334 = tpu.memref_slice %arg11[%dma_start3A_330, %dma_start3A_332, %dma_start3A_333] : memref<8x128x16xf32, #tpu.memory_space<vmem>> -> memref<1x128x16xf32, #tpu.memory_space<vmem>>
        %dma_start3A_335 = tpu.memref_squeeze %dma_start3A_334 : memref<1x128x16xf32, #tpu.memory_space<vmem>> -> memref<128x16xf32, #tpu.memory_space<vmem>>
        %dma_start3A_336 = arith.constant 0 : i32
        %dma_start3A_337 = tpu.memref_slice %arg10[%add3A_302, %dma_start3A_336] : memref<157x128xi32, #tpu.memory_space<vmem>> -> memref<1x128xi32, #tpu.memory_space<vmem>>
        %dma_start3A_338 = tpu.memref_squeeze %dma_start3A_337 : memref<1x128xi32, #tpu.memory_space<vmem>> -> memref<128xi32, #tpu.memory_space<vmem>>
        %dma_start3A_339 = arith.constant 0 : i32
        %dma_start3A_340 = arith.constant 0 : i32
        %dma_start3A_341 = tpu.memref_slice %arg17[%dma_start3A_339, %dma_start3A_340] : memref<10112x16xf32, #tpu.memory_space<vmem_shared>> -> memref<10112x16xf32, #tpu.memory_space<vmem_shared>>
        %dma_start3A_342 = tpu.memref_slice %arg19[%dma_start3A_331] : memref<8x!tpu.dma_semaphore, #tpu.memory_space<semaphore_mem>> -> memref<1x!tpu.dma_semaphore, #tpu.memory_space<semaphore_mem>>
        %dma_start3A_343 = tpu.memref_squeeze %dma_start3A_342 : memref<1x!tpu.dma_semaphore, #tpu.memory_space<semaphore_mem>> -> memref<!tpu.dma_semaphore, #tpu.memory_space<semaphore_mem>>
        tpu.enqueue_indirect_dma source(%dma_start3A_335 : memref<128x16xf32, #tpu.memory_space<vmem>>) target(%dma_start3A_341 : memref<10112x16xf32, #tpu.memory_space<vmem_shared>>) offsets(%dma_start3A_338 : memref<128xi32, #tpu.memory_space<vmem>>) semaphore(%dma_start3A_343 : memref<!tpu.dma_semaphore, #tpu.memory_space<semaphore_mem>>) {add = true}
        %ge3A = arith.constant 4 : i32
        %ge3A_344 = arith.cmpi sge, %add3A_302, %ge3A : i32
        %convert_element_type3A_345 = arith.extui %ge3A_344 : i1 to i32
        %cond3A_346 = arith.constant 0 : i32
        %cond3A_347 = arith.cmpi ne, %convert_element_type3A_345, %cond3A_346 : i32
        scf.if %cond3A_347 {
          %sub3A = arith.constant 4 : i32
          %sub3A_355 = arith.subi %add3A_302, %sub3A : i32
          %dma_wait3A_356 = arith.constant 2 : i32
          %dma_wait3A_357 = arith.constant 2 : i32
          %dma_wait3A_358 = arith.constant 0 : i32
          %dma_wait3A_359 = arith.constant 0 : i32
          %dma_wait3A_360 = tpu.memref_slice %arg11[%dma_wait3A_356, %dma_wait3A_358, %dma_wait3A_359] : memref<8x128x16xf32, #tpu.memory_space<vmem>> -> memref<1x128x16xf32, #tpu.memory_space<vmem>>
          %dma_wait3A_361 = tpu.memref_squeeze %dma_wait3A_360 : memref<1x128x16xf32, #tpu.memory_space<vmem>> -> memref<128x16xf32, #tpu.memory_space<vmem>>
          %dma_wait3A_362 = arith.constant 0 : i32
          %dma_wait3A_363 = tpu.memref_slice %arg10[%sub3A_355, %dma_wait3A_362] : memref<157x128xi32, #tpu.memory_space<vmem>> -> memref<1x128xi32, #tpu.memory_space<vmem>>
          %dma_wait3A_364 = tpu.memref_squeeze %dma_wait3A_363 : memref<1x128xi32, #tpu.memory_space<vmem>> -> memref<128xi32, #tpu.memory_space<vmem>>
          %dma_wait3A_365 = arith.constant 0 : i32
          %dma_wait3A_366 = arith.constant 0 : i32
          %dma_wait3A_367 = tpu.memref_slice %arg17[%dma_wait3A_365, %dma_wait3A_366] : memref<10112x16xf32, #tpu.memory_space<vmem_shared>> -> memref<10112x16xf32, #tpu.memory_space<vmem_shared>>
          %dma_wait3A_368 = tpu.memref_slice %arg19[%dma_wait3A_357] : memref<8x!tpu.dma_semaphore, #tpu.memory_space<semaphore_mem>> -> memref<1x!tpu.dma_semaphore, #tpu.memory_space<semaphore_mem>>
          %dma_wait3A_369 = tpu.memref_squeeze %dma_wait3A_368 : memref<1x!tpu.dma_semaphore, #tpu.memory_space<semaphore_mem>> -> memref<!tpu.dma_semaphore, #tpu.memory_space<semaphore_mem>>
          tpu.wait_indirect_dma semaphore(%dma_wait3A_369 : memref<!tpu.dma_semaphore, #tpu.memory_space<semaphore_mem>>) src(%dma_wait3A_361 : memref<128x16xf32, #tpu.memory_space<vmem>>) dst(%dma_wait3A_367 : memref<10112x16xf32, #tpu.memory_space<vmem_shared>>)
        } else {
        }
        %add3A_348 = arith.constant 4 : i32
        %add3A_349 = arith.addi %add3A_302, %add3A_348 : i32
        %lt3A_350 = arith.constant 157 : i32
        %lt3A_351 = arith.cmpi slt, %add3A_349, %lt3A_350 : i32
        %convert_element_type3A_352 = arith.extui %lt3A_351 : i1 to i32
        %cond3A_353 = arith.constant 0 : i32
        %cond3A_354 = arith.cmpi ne, %convert_element_type3A_352, %cond3A_353 : i32
        scf.if %cond3A_354 {
          %add3A_355 = arith.constant 4 : i32
          %add3A_356 = arith.addi %add3A_302, %add3A_355 : i32
          %dma_start3A_357 = arith.constant 2 : i32
          %dma_start3A_358 = arith.constant 2 : i32
          %dma_start3A_359 = arith.constant 0 : i32
          %dma_start3A_360 = arith.constant 0 : i32
          %dma_start3A_361 = tpu.memref_slice %arg11[%dma_start3A_357, %dma_start3A_359, %dma_start3A_360] : memref<8x128x16xf32, #tpu.memory_space<vmem>> -> memref<1x128x16xf32, #tpu.memory_space<vmem>>
          %dma_start3A_362 = tpu.memref_squeeze %dma_start3A_361 : memref<1x128x16xf32, #tpu.memory_space<vmem>> -> memref<128x16xf32, #tpu.memory_space<vmem>>
          %dma_start3A_363 = arith.constant 0 : i32
          %dma_start3A_364 = tpu.memref_slice %arg9[%add3A_356, %dma_start3A_363] : memref<157x128xi32, #tpu.memory_space<vmem>> -> memref<1x128xi32, #tpu.memory_space<vmem>>
          %dma_start3A_365 = tpu.memref_squeeze %dma_start3A_364 : memref<1x128xi32, #tpu.memory_space<vmem>> -> memref<128xi32, #tpu.memory_space<vmem>>
          %dma_start3A_366 = arith.constant 0 : i32
          %dma_start3A_367 = arith.constant 0 : i32
          %dma_start3A_368 = tpu.memref_slice %arg16[%dma_start3A_366, %dma_start3A_367] : memref<10112x16xf32, #tpu.memory_space<vmem_shared>> -> memref<10112x16xf32, #tpu.memory_space<vmem_shared>>
          %dma_start3A_369 = tpu.memref_slice %arg18[%dma_start3A_358] : memref<8x!tpu.dma_semaphore, #tpu.memory_space<semaphore_mem>> -> memref<1x!tpu.dma_semaphore, #tpu.memory_space<semaphore_mem>>
          %dma_start3A_370 = tpu.memref_squeeze %dma_start3A_369 : memref<1x!tpu.dma_semaphore, #tpu.memory_space<semaphore_mem>> -> memref<!tpu.dma_semaphore, #tpu.memory_space<semaphore_mem>>
          tpu.enqueue_indirect_dma source(%dma_start3A_368 : memref<10112x16xf32, #tpu.memory_space<vmem_shared>>) target(%dma_start3A_362 : memref<128x16xf32, #tpu.memory_space<vmem>>) offsets(%dma_start3A_365 : memref<128xi32, #tpu.memory_space<vmem>>) semaphore(%dma_start3A_370 : memref<!tpu.dma_semaphore, #tpu.memory_space<semaphore_mem>>)
        } else {
        }
      } else {
      }
      %add3A_308 = arith.constant 7 : i32
      %add3A_309 = arith.addi %mul3A_259, %add3A_308 : i32
      %lt3A_310 = arith.constant 157 : i32
      %lt3A_311 = arith.cmpi slt, %add3A_309, %lt3A_310 : i32
      %convert_element_type3A_312 = arith.extui %lt3A_311 : i1 to i32
      %cond3A_313 = arith.constant 0 : i32
      %cond3A_314 = arith.cmpi ne, %convert_element_type3A_312, %cond3A_313 : i32
      scf.if %cond3A_314 {
        %dma_wait3A_316 = arith.constant 7 : i32
        %dma_wait3A_317 = arith.constant 7 : i32
        %dma_wait3A_318 = arith.constant 0 : i32
        %dma_wait3A_319 = arith.constant 0 : i32
        %dma_wait3A_320 = tpu.memref_slice %arg11[%dma_wait3A_316, %dma_wait3A_318, %dma_wait3A_319] : memref<8x128x16xf32, #tpu.memory_space<vmem>> -> memref<1x128x16xf32, #tpu.memory_space<vmem>>
        %dma_wait3A_321 = tpu.memref_squeeze %dma_wait3A_320 : memref<1x128x16xf32, #tpu.memory_space<vmem>> -> memref<128x16xf32, #tpu.memory_space<vmem>>
        %dma_wait3A_322 = arith.constant 0 : i32
        %dma_wait3A_323 = tpu.memref_slice %arg9[%add3A_309, %dma_wait3A_322] : memref<157x128xi32, #tpu.memory_space<vmem>> -> memref<1x128xi32, #tpu.memory_space<vmem>>
        %dma_wait3A_324 = tpu.memref_squeeze %dma_wait3A_323 : memref<1x128xi32, #tpu.memory_space<vmem>> -> memref<128xi32, #tpu.memory_space<vmem>>
        %dma_wait3A_325 = arith.constant 0 : i32
        %dma_wait3A_326 = arith.constant 0 : i32
        %dma_wait3A_327 = tpu.memref_slice %arg16[%dma_wait3A_325, %dma_wait3A_326] : memref<10112x16xf32, #tpu.memory_space<vmem_shared>> -> memref<10112x16xf32, #tpu.memory_space<vmem_shared>>
        %dma_wait3A_328 = tpu.memref_slice %arg18[%dma_wait3A_317] : memref<8x!tpu.dma_semaphore, #tpu.memory_space<semaphore_mem>> -> memref<1x!tpu.dma_semaphore, #tpu.memory_space<semaphore_mem>>
        %dma_wait3A_329 = tpu.memref_squeeze %dma_wait3A_328 : memref<1x!tpu.dma_semaphore, #tpu.memory_space<semaphore_mem>> -> memref<!tpu.dma_semaphore, #tpu.memory_space<semaphore_mem>>
        tpu.wait_indirect_dma semaphore(%dma_wait3A_329 : memref<!tpu.dma_semaphore, #tpu.memory_space<semaphore_mem>>) src(%dma_wait3A_327 : memref<10112x16xf32, #tpu.memory_space<vmem_shared>>) dst(%dma_wait3A_321 : memref<128x16xf32, #tpu.memory_space<vmem>>)
        %dma_start3A_330 = arith.constant 7 : i32
        %dma_start3A_331 = arith.constant 7 : i32
        %dma_start3A_332 = arith.constant 0 : i32
        %dma_start3A_333 = arith.constant 0 : i32
        %dma_start3A_334 = tpu.memref_slice %arg11[%dma_start3A_330, %dma_start3A_332, %dma_start3A_333] : memref<8x128x16xf32, #tpu.memory_space<vmem>> -> memref<1x128x16xf32, #tpu.memory_space<vmem>>
        %dma_start3A_335 = tpu.memref_squeeze %dma_start3A_334 : memref<1x128x16xf32, #tpu.memory_space<vmem>> -> memref<128x16xf32, #tpu.memory_space<vmem>>
        %dma_start3A_336 = arith.constant 0 : i32
        %dma_start3A_337 = tpu.memref_slice %arg10[%add3A_309, %dma_start3A_336] : memref<157x128xi32, #tpu.memory_space<vmem>> -> memref<1x128xi32, #tpu.memory_space<vmem>>
        %dma_start3A_338 = tpu.memref_squeeze %dma_start3A_337 : memref<1x128xi32, #tpu.memory_space<vmem>> -> memref<128xi32, #tpu.memory_space<vmem>>
        %dma_start3A_339 = arith.constant 0 : i32
        %dma_start3A_340 = arith.constant 0 : i32
        %dma_start3A_341 = tpu.memref_slice %arg17[%dma_start3A_339, %dma_start3A_340] : memref<10112x16xf32, #tpu.memory_space<vmem_shared>> -> memref<10112x16xf32, #tpu.memory_space<vmem_shared>>
        %dma_start3A_342 = tpu.memref_slice %arg19[%dma_start3A_331] : memref<8x!tpu.dma_semaphore, #tpu.memory_space<semaphore_mem>> -> memref<1x!tpu.dma_semaphore, #tpu.memory_space<semaphore_mem>>
        %dma_start3A_343 = tpu.memref_squeeze %dma_start3A_342 : memref<1x!tpu.dma_semaphore, #tpu.memory_space<semaphore_mem>> -> memref<!tpu.dma_semaphore, #tpu.memory_space<semaphore_mem>>
        tpu.enqueue_indirect_dma source(%dma_start3A_335 : memref<128x16xf32, #tpu.memory_space<vmem>>) target(%dma_start3A_341 : memref<10112x16xf32, #tpu.memory_space<vmem_shared>>) offsets(%dma_start3A_338 : memref<128xi32, #tpu.memory_space<vmem>>) semaphore(%dma_start3A_343 : memref<!tpu.dma_semaphore, #tpu.memory_space<semaphore_mem>>) {add = true}
        %ge3A = arith.constant 4 : i32
        %ge3A_344 = arith.cmpi sge, %add3A_309, %ge3A : i32
        %convert_element_type3A_345 = arith.extui %ge3A_344 : i1 to i32
        %cond3A_346 = arith.constant 0 : i32
        %cond3A_347 = arith.cmpi ne, %convert_element_type3A_345, %cond3A_346 : i32
        scf.if %cond3A_347 {
          %sub3A = arith.constant 4 : i32
          %sub3A_355 = arith.subi %add3A_309, %sub3A : i32
          %dma_wait3A_356 = arith.constant 3 : i32
          %dma_wait3A_357 = arith.constant 3 : i32
          %dma_wait3A_358 = arith.constant 0 : i32
          %dma_wait3A_359 = arith.constant 0 : i32
          %dma_wait3A_360 = tpu.memref_slice %arg11[%dma_wait3A_356, %dma_wait3A_358, %dma_wait3A_359] : memref<8x128x16xf32, #tpu.memory_space<vmem>> -> memref<1x128x16xf32, #tpu.memory_space<vmem>>
          %dma_wait3A_361 = tpu.memref_squeeze %dma_wait3A_360 : memref<1x128x16xf32, #tpu.memory_space<vmem>> -> memref<128x16xf32, #tpu.memory_space<vmem>>
          %dma_wait3A_362 = arith.constant 0 : i32
          %dma_wait3A_363 = tpu.memref_slice %arg10[%sub3A_355, %dma_wait3A_362] : memref<157x128xi32, #tpu.memory_space<vmem>> -> memref<1x128xi32, #tpu.memory_space<vmem>>
          %dma_wait3A_364 = tpu.memref_squeeze %dma_wait3A_363 : memref<1x128xi32, #tpu.memory_space<vmem>> -> memref<128xi32, #tpu.memory_space<vmem>>
          %dma_wait3A_365 = arith.constant 0 : i32
          %dma_wait3A_366 = arith.constant 0 : i32
          %dma_wait3A_367 = tpu.memref_slice %arg17[%dma_wait3A_365, %dma_wait3A_366] : memref<10112x16xf32, #tpu.memory_space<vmem_shared>> -> memref<10112x16xf32, #tpu.memory_space<vmem_shared>>
          %dma_wait3A_368 = tpu.memref_slice %arg19[%dma_wait3A_357] : memref<8x!tpu.dma_semaphore, #tpu.memory_space<semaphore_mem>> -> memref<1x!tpu.dma_semaphore, #tpu.memory_space<semaphore_mem>>
          %dma_wait3A_369 = tpu.memref_squeeze %dma_wait3A_368 : memref<1x!tpu.dma_semaphore, #tpu.memory_space<semaphore_mem>> -> memref<!tpu.dma_semaphore, #tpu.memory_space<semaphore_mem>>
          tpu.wait_indirect_dma semaphore(%dma_wait3A_369 : memref<!tpu.dma_semaphore, #tpu.memory_space<semaphore_mem>>) src(%dma_wait3A_361 : memref<128x16xf32, #tpu.memory_space<vmem>>) dst(%dma_wait3A_367 : memref<10112x16xf32, #tpu.memory_space<vmem_shared>>)
        } else {
        }
        %add3A_348 = arith.constant 4 : i32
        %add3A_349 = arith.addi %add3A_309, %add3A_348 : i32
        %lt3A_350 = arith.constant 157 : i32
        %lt3A_351 = arith.cmpi slt, %add3A_349, %lt3A_350 : i32
        %convert_element_type3A_352 = arith.extui %lt3A_351 : i1 to i32
        %cond3A_353 = arith.constant 0 : i32
        %cond3A_354 = arith.cmpi ne, %convert_element_type3A_352, %cond3A_353 : i32
        scf.if %cond3A_354 {
          %add3A_355 = arith.constant 4 : i32
          %add3A_356 = arith.addi %add3A_309, %add3A_355 : i32
          %dma_start3A_357 = arith.constant 3 : i32
          %dma_start3A_358 = arith.constant 3 : i32
          %dma_start3A_359 = arith.constant 0 : i32
          %dma_start3A_360 = arith.constant 0 : i32
          %dma_start3A_361 = tpu.memref_slice %arg11[%dma_start3A_357, %dma_start3A_359, %dma_start3A_360] : memref<8x128x16xf32, #tpu.memory_space<vmem>> -> memref<1x128x16xf32, #tpu.memory_space<vmem>>
          %dma_start3A_362 = tpu.memref_squeeze %dma_start3A_361 : memref<1x128x16xf32, #tpu.memory_space<vmem>> -> memref<128x16xf32, #tpu.memory_space<vmem>>
          %dma_start3A_363 = arith.constant 0 : i32
          %dma_start3A_364 = tpu.memref_slice %arg9[%add3A_356, %dma_start3A_363] : memref<157x128xi32, #tpu.memory_space<vmem>> -> memref<1x128xi32, #tpu.memory_space<vmem>>
          %dma_start3A_365 = tpu.memref_squeeze %dma_start3A_364 : memref<1x128xi32, #tpu.memory_space<vmem>> -> memref<128xi32, #tpu.memory_space<vmem>>
          %dma_start3A_366 = arith.constant 0 : i32
          %dma_start3A_367 = arith.constant 0 : i32
          %dma_start3A_368 = tpu.memref_slice %arg16[%dma_start3A_366, %dma_start3A_367] : memref<10112x16xf32, #tpu.memory_space<vmem_shared>> -> memref<10112x16xf32, #tpu.memory_space<vmem_shared>>
          %dma_start3A_369 = tpu.memref_slice %arg18[%dma_start3A_358] : memref<8x!tpu.dma_semaphore, #tpu.memory_space<semaphore_mem>> -> memref<1x!tpu.dma_semaphore, #tpu.memory_space<semaphore_mem>>
          %dma_start3A_370 = tpu.memref_squeeze %dma_start3A_369 : memref<1x!tpu.dma_semaphore, #tpu.memory_space<semaphore_mem>> -> memref<!tpu.dma_semaphore, #tpu.memory_space<semaphore_mem>>
          tpu.enqueue_indirect_dma source(%dma_start3A_368 : memref<10112x16xf32, #tpu.memory_space<vmem_shared>>) target(%dma_start3A_362 : memref<128x16xf32, #tpu.memory_space<vmem>>) offsets(%dma_start3A_365 : memref<128xi32, #tpu.memory_space<vmem>>) semaphore(%dma_start3A_370 : memref<!tpu.dma_semaphore, #tpu.memory_space<semaphore_mem>>)
        } else {
        }
      } else {
      }
      %scan3A_315 = arith.constant 0 : i32
      scf.yield %scan3A_315 : i32
    }
    %scan3A_194 = arith.constant 20 : i32
    %dma_wait3A_195 = arith.constant 1 : i32
    %dma_wait3A_196 = arith.constant 153 : i32
    %dma_wait3A_197 = arith.constant 1 : i32
    %dma_wait3A_198 = arith.constant 0 : i32
    %dma_wait3A_199 = arith.constant 0 : i32
    %dma_wait3A_200 = tpu.memref_slice %arg11[%dma_wait3A_195, %dma_wait3A_198, %dma_wait3A_199] : memref<8x128x16xf32, #tpu.memory_space<vmem>> -> memref<1x128x16xf32, #tpu.memory_space<vmem>>
    %dma_wait3A_201 = tpu.memref_squeeze %dma_wait3A_200 : memref<1x128x16xf32, #tpu.memory_space<vmem>> -> memref<128x16xf32, #tpu.memory_space<vmem>>
    %dma_wait3A_202 = arith.constant 0 : i32
    %dma_wait3A_203 = tpu.memref_slice %arg10[%dma_wait3A_196, %dma_wait3A_202] : memref<157x128xi32, #tpu.memory_space<vmem>> -> memref<1x128xi32, #tpu.memory_space<vmem>>
    %dma_wait3A_204 = tpu.memref_squeeze %dma_wait3A_203 : memref<1x128xi32, #tpu.memory_space<vmem>> -> memref<128xi32, #tpu.memory_space<vmem>>
    %dma_wait3A_205 = arith.constant 0 : i32
    %dma_wait3A_206 = arith.constant 0 : i32
    %dma_wait3A_207 = tpu.memref_slice %arg17[%dma_wait3A_205, %dma_wait3A_206] : memref<10112x16xf32, #tpu.memory_space<vmem_shared>> -> memref<10112x16xf32, #tpu.memory_space<vmem_shared>>
    %dma_wait3A_208 = tpu.memref_slice %arg19[%dma_wait3A_197] : memref<8x!tpu.dma_semaphore, #tpu.memory_space<semaphore_mem>> -> memref<1x!tpu.dma_semaphore, #tpu.memory_space<semaphore_mem>>
    %dma_wait3A_209 = tpu.memref_squeeze %dma_wait3A_208 : memref<1x!tpu.dma_semaphore, #tpu.memory_space<semaphore_mem>> -> memref<!tpu.dma_semaphore, #tpu.memory_space<semaphore_mem>>
    tpu.wait_indirect_dma semaphore(%dma_wait3A_209 : memref<!tpu.dma_semaphore, #tpu.memory_space<semaphore_mem>>) src(%dma_wait3A_201 : memref<128x16xf32, #tpu.memory_space<vmem>>) dst(%dma_wait3A_207 : memref<10112x16xf32, #tpu.memory_space<vmem_shared>>)
    %dma_wait3A_210 = arith.constant 2 : i32
    %dma_wait3A_211 = arith.constant 154 : i32
    %dma_wait3A_212 = arith.constant 2 : i32
    %dma_wait3A_213 = arith.constant 0 : i32
    %dma_wait3A_214 = arith.constant 0 : i32
    %dma_wait3A_215 = tpu.memref_slice %arg11[%dma_wait3A_210, %dma_wait3A_213, %dma_wait3A_214] : memref<8x128x16xf32, #tpu.memory_space<vmem>> -> memref<1x128x16xf32, #tpu.memory_space<vmem>>
    %dma_wait3A_216 = tpu.memref_squeeze %dma_wait3A_215 : memref<1x128x16xf32, #tpu.memory_space<vmem>> -> memref<128x16xf32, #tpu.memory_space<vmem>>
    %dma_wait3A_217 = arith.constant 0 : i32
    %dma_wait3A_218 = tpu.memref_slice %arg10[%dma_wait3A_211, %dma_wait3A_217] : memref<157x128xi32, #tpu.memory_space<vmem>> -> memref<1x128xi32, #tpu.memory_space<vmem>>
    %dma_wait3A_219 = tpu.memref_squeeze %dma_wait3A_218 : memref<1x128xi32, #tpu.memory_space<vmem>> -> memref<128xi32, #tpu.memory_space<vmem>>
    %dma_wait3A_220 = arith.constant 0 : i32
    %dma_wait3A_221 = arith.constant 0 : i32
    %dma_wait3A_222 = tpu.memref_slice %arg17[%dma_wait3A_220, %dma_wait3A_221] : memref<10112x16xf32, #tpu.memory_space<vmem_shared>> -> memref<10112x16xf32, #tpu.memory_space<vmem_shared>>
    %dma_wait3A_223 = tpu.memref_slice %arg19[%dma_wait3A_212] : memref<8x!tpu.dma_semaphore, #tpu.memory_space<semaphore_mem>> -> memref<1x!tpu.dma_semaphore, #tpu.memory_space<semaphore_mem>>
    %dma_wait3A_224 = tpu.memref_squeeze %dma_wait3A_223 : memref<1x!tpu.dma_semaphore, #tpu.memory_space<semaphore_mem>> -> memref<!tpu.dma_semaphore, #tpu.memory_space<semaphore_mem>>
    tpu.wait_indirect_dma semaphore(%dma_wait3A_224 : memref<!tpu.dma_semaphore, #tpu.memory_space<semaphore_mem>>) src(%dma_wait3A_216 : memref<128x16xf32, #tpu.memory_space<vmem>>) dst(%dma_wait3A_222 : memref<10112x16xf32, #tpu.memory_space<vmem_shared>>)
    %dma_wait3A_225 = arith.constant 3 : i32
    %dma_wait3A_226 = arith.constant 155 : i32
    %dma_wait3A_227 = arith.constant 3 : i32
    %dma_wait3A_228 = arith.constant 0 : i32
    %dma_wait3A_229 = arith.constant 0 : i32
    %dma_wait3A_230 = tpu.memref_slice %arg11[%dma_wait3A_225, %dma_wait3A_228, %dma_wait3A_229] : memref<8x128x16xf32, #tpu.memory_space<vmem>> -> memref<1x128x16xf32, #tpu.memory_space<vmem>>
    %dma_wait3A_231 = tpu.memref_squeeze %dma_wait3A_230 : memref<1x128x16xf32, #tpu.memory_space<vmem>> -> memref<128x16xf32, #tpu.memory_space<vmem>>
    %dma_wait3A_232 = arith.constant 0 : i32
    %dma_wait3A_233 = tpu.memref_slice %arg10[%dma_wait3A_226, %dma_wait3A_232] : memref<157x128xi32, #tpu.memory_space<vmem>> -> memref<1x128xi32, #tpu.memory_space<vmem>>
    %dma_wait3A_234 = tpu.memref_squeeze %dma_wait3A_233 : memref<1x128xi32, #tpu.memory_space<vmem>> -> memref<128xi32, #tpu.memory_space<vmem>>
    %dma_wait3A_235 = arith.constant 0 : i32
    %dma_wait3A_236 = arith.constant 0 : i32
    %dma_wait3A_237 = tpu.memref_slice %arg17[%dma_wait3A_235, %dma_wait3A_236] : memref<10112x16xf32, #tpu.memory_space<vmem_shared>> -> memref<10112x16xf32, #tpu.memory_space<vmem_shared>>
    %dma_wait3A_238 = tpu.memref_slice %arg19[%dma_wait3A_227] : memref<8x!tpu.dma_semaphore, #tpu.memory_space<semaphore_mem>> -> memref<1x!tpu.dma_semaphore, #tpu.memory_space<semaphore_mem>>
    %dma_wait3A_239 = tpu.memref_squeeze %dma_wait3A_238 : memref<1x!tpu.dma_semaphore, #tpu.memory_space<semaphore_mem>> -> memref<!tpu.dma_semaphore, #tpu.memory_space<semaphore_mem>>
    tpu.wait_indirect_dma semaphore(%dma_wait3A_239 : memref<!tpu.dma_semaphore, #tpu.memory_space<semaphore_mem>>) src(%dma_wait3A_231 : memref<128x16xf32, #tpu.memory_space<vmem>>) dst(%dma_wait3A_237 : memref<10112x16xf32, #tpu.memory_space<vmem_shared>>)
    %dma_wait3A_240 = arith.constant 4 : i32
    %dma_wait3A_241 = arith.constant 156 : i32
    %dma_wait3A_242 = arith.constant 4 : i32
    %dma_wait3A_243 = arith.constant 0 : i32
    %dma_wait3A_244 = arith.constant 0 : i32
    %dma_wait3A_245 = tpu.memref_slice %arg11[%dma_wait3A_240, %dma_wait3A_243, %dma_wait3A_244] : memref<8x128x16xf32, #tpu.memory_space<vmem>> -> memref<1x128x16xf32, #tpu.memory_space<vmem>>
    %dma_wait3A_246 = tpu.memref_squeeze %dma_wait3A_245 : memref<1x128x16xf32, #tpu.memory_space<vmem>> -> memref<128x16xf32, #tpu.memory_space<vmem>>
    %dma_wait3A_247 = arith.constant 0 : i32
    %dma_wait3A_248 = tpu.memref_slice %arg10[%dma_wait3A_241, %dma_wait3A_247] : memref<157x128xi32, #tpu.memory_space<vmem>> -> memref<1x128xi32, #tpu.memory_space<vmem>>
    %dma_wait3A_249 = tpu.memref_squeeze %dma_wait3A_248 : memref<1x128xi32, #tpu.memory_space<vmem>> -> memref<128xi32, #tpu.memory_space<vmem>>
    %dma_wait3A_250 = arith.constant 0 : i32
    %dma_wait3A_251 = arith.constant 0 : i32
    %dma_wait3A_252 = tpu.memref_slice %arg17[%dma_wait3A_250, %dma_wait3A_251] : memref<10112x16xf32, #tpu.memory_space<vmem_shared>> -> memref<10112x16xf32, #tpu.memory_space<vmem_shared>>
    %dma_wait3A_253 = tpu.memref_slice %arg19[%dma_wait3A_242] : memref<8x!tpu.dma_semaphore, #tpu.memory_space<semaphore_mem>> -> memref<1x!tpu.dma_semaphore, #tpu.memory_space<semaphore_mem>>
    %dma_wait3A_254 = tpu.memref_squeeze %dma_wait3A_253 : memref<1x!tpu.dma_semaphore, #tpu.memory_space<semaphore_mem>> -> memref<!tpu.dma_semaphore, #tpu.memory_space<semaphore_mem>>
    tpu.wait_indirect_dma semaphore(%dma_wait3A_254 : memref<!tpu.dma_semaphore, #tpu.memory_space<semaphore_mem>>) src(%dma_wait3A_246 : memref<128x16xf32, #tpu.memory_space<vmem>>) dst(%dma_wait3A_252 : memref<10112x16xf32, #tpu.memory_space<vmem_shared>>)
    %barrier3A_255 = arith.constant 0 : index
    tpu.barrier barrier_id(%barrier3A_255)
    "tpu.region"() ({
      %run_scoped3A = tpu.sem_alloc : memref<!tpu.dma_semaphore, #tpu.memory_space<semaphore_mem>>
      %dma_start3A_256 = arith.constant 0 : i32
      %dma_start3A_257 = tpu.memref_slice %arg6[%arg0, %mul3A_2, %dma_start3A_256] : memref<2x10112x16xf32, #tpu.memory_space<hbm>> -> memref<1x632x16xf32, #tpu.memory_space<hbm>>
      %dma_start3A_258 = tpu.memref_squeeze %dma_start3A_257 : memref<1x632x16xf32, #tpu.memory_space<hbm>> -> memref<632x16xf32, #tpu.memory_space<hbm>>
      %dma_start3A_259 = arith.constant 0 : i32
      %dma_start3A_260 = tpu.memref_slice %arg17[%mul3A_2, %dma_start3A_259] : memref<10112x16xf32, #tpu.memory_space<vmem_shared>> -> memref<632x16xf32, #tpu.memory_space<vmem_shared>>
      tpu.enqueue_dma source(%dma_start3A_260 : memref<632x16xf32, #tpu.memory_space<vmem_shared>>) target(%dma_start3A_258 : memref<632x16xf32, #tpu.memory_space<hbm>>) target_semaphore(%run_scoped3A : memref<!tpu.dma_semaphore, #tpu.memory_space<semaphore_mem>>)
      %dma_wait3A_261 = arith.constant 0 : i32
      %dma_wait3A_262 = tpu.memref_slice %arg6[%arg0, %mul3A_2, %dma_wait3A_261] : memref<2x10112x16xf32, #tpu.memory_space<hbm>> -> memref<1x632x16xf32, #tpu.memory_space<hbm>>
      %dma_wait3A_263 = tpu.memref_squeeze %dma_wait3A_262 : memref<1x632x16xf32, #tpu.memory_space<hbm>> -> memref<632x16xf32, #tpu.memory_space<hbm>>
      %dma_wait3A_264 = arith.constant 0 : i32
      %dma_wait3A_265 = tpu.memref_slice %arg17[%mul3A_2, %dma_wait3A_264] : memref<10112x16xf32, #tpu.memory_space<vmem_shared>> -> memref<632x16xf32, #tpu.memory_space<vmem_shared>>
      tpu.wait_dma2 semaphore(%run_scoped3A : memref<!tpu.dma_semaphore, #tpu.memory_space<semaphore_mem>>) src(%dma_wait3A_265 : memref<632x16xf32, #tpu.memory_space<vmem_shared>>) dst(%dma_wait3A_263 : memref<632x16xf32, #tpu.memory_space<hbm>>)
      tpu.yield
    }) : () -> ()
    return
  }
}

#map = affine_map<(d0, d1) -> (0, 0, 0)>
module attributes {stable_mosaic.version = 14 : i64} {
  func.func @deg_kernel(%arg0: i32, %arg1: i32, %arg2: memref<32x157x128xi32, #tpu.memory_space<hbm>>, %arg3: memref<2x10112x16xf32, #tpu.memory_space<hbm>>, %arg4: memref<157x128xi32, #tpu.memory_space<vmem>>, %arg5: memref<128x16xf32, #tpu.memory_space<vmem>>, %arg6: memref<632x16xf32, #tpu.memory_space<vmem>>, %arg7: memref<10112x16xf32, #tpu.memory_space<vmem_shared>>, %arg8: memref<!tpu.dma_semaphore, #tpu.memory_space<semaphore_mem>>) attributes {dimension_semantics = [#tpu.dimension_semantics<core_parallel>, #tpu.dimension_semantics<subcore_parallel>], iteration_bounds = array<i64: 2, 16>, scalar_prefetch = 0 : i64, scratch_operands = 5 : i64, tpu.core_type = #tpu.core_type<sc_vector_subcore>, window_params = [{transform_indices = #map}, {transform_indices = #map}]} {
    %mul3A = arith.constant 16 : i32
    %mul3A_0 = arith.muli %arg0, %mul3A : i32
    %add3A = arith.addi %mul3A_0, %arg1 : i32
    %scan3A = arith.constant 0 : i32
    %scan3A_1 = arith.constant 0 : i32
    %scan3A_2 = arith.constant 632 : i32
    %scan3A_3 = arith.addi %scan3A_1, %scan3A_2 : i32
    %scan3A_4 = arith.constant 1 : i32
    %scan3A_5 = scf.for %scan3A_35 = %scan3A_1 to %scan3A_3 step %scan3A_4 iter_args(%scan3A_36 = %scan3A) -> (i32)  : i32 {
      %broadcast_in_dim3A = arith.constant 0.000000e+00 : f32
      %broadcast_in_dim3A_37 = vector.broadcast %broadcast_in_dim3A : f32 to vector<16xf32>
      %swap3A = arith.index_cast %scan3A_35 : i32 to index
      %swap3A_38 = arith.constant 0 : index
      %swap3A_39 = tpu.vector_load %arg6[%swap3A, %swap3A_38] {strides = array<i32>} : memref<632x16xf32, #tpu.memory_space<vmem>>, vector<16xf32>,
      tpu.vector_store %arg6[%swap3A, %swap3A_38], %broadcast_in_dim3A_37 {strides = array<i32>} : memref<632x16xf32, #tpu.memory_space<vmem>>, vector<16xf32>,
      %scan3A_40 = arith.constant 0 : i32
      scf.yield %scan3A_40 : i32
    }
    %scan3A_6 = arith.constant 632 : i32
    %mul3A_7 = arith.constant 632 : i32
    %mul3A_8 = arith.muli %arg1, %mul3A_7 : i32
    "tpu.region"() ({
      %run_scoped3A = tpu.sem_alloc : memref<!tpu.dma_semaphore, #tpu.memory_space<semaphore_mem>>
      %dma_start3A = arith.constant 0 : i32
      %dma_start3A_35 = tpu.memref_slice %arg7[%mul3A_8, %dma_start3A] : memref<10112x16xf32, #tpu.memory_space<vmem_shared>> -> memref<632x16xf32, #tpu.memory_space<vmem_shared>>
      %dma_start3A_36 = arith.constant 0 : i32
      %dma_start3A_37 = tpu.memref_slice %arg7[%mul3A_8, %dma_start3A_36] : memref<10112x16xf32, #tpu.memory_space<vmem_shared>> -> memref<632x16xf32, #tpu.memory_space<vmem_shared>>
      tpu.enqueue_dma source(%arg6 : memref<632x16xf32, #tpu.memory_space<vmem>>) target(%dma_start3A_37 : memref<632x16xf32, #tpu.memory_space<vmem_shared>>) target_semaphore(%run_scoped3A : memref<!tpu.dma_semaphore, #tpu.memory_space<semaphore_mem>>)
      %dma_wait3A = arith.constant 0 : i32
      %dma_wait3A_38 = tpu.memref_slice %arg7[%mul3A_8, %dma_wait3A] : memref<10112x16xf32, #tpu.memory_space<vmem_shared>> -> memref<632x16xf32, #tpu.memory_space<vmem_shared>>
      %dma_wait3A_39 = arith.constant 0 : i32
      %dma_wait3A_40 = tpu.memref_slice %arg7[%mul3A_8, %dma_wait3A_39] : memref<10112x16xf32, #tpu.memory_space<vmem_shared>> -> memref<632x16xf32, #tpu.memory_space<vmem_shared>>
      tpu.wait_dma2 semaphore(%run_scoped3A : memref<!tpu.dma_semaphore, #tpu.memory_space<semaphore_mem>>) src(%arg6 : memref<632x16xf32, #tpu.memory_space<vmem>>) dst(%dma_wait3A_40 : memref<632x16xf32, #tpu.memory_space<vmem_shared>>)
      tpu.yield
    }) : () -> ()
    %scan3A_9 = arith.constant 0 : i32
    %scan3A_10 = arith.constant 0 : i32
    %scan3A_11 = arith.constant 128 : i32
    %scan3A_12 = arith.addi %scan3A_10, %scan3A_11 : i32
    %scan3A_13 = arith.constant 1 : i32
    %scan3A_14 = scf.for %scan3A_35 = %scan3A_10 to %scan3A_12 step %scan3A_13 iter_args(%scan3A_36 = %scan3A_9) -> (i32)  : i32 {
      %broadcast_in_dim3A = arith.constant 1.000000e+00 : f32
      %broadcast_in_dim3A_37 = vector.broadcast %broadcast_in_dim3A : f32 to vector<16xf32>
      %swap3A = arith.index_cast %scan3A_35 : i32 to index
      %swap3A_38 = arith.constant 0 : index
      %swap3A_39 = tpu.vector_load %arg5[%swap3A, %swap3A_38] {strides = array<i32>} : memref<128x16xf32, #tpu.memory_space<vmem>>, vector<16xf32>,
      tpu.vector_store %arg5[%swap3A, %swap3A_38], %broadcast_in_dim3A_37 {strides = array<i32>} : memref<128x16xf32, #tpu.memory_space<vmem>>, vector<16xf32>,
      %scan3A_40 = arith.constant 0 : i32
      scf.yield %scan3A_40 : i32
    }
    %scan3A_15 = arith.constant 128 : i32
    "tpu.region"() ({
      %run_scoped3A = tpu.sem_alloc : memref<!tpu.dma_semaphore, #tpu.memory_space<semaphore_mem>>
      %dma_start3A = arith.constant 0 : i32
      %dma_start3A_35 = arith.constant 0 : i32
      %dma_start3A_36 = tpu.memref_slice %arg2[%add3A, %dma_start3A, %dma_start3A_35] : memref<32x157x128xi32, #tpu.memory_space<hbm>> -> memref<1x157x128xi32, #tpu.memory_space<hbm>>
      %dma_start3A_37 = tpu.memref_squeeze %dma_start3A_36 : memref<1x157x128xi32, #tpu.memory_space<hbm>> -> memref<157x128xi32, #tpu.memory_space<hbm>>
      %dma_start3A_38 = arith.constant 0 : i32
      %dma_start3A_39 = arith.constant 0 : i32
      %dma_start3A_40 = tpu.memref_slice %arg2[%add3A, %dma_start3A_38, %dma_start3A_39] : memref<32x157x128xi32, #tpu.memory_space<hbm>> -> memref<1x157x128xi32, #tpu.memory_space<hbm>>
      %dma_start3A_41 = tpu.memref_squeeze %dma_start3A_40 : memref<1x157x128xi32, #tpu.memory_space<hbm>> -> memref<157x128xi32, #tpu.memory_space<hbm>>
      tpu.enqueue_dma source(%dma_start3A_41 : memref<157x128xi32, #tpu.memory_space<hbm>>) target(%arg4 : memref<157x128xi32, #tpu.memory_space<vmem>>) target_semaphore(%run_scoped3A : memref<!tpu.dma_semaphore, #tpu.memory_space<semaphore_mem>>)
      %dma_wait3A = arith.constant 0 : i32
      %dma_wait3A_42 = arith.constant 0 : i32
      %dma_wait3A_43 = tpu.memref_slice %arg2[%add3A, %dma_wait3A, %dma_wait3A_42] : memref<32x157x128xi32, #tpu.memory_space<hbm>> -> memref<1x157x128xi32, #tpu.memory_space<hbm>>
      %dma_wait3A_44 = tpu.memref_squeeze %dma_wait3A_43 : memref<1x157x128xi32, #tpu.memory_space<hbm>> -> memref<157x128xi32, #tpu.memory_space<hbm>>
      %dma_wait3A_45 = arith.constant 0 : i32
      %dma_wait3A_46 = arith.constant 0 : i32
      %dma_wait3A_47 = tpu.memref_slice %arg2[%add3A, %dma_wait3A_45, %dma_wait3A_46] : memref<32x157x128xi32, #tpu.memory_space<hbm>> -> memref<1x157x128xi32, #tpu.memory_space<hbm>>
      %dma_wait3A_48 = tpu.memref_squeeze %dma_wait3A_47 : memref<1x157x128xi32, #tpu.memory_space<hbm>> -> memref<157x128xi32, #tpu.memory_space<hbm>>
      tpu.wait_dma2 semaphore(%run_scoped3A : memref<!tpu.dma_semaphore, #tpu.memory_space<semaphore_mem>>) src(%dma_wait3A_48 : memref<157x128xi32, #tpu.memory_space<hbm>>) dst(%arg4 : memref<157x128xi32, #tpu.memory_space<vmem>>)
      tpu.yield
    }) : () -> ()
    %barrier3A = arith.constant 0 : index
    tpu.barrier barrier_id(%barrier3A)
    %scan3A_16 = arith.constant 0 : i32
    %scan3A_17 = arith.constant 0 : i32
    %scan3A_18 = arith.constant 157 : i32
    %scan3A_19 = arith.addi %scan3A_17, %scan3A_18 : i32
    %scan3A_20 = arith.constant 1 : i32
    %scan3A_21 = scf.for %scan3A_35 = %scan3A_17 to %scan3A_19 step %scan3A_20 iter_args(%scan3A_36 = %scan3A_16) -> (i32)  : i32 {
      %dma_start3A = arith.constant 0 : i32
      %dma_start3A_37 = tpu.memref_slice %arg4[%scan3A_35, %dma_start3A] : memref<157x128xi32, #tpu.memory_space<vmem>> -> memref<1x128xi32, #tpu.memory_space<vmem>>
      %dma_start3A_38 = tpu.memref_squeeze %dma_start3A_37 : memref<1x128xi32, #tpu.memory_space<vmem>> -> memref<128xi32, #tpu.memory_space<vmem>>
      %dma_start3A_39 = arith.constant 0 : i32
      %dma_start3A_40 = arith.constant 0 : i32
      %dma_start3A_41 = tpu.memref_slice %arg7[%dma_start3A_39, %dma_start3A_40] : memref<10112x16xf32, #tpu.memory_space<vmem_shared>> -> memref<10112x16xf32, #tpu.memory_space<vmem_shared>>
      tpu.enqueue_indirect_dma source(%arg5 : memref<128x16xf32, #tpu.memory_space<vmem>>) target(%dma_start3A_41 : memref<10112x16xf32, #tpu.memory_space<vmem_shared>>) offsets(%dma_start3A_38 : memref<128xi32, #tpu.memory_space<vmem>>) semaphore(%arg8 : memref<!tpu.dma_semaphore, #tpu.memory_space<semaphore_mem>>) {add = true}
      %scan3A_42 = arith.constant 0 : i32
      scf.yield %scan3A_42 : i32
    }
    %scan3A_22 = arith.constant 157 : i32
    %scan3A_23 = arith.constant 0 : i32
    %scan3A_24 = arith.constant 0 : i32
    %scan3A_25 = arith.constant 157 : i32
    %scan3A_26 = arith.addi %scan3A_24, %scan3A_25 : i32
    %scan3A_27 = arith.constant 1 : i32
    %scan3A_28 = scf.for %scan3A_35 = %scan3A_24 to %scan3A_26 step %scan3A_27 iter_args(%scan3A_36 = %scan3A_23) -> (i32)  : i32 {
      %dma_wait3A = arith.constant 0 : i32
      %dma_wait3A_37 = tpu.memref_slice %arg4[%scan3A_35, %dma_wait3A] : memref<157x128xi32, #tpu.memory_space<vmem>> -> memref<1x128xi32, #tpu.memory_space<vmem>>
      %dma_wait3A_38 = tpu.memref_squeeze %dma_wait3A_37 : memref<1x128xi32, #tpu.memory_space<vmem>> -> memref<128xi32, #tpu.memory_space<vmem>>
      %dma_wait3A_39 = arith.constant 0 : i32
      %dma_wait3A_40 = arith.constant 0 : i32
      %dma_wait3A_41 = tpu.memref_slice %arg7[%dma_wait3A_39, %dma_wait3A_40] : memref<10112x16xf32, #tpu.memory_space<vmem_shared>> -> memref<10112x16xf32, #tpu.memory_space<vmem_shared>>
      tpu.wait_indirect_dma semaphore(%arg8 : memref<!tpu.dma_semaphore, #tpu.memory_space<semaphore_mem>>) src(%arg5 : memref<128x16xf32, #tpu.memory_space<vmem>>) dst(%dma_wait3A_41 : memref<10112x16xf32, #tpu.memory_space<vmem_shared>>)
      %scan3A_42 = arith.constant 0 : i32
      scf.yield %scan3A_42 : i32
    }
    %scan3A_29 = arith.constant 157 : i32
    %barrier3A_30 = arith.constant 0 : index
    tpu.barrier barrier_id(%barrier3A_30)
    %mul3A_31 = arith.constant 632 : i32
    %mul3A_32 = arith.muli %arg1, %mul3A_31 : i32
    %mul3A_33 = arith.constant 632 : i32
    %mul3A_34 = arith.muli %arg1, %mul3A_33 : i32
    "tpu.region"() ({
      %run_scoped3A = tpu.sem_alloc : memref<!tpu.dma_semaphore, #tpu.memory_space<semaphore_mem>>
      %dma_start3A = arith.constant 0 : i32
      %dma_start3A_35 = tpu.memref_slice %arg3[%arg0, %mul3A_34, %dma_start3A] : memref<2x10112x16xf32, #tpu.memory_space<hbm>> -> memref<1x632x16xf32, #tpu.memory_space<hbm>>
      %dma_start3A_36 = tpu.memref_squeeze %dma_start3A_35 : memref<1x632x16xf32, #tpu.memory_space<hbm>> -> memref<632x16xf32, #tpu.memory_space<hbm>>
      %dma_start3A_37 = arith.constant 0 : i32
      %dma_start3A_38 = tpu.memref_slice %arg7[%mul3A_32, %dma_start3A_37] : memref<10112x16xf32, #tpu.memory_space<vmem_shared>> -> memref<632x16xf32, #tpu.memory_space<vmem_shared>>
      tpu.enqueue_dma source(%dma_start3A_38 : memref<632x16xf32, #tpu.memory_space<vmem_shared>>) target(%dma_start3A_36 : memref<632x16xf32, #tpu.memory_space<hbm>>) target_semaphore(%run_scoped3A : memref<!tpu.dma_semaphore, #tpu.memory_space<semaphore_mem>>)
      %dma_wait3A = arith.constant 0 : i32
      %dma_wait3A_39 = tpu.memref_slice %arg3[%arg0, %mul3A_34, %dma_wait3A] : memref<2x10112x16xf32, #tpu.memory_space<hbm>> -> memref<1x632x16xf32, #tpu.memory_space<hbm>>
      %dma_wait3A_40 = tpu.memref_squeeze %dma_wait3A_39 : memref<1x632x16xf32, #tpu.memory_space<hbm>> -> memref<632x16xf32, #tpu.memory_space<hbm>>
      %dma_wait3A_41 = arith.constant 0 : i32
      %dma_wait3A_42 = tpu.memref_slice %arg7[%mul3A_32, %dma_wait3A_41] : memref<10112x16xf32, #tpu.memory_space<vmem_shared>> -> memref<632x16xf32, #tpu.memory_space<vmem_shared>>
      tpu.wait_dma2 semaphore(%run_scoped3A : memref<!tpu.dma_semaphore, #tpu.memory_space<semaphore_mem>>) src(%dma_wait3A_42 : memref<632x16xf32, #tpu.memory_space<vmem_shared>>) dst(%dma_wait3A_40 : memref<632x16xf32, #tpu.memory_space<hbm>>)
      tpu.yield
    }) : () -> ()
    return
  }
}

#map = affine_map<(d0, d1) -> (0, 0)>
#map1 = affine_map<(d0, d1) -> (0, 0, 0)>
module attributes {stable_mosaic.version = 14 : i64} {
  func.func @agg2_kernel(%arg0: i32, %arg1: i32, %arg2: memref<10112x16xf32, #tpu.memory_space<hbm>>, %arg3: memref<2x10112x16xf32, #tpu.memory_space<hbm>>, %arg4: memref<10112x16xf32, #tpu.memory_space<hbm>>, %arg5: memref<1x16xf32, #tpu.memory_space<hbm>>, %arg6: memref<32x157x128xi32, #tpu.memory_space<hbm>>, %arg7: memref<32x157x128xi32, #tpu.memory_space<hbm>>, %arg8: memref<2x10112x16xf32, #tpu.memory_space<hbm>>, %arg9: memref<10112x16xf32, #tpu.memory_space<hbm>>, %arg10: memref<157x128xi32, #tpu.memory_space<vmem>>, %arg11: memref<157x128xi32, #tpu.memory_space<vmem>>, %arg12: memref<8x128x16xf32, #tpu.memory_space<vmem>>, %arg13: memref<632x16xf32, #tpu.memory_space<vmem>>, %arg14: memref<632x16xf32, #tpu.memory_space<vmem>>, %arg15: memref<632x16xf32, #tpu.memory_space<vmem>>, %arg16: memref<632x16xf32, #tpu.memory_space<vmem>>, %arg17: memref<632x16xf32, #tpu.memory_space<vmem>>, %arg18: memref<10112x16xf32, #tpu.memory_space<vmem_shared>>, %arg19: memref<10112x16xf32, #tpu.memory_space<vmem_shared>>, %arg20: memref<8x!tpu.dma_semaphore, #tpu.memory_space<semaphore_mem>>, %arg21: memref<8x!tpu.dma_semaphore, #tpu.memory_space<semaphore_mem>>) attributes {dimension_semantics = [#tpu.dimension_semantics<core_parallel>, #tpu.dimension_semantics<subcore_parallel>], iteration_bounds = array<i64: 2, 16>, scalar_prefetch = 0 : i64, scratch_operands = 12 : i64, tpu.core_type = #tpu.core_type<sc_vector_subcore>, window_params = [{transform_indices = #map}, {transform_indices = #map1}, {transform_indices = #map}, {transform_indices = #map}, {transform_indices = #map1}, {transform_indices = #map1}, {transform_indices = #map1}, {transform_indices = #map}]} {
    %mul3A = arith.constant 16 : i32
    %mul3A_0 = arith.muli %arg0, %mul3A : i32
    %add3A = arith.addi %mul3A_0, %arg1 : i32
    %mul3A_1 = arith.constant 632 : i32
    %mul3A_2 = arith.muli %arg1, %mul3A_1 : i32
    %scan3A = arith.constant 0 : i32
    %scan3A_3 = arith.constant 0 : i32
    %scan3A_4 = arith.constant 632 : i32
    %scan3A_5 = arith.addi %scan3A_3, %scan3A_4 : i32
    %scan3A_6 = arith.constant 1 : i32
    %scan3A_7 = scf.for %scan3A_273 = %scan3A_3 to %scan3A_5 step %scan3A_6 iter_args(%scan3A_274 = %scan3A) -> (i32)  : i32 {
      %broadcast_in_dim3A = arith.constant 0.000000e+00 : f32
      %broadcast_in_dim3A_275 = vector.broadcast %broadcast_in_dim3A : f32 to vector<16xf32>
      %swap3A = arith.index_cast %scan3A_273 : i32 to index
      %swap3A_276 = arith.constant 0 : index
      %swap3A_277 = tpu.vector_load %arg17[%swap3A, %swap3A_276] {strides = array<i32>} : memref<632x16xf32, #tpu.memory_space<vmem>>, vector<16xf32>,
      tpu.vector_store %arg17[%swap3A, %swap3A_276], %broadcast_in_dim3A_275 {strides = array<i32>} : memref<632x16xf32, #tpu.memory_space<vmem>>, vector<16xf32>,
      %scan3A_278 = arith.constant 0 : i32
      scf.yield %scan3A_278 : i32
    }
    %scan3A_8 = arith.constant 632 : i32
    %dma_start3A = arith.constant 0 : i32
    %dma_start3A_9 = arith.constant 0 : i32
    %dma_start3A_10 = tpu.memref_slice %arg19[%mul3A_2, %dma_start3A_9] : memref<10112x16xf32, #tpu.memory_space<vmem_shared>> -> memref<632x16xf32, #tpu.memory_space<vmem_shared>>
    %dma_start3A_11 = tpu.memref_slice %arg21[%dma_start3A] : memref<8x!tpu.dma_semaphore, #tpu.memory_space<semaphore_mem>> -> memref<1x!tpu.dma_semaphore, #tpu.memory_space<semaphore_mem>>
    %dma_start3A_12 = tpu.memref_squeeze %dma_start3A_11 : memref<1x!tpu.dma_semaphore, #tpu.memory_space<semaphore_mem>> -> memref<!tpu.dma_semaphore, #tpu.memory_space<semaphore_mem>>
    %dma_start3A_13 = arith.constant 0 : i32
    %dma_start3A_14 = tpu.memref_slice %arg19[%mul3A_2, %dma_start3A_13] : memref<10112x16xf32, #tpu.memory_space<vmem_shared>> -> memref<632x16xf32, #tpu.memory_space<vmem_shared>>
    tpu.enqueue_dma source(%arg17 : memref<632x16xf32, #tpu.memory_space<vmem>>) target(%dma_start3A_14 : memref<632x16xf32, #tpu.memory_space<vmem_shared>>) target_semaphore(%dma_start3A_12 : memref<!tpu.dma_semaphore, #tpu.memory_space<semaphore_mem>>)
    %dma_start3A_15 = arith.constant 0 : i32
    %dma_start3A_16 = arith.constant 0 : i32
    %dma_start3A_17 = tpu.memref_slice %arg2[%mul3A_2, %dma_start3A_16] : memref<10112x16xf32, #tpu.memory_space<hbm>> -> memref<632x16xf32, #tpu.memory_space<hbm>>
    %dma_start3A_18 = tpu.memref_slice %arg20[%dma_start3A_15] : memref<8x!tpu.dma_semaphore, #tpu.memory_space<semaphore_mem>> -> memref<1x!tpu.dma_semaphore, #tpu.memory_space<semaphore_mem>>
    %dma_start3A_19 = tpu.memref_squeeze %dma_start3A_18 : memref<1x!tpu.dma_semaphore, #tpu.memory_space<semaphore_mem>> -> memref<!tpu.dma_semaphore, #tpu.memory_space<semaphore_mem>>
    %dma_start3A_20 = arith.constant 0 : i32
    %dma_start3A_21 = tpu.memref_slice %arg2[%mul3A_2, %dma_start3A_20] : memref<10112x16xf32, #tpu.memory_space<hbm>> -> memref<632x16xf32, #tpu.memory_space<hbm>>
    tpu.enqueue_dma source(%dma_start3A_21 : memref<632x16xf32, #tpu.memory_space<hbm>>) target(%arg13 : memref<632x16xf32, #tpu.memory_space<vmem>>) target_semaphore(%dma_start3A_19 : memref<!tpu.dma_semaphore, #tpu.memory_space<semaphore_mem>>)
    %dma_start3A_22 = arith.constant 0 : i32
    %dma_start3A_23 = arith.constant 1 : i32
    %dma_start3A_24 = arith.constant 0 : i32
    %dma_start3A_25 = tpu.memref_slice %arg3[%dma_start3A_22, %mul3A_2, %dma_start3A_24] : memref<2x10112x16xf32, #tpu.memory_space<hbm>> -> memref<1x632x16xf32, #tpu.memory_space<hbm>>
    %dma_start3A_26 = tpu.memref_squeeze %dma_start3A_25 : memref<1x632x16xf32, #tpu.memory_space<hbm>> -> memref<632x16xf32, #tpu.memory_space<hbm>>
    %dma_start3A_27 = tpu.memref_slice %arg20[%dma_start3A_23] : memref<8x!tpu.dma_semaphore, #tpu.memory_space<semaphore_mem>> -> memref<1x!tpu.dma_semaphore, #tpu.memory_space<semaphore_mem>>
    %dma_start3A_28 = tpu.memref_squeeze %dma_start3A_27 : memref<1x!tpu.dma_semaphore, #tpu.memory_space<semaphore_mem>> -> memref<!tpu.dma_semaphore, #tpu.memory_space<semaphore_mem>>
    %dma_start3A_29 = arith.constant 0 : i32
    %dma_start3A_30 = tpu.memref_slice %arg3[%dma_start3A_22, %mul3A_2, %dma_start3A_29] : memref<2x10112x16xf32, #tpu.memory_space<hbm>> -> memref<1x632x16xf32, #tpu.memory_space<hbm>>
    %dma_start3A_31 = tpu.memref_squeeze %dma_start3A_30 : memref<1x632x16xf32, #tpu.memory_space<hbm>> -> memref<632x16xf32, #tpu.memory_space<hbm>>
    tpu.enqueue_dma source(%dma_start3A_31 : memref<632x16xf32, #tpu.memory_space<hbm>>) target(%arg14 : memref<632x16xf32, #tpu.memory_space<vmem>>) target_semaphore(%dma_start3A_28 : memref<!tpu.dma_semaphore, #tpu.memory_space<semaphore_mem>>)
    %dma_start3A_32 = arith.constant 1 : i32
    %dma_start3A_33 = arith.constant 2 : i32
    %dma_start3A_34 = arith.constant 0 : i32
    %dma_start3A_35 = tpu.memref_slice %arg3[%dma_start3A_32, %mul3A_2, %dma_start3A_34] : memref<2x10112x16xf32, #tpu.memory_space<hbm>> -> memref<1x632x16xf32, #tpu.memory_space<hbm>>
    %dma_start3A_36 = tpu.memref_squeeze %dma_start3A_35 : memref<1x632x16xf32, #tpu.memory_space<hbm>> -> memref<632x16xf32, #tpu.memory_space<hbm>>
    %dma_start3A_37 = tpu.memref_slice %arg20[%dma_start3A_33] : memref<8x!tpu.dma_semaphore, #tpu.memory_space<semaphore_mem>> -> memref<1x!tpu.dma_semaphore, #tpu.memory_space<semaphore_mem>>
    %dma_start3A_38 = tpu.memref_squeeze %dma_start3A_37 : memref<1x!tpu.dma_semaphore, #tpu.memory_space<semaphore_mem>> -> memref<!tpu.dma_semaphore, #tpu.memory_space<semaphore_mem>>
    %dma_start3A_39 = arith.constant 0 : i32
    %dma_start3A_40 = tpu.memref_slice %arg3[%dma_start3A_32, %mul3A_2, %dma_start3A_39] : memref<2x10112x16xf32, #tpu.memory_space<hbm>> -> memref<1x632x16xf32, #tpu.memory_space<hbm>>
    %dma_start3A_41 = tpu.memref_squeeze %dma_start3A_40 : memref<1x632x16xf32, #tpu.memory_space<hbm>> -> memref<632x16xf32, #tpu.memory_space<hbm>>
    tpu.enqueue_dma source(%dma_start3A_41 : memref<632x16xf32, #tpu.memory_space<hbm>>) target(%arg15 : memref<632x16xf32, #tpu.memory_space<vmem>>) target_semaphore(%dma_start3A_38 : memref<!tpu.dma_semaphore, #tpu.memory_space<semaphore_mem>>)
    %dma_start3A_42 = arith.constant 3 : i32
    %dma_start3A_43 = arith.constant 0 : i32
    %dma_start3A_44 = tpu.memref_slice %arg4[%mul3A_2, %dma_start3A_43] : memref<10112x16xf32, #tpu.memory_space<hbm>> -> memref<632x16xf32, #tpu.memory_space<hbm>>
    %dma_start3A_45 = tpu.memref_slice %arg20[%dma_start3A_42] : memref<8x!tpu.dma_semaphore, #tpu.memory_space<semaphore_mem>> -> memref<1x!tpu.dma_semaphore, #tpu.memory_space<semaphore_mem>>
    %dma_start3A_46 = tpu.memref_squeeze %dma_start3A_45 : memref<1x!tpu.dma_semaphore, #tpu.memory_space<semaphore_mem>> -> memref<!tpu.dma_semaphore, #tpu.memory_space<semaphore_mem>>
    %dma_start3A_47 = arith.constant 0 : i32
    %dma_start3A_48 = tpu.memref_slice %arg4[%mul3A_2, %dma_start3A_47] : memref<10112x16xf32, #tpu.memory_space<hbm>> -> memref<632x16xf32, #tpu.memory_space<hbm>>
    tpu.enqueue_dma source(%dma_start3A_48 : memref<632x16xf32, #tpu.memory_space<hbm>>) target(%arg16 : memref<632x16xf32, #tpu.memory_space<vmem>>) target_semaphore(%dma_start3A_46 : memref<!tpu.dma_semaphore, #tpu.memory_space<semaphore_mem>>)
    %dma_start3A_49 = arith.constant 1 : i32
    %dma_start3A_50 = arith.constant 0 : i32
    %dma_start3A_51 = arith.constant 0 : i32
    %dma_start3A_52 = tpu.memref_slice %arg6[%add3A, %dma_start3A_50, %dma_start3A_51] : memref<32x157x128xi32, #tpu.memory_space<hbm>> -> memref<1x157x128xi32, #tpu.memory_space<hbm>>
    %dma_start3A_53 = tpu.memref_squeeze %dma_start3A_52 : memref<1x157x128xi32, #tpu.memory_space<hbm>> -> memref<157x128xi32, #tpu.memory_space<hbm>>
    %dma_start3A_54 = tpu.memref_slice %arg21[%dma_start3A_49] : memref<8x!tpu.dma_semaphore, #tpu.memory_space<semaphore_mem>> -> memref<1x!tpu.dma_semaphore, #tpu.memory_space<semaphore_mem>>
    %dma_start3A_55 = tpu.memref_squeeze %dma_start3A_54 : memref<1x!tpu.dma_semaphore, #tpu.memory_space<semaphore_mem>> -> memref<!tpu.dma_semaphore, #tpu.memory_space<semaphore_mem>>
    %dma_start3A_56 = arith.constant 0 : i32
    %dma_start3A_57 = arith.constant 0 : i32
    %dma_start3A_58 = tpu.memref_slice %arg6[%add3A, %dma_start3A_56, %dma_start3A_57] : memref<32x157x128xi32, #tpu.memory_space<hbm>> -> memref<1x157x128xi32, #tpu.memory_space<hbm>>
    %dma_start3A_59 = tpu.memref_squeeze %dma_start3A_58 : memref<1x157x128xi32, #tpu.memory_space<hbm>> -> memref<157x128xi32, #tpu.memory_space<hbm>>
    tpu.enqueue_dma source(%dma_start3A_59 : memref<157x128xi32, #tpu.memory_space<hbm>>) target(%arg10 : memref<157x128xi32, #tpu.memory_space<vmem>>) target_semaphore(%dma_start3A_55 : memref<!tpu.dma_semaphore, #tpu.memory_space<semaphore_mem>>)
    %dma_start3A_60 = arith.constant 2 : i32
    %dma_start3A_61 = arith.constant 0 : i32
    %dma_start3A_62 = arith.constant 0 : i32
    %dma_start3A_63 = tpu.memref_slice %arg7[%add3A, %dma_start3A_61, %dma_start3A_62] : memref<32x157x128xi32, #tpu.memory_space<hbm>> -> memref<1x157x128xi32, #tpu.memory_space<hbm>>
    %dma_start3A_64 = tpu.memref_squeeze %dma_start3A_63 : memref<1x157x128xi32, #tpu.memory_space<hbm>> -> memref<157x128xi32, #tpu.memory_space<hbm>>
    %dma_start3A_65 = tpu.memref_slice %arg21[%dma_start3A_60] : memref<8x!tpu.dma_semaphore, #tpu.memory_space<semaphore_mem>> -> memref<1x!tpu.dma_semaphore, #tpu.memory_space<semaphore_mem>>
    %dma_start3A_66 = tpu.memref_squeeze %dma_start3A_65 : memref<1x!tpu.dma_semaphore, #tpu.memory_space<semaphore_mem>> -> memref<!tpu.dma_semaphore, #tpu.memory_space<semaphore_mem>>
    %dma_start3A_67 = arith.constant 0 : i32
    %dma_start3A_68 = arith.constant 0 : i32
    %dma_start3A_69 = tpu.memref_slice %arg7[%add3A, %dma_start3A_67, %dma_start3A_68] : memref<32x157x128xi32, #tpu.memory_space<hbm>> -> memref<1x157x128xi32, #tpu.memory_space<hbm>>
    %dma_start3A_70 = tpu.memref_squeeze %dma_start3A_69 : memref<1x157x128xi32, #tpu.memory_space<hbm>> -> memref<157x128xi32, #tpu.memory_space<hbm>>
    tpu.enqueue_dma source(%dma_start3A_70 : memref<157x128xi32, #tpu.memory_space<hbm>>) target(%arg11 : memref<157x128xi32, #tpu.memory_space<vmem>>) target_semaphore(%dma_start3A_66 : memref<!tpu.dma_semaphore, #tpu.memory_space<semaphore_mem>>)
    "tpu.region"() ({
      %run_scoped3A = tpu.sem_alloc : memref<!tpu.dma_semaphore, #tpu.memory_space<semaphore_mem>>
      %dma_start3A_273 = arith.constant 0 : i32
      %dma_start3A_274 = arith.constant 0 : i32
      %dma_start3A_275 = tpu.memref_slice %arg17[%dma_start3A_273, %dma_start3A_274] : memref<632x16xf32, #tpu.memory_space<vmem>> -> memref<1x16xf32, #tpu.memory_space<vmem>>
      %dma_start3A_276 = arith.constant 0 : i32
      %dma_start3A_277 = arith.constant 0 : i32
      %dma_start3A_278 = tpu.memref_slice %arg17[%dma_start3A_276, %dma_start3A_277] : memref<632x16xf32, #tpu.memory_space<vmem>> -> memref<1x16xf32, #tpu.memory_space<vmem>>
      tpu.enqueue_dma source(%arg5 : memref<1x16xf32, #tpu.memory_space<hbm>>) target(%dma_start3A_278 : memref<1x16xf32, #tpu.memory_space<vmem>>) target_semaphore(%run_scoped3A : memref<!tpu.dma_semaphore, #tpu.memory_space<semaphore_mem>>)
      %dma_wait3A_279 = arith.constant 0 : i32
      %dma_wait3A_280 = arith.constant 0 : i32
      %dma_wait3A_281 = tpu.memref_slice %arg17[%dma_wait3A_279, %dma_wait3A_280] : memref<632x16xf32, #tpu.memory_space<vmem>> -> memref<1x16xf32, #tpu.memory_space<vmem>>
      %dma_wait3A_282 = arith.constant 0 : i32
      %dma_wait3A_283 = arith.constant 0 : i32
      %dma_wait3A_284 = tpu.memref_slice %arg17[%dma_wait3A_282, %dma_wait3A_283] : memref<632x16xf32, #tpu.memory_space<vmem>> -> memref<1x16xf32, #tpu.memory_space<vmem>>
      tpu.wait_dma2 semaphore(%run_scoped3A : memref<!tpu.dma_semaphore, #tpu.memory_space<semaphore_mem>>) src(%arg5 : memref<1x16xf32, #tpu.memory_space<hbm>>) dst(%dma_wait3A_284 : memref<1x16xf32, #tpu.memory_space<vmem>>)
      tpu.yield
    }) : () -> ()
    %get3A = arith.constant 0 : i32
    %get3A_71 = arith.index_cast %get3A : i32 to index
    %get3A_72 = arith.constant 0 : index
    %get3A_73 = tpu.vector_load %arg17[%get3A_71, %get3A_72] {strides = array<i32>} : memref<632x16xf32, #tpu.memory_space<vmem>>, vector<16xf32>,
    %dma_wait3A = arith.constant 0 : i32
    %dma_wait3A_74 = arith.constant 0 : i32
    %dma_wait3A_75 = tpu.memref_slice %arg2[%mul3A_2, %dma_wait3A_74] : memref<10112x16xf32, #tpu.memory_space<hbm>> -> memref<632x16xf32, #tpu.memory_space<hbm>>
    %dma_wait3A_76 = tpu.memref_slice %arg20[%dma_wait3A] : memref<8x!tpu.dma_semaphore, #tpu.memory_space<semaphore_mem>> -> memref<1x!tpu.dma_semaphore, #tpu.memory_space<semaphore_mem>>
    %dma_wait3A_77 = tpu.memref_squeeze %dma_wait3A_76 : memref<1x!tpu.dma_semaphore, #tpu.memory_space<semaphore_mem>> -> memref<!tpu.dma_semaphore, #tpu.memory_space<semaphore_mem>>
    %dma_wait3A_78 = arith.constant 0 : i32
    %dma_wait3A_79 = tpu.memref_slice %arg2[%mul3A_2, %dma_wait3A_78] : memref<10112x16xf32, #tpu.memory_space<hbm>> -> memref<632x16xf32, #tpu.memory_space<hbm>>
    tpu.wait_dma2 semaphore(%dma_wait3A_77 : memref<!tpu.dma_semaphore, #tpu.memory_space<semaphore_mem>>) src(%dma_wait3A_79 : memref<632x16xf32, #tpu.memory_space<hbm>>) dst(%arg13 : memref<632x16xf32, #tpu.memory_space<vmem>>)
    %dma_wait3A_80 = arith.constant 0 : i32
    %dma_wait3A_81 = arith.constant 1 : i32
    %dma_wait3A_82 = arith.constant 0 : i32
    %dma_wait3A_83 = tpu.memref_slice %arg3[%dma_wait3A_80, %mul3A_2, %dma_wait3A_82] : memref<2x10112x16xf32, #tpu.memory_space<hbm>> -> memref<1x632x16xf32, #tpu.memory_space<hbm>>
    %dma_wait3A_84 = tpu.memref_squeeze %dma_wait3A_83 : memref<1x632x16xf32, #tpu.memory_space<hbm>> -> memref<632x16xf32, #tpu.memory_space<hbm>>
    %dma_wait3A_85 = tpu.memref_slice %arg20[%dma_wait3A_81] : memref<8x!tpu.dma_semaphore, #tpu.memory_space<semaphore_mem>> -> memref<1x!tpu.dma_semaphore, #tpu.memory_space<semaphore_mem>>
    %dma_wait3A_86 = tpu.memref_squeeze %dma_wait3A_85 : memref<1x!tpu.dma_semaphore, #tpu.memory_space<semaphore_mem>> -> memref<!tpu.dma_semaphore, #tpu.memory_space<semaphore_mem>>
    %dma_wait3A_87 = arith.constant 0 : i32
    %dma_wait3A_88 = tpu.memref_slice %arg3[%dma_wait3A_80, %mul3A_2, %dma_wait3A_87] : memref<2x10112x16xf32, #tpu.memory_space<hbm>> -> memref<1x632x16xf32, #tpu.memory_space<hbm>>
    %dma_wait3A_89 = tpu.memref_squeeze %dma_wait3A_88 : memref<1x632x16xf32, #tpu.memory_space<hbm>> -> memref<632x16xf32, #tpu.memory_space<hbm>>
    tpu.wait_dma2 semaphore(%dma_wait3A_86 : memref<!tpu.dma_semaphore, #tpu.memory_space<semaphore_mem>>) src(%dma_wait3A_89 : memref<632x16xf32, #tpu.memory_space<hbm>>) dst(%arg14 : memref<632x16xf32, #tpu.memory_space<vmem>>)
    %dma_wait3A_90 = arith.constant 1 : i32
    %dma_wait3A_91 = arith.constant 2 : i32
    %dma_wait3A_92 = arith.constant 0 : i32
    %dma_wait3A_93 = tpu.memref_slice %arg3[%dma_wait3A_90, %mul3A_2, %dma_wait3A_92] : memref<2x10112x16xf32, #tpu.memory_space<hbm>> -> memref<1x632x16xf32, #tpu.memory_space<hbm>>
    %dma_wait3A_94 = tpu.memref_squeeze %dma_wait3A_93 : memref<1x632x16xf32, #tpu.memory_space<hbm>> -> memref<632x16xf32, #tpu.memory_space<hbm>>
    %dma_wait3A_95 = tpu.memref_slice %arg20[%dma_wait3A_91] : memref<8x!tpu.dma_semaphore, #tpu.memory_space<semaphore_mem>> -> memref<1x!tpu.dma_semaphore, #tpu.memory_space<semaphore_mem>>
    %dma_wait3A_96 = tpu.memref_squeeze %dma_wait3A_95 : memref<1x!tpu.dma_semaphore, #tpu.memory_space<semaphore_mem>> -> memref<!tpu.dma_semaphore, #tpu.memory_space<semaphore_mem>>
    %dma_wait3A_97 = arith.constant 0 : i32
    %dma_wait3A_98 = tpu.memref_slice %arg3[%dma_wait3A_90, %mul3A_2, %dma_wait3A_97] : memref<2x10112x16xf32, #tpu.memory_space<hbm>> -> memref<1x632x16xf32, #tpu.memory_space<hbm>>
    %dma_wait3A_99 = tpu.memref_squeeze %dma_wait3A_98 : memref<1x632x16xf32, #tpu.memory_space<hbm>> -> memref<632x16xf32, #tpu.memory_space<hbm>>
    tpu.wait_dma2 semaphore(%dma_wait3A_96 : memref<!tpu.dma_semaphore, #tpu.memory_space<semaphore_mem>>) src(%dma_wait3A_99 : memref<632x16xf32, #tpu.memory_space<hbm>>) dst(%arg15 : memref<632x16xf32, #tpu.memory_space<vmem>>)
    %dma_wait3A_100 = arith.constant 3 : i32
    %dma_wait3A_101 = arith.constant 0 : i32
    %dma_wait3A_102 = tpu.memref_slice %arg4[%mul3A_2, %dma_wait3A_101] : memref<10112x16xf32, #tpu.memory_space<hbm>> -> memref<632x16xf32, #tpu.memory_space<hbm>>
    %dma_wait3A_103 = tpu.memref_slice %arg20[%dma_wait3A_100] : memref<8x!tpu.dma_semaphore, #tpu.memory_space<semaphore_mem>> -> memref<1x!tpu.dma_semaphore, #tpu.memory_space<semaphore_mem>>
    %dma_wait3A_104 = tpu.memref_squeeze %dma_wait3A_103 : memref<1x!tpu.dma_semaphore, #tpu.memory_space<semaphore_mem>> -> memref<!tpu.dma_semaphore, #tpu.memory_space<semaphore_mem>>
    %dma_wait3A_105 = arith.constant 0 : i32
    %dma_wait3A_106 = tpu.memref_slice %arg4[%mul3A_2, %dma_wait3A_105] : memref<10112x16xf32, #tpu.memory_space<hbm>> -> memref<632x16xf32, #tpu.memory_space<hbm>>
    tpu.wait_dma2 semaphore(%dma_wait3A_104 : memref<!tpu.dma_semaphore, #tpu.memory_space<semaphore_mem>>) src(%dma_wait3A_106 : memref<632x16xf32, #tpu.memory_space<hbm>>) dst(%arg16 : memref<632x16xf32, #tpu.memory_space<vmem>>)
    %scan3A_107 = arith.constant 0 : i32
    %scan3A_108 = arith.constant 0 : i32
    %scan3A_109 = arith.constant 158 : i32
    %scan3A_110 = arith.addi %scan3A_108, %scan3A_109 : i32
    %scan3A_111 = arith.constant 1 : i32
    %scan3A_112 = scf.for %scan3A_273 = %scan3A_108 to %scan3A_110 step %scan3A_111 iter_args(%scan3A_274 = %scan3A_107) -> (i32)  : i32 {
      %mul3A_275 = arith.constant 4 : i32
      %mul3A_276 = arith.muli %scan3A_273, %mul3A_275 : i32
      %add3A_277 = arith.constant 0 : i32
      %add3A_278 = arith.addi %mul3A_276, %add3A_277 : i32
      %get3A_279 = arith.index_cast %add3A_278 : i32 to index
      %get3A_280 = arith.constant 0 : index
      %get3A_281 = tpu.vector_load %arg16[%get3A_279, %get3A_280] {strides = array<i32>} : memref<632x16xf32, #tpu.memory_space<vmem>>, vector<16xf32>,
      %get3A_282 = arith.index_cast %add3A_278 : i32 to index
      %get3A_283 = arith.constant 0 : index
      %get3A_284 = tpu.vector_load %arg14[%get3A_282, %get3A_283] {strides = array<i32>} : memref<632x16xf32, #tpu.memory_space<vmem>>, vector<16xf32>,
      %get3A_285 = arith.index_cast %add3A_278 : i32 to index
      %get3A_286 = arith.constant 0 : index
      %get3A_287 = tpu.vector_load %arg15[%get3A_285, %get3A_286] {strides = array<i32>} : memref<632x16xf32, #tpu.memory_space<vmem>>, vector<16xf32>,
      %add3A_288 = arith.addf %get3A_284, %get3A_287 : vector<16xf32>
      %get3A_289 = arith.index_cast %add3A_278 : i32 to index
      %get3A_290 = arith.constant 0 : index
      %get3A_291 = tpu.vector_load %arg13[%get3A_289, %get3A_290] {strides = array<i32>} : memref<632x16xf32, #tpu.memory_space<vmem>>, vector<16xf32>,
      %add3A_292 = arith.addf %add3A_288, %get3A_291 : vector<16xf32>
      %mul3A_293 = arith.mulf %get3A_281, %add3A_292 : vector<16xf32>
      %add3A_294 = arith.addf %mul3A_293, %get3A_73 : vector<16xf32>
      %max3A = arith.constant 0.000000e+00 : f32
      %max3A_295 = vector.broadcast %max3A : f32 to vector<16xf32>
      %max3A_296 = arith.maximumf %add3A_294, %max3A_295 : vector<16xf32>
      %mul3A_297 = arith.mulf %get3A_281, %max3A_296 : vector<16xf32>
      %swap3A = arith.index_cast %add3A_278 : i32 to index
      %swap3A_298 = arith.constant 0 : index
      %swap3A_299 = tpu.vector_load %arg15[%swap3A, %swap3A_298] {strides = array<i32>} : memref<632x16xf32, #tpu.memory_space<vmem>>, vector<16xf32>,
      tpu.vector_store %arg15[%swap3A, %swap3A_298], %mul3A_297 {strides = array<i32>} : memref<632x16xf32, #tpu.memory_space<vmem>>, vector<16xf32>,
      %mul3A_300 = arith.constant 4 : i32
      %mul3A_301 = arith.muli %scan3A_273, %mul3A_300 : i32
      %add3A_302 = arith.constant 1 : i32
      %add3A_303 = arith.addi %mul3A_301, %add3A_302 : i32
      %get3A_304 = arith.index_cast %add3A_303 : i32 to index
      %get3A_305 = arith.constant 0 : index
      %get3A_306 = tpu.vector_load %arg16[%get3A_304, %get3A_305] {strides = array<i32>} : memref<632x16xf32, #tpu.memory_space<vmem>>, vector<16xf32>,
      %get3A_307 = arith.index_cast %add3A_303 : i32 to index
      %get3A_308 = arith.constant 0 : index
      %get3A_309 = tpu.vector_load %arg14[%get3A_307, %get3A_308] {strides = array<i32>} : memref<632x16xf32, #tpu.memory_space<vmem>>, vector<16xf32>,
      %get3A_310 = arith.index_cast %add3A_303 : i32 to index
      %get3A_311 = arith.constant 0 : index
      %get3A_312 = tpu.vector_load %arg15[%get3A_310, %get3A_311] {strides = array<i32>} : memref<632x16xf32, #tpu.memory_space<vmem>>, vector<16xf32>,
      %add3A_313 = arith.addf %get3A_309, %get3A_312 : vector<16xf32>
      %get3A_314 = arith.index_cast %add3A_303 : i32 to index
      %get3A_315 = arith.constant 0 : index
      %get3A_316 = tpu.vector_load %arg13[%get3A_314, %get3A_315] {strides = array<i32>} : memref<632x16xf32, #tpu.memory_space<vmem>>, vector<16xf32>,
      %add3A_317 = arith.addf %add3A_313, %get3A_316 : vector<16xf32>
      %mul3A_318 = arith.mulf %get3A_306, %add3A_317 : vector<16xf32>
      %add3A_319 = arith.addf %mul3A_318, %get3A_73 : vector<16xf32>
      %max3A_320 = arith.constant 0.000000e+00 : f32
      %max3A_321 = vector.broadcast %max3A_320 : f32 to vector<16xf32>
      %max3A_322 = arith.maximumf %add3A_319, %max3A_321 : vector<16xf32>
      %mul3A_323 = arith.mulf %get3A_306, %max3A_322 : vector<16xf32>
      %swap3A_324 = arith.index_cast %add3A_303 : i32 to index
      %swap3A_325 = arith.constant 0 : index
      %swap3A_326 = tpu.vector_load %arg15[%swap3A_324, %swap3A_325] {strides = array<i32>} : memref<632x16xf32, #tpu.memory_space<vmem>>, vector<16xf32>,
      tpu.vector_store %arg15[%swap3A_324, %swap3A_325], %mul3A_323 {strides = array<i32>} : memref<632x16xf32, #tpu.memory_space<vmem>>, vector<16xf32>,
      %mul3A_327 = arith.constant 4 : i32
      %mul3A_328 = arith.muli %scan3A_273, %mul3A_327 : i32
      %add3A_329 = arith.constant 2 : i32
      %add3A_330 = arith.addi %mul3A_328, %add3A_329 : i32
      %get3A_331 = arith.index_cast %add3A_330 : i32 to index
      %get3A_332 = arith.constant 0 : index
      %get3A_333 = tpu.vector_load %arg16[%get3A_331, %get3A_332] {strides = array<i32>} : memref<632x16xf32, #tpu.memory_space<vmem>>, vector<16xf32>,
      %get3A_334 = arith.index_cast %add3A_330 : i32 to index
      %get3A_335 = arith.constant 0 : index
      %get3A_336 = tpu.vector_load %arg14[%get3A_334, %get3A_335] {strides = array<i32>} : memref<632x16xf32, #tpu.memory_space<vmem>>, vector<16xf32>,
      %get3A_337 = arith.index_cast %add3A_330 : i32 to index
      %get3A_338 = arith.constant 0 : index
      %get3A_339 = tpu.vector_load %arg15[%get3A_337, %get3A_338] {strides = array<i32>} : memref<632x16xf32, #tpu.memory_space<vmem>>, vector<16xf32>,
      %add3A_340 = arith.addf %get3A_336, %get3A_339 : vector<16xf32>
      %get3A_341 = arith.index_cast %add3A_330 : i32 to index
      %get3A_342 = arith.constant 0 : index
      %get3A_343 = tpu.vector_load %arg13[%get3A_341, %get3A_342] {strides = array<i32>} : memref<632x16xf32, #tpu.memory_space<vmem>>, vector<16xf32>,
      %add3A_344 = arith.addf %add3A_340, %get3A_343 : vector<16xf32>
      %mul3A_345 = arith.mulf %get3A_333, %add3A_344 : vector<16xf32>
      %add3A_346 = arith.addf %mul3A_345, %get3A_73 : vector<16xf32>
      %max3A_347 = arith.constant 0.000000e+00 : f32
      %max3A_348 = vector.broadcast %max3A_347 : f32 to vector<16xf32>
      %max3A_349 = arith.maximumf %add3A_346, %max3A_348 : vector<16xf32>
      %mul3A_350 = arith.mulf %get3A_333, %max3A_349 : vector<16xf32>
      %swap3A_351 = arith.index_cast %add3A_330 : i32 to index
      %swap3A_352 = arith.constant 0 : index
      %swap3A_353 = tpu.vector_load %arg15[%swap3A_351, %swap3A_352] {strides = array<i32>} : memref<632x16xf32, #tpu.memory_space<vmem>>, vector<16xf32>,
      tpu.vector_store %arg15[%swap3A_351, %swap3A_352], %mul3A_350 {strides = array<i32>} : memref<632x16xf32, #tpu.memory_space<vmem>>, vector<16xf32>,
      %mul3A_354 = arith.constant 4 : i32
      %mul3A_355 = arith.muli %scan3A_273, %mul3A_354 : i32
      %add3A_356 = arith.constant 3 : i32
      %add3A_357 = arith.addi %mul3A_355, %add3A_356 : i32
      %get3A_358 = arith.index_cast %add3A_357 : i32 to index
      %get3A_359 = arith.constant 0 : index
      %get3A_360 = tpu.vector_load %arg16[%get3A_358, %get3A_359] {strides = array<i32>} : memref<632x16xf32, #tpu.memory_space<vmem>>, vector<16xf32>,
      %get3A_361 = arith.index_cast %add3A_357 : i32 to index
      %get3A_362 = arith.constant 0 : index
      %get3A_363 = tpu.vector_load %arg14[%get3A_361, %get3A_362] {strides = array<i32>} : memref<632x16xf32, #tpu.memory_space<vmem>>, vector<16xf32>,
      %get3A_364 = arith.index_cast %add3A_357 : i32 to index
      %get3A_365 = arith.constant 0 : index
      %get3A_366 = tpu.vector_load %arg15[%get3A_364, %get3A_365] {strides = array<i32>} : memref<632x16xf32, #tpu.memory_space<vmem>>, vector<16xf32>,
      %add3A_367 = arith.addf %get3A_363, %get3A_366 : vector<16xf32>
      %get3A_368 = arith.index_cast %add3A_357 : i32 to index
      %get3A_369 = arith.constant 0 : index
      %get3A_370 = tpu.vector_load %arg13[%get3A_368, %get3A_369] {strides = array<i32>} : memref<632x16xf32, #tpu.memory_space<vmem>>, vector<16xf32>,
      %add3A_371 = arith.addf %add3A_367, %get3A_370 : vector<16xf32>
      %mul3A_372 = arith.mulf %get3A_360, %add3A_371 : vector<16xf32>
      %add3A_373 = arith.addf %mul3A_372, %get3A_73 : vector<16xf32>
      %max3A_374 = arith.constant 0.000000e+00 : f32
      %max3A_375 = vector.broadcast %max3A_374 : f32 to vector<16xf32>
      %max3A_376 = arith.maximumf %add3A_373, %max3A_375 : vector<16xf32>
      %mul3A_377 = arith.mulf %get3A_360, %max3A_376 : vector<16xf32>
      %swap3A_378 = arith.index_cast %add3A_357 : i32 to index
      %swap3A_379 = arith.constant 0 : index
      %swap3A_380 = tpu.vector_load %arg15[%swap3A_378, %swap3A_379] {strides = array<i32>} : memref<632x16xf32, #tpu.memory_space<vmem>>, vector<16xf32>,
      tpu.vector_store %arg15[%swap3A_378, %swap3A_379], %mul3A_377 {strides = array<i32>} : memref<632x16xf32, #tpu.memory_space<vmem>>, vector<16xf32>,
      %scan3A_381 = arith.constant 0 : i32
      scf.yield %scan3A_381 : i32
    }
    %scan3A_113 = arith.constant 158 : i32
    "tpu.region"() ({
      %run_scoped3A = tpu.sem_alloc : memref<!tpu.dma_semaphore, #tpu.memory_space<semaphore_mem>>
      %dma_start3A_273 = arith.constant 0 : i32
      %dma_start3A_274 = tpu.memref_slice %arg18[%mul3A_2, %dma_start3A_273] : memref<10112x16xf32, #tpu.memory_space<vmem_shared>> -> memref<632x16xf32, #tpu.memory_space<vmem_shared>>
      %dma_start3A_275 = arith.constant 0 : i32
      %dma_start3A_276 = tpu.memref_slice %arg18[%mul3A_2, %dma_start3A_275] : memref<10112x16xf32, #tpu.memory_space<vmem_shared>> -> memref<632x16xf32, #tpu.memory_space<vmem_shared>>
      tpu.enqueue_dma source(%arg15 : memref<632x16xf32, #tpu.memory_space<vmem>>) target(%dma_start3A_276 : memref<632x16xf32, #tpu.memory_space<vmem_shared>>) target_semaphore(%run_scoped3A : memref<!tpu.dma_semaphore, #tpu.memory_space<semaphore_mem>>)
      %dma_wait3A_277 = arith.constant 0 : i32
      %dma_wait3A_278 = tpu.memref_slice %arg18[%mul3A_2, %dma_wait3A_277] : memref<10112x16xf32, #tpu.memory_space<vmem_shared>> -> memref<632x16xf32, #tpu.memory_space<vmem_shared>>
      %dma_wait3A_279 = arith.constant 0 : i32
      %dma_wait3A_280 = tpu.memref_slice %arg18[%mul3A_2, %dma_wait3A_279] : memref<10112x16xf32, #tpu.memory_space<vmem_shared>> -> memref<632x16xf32, #tpu.memory_space<vmem_shared>>
      tpu.wait_dma2 semaphore(%run_scoped3A : memref<!tpu.dma_semaphore, #tpu.memory_space<semaphore_mem>>) src(%arg15 : memref<632x16xf32, #tpu.memory_space<vmem>>) dst(%dma_wait3A_280 : memref<632x16xf32, #tpu.memory_space<vmem_shared>>)
      tpu.yield
    }) : () -> ()
    %eq3A = arith.constant 0 : i32
    %eq3A_114 = arith.cmpi eq, %arg0, %eq3A : i32
    %convert_element_type3A = arith.extui %eq3A_114 : i1 to i32
    %cond3A = arith.constant 0 : i32
    %cond3A_115 = arith.cmpi ne, %convert_element_type3A, %cond3A : i32
    scf.if %cond3A_115 {
      "tpu.region"() ({
        %run_scoped3A = tpu.sem_alloc : memref<!tpu.dma_semaphore, #tpu.memory_space<semaphore_mem>>
        %dma_start3A_273 = arith.constant 0 : i32
        %dma_start3A_274 = tpu.memref_slice %arg9[%mul3A_2, %dma_start3A_273] : memref<10112x16xf32, #tpu.memory_space<hbm>> -> memref<632x16xf32, #tpu.memory_space<hbm>>
        %dma_start3A_275 = arith.constant 0 : i32
        %dma_start3A_276 = tpu.memref_slice %arg9[%mul3A_2, %dma_start3A_275] : memref<10112x16xf32, #tpu.memory_space<hbm>> -> memref<632x16xf32, #tpu.memory_space<hbm>>
        tpu.enqueue_dma source(%arg15 : memref<632x16xf32, #tpu.memory_space<vmem>>) target(%dma_start3A_276 : memref<632x16xf32, #tpu.memory_space<hbm>>) target_semaphore(%run_scoped3A : memref<!tpu.dma_semaphore, #tpu.memory_space<semaphore_mem>>)
        %dma_wait3A_277 = arith.constant 0 : i32
        %dma_wait3A_278 = tpu.memref_slice %arg9[%mul3A_2, %dma_wait3A_277] : memref<10112x16xf32, #tpu.memory_space<hbm>> -> memref<632x16xf32, #tpu.memory_space<hbm>>
        %dma_wait3A_279 = arith.constant 0 : i32
        %dma_wait3A_280 = tpu.memref_slice %arg9[%mul3A_2, %dma_wait3A_279] : memref<10112x16xf32, #tpu.memory_space<hbm>> -> memref<632x16xf32, #tpu.memory_space<hbm>>
        tpu.wait_dma2 semaphore(%run_scoped3A : memref<!tpu.dma_semaphore, #tpu.memory_space<semaphore_mem>>) src(%arg15 : memref<632x16xf32, #tpu.memory_space<vmem>>) dst(%dma_wait3A_280 : memref<632x16xf32, #tpu.memory_space<hbm>>)
        tpu.yield
      }) : () -> ()
    } else {
    }
    %dma_wait3A_116 = arith.constant 0 : i32
    %dma_wait3A_117 = arith.constant 0 : i32
    %dma_wait3A_118 = tpu.memref_slice %arg19[%mul3A_2, %dma_wait3A_117] : memref<10112x16xf32, #tpu.memory_space<vmem_shared>> -> memref<632x16xf32, #tpu.memory_space<vmem_shared>>
    %dma_wait3A_119 = tpu.memref_slice %arg21[%dma_wait3A_116] : memref<8x!tpu.dma_semaphore, #tpu.memory_space<semaphore_mem>> -> memref<1x!tpu.dma_semaphore, #tpu.memory_space<semaphore_mem>>
    %dma_wait3A_120 = tpu.memref_squeeze %dma_wait3A_119 : memref<1x!tpu.dma_semaphore, #tpu.memory_space<semaphore_mem>> -> memref<!tpu.dma_semaphore, #tpu.memory_space<semaphore_mem>>
    %dma_wait3A_121 = arith.constant 0 : i32
    %dma_wait3A_122 = tpu.memref_slice %arg19[%mul3A_2, %dma_wait3A_121] : memref<10112x16xf32, #tpu.memory_space<vmem_shared>> -> memref<632x16xf32, #tpu.memory_space<vmem_shared>>
    tpu.wait_dma2 semaphore(%dma_wait3A_120 : memref<!tpu.dma_semaphore, #tpu.memory_space<semaphore_mem>>) src(%arg17 : memref<632x16xf32, #tpu.memory_space<vmem>>) dst(%dma_wait3A_122 : memref<632x16xf32, #tpu.memory_space<vmem_shared>>)
    %dma_wait3A_123 = arith.constant 1 : i32
    %dma_wait3A_124 = arith.constant 0 : i32
    %dma_wait3A_125 = arith.constant 0 : i32
    %dma_wait3A_126 = tpu.memref_slice %arg6[%add3A, %dma_wait3A_124, %dma_wait3A_125] : memref<32x157x128xi32, #tpu.memory_space<hbm>> -> memref<1x157x128xi32, #tpu.memory_space<hbm>>
    %dma_wait3A_127 = tpu.memref_squeeze %dma_wait3A_126 : memref<1x157x128xi32, #tpu.memory_space<hbm>> -> memref<157x128xi32, #tpu.memory_space<hbm>>
    %dma_wait3A_128 = tpu.memref_slice %arg21[%dma_wait3A_123] : memref<8x!tpu.dma_semaphore, #tpu.memory_space<semaphore_mem>> -> memref<1x!tpu.dma_semaphore, #tpu.memory_space<semaphore_mem>>
    %dma_wait3A_129 = tpu.memref_squeeze %dma_wait3A_128 : memref<1x!tpu.dma_semaphore, #tpu.memory_space<semaphore_mem>> -> memref<!tpu.dma_semaphore, #tpu.memory_space<semaphore_mem>>
    %dma_wait3A_130 = arith.constant 0 : i32
    %dma_wait3A_131 = arith.constant 0 : i32
    %dma_wait3A_132 = tpu.memref_slice %arg6[%add3A, %dma_wait3A_130, %dma_wait3A_131] : memref<32x157x128xi32, #tpu.memory_space<hbm>> -> memref<1x157x128xi32, #tpu.memory_space<hbm>>
    %dma_wait3A_133 = tpu.memref_squeeze %dma_wait3A_132 : memref<1x157x128xi32, #tpu.memory_space<hbm>> -> memref<157x128xi32, #tpu.memory_space<hbm>>
    tpu.wait_dma2 semaphore(%dma_wait3A_129 : memref<!tpu.dma_semaphore, #tpu.memory_space<semaphore_mem>>) src(%dma_wait3A_133 : memref<157x128xi32, #tpu.memory_space<hbm>>) dst(%arg10 : memref<157x128xi32, #tpu.memory_space<vmem>>)
    %dma_wait3A_134 = arith.constant 2 : i32
    %dma_wait3A_135 = arith.constant 0 : i32
    %dma_wait3A_136 = arith.constant 0 : i32
    %dma_wait3A_137 = tpu.memref_slice %arg7[%add3A, %dma_wait3A_135, %dma_wait3A_136] : memref<32x157x128xi32, #tpu.memory_space<hbm>> -> memref<1x157x128xi32, #tpu.memory_space<hbm>>
    %dma_wait3A_138 = tpu.memref_squeeze %dma_wait3A_137 : memref<1x157x128xi32, #tpu.memory_space<hbm>> -> memref<157x128xi32, #tpu.memory_space<hbm>>
    %dma_wait3A_139 = tpu.memref_slice %arg21[%dma_wait3A_134] : memref<8x!tpu.dma_semaphore, #tpu.memory_space<semaphore_mem>> -> memref<1x!tpu.dma_semaphore, #tpu.memory_space<semaphore_mem>>
    %dma_wait3A_140 = tpu.memref_squeeze %dma_wait3A_139 : memref<1x!tpu.dma_semaphore, #tpu.memory_space<semaphore_mem>> -> memref<!tpu.dma_semaphore, #tpu.memory_space<semaphore_mem>>
    %dma_wait3A_141 = arith.constant 0 : i32
    %dma_wait3A_142 = arith.constant 0 : i32
    %dma_wait3A_143 = tpu.memref_slice %arg7[%add3A, %dma_wait3A_141, %dma_wait3A_142] : memref<32x157x128xi32, #tpu.memory_space<hbm>> -> memref<1x157x128xi32, #tpu.memory_space<hbm>>
    %dma_wait3A_144 = tpu.memref_squeeze %dma_wait3A_143 : memref<1x157x128xi32, #tpu.memory_space<hbm>> -> memref<157x128xi32, #tpu.memory_space<hbm>>
    tpu.wait_dma2 semaphore(%dma_wait3A_140 : memref<!tpu.dma_semaphore, #tpu.memory_space<semaphore_mem>>) src(%dma_wait3A_144 : memref<157x128xi32, #tpu.memory_space<hbm>>) dst(%arg11 : memref<157x128xi32, #tpu.memory_space<vmem>>)
    %barrier3A = arith.constant 0 : index
    tpu.barrier barrier_id(%barrier3A)
    %dma_start3A_145 = arith.constant 0 : i32
    %dma_start3A_146 = arith.constant 0 : i32
    %dma_start3A_147 = arith.constant 0 : i32
    %dma_start3A_148 = arith.constant 0 : i32
    %dma_start3A_149 = arith.constant 0 : i32
    %dma_start3A_150 = tpu.memref_slice %arg12[%dma_start3A_146, %dma_start3A_148, %dma_start3A_149] : memref<8x128x16xf32, #tpu.memory_space<vmem>> -> memref<1x128x16xf32, #tpu.memory_space<vmem>>
    %dma_start3A_151 = tpu.memref_squeeze %dma_start3A_150 : memref<1x128x16xf32, #tpu.memory_space<vmem>> -> memref<128x16xf32, #tpu.memory_space<vmem>>
    %dma_start3A_152 = arith.constant 0 : i32
    %dma_start3A_153 = tpu.memref_slice %arg10[%dma_start3A_145, %dma_start3A_152] : memref<157x128xi32, #tpu.memory_space<vmem>> -> memref<1x128xi32, #tpu.memory_space<vmem>>
    %dma_start3A_154 = tpu.memref_squeeze %dma_start3A_153 : memref<1x128xi32, #tpu.memory_space<vmem>> -> memref<128xi32, #tpu.memory_space<vmem>>
    %dma_start3A_155 = arith.constant 0 : i32
    %dma_start3A_156 = arith.constant 0 : i32
    %dma_start3A_157 = tpu.memref_slice %arg18[%dma_start3A_155, %dma_start3A_156] : memref<10112x16xf32, #tpu.memory_space<vmem_shared>> -> memref<10112x16xf32, #tpu.memory_space<vmem_shared>>
    %dma_start3A_158 = tpu.memref_slice %arg20[%dma_start3A_147] : memref<8x!tpu.dma_semaphore, #tpu.memory_space<semaphore_mem>> -> memref<1x!tpu.dma_semaphore, #tpu.memory_space<semaphore_mem>>
    %dma_start3A_159 = tpu.memref_squeeze %dma_start3A_158 : memref<1x!tpu.dma_semaphore, #tpu.memory_space<semaphore_mem>> -> memref<!tpu.dma_semaphore, #tpu.memory_space<semaphore_mem>>
    tpu.enqueue_indirect_dma source(%dma_start3A_157 : memref<10112x16xf32, #tpu.memory_space<vmem_shared>>) target(%dma_start3A_151 : memref<128x16xf32, #tpu.memory_space<vmem>>) offsets(%dma_start3A_154 : memref<128xi32, #tpu.memory_space<vmem>>) semaphore(%dma_start3A_159 : memref<!tpu.dma_semaphore, #tpu.memory_space<semaphore_mem>>)
    %dma_start3A_160 = arith.constant 1 : i32
    %dma_start3A_161 = arith.constant 1 : i32
    %dma_start3A_162 = arith.constant 1 : i32
    %dma_start3A_163 = arith.constant 0 : i32
    %dma_start3A_164 = arith.constant 0 : i32
    %dma_start3A_165 = tpu.memref_slice %arg12[%dma_start3A_161, %dma_start3A_163, %dma_start3A_164] : memref<8x128x16xf32, #tpu.memory_space<vmem>> -> memref<1x128x16xf32, #tpu.memory_space<vmem>>
    %dma_start3A_166 = tpu.memref_squeeze %dma_start3A_165 : memref<1x128x16xf32, #tpu.memory_space<vmem>> -> memref<128x16xf32, #tpu.memory_space<vmem>>
    %dma_start3A_167 = arith.constant 0 : i32
    %dma_start3A_168 = tpu.memref_slice %arg10[%dma_start3A_160, %dma_start3A_167] : memref<157x128xi32, #tpu.memory_space<vmem>> -> memref<1x128xi32, #tpu.memory_space<vmem>>
    %dma_start3A_169 = tpu.memref_squeeze %dma_start3A_168 : memref<1x128xi32, #tpu.memory_space<vmem>> -> memref<128xi32, #tpu.memory_space<vmem>>
    %dma_start3A_170 = arith.constant 0 : i32
    %dma_start3A_171 = arith.constant 0 : i32
    %dma_start3A_172 = tpu.memref_slice %arg18[%dma_start3A_170, %dma_start3A_171] : memref<10112x16xf32, #tpu.memory_space<vmem_shared>> -> memref<10112x16xf32, #tpu.memory_space<vmem_shared>>
    %dma_start3A_173 = tpu.memref_slice %arg20[%dma_start3A_162] : memref<8x!tpu.dma_semaphore, #tpu.memory_space<semaphore_mem>> -> memref<1x!tpu.dma_semaphore, #tpu.memory_space<semaphore_mem>>
    %dma_start3A_174 = tpu.memref_squeeze %dma_start3A_173 : memref<1x!tpu.dma_semaphore, #tpu.memory_space<semaphore_mem>> -> memref<!tpu.dma_semaphore, #tpu.memory_space<semaphore_mem>>
    tpu.enqueue_indirect_dma source(%dma_start3A_172 : memref<10112x16xf32, #tpu.memory_space<vmem_shared>>) target(%dma_start3A_166 : memref<128x16xf32, #tpu.memory_space<vmem>>) offsets(%dma_start3A_169 : memref<128xi32, #tpu.memory_space<vmem>>) semaphore(%dma_start3A_174 : memref<!tpu.dma_semaphore, #tpu.memory_space<semaphore_mem>>)
    %dma_start3A_175 = arith.constant 2 : i32
    %dma_start3A_176 = arith.constant 2 : i32
    %dma_start3A_177 = arith.constant 2 : i32
    %dma_start3A_178 = arith.constant 0 : i32
    %dma_start3A_179 = arith.constant 0 : i32
    %dma_start3A_180 = tpu.memref_slice %arg12[%dma_start3A_176, %dma_start3A_178, %dma_start3A_179] : memref<8x128x16xf32, #tpu.memory_space<vmem>> -> memref<1x128x16xf32, #tpu.memory_space<vmem>>
    %dma_start3A_181 = tpu.memref_squeeze %dma_start3A_180 : memref<1x128x16xf32, #tpu.memory_space<vmem>> -> memref<128x16xf32, #tpu.memory_space<vmem>>
    %dma_start3A_182 = arith.constant 0 : i32
    %dma_start3A_183 = tpu.memref_slice %arg10[%dma_start3A_175, %dma_start3A_182] : memref<157x128xi32, #tpu.memory_space<vmem>> -> memref<1x128xi32, #tpu.memory_space<vmem>>
    %dma_start3A_184 = tpu.memref_squeeze %dma_start3A_183 : memref<1x128xi32, #tpu.memory_space<vmem>> -> memref<128xi32, #tpu.memory_space<vmem>>
    %dma_start3A_185 = arith.constant 0 : i32
    %dma_start3A_186 = arith.constant 0 : i32
    %dma_start3A_187 = tpu.memref_slice %arg18[%dma_start3A_185, %dma_start3A_186] : memref<10112x16xf32, #tpu.memory_space<vmem_shared>> -> memref<10112x16xf32, #tpu.memory_space<vmem_shared>>
    %dma_start3A_188 = tpu.memref_slice %arg20[%dma_start3A_177] : memref<8x!tpu.dma_semaphore, #tpu.memory_space<semaphore_mem>> -> memref<1x!tpu.dma_semaphore, #tpu.memory_space<semaphore_mem>>
    %dma_start3A_189 = tpu.memref_squeeze %dma_start3A_188 : memref<1x!tpu.dma_semaphore, #tpu.memory_space<semaphore_mem>> -> memref<!tpu.dma_semaphore, #tpu.memory_space<semaphore_mem>>
    tpu.enqueue_indirect_dma source(%dma_start3A_187 : memref<10112x16xf32, #tpu.memory_space<vmem_shared>>) target(%dma_start3A_181 : memref<128x16xf32, #tpu.memory_space<vmem>>) offsets(%dma_start3A_184 : memref<128xi32, #tpu.memory_space<vmem>>) semaphore(%dma_start3A_189 : memref<!tpu.dma_semaphore, #tpu.memory_space<semaphore_mem>>)
    %dma_start3A_190 = arith.constant 3 : i32
    %dma_start3A_191 = arith.constant 3 : i32
    %dma_start3A_192 = arith.constant 3 : i32
    %dma_start3A_193 = arith.constant 0 : i32
    %dma_start3A_194 = arith.constant 0 : i32
    %dma_start3A_195 = tpu.memref_slice %arg12[%dma_start3A_191, %dma_start3A_193, %dma_start3A_194] : memref<8x128x16xf32, #tpu.memory_space<vmem>> -> memref<1x128x16xf32, #tpu.memory_space<vmem>>
    %dma_start3A_196 = tpu.memref_squeeze %dma_start3A_195 : memref<1x128x16xf32, #tpu.memory_space<vmem>> -> memref<128x16xf32, #tpu.memory_space<vmem>>
    %dma_start3A_197 = arith.constant 0 : i32
    %dma_start3A_198 = tpu.memref_slice %arg10[%dma_start3A_190, %dma_start3A_197] : memref<157x128xi32, #tpu.memory_space<vmem>> -> memref<1x128xi32, #tpu.memory_space<vmem>>
    %dma_start3A_199 = tpu.memref_squeeze %dma_start3A_198 : memref<1x128xi32, #tpu.memory_space<vmem>> -> memref<128xi32, #tpu.memory_space<vmem>>
    %dma_start3A_200 = arith.constant 0 : i32
    %dma_start3A_201 = arith.constant 0 : i32
    %dma_start3A_202 = tpu.memref_slice %arg18[%dma_start3A_200, %dma_start3A_201] : memref<10112x16xf32, #tpu.memory_space<vmem_shared>> -> memref<10112x16xf32, #tpu.memory_space<vmem_shared>>
    %dma_start3A_203 = tpu.memref_slice %arg20[%dma_start3A_192] : memref<8x!tpu.dma_semaphore, #tpu.memory_space<semaphore_mem>> -> memref<1x!tpu.dma_semaphore, #tpu.memory_space<semaphore_mem>>
    %dma_start3A_204 = tpu.memref_squeeze %dma_start3A_203 : memref<1x!tpu.dma_semaphore, #tpu.memory_space<semaphore_mem>> -> memref<!tpu.dma_semaphore, #tpu.memory_space<semaphore_mem>>
    tpu.enqueue_indirect_dma source(%dma_start3A_202 : memref<10112x16xf32, #tpu.memory_space<vmem_shared>>) target(%dma_start3A_196 : memref<128x16xf32, #tpu.memory_space<vmem>>) offsets(%dma_start3A_199 : memref<128xi32, #tpu.memory_space<vmem>>) semaphore(%dma_start3A_204 : memref<!tpu.dma_semaphore, #tpu.memory_space<semaphore_mem>>)
    %scan3A_205 = arith.constant 0 : i32
    %scan3A_206 = arith.constant 0 : i32
    %scan3A_207 = arith.constant 20 : i32
    %scan3A_208 = arith.addi %scan3A_206, %scan3A_207 : i32
    %scan3A_209 = arith.constant 1 : i32
    %scan3A_210 = scf.for %scan3A_273 = %scan3A_206 to %scan3A_208 step %scan3A_209 iter_args(%scan3A_274 = %scan3A_205) -> (i32)  : i32 {
      %mul3A_275 = arith.constant 8 : i32
      %mul3A_276 = arith.muli %scan3A_273, %mul3A_275 : i32
      %add3A_277 = arith.constant 0 : i32
      %add3A_278 = arith.addi %mul3A_276, %add3A_277 : i32
      %lt3A = arith.constant 157 : i32
      %lt3A_279 = arith.cmpi slt, %add3A_278, %lt3A : i32
      %convert_element_type3A_280 = arith.extui %lt3A_279 : i1 to i32
      %cond3A_281 = arith.constant 0 : i32
      %cond3A_282 = arith.cmpi ne, %convert_element_type3A_280, %cond3A_281 : i32
      scf.if %cond3A_282 {
        %dma_wait3A_333 = arith.constant 0 : i32
        %dma_wait3A_334 = arith.constant 0 : i32
        %dma_wait3A_335 = arith.constant 0 : i32
        %dma_wait3A_336 = arith.constant 0 : i32
        %dma_wait3A_337 = tpu.memref_slice %arg12[%dma_wait3A_333, %dma_wait3A_335, %dma_wait3A_336] : memref<8x128x16xf32, #tpu.memory_space<vmem>> -> memref<1x128x16xf32, #tpu.memory_space<vmem>>
        %dma_wait3A_338 = tpu.memref_squeeze %dma_wait3A_337 : memref<1x128x16xf32, #tpu.memory_space<vmem>> -> memref<128x16xf32, #tpu.memory_space<vmem>>
        %dma_wait3A_339 = arith.constant 0 : i32
        %dma_wait3A_340 = tpu.memref_slice %arg10[%add3A_278, %dma_wait3A_339] : memref<157x128xi32, #tpu.memory_space<vmem>> -> memref<1x128xi32, #tpu.memory_space<vmem>>
        %dma_wait3A_341 = tpu.memref_squeeze %dma_wait3A_340 : memref<1x128xi32, #tpu.memory_space<vmem>> -> memref<128xi32, #tpu.memory_space<vmem>>
        %dma_wait3A_342 = arith.constant 0 : i32
        %dma_wait3A_343 = arith.constant 0 : i32
        %dma_wait3A_344 = tpu.memref_slice %arg18[%dma_wait3A_342, %dma_wait3A_343] : memref<10112x16xf32, #tpu.memory_space<vmem_shared>> -> memref<10112x16xf32, #tpu.memory_space<vmem_shared>>
        %dma_wait3A_345 = tpu.memref_slice %arg20[%dma_wait3A_334] : memref<8x!tpu.dma_semaphore, #tpu.memory_space<semaphore_mem>> -> memref<1x!tpu.dma_semaphore, #tpu.memory_space<semaphore_mem>>
        %dma_wait3A_346 = tpu.memref_squeeze %dma_wait3A_345 : memref<1x!tpu.dma_semaphore, #tpu.memory_space<semaphore_mem>> -> memref<!tpu.dma_semaphore, #tpu.memory_space<semaphore_mem>>
        tpu.wait_indirect_dma semaphore(%dma_wait3A_346 : memref<!tpu.dma_semaphore, #tpu.memory_space<semaphore_mem>>) src(%dma_wait3A_344 : memref<10112x16xf32, #tpu.memory_space<vmem_shared>>) dst(%dma_wait3A_338 : memref<128x16xf32, #tpu.memory_space<vmem>>)
        %dma_start3A_347 = arith.constant 0 : i32
        %dma_start3A_348 = arith.constant 0 : i32
        %dma_start3A_349 = arith.constant 0 : i32
        %dma_start3A_350 = arith.constant 0 : i32
        %dma_start3A_351 = tpu.memref_slice %arg12[%dma_start3A_347, %dma_start3A_349, %dma_start3A_350] : memref<8x128x16xf32, #tpu.memory_space<vmem>> -> memref<1x128x16xf32, #tpu.memory_space<vmem>>
        %dma_start3A_352 = tpu.memref_squeeze %dma_start3A_351 : memref<1x128x16xf32, #tpu.memory_space<vmem>> -> memref<128x16xf32, #tpu.memory_space<vmem>>
        %dma_start3A_353 = arith.constant 0 : i32
        %dma_start3A_354 = tpu.memref_slice %arg11[%add3A_278, %dma_start3A_353] : memref<157x128xi32, #tpu.memory_space<vmem>> -> memref<1x128xi32, #tpu.memory_space<vmem>>
        %dma_start3A_355 = tpu.memref_squeeze %dma_start3A_354 : memref<1x128xi32, #tpu.memory_space<vmem>> -> memref<128xi32, #tpu.memory_space<vmem>>
        %dma_start3A_356 = arith.constant 0 : i32
        %dma_start3A_357 = arith.constant 0 : i32
        %dma_start3A_358 = tpu.memref_slice %arg19[%dma_start3A_356, %dma_start3A_357] : memref<10112x16xf32, #tpu.memory_space<vmem_shared>> -> memref<10112x16xf32, #tpu.memory_space<vmem_shared>>
        %dma_start3A_359 = tpu.memref_slice %arg21[%dma_start3A_348] : memref<8x!tpu.dma_semaphore, #tpu.memory_space<semaphore_mem>> -> memref<1x!tpu.dma_semaphore, #tpu.memory_space<semaphore_mem>>
        %dma_start3A_360 = tpu.memref_squeeze %dma_start3A_359 : memref<1x!tpu.dma_semaphore, #tpu.memory_space<semaphore_mem>> -> memref<!tpu.dma_semaphore, #tpu.memory_space<semaphore_mem>>
        tpu.enqueue_indirect_dma source(%dma_start3A_352 : memref<128x16xf32, #tpu.memory_space<vmem>>) target(%dma_start3A_358 : memref<10112x16xf32, #tpu.memory_space<vmem_shared>>) offsets(%dma_start3A_355 : memref<128xi32, #tpu.memory_space<vmem>>) semaphore(%dma_start3A_360 : memref<!tpu.dma_semaphore, #tpu.memory_space<semaphore_mem>>) {add = true}
        %ge3A = arith.constant 4 : i32
        %ge3A_361 = arith.cmpi sge, %add3A_278, %ge3A : i32
        %convert_element_type3A_362 = arith.extui %ge3A_361 : i1 to i32
        %cond3A_363 = arith.constant 0 : i32
        %cond3A_364 = arith.cmpi ne, %convert_element_type3A_362, %cond3A_363 : i32
        scf.if %cond3A_364 {
          %sub3A = arith.constant 4 : i32
          %sub3A_372 = arith.subi %add3A_278, %sub3A : i32
          %dma_wait3A_373 = arith.constant 4 : i32
          %dma_wait3A_374 = arith.constant 4 : i32
          %dma_wait3A_375 = arith.constant 0 : i32
          %dma_wait3A_376 = arith.constant 0 : i32
          %dma_wait3A_377 = tpu.memref_slice %arg12[%dma_wait3A_373, %dma_wait3A_375, %dma_wait3A_376] : memref<8x128x16xf32, #tpu.memory_space<vmem>> -> memref<1x128x16xf32, #tpu.memory_space<vmem>>
          %dma_wait3A_378 = tpu.memref_squeeze %dma_wait3A_377 : memref<1x128x16xf32, #tpu.memory_space<vmem>> -> memref<128x16xf32, #tpu.memory_space<vmem>>
          %dma_wait3A_379 = arith.constant 0 : i32
          %dma_wait3A_380 = tpu.memref_slice %arg11[%sub3A_372, %dma_wait3A_379] : memref<157x128xi32, #tpu.memory_space<vmem>> -> memref<1x128xi32, #tpu.memory_space<vmem>>
          %dma_wait3A_381 = tpu.memref_squeeze %dma_wait3A_380 : memref<1x128xi32, #tpu.memory_space<vmem>> -> memref<128xi32, #tpu.memory_space<vmem>>
          %dma_wait3A_382 = arith.constant 0 : i32
          %dma_wait3A_383 = arith.constant 0 : i32
          %dma_wait3A_384 = tpu.memref_slice %arg19[%dma_wait3A_382, %dma_wait3A_383] : memref<10112x16xf32, #tpu.memory_space<vmem_shared>> -> memref<10112x16xf32, #tpu.memory_space<vmem_shared>>
          %dma_wait3A_385 = tpu.memref_slice %arg21[%dma_wait3A_374] : memref<8x!tpu.dma_semaphore, #tpu.memory_space<semaphore_mem>> -> memref<1x!tpu.dma_semaphore, #tpu.memory_space<semaphore_mem>>
          %dma_wait3A_386 = tpu.memref_squeeze %dma_wait3A_385 : memref<1x!tpu.dma_semaphore, #tpu.memory_space<semaphore_mem>> -> memref<!tpu.dma_semaphore, #tpu.memory_space<semaphore_mem>>
          tpu.wait_indirect_dma semaphore(%dma_wait3A_386 : memref<!tpu.dma_semaphore, #tpu.memory_space<semaphore_mem>>) src(%dma_wait3A_378 : memref<128x16xf32, #tpu.memory_space<vmem>>) dst(%dma_wait3A_384 : memref<10112x16xf32, #tpu.memory_space<vmem_shared>>)
        } else {
        }
        %add3A_365 = arith.constant 4 : i32
        %add3A_366 = arith.addi %add3A_278, %add3A_365 : i32
        %lt3A_367 = arith.constant 157 : i32
        %lt3A_368 = arith.cmpi slt, %add3A_366, %lt3A_367 : i32
        %convert_element_type3A_369 = arith.extui %lt3A_368 : i1 to i32
        %cond3A_370 = arith.constant 0 : i32
        %cond3A_371 = arith.cmpi ne, %convert_element_type3A_369, %cond3A_370 : i32
        scf.if %cond3A_371 {
          %add3A_372 = arith.constant 4 : i32
          %add3A_373 = arith.addi %add3A_278, %add3A_372 : i32
          %dma_start3A_374 = arith.constant 4 : i32
          %dma_start3A_375 = arith.constant 4 : i32
          %dma_start3A_376 = arith.constant 0 : i32
          %dma_start3A_377 = arith.constant 0 : i32
          %dma_start3A_378 = tpu.memref_slice %arg12[%dma_start3A_374, %dma_start3A_376, %dma_start3A_377] : memref<8x128x16xf32, #tpu.memory_space<vmem>> -> memref<1x128x16xf32, #tpu.memory_space<vmem>>
          %dma_start3A_379 = tpu.memref_squeeze %dma_start3A_378 : memref<1x128x16xf32, #tpu.memory_space<vmem>> -> memref<128x16xf32, #tpu.memory_space<vmem>>
          %dma_start3A_380 = arith.constant 0 : i32
          %dma_start3A_381 = tpu.memref_slice %arg10[%add3A_373, %dma_start3A_380] : memref<157x128xi32, #tpu.memory_space<vmem>> -> memref<1x128xi32, #tpu.memory_space<vmem>>
          %dma_start3A_382 = tpu.memref_squeeze %dma_start3A_381 : memref<1x128xi32, #tpu.memory_space<vmem>> -> memref<128xi32, #tpu.memory_space<vmem>>
          %dma_start3A_383 = arith.constant 0 : i32
          %dma_start3A_384 = arith.constant 0 : i32
          %dma_start3A_385 = tpu.memref_slice %arg18[%dma_start3A_383, %dma_start3A_384] : memref<10112x16xf32, #tpu.memory_space<vmem_shared>> -> memref<10112x16xf32, #tpu.memory_space<vmem_shared>>
          %dma_start3A_386 = tpu.memref_slice %arg20[%dma_start3A_375] : memref<8x!tpu.dma_semaphore, #tpu.memory_space<semaphore_mem>> -> memref<1x!tpu.dma_semaphore, #tpu.memory_space<semaphore_mem>>
          %dma_start3A_387 = tpu.memref_squeeze %dma_start3A_386 : memref<1x!tpu.dma_semaphore, #tpu.memory_space<semaphore_mem>> -> memref<!tpu.dma_semaphore, #tpu.memory_space<semaphore_mem>>
          tpu.enqueue_indirect_dma source(%dma_start3A_385 : memref<10112x16xf32, #tpu.memory_space<vmem_shared>>) target(%dma_start3A_379 : memref<128x16xf32, #tpu.memory_space<vmem>>) offsets(%dma_start3A_382 : memref<128xi32, #tpu.memory_space<vmem>>) semaphore(%dma_start3A_387 : memref<!tpu.dma_semaphore, #tpu.memory_space<semaphore_mem>>)
        } else {
        }
      } else {
      }
      %add3A_283 = arith.constant 1 : i32
      %add3A_284 = arith.addi %mul3A_276, %add3A_283 : i32
      %lt3A_285 = arith.constant 157 : i32
      %lt3A_286 = arith.cmpi slt, %add3A_284, %lt3A_285 : i32
      %convert_element_type3A_287 = arith.extui %lt3A_286 : i1 to i32
      %cond3A_288 = arith.constant 0 : i32
      %cond3A_289 = arith.cmpi ne, %convert_element_type3A_287, %cond3A_288 : i32
      scf.if %cond3A_289 {
        %dma_wait3A_333 = arith.constant 1 : i32
        %dma_wait3A_334 = arith.constant 1 : i32
        %dma_wait3A_335 = arith.constant 0 : i32
        %dma_wait3A_336 = arith.constant 0 : i32
        %dma_wait3A_337 = tpu.memref_slice %arg12[%dma_wait3A_333, %dma_wait3A_335, %dma_wait3A_336] : memref<8x128x16xf32, #tpu.memory_space<vmem>> -> memref<1x128x16xf32, #tpu.memory_space<vmem>>
        %dma_wait3A_338 = tpu.memref_squeeze %dma_wait3A_337 : memref<1x128x16xf32, #tpu.memory_space<vmem>> -> memref<128x16xf32, #tpu.memory_space<vmem>>
        %dma_wait3A_339 = arith.constant 0 : i32
        %dma_wait3A_340 = tpu.memref_slice %arg10[%add3A_284, %dma_wait3A_339] : memref<157x128xi32, #tpu.memory_space<vmem>> -> memref<1x128xi32, #tpu.memory_space<vmem>>
        %dma_wait3A_341 = tpu.memref_squeeze %dma_wait3A_340 : memref<1x128xi32, #tpu.memory_space<vmem>> -> memref<128xi32, #tpu.memory_space<vmem>>
        %dma_wait3A_342 = arith.constant 0 : i32
        %dma_wait3A_343 = arith.constant 0 : i32
        %dma_wait3A_344 = tpu.memref_slice %arg18[%dma_wait3A_342, %dma_wait3A_343] : memref<10112x16xf32, #tpu.memory_space<vmem_shared>> -> memref<10112x16xf32, #tpu.memory_space<vmem_shared>>
        %dma_wait3A_345 = tpu.memref_slice %arg20[%dma_wait3A_334] : memref<8x!tpu.dma_semaphore, #tpu.memory_space<semaphore_mem>> -> memref<1x!tpu.dma_semaphore, #tpu.memory_space<semaphore_mem>>
        %dma_wait3A_346 = tpu.memref_squeeze %dma_wait3A_345 : memref<1x!tpu.dma_semaphore, #tpu.memory_space<semaphore_mem>> -> memref<!tpu.dma_semaphore, #tpu.memory_space<semaphore_mem>>
        tpu.wait_indirect_dma semaphore(%dma_wait3A_346 : memref<!tpu.dma_semaphore, #tpu.memory_space<semaphore_mem>>) src(%dma_wait3A_344 : memref<10112x16xf32, #tpu.memory_space<vmem_shared>>) dst(%dma_wait3A_338 : memref<128x16xf32, #tpu.memory_space<vmem>>)
        %dma_start3A_347 = arith.constant 1 : i32
        %dma_start3A_348 = arith.constant 1 : i32
        %dma_start3A_349 = arith.constant 0 : i32
        %dma_start3A_350 = arith.constant 0 : i32
        %dma_start3A_351 = tpu.memref_slice %arg12[%dma_start3A_347, %dma_start3A_349, %dma_start3A_350] : memref<8x128x16xf32, #tpu.memory_space<vmem>> -> memref<1x128x16xf32, #tpu.memory_space<vmem>>
        %dma_start3A_352 = tpu.memref_squeeze %dma_start3A_351 : memref<1x128x16xf32, #tpu.memory_space<vmem>> -> memref<128x16xf32, #tpu.memory_space<vmem>>
        %dma_start3A_353 = arith.constant 0 : i32
        %dma_start3A_354 = tpu.memref_slice %arg11[%add3A_284, %dma_start3A_353] : memref<157x128xi32, #tpu.memory_space<vmem>> -> memref<1x128xi32, #tpu.memory_space<vmem>>
        %dma_start3A_355 = tpu.memref_squeeze %dma_start3A_354 : memref<1x128xi32, #tpu.memory_space<vmem>> -> memref<128xi32, #tpu.memory_space<vmem>>
        %dma_start3A_356 = arith.constant 0 : i32
        %dma_start3A_357 = arith.constant 0 : i32
        %dma_start3A_358 = tpu.memref_slice %arg19[%dma_start3A_356, %dma_start3A_357] : memref<10112x16xf32, #tpu.memory_space<vmem_shared>> -> memref<10112x16xf32, #tpu.memory_space<vmem_shared>>
        %dma_start3A_359 = tpu.memref_slice %arg21[%dma_start3A_348] : memref<8x!tpu.dma_semaphore, #tpu.memory_space<semaphore_mem>> -> memref<1x!tpu.dma_semaphore, #tpu.memory_space<semaphore_mem>>
        %dma_start3A_360 = tpu.memref_squeeze %dma_start3A_359 : memref<1x!tpu.dma_semaphore, #tpu.memory_space<semaphore_mem>> -> memref<!tpu.dma_semaphore, #tpu.memory_space<semaphore_mem>>
        tpu.enqueue_indirect_dma source(%dma_start3A_352 : memref<128x16xf32, #tpu.memory_space<vmem>>) target(%dma_start3A_358 : memref<10112x16xf32, #tpu.memory_space<vmem_shared>>) offsets(%dma_start3A_355 : memref<128xi32, #tpu.memory_space<vmem>>) semaphore(%dma_start3A_360 : memref<!tpu.dma_semaphore, #tpu.memory_space<semaphore_mem>>) {add = true}
        %ge3A = arith.constant 4 : i32
        %ge3A_361 = arith.cmpi sge, %add3A_284, %ge3A : i32
        %convert_element_type3A_362 = arith.extui %ge3A_361 : i1 to i32
        %cond3A_363 = arith.constant 0 : i32
        %cond3A_364 = arith.cmpi ne, %convert_element_type3A_362, %cond3A_363 : i32
        scf.if %cond3A_364 {
          %sub3A = arith.constant 4 : i32
          %sub3A_372 = arith.subi %add3A_284, %sub3A : i32
          %dma_wait3A_373 = arith.constant 5 : i32
          %dma_wait3A_374 = arith.constant 5 : i32
          %dma_wait3A_375 = arith.constant 0 : i32
          %dma_wait3A_376 = arith.constant 0 : i32
          %dma_wait3A_377 = tpu.memref_slice %arg12[%dma_wait3A_373, %dma_wait3A_375, %dma_wait3A_376] : memref<8x128x16xf32, #tpu.memory_space<vmem>> -> memref<1x128x16xf32, #tpu.memory_space<vmem>>
          %dma_wait3A_378 = tpu.memref_squeeze %dma_wait3A_377 : memref<1x128x16xf32, #tpu.memory_space<vmem>> -> memref<128x16xf32, #tpu.memory_space<vmem>>
          %dma_wait3A_379 = arith.constant 0 : i32
          %dma_wait3A_380 = tpu.memref_slice %arg11[%sub3A_372, %dma_wait3A_379] : memref<157x128xi32, #tpu.memory_space<vmem>> -> memref<1x128xi32, #tpu.memory_space<vmem>>
          %dma_wait3A_381 = tpu.memref_squeeze %dma_wait3A_380 : memref<1x128xi32, #tpu.memory_space<vmem>> -> memref<128xi32, #tpu.memory_space<vmem>>
          %dma_wait3A_382 = arith.constant 0 : i32
          %dma_wait3A_383 = arith.constant 0 : i32
          %dma_wait3A_384 = tpu.memref_slice %arg19[%dma_wait3A_382, %dma_wait3A_383] : memref<10112x16xf32, #tpu.memory_space<vmem_shared>> -> memref<10112x16xf32, #tpu.memory_space<vmem_shared>>
          %dma_wait3A_385 = tpu.memref_slice %arg21[%dma_wait3A_374] : memref<8x!tpu.dma_semaphore, #tpu.memory_space<semaphore_mem>> -> memref<1x!tpu.dma_semaphore, #tpu.memory_space<semaphore_mem>>
          %dma_wait3A_386 = tpu.memref_squeeze %dma_wait3A_385 : memref<1x!tpu.dma_semaphore, #tpu.memory_space<semaphore_mem>> -> memref<!tpu.dma_semaphore, #tpu.memory_space<semaphore_mem>>
          tpu.wait_indirect_dma semaphore(%dma_wait3A_386 : memref<!tpu.dma_semaphore, #tpu.memory_space<semaphore_mem>>) src(%dma_wait3A_378 : memref<128x16xf32, #tpu.memory_space<vmem>>) dst(%dma_wait3A_384 : memref<10112x16xf32, #tpu.memory_space<vmem_shared>>)
        } else {
        }
        %add3A_365 = arith.constant 4 : i32
        %add3A_366 = arith.addi %add3A_284, %add3A_365 : i32
        %lt3A_367 = arith.constant 157 : i32
        %lt3A_368 = arith.cmpi slt, %add3A_366, %lt3A_367 : i32
        %convert_element_type3A_369 = arith.extui %lt3A_368 : i1 to i32
        %cond3A_370 = arith.constant 0 : i32
        %cond3A_371 = arith.cmpi ne, %convert_element_type3A_369, %cond3A_370 : i32
        scf.if %cond3A_371 {
          %add3A_372 = arith.constant 4 : i32
          %add3A_373 = arith.addi %add3A_284, %add3A_372 : i32
          %dma_start3A_374 = arith.constant 5 : i32
          %dma_start3A_375 = arith.constant 5 : i32
          %dma_start3A_376 = arith.constant 0 : i32
          %dma_start3A_377 = arith.constant 0 : i32
          %dma_start3A_378 = tpu.memref_slice %arg12[%dma_start3A_374, %dma_start3A_376, %dma_start3A_377] : memref<8x128x16xf32, #tpu.memory_space<vmem>> -> memref<1x128x16xf32, #tpu.memory_space<vmem>>
          %dma_start3A_379 = tpu.memref_squeeze %dma_start3A_378 : memref<1x128x16xf32, #tpu.memory_space<vmem>> -> memref<128x16xf32, #tpu.memory_space<vmem>>
          %dma_start3A_380 = arith.constant 0 : i32
          %dma_start3A_381 = tpu.memref_slice %arg10[%add3A_373, %dma_start3A_380] : memref<157x128xi32, #tpu.memory_space<vmem>> -> memref<1x128xi32, #tpu.memory_space<vmem>>
          %dma_start3A_382 = tpu.memref_squeeze %dma_start3A_381 : memref<1x128xi32, #tpu.memory_space<vmem>> -> memref<128xi32, #tpu.memory_space<vmem>>
          %dma_start3A_383 = arith.constant 0 : i32
          %dma_start3A_384 = arith.constant 0 : i32
          %dma_start3A_385 = tpu.memref_slice %arg18[%dma_start3A_383, %dma_start3A_384] : memref<10112x16xf32, #tpu.memory_space<vmem_shared>> -> memref<10112x16xf32, #tpu.memory_space<vmem_shared>>
          %dma_start3A_386 = tpu.memref_slice %arg20[%dma_start3A_375] : memref<8x!tpu.dma_semaphore, #tpu.memory_space<semaphore_mem>> -> memref<1x!tpu.dma_semaphore, #tpu.memory_space<semaphore_mem>>
          %dma_start3A_387 = tpu.memref_squeeze %dma_start3A_386 : memref<1x!tpu.dma_semaphore, #tpu.memory_space<semaphore_mem>> -> memref<!tpu.dma_semaphore, #tpu.memory_space<semaphore_mem>>
          tpu.enqueue_indirect_dma source(%dma_start3A_385 : memref<10112x16xf32, #tpu.memory_space<vmem_shared>>) target(%dma_start3A_379 : memref<128x16xf32, #tpu.memory_space<vmem>>) offsets(%dma_start3A_382 : memref<128xi32, #tpu.memory_space<vmem>>) semaphore(%dma_start3A_387 : memref<!tpu.dma_semaphore, #tpu.memory_space<semaphore_mem>>)
        } else {
        }
      } else {
      }
      %add3A_290 = arith.constant 2 : i32
      %add3A_291 = arith.addi %mul3A_276, %add3A_290 : i32
      %lt3A_292 = arith.constant 157 : i32
      %lt3A_293 = arith.cmpi slt, %add3A_291, %lt3A_292 : i32
      %convert_element_type3A_294 = arith.extui %lt3A_293 : i1 to i32
      %cond3A_295 = arith.constant 0 : i32
      %cond3A_296 = arith.cmpi ne, %convert_element_type3A_294, %cond3A_295 : i32
      scf.if %cond3A_296 {
        %dma_wait3A_333 = arith.constant 2 : i32
        %dma_wait3A_334 = arith.constant 2 : i32
        %dma_wait3A_335 = arith.constant 0 : i32
        %dma_wait3A_336 = arith.constant 0 : i32
        %dma_wait3A_337 = tpu.memref_slice %arg12[%dma_wait3A_333, %dma_wait3A_335, %dma_wait3A_336] : memref<8x128x16xf32, #tpu.memory_space<vmem>> -> memref<1x128x16xf32, #tpu.memory_space<vmem>>
        %dma_wait3A_338 = tpu.memref_squeeze %dma_wait3A_337 : memref<1x128x16xf32, #tpu.memory_space<vmem>> -> memref<128x16xf32, #tpu.memory_space<vmem>>
        %dma_wait3A_339 = arith.constant 0 : i32
        %dma_wait3A_340 = tpu.memref_slice %arg10[%add3A_291, %dma_wait3A_339] : memref<157x128xi32, #tpu.memory_space<vmem>> -> memref<1x128xi32, #tpu.memory_space<vmem>>
        %dma_wait3A_341 = tpu.memref_squeeze %dma_wait3A_340 : memref<1x128xi32, #tpu.memory_space<vmem>> -> memref<128xi32, #tpu.memory_space<vmem>>
        %dma_wait3A_342 = arith.constant 0 : i32
        %dma_wait3A_343 = arith.constant 0 : i32
        %dma_wait3A_344 = tpu.memref_slice %arg18[%dma_wait3A_342, %dma_wait3A_343] : memref<10112x16xf32, #tpu.memory_space<vmem_shared>> -> memref<10112x16xf32, #tpu.memory_space<vmem_shared>>
        %dma_wait3A_345 = tpu.memref_slice %arg20[%dma_wait3A_334] : memref<8x!tpu.dma_semaphore, #tpu.memory_space<semaphore_mem>> -> memref<1x!tpu.dma_semaphore, #tpu.memory_space<semaphore_mem>>
        %dma_wait3A_346 = tpu.memref_squeeze %dma_wait3A_345 : memref<1x!tpu.dma_semaphore, #tpu.memory_space<semaphore_mem>> -> memref<!tpu.dma_semaphore, #tpu.memory_space<semaphore_mem>>
        tpu.wait_indirect_dma semaphore(%dma_wait3A_346 : memref<!tpu.dma_semaphore, #tpu.memory_space<semaphore_mem>>) src(%dma_wait3A_344 : memref<10112x16xf32, #tpu.memory_space<vmem_shared>>) dst(%dma_wait3A_338 : memref<128x16xf32, #tpu.memory_space<vmem>>)
        %dma_start3A_347 = arith.constant 2 : i32
        %dma_start3A_348 = arith.constant 2 : i32
        %dma_start3A_349 = arith.constant 0 : i32
        %dma_start3A_350 = arith.constant 0 : i32
        %dma_start3A_351 = tpu.memref_slice %arg12[%dma_start3A_347, %dma_start3A_349, %dma_start3A_350] : memref<8x128x16xf32, #tpu.memory_space<vmem>> -> memref<1x128x16xf32, #tpu.memory_space<vmem>>
        %dma_start3A_352 = tpu.memref_squeeze %dma_start3A_351 : memref<1x128x16xf32, #tpu.memory_space<vmem>> -> memref<128x16xf32, #tpu.memory_space<vmem>>
        %dma_start3A_353 = arith.constant 0 : i32
        %dma_start3A_354 = tpu.memref_slice %arg11[%add3A_291, %dma_start3A_353] : memref<157x128xi32, #tpu.memory_space<vmem>> -> memref<1x128xi32, #tpu.memory_space<vmem>>
        %dma_start3A_355 = tpu.memref_squeeze %dma_start3A_354 : memref<1x128xi32, #tpu.memory_space<vmem>> -> memref<128xi32, #tpu.memory_space<vmem>>
        %dma_start3A_356 = arith.constant 0 : i32
        %dma_start3A_357 = arith.constant 0 : i32
        %dma_start3A_358 = tpu.memref_slice %arg19[%dma_start3A_356, %dma_start3A_357] : memref<10112x16xf32, #tpu.memory_space<vmem_shared>> -> memref<10112x16xf32, #tpu.memory_space<vmem_shared>>
        %dma_start3A_359 = tpu.memref_slice %arg21[%dma_start3A_348] : memref<8x!tpu.dma_semaphore, #tpu.memory_space<semaphore_mem>> -> memref<1x!tpu.dma_semaphore, #tpu.memory_space<semaphore_mem>>
        %dma_start3A_360 = tpu.memref_squeeze %dma_start3A_359 : memref<1x!tpu.dma_semaphore, #tpu.memory_space<semaphore_mem>> -> memref<!tpu.dma_semaphore, #tpu.memory_space<semaphore_mem>>
        tpu.enqueue_indirect_dma source(%dma_start3A_352 : memref<128x16xf32, #tpu.memory_space<vmem>>) target(%dma_start3A_358 : memref<10112x16xf32, #tpu.memory_space<vmem_shared>>) offsets(%dma_start3A_355 : memref<128xi32, #tpu.memory_space<vmem>>) semaphore(%dma_start3A_360 : memref<!tpu.dma_semaphore, #tpu.memory_space<semaphore_mem>>) {add = true}
        %ge3A = arith.constant 4 : i32
        %ge3A_361 = arith.cmpi sge, %add3A_291, %ge3A : i32
        %convert_element_type3A_362 = arith.extui %ge3A_361 : i1 to i32
        %cond3A_363 = arith.constant 0 : i32
        %cond3A_364 = arith.cmpi ne, %convert_element_type3A_362, %cond3A_363 : i32
        scf.if %cond3A_364 {
          %sub3A = arith.constant 4 : i32
          %sub3A_372 = arith.subi %add3A_291, %sub3A : i32
          %dma_wait3A_373 = arith.constant 6 : i32
          %dma_wait3A_374 = arith.constant 6 : i32
          %dma_wait3A_375 = arith.constant 0 : i32
          %dma_wait3A_376 = arith.constant 0 : i32
          %dma_wait3A_377 = tpu.memref_slice %arg12[%dma_wait3A_373, %dma_wait3A_375, %dma_wait3A_376] : memref<8x128x16xf32, #tpu.memory_space<vmem>> -> memref<1x128x16xf32, #tpu.memory_space<vmem>>
          %dma_wait3A_378 = tpu.memref_squeeze %dma_wait3A_377 : memref<1x128x16xf32, #tpu.memory_space<vmem>> -> memref<128x16xf32, #tpu.memory_space<vmem>>
          %dma_wait3A_379 = arith.constant 0 : i32
          %dma_wait3A_380 = tpu.memref_slice %arg11[%sub3A_372, %dma_wait3A_379] : memref<157x128xi32, #tpu.memory_space<vmem>> -> memref<1x128xi32, #tpu.memory_space<vmem>>
          %dma_wait3A_381 = tpu.memref_squeeze %dma_wait3A_380 : memref<1x128xi32, #tpu.memory_space<vmem>> -> memref<128xi32, #tpu.memory_space<vmem>>
          %dma_wait3A_382 = arith.constant 0 : i32
          %dma_wait3A_383 = arith.constant 0 : i32
          %dma_wait3A_384 = tpu.memref_slice %arg19[%dma_wait3A_382, %dma_wait3A_383] : memref<10112x16xf32, #tpu.memory_space<vmem_shared>> -> memref<10112x16xf32, #tpu.memory_space<vmem_shared>>
          %dma_wait3A_385 = tpu.memref_slice %arg21[%dma_wait3A_374] : memref<8x!tpu.dma_semaphore, #tpu.memory_space<semaphore_mem>> -> memref<1x!tpu.dma_semaphore, #tpu.memory_space<semaphore_mem>>
          %dma_wait3A_386 = tpu.memref_squeeze %dma_wait3A_385 : memref<1x!tpu.dma_semaphore, #tpu.memory_space<semaphore_mem>> -> memref<!tpu.dma_semaphore, #tpu.memory_space<semaphore_mem>>
          tpu.wait_indirect_dma semaphore(%dma_wait3A_386 : memref<!tpu.dma_semaphore, #tpu.memory_space<semaphore_mem>>) src(%dma_wait3A_378 : memref<128x16xf32, #tpu.memory_space<vmem>>) dst(%dma_wait3A_384 : memref<10112x16xf32, #tpu.memory_space<vmem_shared>>)
        } else {
        }
        %add3A_365 = arith.constant 4 : i32
        %add3A_366 = arith.addi %add3A_291, %add3A_365 : i32
        %lt3A_367 = arith.constant 157 : i32
        %lt3A_368 = arith.cmpi slt, %add3A_366, %lt3A_367 : i32
        %convert_element_type3A_369 = arith.extui %lt3A_368 : i1 to i32
        %cond3A_370 = arith.constant 0 : i32
        %cond3A_371 = arith.cmpi ne, %convert_element_type3A_369, %cond3A_370 : i32
        scf.if %cond3A_371 {
          %add3A_372 = arith.constant 4 : i32
          %add3A_373 = arith.addi %add3A_291, %add3A_372 : i32
          %dma_start3A_374 = arith.constant 6 : i32
          %dma_start3A_375 = arith.constant 6 : i32
          %dma_start3A_376 = arith.constant 0 : i32
          %dma_start3A_377 = arith.constant 0 : i32
          %dma_start3A_378 = tpu.memref_slice %arg12[%dma_start3A_374, %dma_start3A_376, %dma_start3A_377] : memref<8x128x16xf32, #tpu.memory_space<vmem>> -> memref<1x128x16xf32, #tpu.memory_space<vmem>>
          %dma_start3A_379 = tpu.memref_squeeze %dma_start3A_378 : memref<1x128x16xf32, #tpu.memory_space<vmem>> -> memref<128x16xf32, #tpu.memory_space<vmem>>
          %dma_start3A_380 = arith.constant 0 : i32
          %dma_start3A_381 = tpu.memref_slice %arg10[%add3A_373, %dma_start3A_380] : memref<157x128xi32, #tpu.memory_space<vmem>> -> memref<1x128xi32, #tpu.memory_space<vmem>>
          %dma_start3A_382 = tpu.memref_squeeze %dma_start3A_381 : memref<1x128xi32, #tpu.memory_space<vmem>> -> memref<128xi32, #tpu.memory_space<vmem>>
          %dma_start3A_383 = arith.constant 0 : i32
          %dma_start3A_384 = arith.constant 0 : i32
          %dma_start3A_385 = tpu.memref_slice %arg18[%dma_start3A_383, %dma_start3A_384] : memref<10112x16xf32, #tpu.memory_space<vmem_shared>> -> memref<10112x16xf32, #tpu.memory_space<vmem_shared>>
          %dma_start3A_386 = tpu.memref_slice %arg20[%dma_start3A_375] : memref<8x!tpu.dma_semaphore, #tpu.memory_space<semaphore_mem>> -> memref<1x!tpu.dma_semaphore, #tpu.memory_space<semaphore_mem>>
          %dma_start3A_387 = tpu.memref_squeeze %dma_start3A_386 : memref<1x!tpu.dma_semaphore, #tpu.memory_space<semaphore_mem>> -> memref<!tpu.dma_semaphore, #tpu.memory_space<semaphore_mem>>
          tpu.enqueue_indirect_dma source(%dma_start3A_385 : memref<10112x16xf32, #tpu.memory_space<vmem_shared>>) target(%dma_start3A_379 : memref<128x16xf32, #tpu.memory_space<vmem>>) offsets(%dma_start3A_382 : memref<128xi32, #tpu.memory_space<vmem>>) semaphore(%dma_start3A_387 : memref<!tpu.dma_semaphore, #tpu.memory_space<semaphore_mem>>)
        } else {
        }
      } else {
      }
      %add3A_297 = arith.constant 3 : i32
      %add3A_298 = arith.addi %mul3A_276, %add3A_297 : i32
      %lt3A_299 = arith.constant 157 : i32
      %lt3A_300 = arith.cmpi slt, %add3A_298, %lt3A_299 : i32
      %convert_element_type3A_301 = arith.extui %lt3A_300 : i1 to i32
      %cond3A_302 = arith.constant 0 : i32
      %cond3A_303 = arith.cmpi ne, %convert_element_type3A_301, %cond3A_302 : i32
      scf.if %cond3A_303 {
        %dma_wait3A_333 = arith.constant 3 : i32
        %dma_wait3A_334 = arith.constant 3 : i32
        %dma_wait3A_335 = arith.constant 0 : i32
        %dma_wait3A_336 = arith.constant 0 : i32
        %dma_wait3A_337 = tpu.memref_slice %arg12[%dma_wait3A_333, %dma_wait3A_335, %dma_wait3A_336] : memref<8x128x16xf32, #tpu.memory_space<vmem>> -> memref<1x128x16xf32, #tpu.memory_space<vmem>>
        %dma_wait3A_338 = tpu.memref_squeeze %dma_wait3A_337 : memref<1x128x16xf32, #tpu.memory_space<vmem>> -> memref<128x16xf32, #tpu.memory_space<vmem>>
        %dma_wait3A_339 = arith.constant 0 : i32
        %dma_wait3A_340 = tpu.memref_slice %arg10[%add3A_298, %dma_wait3A_339] : memref<157x128xi32, #tpu.memory_space<vmem>> -> memref<1x128xi32, #tpu.memory_space<vmem>>
        %dma_wait3A_341 = tpu.memref_squeeze %dma_wait3A_340 : memref<1x128xi32, #tpu.memory_space<vmem>> -> memref<128xi32, #tpu.memory_space<vmem>>
        %dma_wait3A_342 = arith.constant 0 : i32
        %dma_wait3A_343 = arith.constant 0 : i32
        %dma_wait3A_344 = tpu.memref_slice %arg18[%dma_wait3A_342, %dma_wait3A_343] : memref<10112x16xf32, #tpu.memory_space<vmem_shared>> -> memref<10112x16xf32, #tpu.memory_space<vmem_shared>>
        %dma_wait3A_345 = tpu.memref_slice %arg20[%dma_wait3A_334] : memref<8x!tpu.dma_semaphore, #tpu.memory_space<semaphore_mem>> -> memref<1x!tpu.dma_semaphore, #tpu.memory_space<semaphore_mem>>
        %dma_wait3A_346 = tpu.memref_squeeze %dma_wait3A_345 : memref<1x!tpu.dma_semaphore, #tpu.memory_space<semaphore_mem>> -> memref<!tpu.dma_semaphore, #tpu.memory_space<semaphore_mem>>
        tpu.wait_indirect_dma semaphore(%dma_wait3A_346 : memref<!tpu.dma_semaphore, #tpu.memory_space<semaphore_mem>>) src(%dma_wait3A_344 : memref<10112x16xf32, #tpu.memory_space<vmem_shared>>) dst(%dma_wait3A_338 : memref<128x16xf32, #tpu.memory_space<vmem>>)
        %dma_start3A_347 = arith.constant 3 : i32
        %dma_start3A_348 = arith.constant 3 : i32
        %dma_start3A_349 = arith.constant 0 : i32
        %dma_start3A_350 = arith.constant 0 : i32
        %dma_start3A_351 = tpu.memref_slice %arg12[%dma_start3A_347, %dma_start3A_349, %dma_start3A_350] : memref<8x128x16xf32, #tpu.memory_space<vmem>> -> memref<1x128x16xf32, #tpu.memory_space<vmem>>
        %dma_start3A_352 = tpu.memref_squeeze %dma_start3A_351 : memref<1x128x16xf32, #tpu.memory_space<vmem>> -> memref<128x16xf32, #tpu.memory_space<vmem>>
        %dma_start3A_353 = arith.constant 0 : i32
        %dma_start3A_354 = tpu.memref_slice %arg11[%add3A_298, %dma_start3A_353] : memref<157x128xi32, #tpu.memory_space<vmem>> -> memref<1x128xi32, #tpu.memory_space<vmem>>
        %dma_start3A_355 = tpu.memref_squeeze %dma_start3A_354 : memref<1x128xi32, #tpu.memory_space<vmem>> -> memref<128xi32, #tpu.memory_space<vmem>>
        %dma_start3A_356 = arith.constant 0 : i32
        %dma_start3A_357 = arith.constant 0 : i32
        %dma_start3A_358 = tpu.memref_slice %arg19[%dma_start3A_356, %dma_start3A_357] : memref<10112x16xf32, #tpu.memory_space<vmem_shared>> -> memref<10112x16xf32, #tpu.memory_space<vmem_shared>>
        %dma_start3A_359 = tpu.memref_slice %arg21[%dma_start3A_348] : memref<8x!tpu.dma_semaphore, #tpu.memory_space<semaphore_mem>> -> memref<1x!tpu.dma_semaphore, #tpu.memory_space<semaphore_mem>>
        %dma_start3A_360 = tpu.memref_squeeze %dma_start3A_359 : memref<1x!tpu.dma_semaphore, #tpu.memory_space<semaphore_mem>> -> memref<!tpu.dma_semaphore, #tpu.memory_space<semaphore_mem>>
        tpu.enqueue_indirect_dma source(%dma_start3A_352 : memref<128x16xf32, #tpu.memory_space<vmem>>) target(%dma_start3A_358 : memref<10112x16xf32, #tpu.memory_space<vmem_shared>>) offsets(%dma_start3A_355 : memref<128xi32, #tpu.memory_space<vmem>>) semaphore(%dma_start3A_360 : memref<!tpu.dma_semaphore, #tpu.memory_space<semaphore_mem>>) {add = true}
        %ge3A = arith.constant 4 : i32
        %ge3A_361 = arith.cmpi sge, %add3A_298, %ge3A : i32
        %convert_element_type3A_362 = arith.extui %ge3A_361 : i1 to i32
        %cond3A_363 = arith.constant 0 : i32
        %cond3A_364 = arith.cmpi ne, %convert_element_type3A_362, %cond3A_363 : i32
        scf.if %cond3A_364 {
          %sub3A = arith.constant 4 : i32
          %sub3A_372 = arith.subi %add3A_298, %sub3A : i32
          %dma_wait3A_373 = arith.constant 7 : i32
          %dma_wait3A_374 = arith.constant 7 : i32
          %dma_wait3A_375 = arith.constant 0 : i32
          %dma_wait3A_376 = arith.constant 0 : i32
          %dma_wait3A_377 = tpu.memref_slice %arg12[%dma_wait3A_373, %dma_wait3A_375, %dma_wait3A_376] : memref<8x128x16xf32, #tpu.memory_space<vmem>> -> memref<1x128x16xf32, #tpu.memory_space<vmem>>
          %dma_wait3A_378 = tpu.memref_squeeze %dma_wait3A_377 : memref<1x128x16xf32, #tpu.memory_space<vmem>> -> memref<128x16xf32, #tpu.memory_space<vmem>>
          %dma_wait3A_379 = arith.constant 0 : i32
          %dma_wait3A_380 = tpu.memref_slice %arg11[%sub3A_372, %dma_wait3A_379] : memref<157x128xi32, #tpu.memory_space<vmem>> -> memref<1x128xi32, #tpu.memory_space<vmem>>
          %dma_wait3A_381 = tpu.memref_squeeze %dma_wait3A_380 : memref<1x128xi32, #tpu.memory_space<vmem>> -> memref<128xi32, #tpu.memory_space<vmem>>
          %dma_wait3A_382 = arith.constant 0 : i32
          %dma_wait3A_383 = arith.constant 0 : i32
          %dma_wait3A_384 = tpu.memref_slice %arg19[%dma_wait3A_382, %dma_wait3A_383] : memref<10112x16xf32, #tpu.memory_space<vmem_shared>> -> memref<10112x16xf32, #tpu.memory_space<vmem_shared>>
          %dma_wait3A_385 = tpu.memref_slice %arg21[%dma_wait3A_374] : memref<8x!tpu.dma_semaphore, #tpu.memory_space<semaphore_mem>> -> memref<1x!tpu.dma_semaphore, #tpu.memory_space<semaphore_mem>>
          %dma_wait3A_386 = tpu.memref_squeeze %dma_wait3A_385 : memref<1x!tpu.dma_semaphore, #tpu.memory_space<semaphore_mem>> -> memref<!tpu.dma_semaphore, #tpu.memory_space<semaphore_mem>>
          tpu.wait_indirect_dma semaphore(%dma_wait3A_386 : memref<!tpu.dma_semaphore, #tpu.memory_space<semaphore_mem>>) src(%dma_wait3A_378 : memref<128x16xf32, #tpu.memory_space<vmem>>) dst(%dma_wait3A_384 : memref<10112x16xf32, #tpu.memory_space<vmem_shared>>)
        } else {
        }
        %add3A_365 = arith.constant 4 : i32
        %add3A_366 = arith.addi %add3A_298, %add3A_365 : i32
        %lt3A_367 = arith.constant 157 : i32
        %lt3A_368 = arith.cmpi slt, %add3A_366, %lt3A_367 : i32
        %convert_element_type3A_369 = arith.extui %lt3A_368 : i1 to i32
        %cond3A_370 = arith.constant 0 : i32
        %cond3A_371 = arith.cmpi ne, %convert_element_type3A_369, %cond3A_370 : i32
        scf.if %cond3A_371 {
          %add3A_372 = arith.constant 4 : i32
          %add3A_373 = arith.addi %add3A_298, %add3A_372 : i32
          %dma_start3A_374 = arith.constant 7 : i32
          %dma_start3A_375 = arith.constant 7 : i32
          %dma_start3A_376 = arith.constant 0 : i32
          %dma_start3A_377 = arith.constant 0 : i32
          %dma_start3A_378 = tpu.memref_slice %arg12[%dma_start3A_374, %dma_start3A_376, %dma_start3A_377] : memref<8x128x16xf32, #tpu.memory_space<vmem>> -> memref<1x128x16xf32, #tpu.memory_space<vmem>>
          %dma_start3A_379 = tpu.memref_squeeze %dma_start3A_378 : memref<1x128x16xf32, #tpu.memory_space<vmem>> -> memref<128x16xf32, #tpu.memory_space<vmem>>
          %dma_start3A_380 = arith.constant 0 : i32
          %dma_start3A_381 = tpu.memref_slice %arg10[%add3A_373, %dma_start3A_380] : memref<157x128xi32, #tpu.memory_space<vmem>> -> memref<1x128xi32, #tpu.memory_space<vmem>>
          %dma_start3A_382 = tpu.memref_squeeze %dma_start3A_381 : memref<1x128xi32, #tpu.memory_space<vmem>> -> memref<128xi32, #tpu.memory_space<vmem>>
          %dma_start3A_383 = arith.constant 0 : i32
          %dma_start3A_384 = arith.constant 0 : i32
          %dma_start3A_385 = tpu.memref_slice %arg18[%dma_start3A_383, %dma_start3A_384] : memref<10112x16xf32, #tpu.memory_space<vmem_shared>> -> memref<10112x16xf32, #tpu.memory_space<vmem_shared>>
          %dma_start3A_386 = tpu.memref_slice %arg20[%dma_start3A_375] : memref<8x!tpu.dma_semaphore, #tpu.memory_space<semaphore_mem>> -> memref<1x!tpu.dma_semaphore, #tpu.memory_space<semaphore_mem>>
          %dma_start3A_387 = tpu.memref_squeeze %dma_start3A_386 : memref<1x!tpu.dma_semaphore, #tpu.memory_space<semaphore_mem>> -> memref<!tpu.dma_semaphore, #tpu.memory_space<semaphore_mem>>
          tpu.enqueue_indirect_dma source(%dma_start3A_385 : memref<10112x16xf32, #tpu.memory_space<vmem_shared>>) target(%dma_start3A_379 : memref<128x16xf32, #tpu.memory_space<vmem>>) offsets(%dma_start3A_382 : memref<128xi32, #tpu.memory_space<vmem>>) semaphore(%dma_start3A_387 : memref<!tpu.dma_semaphore, #tpu.memory_space<semaphore_mem>>)
        } else {
        }
      } else {
      }
      %add3A_304 = arith.constant 4 : i32
      %add3A_305 = arith.addi %mul3A_276, %add3A_304 : i32
      %lt3A_306 = arith.constant 157 : i32
      %lt3A_307 = arith.cmpi slt, %add3A_305, %lt3A_306 : i32
      %convert_element_type3A_308 = arith.extui %lt3A_307 : i1 to i32
      %cond3A_309 = arith.constant 0 : i32
      %cond3A_310 = arith.cmpi ne, %convert_element_type3A_308, %cond3A_309 : i32
      scf.if %cond3A_310 {
        %dma_wait3A_333 = arith.constant 4 : i32
        %dma_wait3A_334 = arith.constant 4 : i32
        %dma_wait3A_335 = arith.constant 0 : i32
        %dma_wait3A_336 = arith.constant 0 : i32
        %dma_wait3A_337 = tpu.memref_slice %arg12[%dma_wait3A_333, %dma_wait3A_335, %dma_wait3A_336] : memref<8x128x16xf32, #tpu.memory_space<vmem>> -> memref<1x128x16xf32, #tpu.memory_space<vmem>>
        %dma_wait3A_338 = tpu.memref_squeeze %dma_wait3A_337 : memref<1x128x16xf32, #tpu.memory_space<vmem>> -> memref<128x16xf32, #tpu.memory_space<vmem>>
        %dma_wait3A_339 = arith.constant 0 : i32
        %dma_wait3A_340 = tpu.memref_slice %arg10[%add3A_305, %dma_wait3A_339] : memref<157x128xi32, #tpu.memory_space<vmem>> -> memref<1x128xi32, #tpu.memory_space<vmem>>
        %dma_wait3A_341 = tpu.memref_squeeze %dma_wait3A_340 : memref<1x128xi32, #tpu.memory_space<vmem>> -> memref<128xi32, #tpu.memory_space<vmem>>
        %dma_wait3A_342 = arith.constant 0 : i32
        %dma_wait3A_343 = arith.constant 0 : i32
        %dma_wait3A_344 = tpu.memref_slice %arg18[%dma_wait3A_342, %dma_wait3A_343] : memref<10112x16xf32, #tpu.memory_space<vmem_shared>> -> memref<10112x16xf32, #tpu.memory_space<vmem_shared>>
        %dma_wait3A_345 = tpu.memref_slice %arg20[%dma_wait3A_334] : memref<8x!tpu.dma_semaphore, #tpu.memory_space<semaphore_mem>> -> memref<1x!tpu.dma_semaphore, #tpu.memory_space<semaphore_mem>>
        %dma_wait3A_346 = tpu.memref_squeeze %dma_wait3A_345 : memref<1x!tpu.dma_semaphore, #tpu.memory_space<semaphore_mem>> -> memref<!tpu.dma_semaphore, #tpu.memory_space<semaphore_mem>>
        tpu.wait_indirect_dma semaphore(%dma_wait3A_346 : memref<!tpu.dma_semaphore, #tpu.memory_space<semaphore_mem>>) src(%dma_wait3A_344 : memref<10112x16xf32, #tpu.memory_space<vmem_shared>>) dst(%dma_wait3A_338 : memref<128x16xf32, #tpu.memory_space<vmem>>)
        %dma_start3A_347 = arith.constant 4 : i32
        %dma_start3A_348 = arith.constant 4 : i32
        %dma_start3A_349 = arith.constant 0 : i32
        %dma_start3A_350 = arith.constant 0 : i32
        %dma_start3A_351 = tpu.memref_slice %arg12[%dma_start3A_347, %dma_start3A_349, %dma_start3A_350] : memref<8x128x16xf32, #tpu.memory_space<vmem>> -> memref<1x128x16xf32, #tpu.memory_space<vmem>>
        %dma_start3A_352 = tpu.memref_squeeze %dma_start3A_351 : memref<1x128x16xf32, #tpu.memory_space<vmem>> -> memref<128x16xf32, #tpu.memory_space<vmem>>
        %dma_start3A_353 = arith.constant 0 : i32
        %dma_start3A_354 = tpu.memref_slice %arg11[%add3A_305, %dma_start3A_353] : memref<157x128xi32, #tpu.memory_space<vmem>> -> memref<1x128xi32, #tpu.memory_space<vmem>>
        %dma_start3A_355 = tpu.memref_squeeze %dma_start3A_354 : memref<1x128xi32, #tpu.memory_space<vmem>> -> memref<128xi32, #tpu.memory_space<vmem>>
        %dma_start3A_356 = arith.constant 0 : i32
        %dma_start3A_357 = arith.constant 0 : i32
        %dma_start3A_358 = tpu.memref_slice %arg19[%dma_start3A_356, %dma_start3A_357] : memref<10112x16xf32, #tpu.memory_space<vmem_shared>> -> memref<10112x16xf32, #tpu.memory_space<vmem_shared>>
        %dma_start3A_359 = tpu.memref_slice %arg21[%dma_start3A_348] : memref<8x!tpu.dma_semaphore, #tpu.memory_space<semaphore_mem>> -> memref<1x!tpu.dma_semaphore, #tpu.memory_space<semaphore_mem>>
        %dma_start3A_360 = tpu.memref_squeeze %dma_start3A_359 : memref<1x!tpu.dma_semaphore, #tpu.memory_space<semaphore_mem>> -> memref<!tpu.dma_semaphore, #tpu.memory_space<semaphore_mem>>
        tpu.enqueue_indirect_dma source(%dma_start3A_352 : memref<128x16xf32, #tpu.memory_space<vmem>>) target(%dma_start3A_358 : memref<10112x16xf32, #tpu.memory_space<vmem_shared>>) offsets(%dma_start3A_355 : memref<128xi32, #tpu.memory_space<vmem>>) semaphore(%dma_start3A_360 : memref<!tpu.dma_semaphore, #tpu.memory_space<semaphore_mem>>) {add = true}
        %ge3A = arith.constant 4 : i32
        %ge3A_361 = arith.cmpi sge, %add3A_305, %ge3A : i32
        %convert_element_type3A_362 = arith.extui %ge3A_361 : i1 to i32
        %cond3A_363 = arith.constant 0 : i32
        %cond3A_364 = arith.cmpi ne, %convert_element_type3A_362, %cond3A_363 : i32
        scf.if %cond3A_364 {
          %sub3A = arith.constant 4 : i32
          %sub3A_372 = arith.subi %add3A_305, %sub3A : i32
          %dma_wait3A_373 = arith.constant 0 : i32
          %dma_wait3A_374 = arith.constant 0 : i32
          %dma_wait3A_375 = arith.constant 0 : i32
          %dma_wait3A_376 = arith.constant 0 : i32
          %dma_wait3A_377 = tpu.memref_slice %arg12[%dma_wait3A_373, %dma_wait3A_375, %dma_wait3A_376] : memref<8x128x16xf32, #tpu.memory_space<vmem>> -> memref<1x128x16xf32, #tpu.memory_space<vmem>>
          %dma_wait3A_378 = tpu.memref_squeeze %dma_wait3A_377 : memref<1x128x16xf32, #tpu.memory_space<vmem>> -> memref<128x16xf32, #tpu.memory_space<vmem>>
          %dma_wait3A_379 = arith.constant 0 : i32
          %dma_wait3A_380 = tpu.memref_slice %arg11[%sub3A_372, %dma_wait3A_379] : memref<157x128xi32, #tpu.memory_space<vmem>> -> memref<1x128xi32, #tpu.memory_space<vmem>>
          %dma_wait3A_381 = tpu.memref_squeeze %dma_wait3A_380 : memref<1x128xi32, #tpu.memory_space<vmem>> -> memref<128xi32, #tpu.memory_space<vmem>>
          %dma_wait3A_382 = arith.constant 0 : i32
          %dma_wait3A_383 = arith.constant 0 : i32
          %dma_wait3A_384 = tpu.memref_slice %arg19[%dma_wait3A_382, %dma_wait3A_383] : memref<10112x16xf32, #tpu.memory_space<vmem_shared>> -> memref<10112x16xf32, #tpu.memory_space<vmem_shared>>
          %dma_wait3A_385 = tpu.memref_slice %arg21[%dma_wait3A_374] : memref<8x!tpu.dma_semaphore, #tpu.memory_space<semaphore_mem>> -> memref<1x!tpu.dma_semaphore, #tpu.memory_space<semaphore_mem>>
          %dma_wait3A_386 = tpu.memref_squeeze %dma_wait3A_385 : memref<1x!tpu.dma_semaphore, #tpu.memory_space<semaphore_mem>> -> memref<!tpu.dma_semaphore, #tpu.memory_space<semaphore_mem>>
          tpu.wait_indirect_dma semaphore(%dma_wait3A_386 : memref<!tpu.dma_semaphore, #tpu.memory_space<semaphore_mem>>) src(%dma_wait3A_378 : memref<128x16xf32, #tpu.memory_space<vmem>>) dst(%dma_wait3A_384 : memref<10112x16xf32, #tpu.memory_space<vmem_shared>>)
        } else {
        }
        %add3A_365 = arith.constant 4 : i32
        %add3A_366 = arith.addi %add3A_305, %add3A_365 : i32
        %lt3A_367 = arith.constant 157 : i32
        %lt3A_368 = arith.cmpi slt, %add3A_366, %lt3A_367 : i32
        %convert_element_type3A_369 = arith.extui %lt3A_368 : i1 to i32
        %cond3A_370 = arith.constant 0 : i32
        %cond3A_371 = arith.cmpi ne, %convert_element_type3A_369, %cond3A_370 : i32
        scf.if %cond3A_371 {
          %add3A_372 = arith.constant 4 : i32
          %add3A_373 = arith.addi %add3A_305, %add3A_372 : i32
          %dma_start3A_374 = arith.constant 0 : i32
          %dma_start3A_375 = arith.constant 0 : i32
          %dma_start3A_376 = arith.constant 0 : i32
          %dma_start3A_377 = arith.constant 0 : i32
          %dma_start3A_378 = tpu.memref_slice %arg12[%dma_start3A_374, %dma_start3A_376, %dma_start3A_377] : memref<8x128x16xf32, #tpu.memory_space<vmem>> -> memref<1x128x16xf32, #tpu.memory_space<vmem>>
          %dma_start3A_379 = tpu.memref_squeeze %dma_start3A_378 : memref<1x128x16xf32, #tpu.memory_space<vmem>> -> memref<128x16xf32, #tpu.memory_space<vmem>>
          %dma_start3A_380 = arith.constant 0 : i32
          %dma_start3A_381 = tpu.memref_slice %arg10[%add3A_373, %dma_start3A_380] : memref<157x128xi32, #tpu.memory_space<vmem>> -> memref<1x128xi32, #tpu.memory_space<vmem>>
          %dma_start3A_382 = tpu.memref_squeeze %dma_start3A_381 : memref<1x128xi32, #tpu.memory_space<vmem>> -> memref<128xi32, #tpu.memory_space<vmem>>
          %dma_start3A_383 = arith.constant 0 : i32
          %dma_start3A_384 = arith.constant 0 : i32
          %dma_start3A_385 = tpu.memref_slice %arg18[%dma_start3A_383, %dma_start3A_384] : memref<10112x16xf32, #tpu.memory_space<vmem_shared>> -> memref<10112x16xf32, #tpu.memory_space<vmem_shared>>
          %dma_start3A_386 = tpu.memref_slice %arg20[%dma_start3A_375] : memref<8x!tpu.dma_semaphore, #tpu.memory_space<semaphore_mem>> -> memref<1x!tpu.dma_semaphore, #tpu.memory_space<semaphore_mem>>
          %dma_start3A_387 = tpu.memref_squeeze %dma_start3A_386 : memref<1x!tpu.dma_semaphore, #tpu.memory_space<semaphore_mem>> -> memref<!tpu.dma_semaphore, #tpu.memory_space<semaphore_mem>>
          tpu.enqueue_indirect_dma source(%dma_start3A_385 : memref<10112x16xf32, #tpu.memory_space<vmem_shared>>) target(%dma_start3A_379 : memref<128x16xf32, #tpu.memory_space<vmem>>) offsets(%dma_start3A_382 : memref<128xi32, #tpu.memory_space<vmem>>) semaphore(%dma_start3A_387 : memref<!tpu.dma_semaphore, #tpu.memory_space<semaphore_mem>>)
        } else {
        }
      } else {
      }
      %add3A_311 = arith.constant 5 : i32
      %add3A_312 = arith.addi %mul3A_276, %add3A_311 : i32
      %lt3A_313 = arith.constant 157 : i32
      %lt3A_314 = arith.cmpi slt, %add3A_312, %lt3A_313 : i32
      %convert_element_type3A_315 = arith.extui %lt3A_314 : i1 to i32
      %cond3A_316 = arith.constant 0 : i32
      %cond3A_317 = arith.cmpi ne, %convert_element_type3A_315, %cond3A_316 : i32
      scf.if %cond3A_317 {
        %dma_wait3A_333 = arith.constant 5 : i32
        %dma_wait3A_334 = arith.constant 5 : i32
        %dma_wait3A_335 = arith.constant 0 : i32
        %dma_wait3A_336 = arith.constant 0 : i32
        %dma_wait3A_337 = tpu.memref_slice %arg12[%dma_wait3A_333, %dma_wait3A_335, %dma_wait3A_336] : memref<8x128x16xf32, #tpu.memory_space<vmem>> -> memref<1x128x16xf32, #tpu.memory_space<vmem>>
        %dma_wait3A_338 = tpu.memref_squeeze %dma_wait3A_337 : memref<1x128x16xf32, #tpu.memory_space<vmem>> -> memref<128x16xf32, #tpu.memory_space<vmem>>
        %dma_wait3A_339 = arith.constant 0 : i32
        %dma_wait3A_340 = tpu.memref_slice %arg10[%add3A_312, %dma_wait3A_339] : memref<157x128xi32, #tpu.memory_space<vmem>> -> memref<1x128xi32, #tpu.memory_space<vmem>>
        %dma_wait3A_341 = tpu.memref_squeeze %dma_wait3A_340 : memref<1x128xi32, #tpu.memory_space<vmem>> -> memref<128xi32, #tpu.memory_space<vmem>>
        %dma_wait3A_342 = arith.constant 0 : i32
        %dma_wait3A_343 = arith.constant 0 : i32
        %dma_wait3A_344 = tpu.memref_slice %arg18[%dma_wait3A_342, %dma_wait3A_343] : memref<10112x16xf32, #tpu.memory_space<vmem_shared>> -> memref<10112x16xf32, #tpu.memory_space<vmem_shared>>
        %dma_wait3A_345 = tpu.memref_slice %arg20[%dma_wait3A_334] : memref<8x!tpu.dma_semaphore, #tpu.memory_space<semaphore_mem>> -> memref<1x!tpu.dma_semaphore, #tpu.memory_space<semaphore_mem>>
        %dma_wait3A_346 = tpu.memref_squeeze %dma_wait3A_345 : memref<1x!tpu.dma_semaphore, #tpu.memory_space<semaphore_mem>> -> memref<!tpu.dma_semaphore, #tpu.memory_space<semaphore_mem>>
        tpu.wait_indirect_dma semaphore(%dma_wait3A_346 : memref<!tpu.dma_semaphore, #tpu.memory_space<semaphore_mem>>) src(%dma_wait3A_344 : memref<10112x16xf32, #tpu.memory_space<vmem_shared>>) dst(%dma_wait3A_338 : memref<128x16xf32, #tpu.memory_space<vmem>>)
        %dma_start3A_347 = arith.constant 5 : i32
        %dma_start3A_348 = arith.constant 5 : i32
        %dma_start3A_349 = arith.constant 0 : i32
        %dma_start3A_350 = arith.constant 0 : i32
        %dma_start3A_351 = tpu.memref_slice %arg12[%dma_start3A_347, %dma_start3A_349, %dma_start3A_350] : memref<8x128x16xf32, #tpu.memory_space<vmem>> -> memref<1x128x16xf32, #tpu.memory_space<vmem>>
        %dma_start3A_352 = tpu.memref_squeeze %dma_start3A_351 : memref<1x128x16xf32, #tpu.memory_space<vmem>> -> memref<128x16xf32, #tpu.memory_space<vmem>>
        %dma_start3A_353 = arith.constant 0 : i32
        %dma_start3A_354 = tpu.memref_slice %arg11[%add3A_312, %dma_start3A_353] : memref<157x128xi32, #tpu.memory_space<vmem>> -> memref<1x128xi32, #tpu.memory_space<vmem>>
        %dma_start3A_355 = tpu.memref_squeeze %dma_start3A_354 : memref<1x128xi32, #tpu.memory_space<vmem>> -> memref<128xi32, #tpu.memory_space<vmem>>
        %dma_start3A_356 = arith.constant 0 : i32
        %dma_start3A_357 = arith.constant 0 : i32
        %dma_start3A_358 = tpu.memref_slice %arg19[%dma_start3A_356, %dma_start3A_357] : memref<10112x16xf32, #tpu.memory_space<vmem_shared>> -> memref<10112x16xf32, #tpu.memory_space<vmem_shared>>
        %dma_start3A_359 = tpu.memref_slice %arg21[%dma_start3A_348] : memref<8x!tpu.dma_semaphore, #tpu.memory_space<semaphore_mem>> -> memref<1x!tpu.dma_semaphore, #tpu.memory_space<semaphore_mem>>
        %dma_start3A_360 = tpu.memref_squeeze %dma_start3A_359 : memref<1x!tpu.dma_semaphore, #tpu.memory_space<semaphore_mem>> -> memref<!tpu.dma_semaphore, #tpu.memory_space<semaphore_mem>>
        tpu.enqueue_indirect_dma source(%dma_start3A_352 : memref<128x16xf32, #tpu.memory_space<vmem>>) target(%dma_start3A_358 : memref<10112x16xf32, #tpu.memory_space<vmem_shared>>) offsets(%dma_start3A_355 : memref<128xi32, #tpu.memory_space<vmem>>) semaphore(%dma_start3A_360 : memref<!tpu.dma_semaphore, #tpu.memory_space<semaphore_mem>>) {add = true}
        %ge3A = arith.constant 4 : i32
        %ge3A_361 = arith.cmpi sge, %add3A_312, %ge3A : i32
        %convert_element_type3A_362 = arith.extui %ge3A_361 : i1 to i32
        %cond3A_363 = arith.constant 0 : i32
        %cond3A_364 = arith.cmpi ne, %convert_element_type3A_362, %cond3A_363 : i32
        scf.if %cond3A_364 {
          %sub3A = arith.constant 4 : i32
          %sub3A_372 = arith.subi %add3A_312, %sub3A : i32
          %dma_wait3A_373 = arith.constant 1 : i32
          %dma_wait3A_374 = arith.constant 1 : i32
          %dma_wait3A_375 = arith.constant 0 : i32
          %dma_wait3A_376 = arith.constant 0 : i32
          %dma_wait3A_377 = tpu.memref_slice %arg12[%dma_wait3A_373, %dma_wait3A_375, %dma_wait3A_376] : memref<8x128x16xf32, #tpu.memory_space<vmem>> -> memref<1x128x16xf32, #tpu.memory_space<vmem>>
          %dma_wait3A_378 = tpu.memref_squeeze %dma_wait3A_377 : memref<1x128x16xf32, #tpu.memory_space<vmem>> -> memref<128x16xf32, #tpu.memory_space<vmem>>
          %dma_wait3A_379 = arith.constant 0 : i32
          %dma_wait3A_380 = tpu.memref_slice %arg11[%sub3A_372, %dma_wait3A_379] : memref<157x128xi32, #tpu.memory_space<vmem>> -> memref<1x128xi32, #tpu.memory_space<vmem>>
          %dma_wait3A_381 = tpu.memref_squeeze %dma_wait3A_380 : memref<1x128xi32, #tpu.memory_space<vmem>> -> memref<128xi32, #tpu.memory_space<vmem>>
          %dma_wait3A_382 = arith.constant 0 : i32
          %dma_wait3A_383 = arith.constant 0 : i32
          %dma_wait3A_384 = tpu.memref_slice %arg19[%dma_wait3A_382, %dma_wait3A_383] : memref<10112x16xf32, #tpu.memory_space<vmem_shared>> -> memref<10112x16xf32, #tpu.memory_space<vmem_shared>>
          %dma_wait3A_385 = tpu.memref_slice %arg21[%dma_wait3A_374] : memref<8x!tpu.dma_semaphore, #tpu.memory_space<semaphore_mem>> -> memref<1x!tpu.dma_semaphore, #tpu.memory_space<semaphore_mem>>
          %dma_wait3A_386 = tpu.memref_squeeze %dma_wait3A_385 : memref<1x!tpu.dma_semaphore, #tpu.memory_space<semaphore_mem>> -> memref<!tpu.dma_semaphore, #tpu.memory_space<semaphore_mem>>
          tpu.wait_indirect_dma semaphore(%dma_wait3A_386 : memref<!tpu.dma_semaphore, #tpu.memory_space<semaphore_mem>>) src(%dma_wait3A_378 : memref<128x16xf32, #tpu.memory_space<vmem>>) dst(%dma_wait3A_384 : memref<10112x16xf32, #tpu.memory_space<vmem_shared>>)
        } else {
        }
        %add3A_365 = arith.constant 4 : i32
        %add3A_366 = arith.addi %add3A_312, %add3A_365 : i32
        %lt3A_367 = arith.constant 157 : i32
        %lt3A_368 = arith.cmpi slt, %add3A_366, %lt3A_367 : i32
        %convert_element_type3A_369 = arith.extui %lt3A_368 : i1 to i32
        %cond3A_370 = arith.constant 0 : i32
        %cond3A_371 = arith.cmpi ne, %convert_element_type3A_369, %cond3A_370 : i32
        scf.if %cond3A_371 {
          %add3A_372 = arith.constant 4 : i32
          %add3A_373 = arith.addi %add3A_312, %add3A_372 : i32
          %dma_start3A_374 = arith.constant 1 : i32
          %dma_start3A_375 = arith.constant 1 : i32
          %dma_start3A_376 = arith.constant 0 : i32
          %dma_start3A_377 = arith.constant 0 : i32
          %dma_start3A_378 = tpu.memref_slice %arg12[%dma_start3A_374, %dma_start3A_376, %dma_start3A_377] : memref<8x128x16xf32, #tpu.memory_space<vmem>> -> memref<1x128x16xf32, #tpu.memory_space<vmem>>
          %dma_start3A_379 = tpu.memref_squeeze %dma_start3A_378 : memref<1x128x16xf32, #tpu.memory_space<vmem>> -> memref<128x16xf32, #tpu.memory_space<vmem>>
          %dma_start3A_380 = arith.constant 0 : i32
          %dma_start3A_381 = tpu.memref_slice %arg10[%add3A_373, %dma_start3A_380] : memref<157x128xi32, #tpu.memory_space<vmem>> -> memref<1x128xi32, #tpu.memory_space<vmem>>
          %dma_start3A_382 = tpu.memref_squeeze %dma_start3A_381 : memref<1x128xi32, #tpu.memory_space<vmem>> -> memref<128xi32, #tpu.memory_space<vmem>>
          %dma_start3A_383 = arith.constant 0 : i32
          %dma_start3A_384 = arith.constant 0 : i32
          %dma_start3A_385 = tpu.memref_slice %arg18[%dma_start3A_383, %dma_start3A_384] : memref<10112x16xf32, #tpu.memory_space<vmem_shared>> -> memref<10112x16xf32, #tpu.memory_space<vmem_shared>>
          %dma_start3A_386 = tpu.memref_slice %arg20[%dma_start3A_375] : memref<8x!tpu.dma_semaphore, #tpu.memory_space<semaphore_mem>> -> memref<1x!tpu.dma_semaphore, #tpu.memory_space<semaphore_mem>>
          %dma_start3A_387 = tpu.memref_squeeze %dma_start3A_386 : memref<1x!tpu.dma_semaphore, #tpu.memory_space<semaphore_mem>> -> memref<!tpu.dma_semaphore, #tpu.memory_space<semaphore_mem>>
          tpu.enqueue_indirect_dma source(%dma_start3A_385 : memref<10112x16xf32, #tpu.memory_space<vmem_shared>>) target(%dma_start3A_379 : memref<128x16xf32, #tpu.memory_space<vmem>>) offsets(%dma_start3A_382 : memref<128xi32, #tpu.memory_space<vmem>>) semaphore(%dma_start3A_387 : memref<!tpu.dma_semaphore, #tpu.memory_space<semaphore_mem>>)
        } else {
        }
      } else {
      }
      %add3A_318 = arith.constant 6 : i32
      %add3A_319 = arith.addi %mul3A_276, %add3A_318 : i32
      %lt3A_320 = arith.constant 157 : i32
      %lt3A_321 = arith.cmpi slt, %add3A_319, %lt3A_320 : i32
      %convert_element_type3A_322 = arith.extui %lt3A_321 : i1 to i32
      %cond3A_323 = arith.constant 0 : i32
      %cond3A_324 = arith.cmpi ne, %convert_element_type3A_322, %cond3A_323 : i32
      scf.if %cond3A_324 {
        %dma_wait3A_333 = arith.constant 6 : i32
        %dma_wait3A_334 = arith.constant 6 : i32
        %dma_wait3A_335 = arith.constant 0 : i32
        %dma_wait3A_336 = arith.constant 0 : i32
        %dma_wait3A_337 = tpu.memref_slice %arg12[%dma_wait3A_333, %dma_wait3A_335, %dma_wait3A_336] : memref<8x128x16xf32, #tpu.memory_space<vmem>> -> memref<1x128x16xf32, #tpu.memory_space<vmem>>
        %dma_wait3A_338 = tpu.memref_squeeze %dma_wait3A_337 : memref<1x128x16xf32, #tpu.memory_space<vmem>> -> memref<128x16xf32, #tpu.memory_space<vmem>>
        %dma_wait3A_339 = arith.constant 0 : i32
        %dma_wait3A_340 = tpu.memref_slice %arg10[%add3A_319, %dma_wait3A_339] : memref<157x128xi32, #tpu.memory_space<vmem>> -> memref<1x128xi32, #tpu.memory_space<vmem>>
        %dma_wait3A_341 = tpu.memref_squeeze %dma_wait3A_340 : memref<1x128xi32, #tpu.memory_space<vmem>> -> memref<128xi32, #tpu.memory_space<vmem>>
        %dma_wait3A_342 = arith.constant 0 : i32
        %dma_wait3A_343 = arith.constant 0 : i32
        %dma_wait3A_344 = tpu.memref_slice %arg18[%dma_wait3A_342, %dma_wait3A_343] : memref<10112x16xf32, #tpu.memory_space<vmem_shared>> -> memref<10112x16xf32, #tpu.memory_space<vmem_shared>>
        %dma_wait3A_345 = tpu.memref_slice %arg20[%dma_wait3A_334] : memref<8x!tpu.dma_semaphore, #tpu.memory_space<semaphore_mem>> -> memref<1x!tpu.dma_semaphore, #tpu.memory_space<semaphore_mem>>
        %dma_wait3A_346 = tpu.memref_squeeze %dma_wait3A_345 : memref<1x!tpu.dma_semaphore, #tpu.memory_space<semaphore_mem>> -> memref<!tpu.dma_semaphore, #tpu.memory_space<semaphore_mem>>
        tpu.wait_indirect_dma semaphore(%dma_wait3A_346 : memref<!tpu.dma_semaphore, #tpu.memory_space<semaphore_mem>>) src(%dma_wait3A_344 : memref<10112x16xf32, #tpu.memory_space<vmem_shared>>) dst(%dma_wait3A_338 : memref<128x16xf32, #tpu.memory_space<vmem>>)
        %dma_start3A_347 = arith.constant 6 : i32
        %dma_start3A_348 = arith.constant 6 : i32
        %dma_start3A_349 = arith.constant 0 : i32
        %dma_start3A_350 = arith.constant 0 : i32
        %dma_start3A_351 = tpu.memref_slice %arg12[%dma_start3A_347, %dma_start3A_349, %dma_start3A_350] : memref<8x128x16xf32, #tpu.memory_space<vmem>> -> memref<1x128x16xf32, #tpu.memory_space<vmem>>
        %dma_start3A_352 = tpu.memref_squeeze %dma_start3A_351 : memref<1x128x16xf32, #tpu.memory_space<vmem>> -> memref<128x16xf32, #tpu.memory_space<vmem>>
        %dma_start3A_353 = arith.constant 0 : i32
        %dma_start3A_354 = tpu.memref_slice %arg11[%add3A_319, %dma_start3A_353] : memref<157x128xi32, #tpu.memory_space<vmem>> -> memref<1x128xi32, #tpu.memory_space<vmem>>
        %dma_start3A_355 = tpu.memref_squeeze %dma_start3A_354 : memref<1x128xi32, #tpu.memory_space<vmem>> -> memref<128xi32, #tpu.memory_space<vmem>>
        %dma_start3A_356 = arith.constant 0 : i32
        %dma_start3A_357 = arith.constant 0 : i32
        %dma_start3A_358 = tpu.memref_slice %arg19[%dma_start3A_356, %dma_start3A_357] : memref<10112x16xf32, #tpu.memory_space<vmem_shared>> -> memref<10112x16xf32, #tpu.memory_space<vmem_shared>>
        %dma_start3A_359 = tpu.memref_slice %arg21[%dma_start3A_348] : memref<8x!tpu.dma_semaphore, #tpu.memory_space<semaphore_mem>> -> memref<1x!tpu.dma_semaphore, #tpu.memory_space<semaphore_mem>>
        %dma_start3A_360 = tpu.memref_squeeze %dma_start3A_359 : memref<1x!tpu.dma_semaphore, #tpu.memory_space<semaphore_mem>> -> memref<!tpu.dma_semaphore, #tpu.memory_space<semaphore_mem>>
        tpu.enqueue_indirect_dma source(%dma_start3A_352 : memref<128x16xf32, #tpu.memory_space<vmem>>) target(%dma_start3A_358 : memref<10112x16xf32, #tpu.memory_space<vmem_shared>>) offsets(%dma_start3A_355 : memref<128xi32, #tpu.memory_space<vmem>>) semaphore(%dma_start3A_360 : memref<!tpu.dma_semaphore, #tpu.memory_space<semaphore_mem>>) {add = true}
        %ge3A = arith.constant 4 : i32
        %ge3A_361 = arith.cmpi sge, %add3A_319, %ge3A : i32
        %convert_element_type3A_362 = arith.extui %ge3A_361 : i1 to i32
        %cond3A_363 = arith.constant 0 : i32
        %cond3A_364 = arith.cmpi ne, %convert_element_type3A_362, %cond3A_363 : i32
        scf.if %cond3A_364 {
          %sub3A = arith.constant 4 : i32
          %sub3A_372 = arith.subi %add3A_319, %sub3A : i32
          %dma_wait3A_373 = arith.constant 2 : i32
          %dma_wait3A_374 = arith.constant 2 : i32
          %dma_wait3A_375 = arith.constant 0 : i32
          %dma_wait3A_376 = arith.constant 0 : i32
          %dma_wait3A_377 = tpu.memref_slice %arg12[%dma_wait3A_373, %dma_wait3A_375, %dma_wait3A_376] : memref<8x128x16xf32, #tpu.memory_space<vmem>> -> memref<1x128x16xf32, #tpu.memory_space<vmem>>
          %dma_wait3A_378 = tpu.memref_squeeze %dma_wait3A_377 : memref<1x128x16xf32, #tpu.memory_space<vmem>> -> memref<128x16xf32, #tpu.memory_space<vmem>>
          %dma_wait3A_379 = arith.constant 0 : i32
          %dma_wait3A_380 = tpu.memref_slice %arg11[%sub3A_372, %dma_wait3A_379] : memref<157x128xi32, #tpu.memory_space<vmem>> -> memref<1x128xi32, #tpu.memory_space<vmem>>
          %dma_wait3A_381 = tpu.memref_squeeze %dma_wait3A_380 : memref<1x128xi32, #tpu.memory_space<vmem>> -> memref<128xi32, #tpu.memory_space<vmem>>
          %dma_wait3A_382 = arith.constant 0 : i32
          %dma_wait3A_383 = arith.constant 0 : i32
          %dma_wait3A_384 = tpu.memref_slice %arg19[%dma_wait3A_382, %dma_wait3A_383] : memref<10112x16xf32, #tpu.memory_space<vmem_shared>> -> memref<10112x16xf32, #tpu.memory_space<vmem_shared>>
          %dma_wait3A_385 = tpu.memref_slice %arg21[%dma_wait3A_374] : memref<8x!tpu.dma_semaphore, #tpu.memory_space<semaphore_mem>> -> memref<1x!tpu.dma_semaphore, #tpu.memory_space<semaphore_mem>>
          %dma_wait3A_386 = tpu.memref_squeeze %dma_wait3A_385 : memref<1x!tpu.dma_semaphore, #tpu.memory_space<semaphore_mem>> -> memref<!tpu.dma_semaphore, #tpu.memory_space<semaphore_mem>>
          tpu.wait_indirect_dma semaphore(%dma_wait3A_386 : memref<!tpu.dma_semaphore, #tpu.memory_space<semaphore_mem>>) src(%dma_wait3A_378 : memref<128x16xf32, #tpu.memory_space<vmem>>) dst(%dma_wait3A_384 : memref<10112x16xf32, #tpu.memory_space<vmem_shared>>)
        } else {
        }
        %add3A_365 = arith.constant 4 : i32
        %add3A_366 = arith.addi %add3A_319, %add3A_365 : i32
        %lt3A_367 = arith.constant 157 : i32
        %lt3A_368 = arith.cmpi slt, %add3A_366, %lt3A_367 : i32
        %convert_element_type3A_369 = arith.extui %lt3A_368 : i1 to i32
        %cond3A_370 = arith.constant 0 : i32
        %cond3A_371 = arith.cmpi ne, %convert_element_type3A_369, %cond3A_370 : i32
        scf.if %cond3A_371 {
          %add3A_372 = arith.constant 4 : i32
          %add3A_373 = arith.addi %add3A_319, %add3A_372 : i32
          %dma_start3A_374 = arith.constant 2 : i32
          %dma_start3A_375 = arith.constant 2 : i32
          %dma_start3A_376 = arith.constant 0 : i32
          %dma_start3A_377 = arith.constant 0 : i32
          %dma_start3A_378 = tpu.memref_slice %arg12[%dma_start3A_374, %dma_start3A_376, %dma_start3A_377] : memref<8x128x16xf32, #tpu.memory_space<vmem>> -> memref<1x128x16xf32, #tpu.memory_space<vmem>>
          %dma_start3A_379 = tpu.memref_squeeze %dma_start3A_378 : memref<1x128x16xf32, #tpu.memory_space<vmem>> -> memref<128x16xf32, #tpu.memory_space<vmem>>
          %dma_start3A_380 = arith.constant 0 : i32
          %dma_start3A_381 = tpu.memref_slice %arg10[%add3A_373, %dma_start3A_380] : memref<157x128xi32, #tpu.memory_space<vmem>> -> memref<1x128xi32, #tpu.memory_space<vmem>>
          %dma_start3A_382 = tpu.memref_squeeze %dma_start3A_381 : memref<1x128xi32, #tpu.memory_space<vmem>> -> memref<128xi32, #tpu.memory_space<vmem>>
          %dma_start3A_383 = arith.constant 0 : i32
          %dma_start3A_384 = arith.constant 0 : i32
          %dma_start3A_385 = tpu.memref_slice %arg18[%dma_start3A_383, %dma_start3A_384] : memref<10112x16xf32, #tpu.memory_space<vmem_shared>> -> memref<10112x16xf32, #tpu.memory_space<vmem_shared>>
          %dma_start3A_386 = tpu.memref_slice %arg20[%dma_start3A_375] : memref<8x!tpu.dma_semaphore, #tpu.memory_space<semaphore_mem>> -> memref<1x!tpu.dma_semaphore, #tpu.memory_space<semaphore_mem>>
          %dma_start3A_387 = tpu.memref_squeeze %dma_start3A_386 : memref<1x!tpu.dma_semaphore, #tpu.memory_space<semaphore_mem>> -> memref<!tpu.dma_semaphore, #tpu.memory_space<semaphore_mem>>
          tpu.enqueue_indirect_dma source(%dma_start3A_385 : memref<10112x16xf32, #tpu.memory_space<vmem_shared>>) target(%dma_start3A_379 : memref<128x16xf32, #tpu.memory_space<vmem>>) offsets(%dma_start3A_382 : memref<128xi32, #tpu.memory_space<vmem>>) semaphore(%dma_start3A_387 : memref<!tpu.dma_semaphore, #tpu.memory_space<semaphore_mem>>)
        } else {
        }
      } else {
      }
      %add3A_325 = arith.constant 7 : i32
      %add3A_326 = arith.addi %mul3A_276, %add3A_325 : i32
      %lt3A_327 = arith.constant 157 : i32
      %lt3A_328 = arith.cmpi slt, %add3A_326, %lt3A_327 : i32
      %convert_element_type3A_329 = arith.extui %lt3A_328 : i1 to i32
      %cond3A_330 = arith.constant 0 : i32
      %cond3A_331 = arith.cmpi ne, %convert_element_type3A_329, %cond3A_330 : i32
      scf.if %cond3A_331 {
        %dma_wait3A_333 = arith.constant 7 : i32
        %dma_wait3A_334 = arith.constant 7 : i32
        %dma_wait3A_335 = arith.constant 0 : i32
        %dma_wait3A_336 = arith.constant 0 : i32
        %dma_wait3A_337 = tpu.memref_slice %arg12[%dma_wait3A_333, %dma_wait3A_335, %dma_wait3A_336] : memref<8x128x16xf32, #tpu.memory_space<vmem>> -> memref<1x128x16xf32, #tpu.memory_space<vmem>>
        %dma_wait3A_338 = tpu.memref_squeeze %dma_wait3A_337 : memref<1x128x16xf32, #tpu.memory_space<vmem>> -> memref<128x16xf32, #tpu.memory_space<vmem>>
        %dma_wait3A_339 = arith.constant 0 : i32
        %dma_wait3A_340 = tpu.memref_slice %arg10[%add3A_326, %dma_wait3A_339] : memref<157x128xi32, #tpu.memory_space<vmem>> -> memref<1x128xi32, #tpu.memory_space<vmem>>
        %dma_wait3A_341 = tpu.memref_squeeze %dma_wait3A_340 : memref<1x128xi32, #tpu.memory_space<vmem>> -> memref<128xi32, #tpu.memory_space<vmem>>
        %dma_wait3A_342 = arith.constant 0 : i32
        %dma_wait3A_343 = arith.constant 0 : i32
        %dma_wait3A_344 = tpu.memref_slice %arg18[%dma_wait3A_342, %dma_wait3A_343] : memref<10112x16xf32, #tpu.memory_space<vmem_shared>> -> memref<10112x16xf32, #tpu.memory_space<vmem_shared>>
        %dma_wait3A_345 = tpu.memref_slice %arg20[%dma_wait3A_334] : memref<8x!tpu.dma_semaphore, #tpu.memory_space<semaphore_mem>> -> memref<1x!tpu.dma_semaphore, #tpu.memory_space<semaphore_mem>>
        %dma_wait3A_346 = tpu.memref_squeeze %dma_wait3A_345 : memref<1x!tpu.dma_semaphore, #tpu.memory_space<semaphore_mem>> -> memref<!tpu.dma_semaphore, #tpu.memory_space<semaphore_mem>>
        tpu.wait_indirect_dma semaphore(%dma_wait3A_346 : memref<!tpu.dma_semaphore, #tpu.memory_space<semaphore_mem>>) src(%dma_wait3A_344 : memref<10112x16xf32, #tpu.memory_space<vmem_shared>>) dst(%dma_wait3A_338 : memref<128x16xf32, #tpu.memory_space<vmem>>)
        %dma_start3A_347 = arith.constant 7 : i32
        %dma_start3A_348 = arith.constant 7 : i32
        %dma_start3A_349 = arith.constant 0 : i32
        %dma_start3A_350 = arith.constant 0 : i32
        %dma_start3A_351 = tpu.memref_slice %arg12[%dma_start3A_347, %dma_start3A_349, %dma_start3A_350] : memref<8x128x16xf32, #tpu.memory_space<vmem>> -> memref<1x128x16xf32, #tpu.memory_space<vmem>>
        %dma_start3A_352 = tpu.memref_squeeze %dma_start3A_351 : memref<1x128x16xf32, #tpu.memory_space<vmem>> -> memref<128x16xf32, #tpu.memory_space<vmem>>
        %dma_start3A_353 = arith.constant 0 : i32
        %dma_start3A_354 = tpu.memref_slice %arg11[%add3A_326, %dma_start3A_353] : memref<157x128xi32, #tpu.memory_space<vmem>> -> memref<1x128xi32, #tpu.memory_space<vmem>>
        %dma_start3A_355 = tpu.memref_squeeze %dma_start3A_354 : memref<1x128xi32, #tpu.memory_space<vmem>> -> memref<128xi32, #tpu.memory_space<vmem>>
        %dma_start3A_356 = arith.constant 0 : i32
        %dma_start3A_357 = arith.constant 0 : i32
        %dma_start3A_358 = tpu.memref_slice %arg19[%dma_start3A_356, %dma_start3A_357] : memref<10112x16xf32, #tpu.memory_space<vmem_shared>> -> memref<10112x16xf32, #tpu.memory_space<vmem_shared>>
        %dma_start3A_359 = tpu.memref_slice %arg21[%dma_start3A_348] : memref<8x!tpu.dma_semaphore, #tpu.memory_space<semaphore_mem>> -> memref<1x!tpu.dma_semaphore, #tpu.memory_space<semaphore_mem>>
        %dma_start3A_360 = tpu.memref_squeeze %dma_start3A_359 : memref<1x!tpu.dma_semaphore, #tpu.memory_space<semaphore_mem>> -> memref<!tpu.dma_semaphore, #tpu.memory_space<semaphore_mem>>
        tpu.enqueue_indirect_dma source(%dma_start3A_352 : memref<128x16xf32, #tpu.memory_space<vmem>>) target(%dma_start3A_358 : memref<10112x16xf32, #tpu.memory_space<vmem_shared>>) offsets(%dma_start3A_355 : memref<128xi32, #tpu.memory_space<vmem>>) semaphore(%dma_start3A_360 : memref<!tpu.dma_semaphore, #tpu.memory_space<semaphore_mem>>) {add = true}
        %ge3A = arith.constant 4 : i32
        %ge3A_361 = arith.cmpi sge, %add3A_326, %ge3A : i32
        %convert_element_type3A_362 = arith.extui %ge3A_361 : i1 to i32
        %cond3A_363 = arith.constant 0 : i32
        %cond3A_364 = arith.cmpi ne, %convert_element_type3A_362, %cond3A_363 : i32
        scf.if %cond3A_364 {
          %sub3A = arith.constant 4 : i32
          %sub3A_372 = arith.subi %add3A_326, %sub3A : i32
          %dma_wait3A_373 = arith.constant 3 : i32
          %dma_wait3A_374 = arith.constant 3 : i32
          %dma_wait3A_375 = arith.constant 0 : i32
          %dma_wait3A_376 = arith.constant 0 : i32
          %dma_wait3A_377 = tpu.memref_slice %arg12[%dma_wait3A_373, %dma_wait3A_375, %dma_wait3A_376] : memref<8x128x16xf32, #tpu.memory_space<vmem>> -> memref<1x128x16xf32, #tpu.memory_space<vmem>>
          %dma_wait3A_378 = tpu.memref_squeeze %dma_wait3A_377 : memref<1x128x16xf32, #tpu.memory_space<vmem>> -> memref<128x16xf32, #tpu.memory_space<vmem>>
          %dma_wait3A_379 = arith.constant 0 : i32
          %dma_wait3A_380 = tpu.memref_slice %arg11[%sub3A_372, %dma_wait3A_379] : memref<157x128xi32, #tpu.memory_space<vmem>> -> memref<1x128xi32, #tpu.memory_space<vmem>>
          %dma_wait3A_381 = tpu.memref_squeeze %dma_wait3A_380 : memref<1x128xi32, #tpu.memory_space<vmem>> -> memref<128xi32, #tpu.memory_space<vmem>>
          %dma_wait3A_382 = arith.constant 0 : i32
          %dma_wait3A_383 = arith.constant 0 : i32
          %dma_wait3A_384 = tpu.memref_slice %arg19[%dma_wait3A_382, %dma_wait3A_383] : memref<10112x16xf32, #tpu.memory_space<vmem_shared>> -> memref<10112x16xf32, #tpu.memory_space<vmem_shared>>
          %dma_wait3A_385 = tpu.memref_slice %arg21[%dma_wait3A_374] : memref<8x!tpu.dma_semaphore, #tpu.memory_space<semaphore_mem>> -> memref<1x!tpu.dma_semaphore, #tpu.memory_space<semaphore_mem>>
          %dma_wait3A_386 = tpu.memref_squeeze %dma_wait3A_385 : memref<1x!tpu.dma_semaphore, #tpu.memory_space<semaphore_mem>> -> memref<!tpu.dma_semaphore, #tpu.memory_space<semaphore_mem>>
          tpu.wait_indirect_dma semaphore(%dma_wait3A_386 : memref<!tpu.dma_semaphore, #tpu.memory_space<semaphore_mem>>) src(%dma_wait3A_378 : memref<128x16xf32, #tpu.memory_space<vmem>>) dst(%dma_wait3A_384 : memref<10112x16xf32, #tpu.memory_space<vmem_shared>>)
        } else {
        }
        %add3A_365 = arith.constant 4 : i32
        %add3A_366 = arith.addi %add3A_326, %add3A_365 : i32
        %lt3A_367 = arith.constant 157 : i32
        %lt3A_368 = arith.cmpi slt, %add3A_366, %lt3A_367 : i32
        %convert_element_type3A_369 = arith.extui %lt3A_368 : i1 to i32
        %cond3A_370 = arith.constant 0 : i32
        %cond3A_371 = arith.cmpi ne, %convert_element_type3A_369, %cond3A_370 : i32
        scf.if %cond3A_371 {
          %add3A_372 = arith.constant 4 : i32
          %add3A_373 = arith.addi %add3A_326, %add3A_372 : i32
          %dma_start3A_374 = arith.constant 3 : i32
          %dma_start3A_375 = arith.constant 3 : i32
          %dma_start3A_376 = arith.constant 0 : i32
          %dma_start3A_377 = arith.constant 0 : i32
          %dma_start3A_378 = tpu.memref_slice %arg12[%dma_start3A_374, %dma_start3A_376, %dma_start3A_377] : memref<8x128x16xf32, #tpu.memory_space<vmem>> -> memref<1x128x16xf32, #tpu.memory_space<vmem>>
          %dma_start3A_379 = tpu.memref_squeeze %dma_start3A_378 : memref<1x128x16xf32, #tpu.memory_space<vmem>> -> memref<128x16xf32, #tpu.memory_space<vmem>>
          %dma_start3A_380 = arith.constant 0 : i32
          %dma_start3A_381 = tpu.memref_slice %arg10[%add3A_373, %dma_start3A_380] : memref<157x128xi32, #tpu.memory_space<vmem>> -> memref<1x128xi32, #tpu.memory_space<vmem>>
          %dma_start3A_382 = tpu.memref_squeeze %dma_start3A_381 : memref<1x128xi32, #tpu.memory_space<vmem>> -> memref<128xi32, #tpu.memory_space<vmem>>
          %dma_start3A_383 = arith.constant 0 : i32
          %dma_start3A_384 = arith.constant 0 : i32
          %dma_start3A_385 = tpu.memref_slice %arg18[%dma_start3A_383, %dma_start3A_384] : memref<10112x16xf32, #tpu.memory_space<vmem_shared>> -> memref<10112x16xf32, #tpu.memory_space<vmem_shared>>
          %dma_start3A_386 = tpu.memref_slice %arg20[%dma_start3A_375] : memref<8x!tpu.dma_semaphore, #tpu.memory_space<semaphore_mem>> -> memref<1x!tpu.dma_semaphore, #tpu.memory_space<semaphore_mem>>
          %dma_start3A_387 = tpu.memref_squeeze %dma_start3A_386 : memref<1x!tpu.dma_semaphore, #tpu.memory_space<semaphore_mem>> -> memref<!tpu.dma_semaphore, #tpu.memory_space<semaphore_mem>>
          tpu.enqueue_indirect_dma source(%dma_start3A_385 : memref<10112x16xf32, #tpu.memory_space<vmem_shared>>) target(%dma_start3A_379 : memref<128x16xf32, #tpu.memory_space<vmem>>) offsets(%dma_start3A_382 : memref<128xi32, #tpu.memory_space<vmem>>) semaphore(%dma_start3A_387 : memref<!tpu.dma_semaphore, #tpu.memory_space<semaphore_mem>>)
        } else {
        }
      } else {
      }
      %scan3A_332 = arith.constant 0 : i32
      scf.yield %scan3A_332 : i32
    }
    %scan3A_211 = arith.constant 20 : i32
    %dma_wait3A_212 = arith.constant 1 : i32
    %dma_wait3A_213 = arith.constant 153 : i32
    %dma_wait3A_214 = arith.constant 1 : i32
    %dma_wait3A_215 = arith.constant 0 : i32
    %dma_wait3A_216 = arith.constant 0 : i32
    %dma_wait3A_217 = tpu.memref_slice %arg12[%dma_wait3A_212, %dma_wait3A_215, %dma_wait3A_216] : memref<8x128x16xf32, #tpu.memory_space<vmem>> -> memref<1x128x16xf32, #tpu.memory_space<vmem>>
    %dma_wait3A_218 = tpu.memref_squeeze %dma_wait3A_217 : memref<1x128x16xf32, #tpu.memory_space<vmem>> -> memref<128x16xf32, #tpu.memory_space<vmem>>
    %dma_wait3A_219 = arith.constant 0 : i32
    %dma_wait3A_220 = tpu.memref_slice %arg11[%dma_wait3A_213, %dma_wait3A_219] : memref<157x128xi32, #tpu.memory_space<vmem>> -> memref<1x128xi32, #tpu.memory_space<vmem>>
    %dma_wait3A_221 = tpu.memref_squeeze %dma_wait3A_220 : memref<1x128xi32, #tpu.memory_space<vmem>> -> memref<128xi32, #tpu.memory_space<vmem>>
    %dma_wait3A_222 = arith.constant 0 : i32
    %dma_wait3A_223 = arith.constant 0 : i32
    %dma_wait3A_224 = tpu.memref_slice %arg19[%dma_wait3A_222, %dma_wait3A_223] : memref<10112x16xf32, #tpu.memory_space<vmem_shared>> -> memref<10112x16xf32, #tpu.memory_space<vmem_shared>>
    %dma_wait3A_225 = tpu.memref_slice %arg21[%dma_wait3A_214] : memref<8x!tpu.dma_semaphore, #tpu.memory_space<semaphore_mem>> -> memref<1x!tpu.dma_semaphore, #tpu.memory_space<semaphore_mem>>
    %dma_wait3A_226 = tpu.memref_squeeze %dma_wait3A_225 : memref<1x!tpu.dma_semaphore, #tpu.memory_space<semaphore_mem>> -> memref<!tpu.dma_semaphore, #tpu.memory_space<semaphore_mem>>
    tpu.wait_indirect_dma semaphore(%dma_wait3A_226 : memref<!tpu.dma_semaphore, #tpu.memory_space<semaphore_mem>>) src(%dma_wait3A_218 : memref<128x16xf32, #tpu.memory_space<vmem>>) dst(%dma_wait3A_224 : memref<10112x16xf32, #tpu.memory_space<vmem_shared>>)
    %dma_wait3A_227 = arith.constant 2 : i32
    %dma_wait3A_228 = arith.constant 154 : i32
    %dma_wait3A_229 = arith.constant 2 : i32
    %dma_wait3A_230 = arith.constant 0 : i32
    %dma_wait3A_231 = arith.constant 0 : i32
    %dma_wait3A_232 = tpu.memref_slice %arg12[%dma_wait3A_227, %dma_wait3A_230, %dma_wait3A_231] : memref<8x128x16xf32, #tpu.memory_space<vmem>> -> memref<1x128x16xf32, #tpu.memory_space<vmem>>
    %dma_wait3A_233 = tpu.memref_squeeze %dma_wait3A_232 : memref<1x128x16xf32, #tpu.memory_space<vmem>> -> memref<128x16xf32, #tpu.memory_space<vmem>>
    %dma_wait3A_234 = arith.constant 0 : i32
    %dma_wait3A_235 = tpu.memref_slice %arg11[%dma_wait3A_228, %dma_wait3A_234] : memref<157x128xi32, #tpu.memory_space<vmem>> -> memref<1x128xi32, #tpu.memory_space<vmem>>
    %dma_wait3A_236 = tpu.memref_squeeze %dma_wait3A_235 : memref<1x128xi32, #tpu.memory_space<vmem>> -> memref<128xi32, #tpu.memory_space<vmem>>
    %dma_wait3A_237 = arith.constant 0 : i32
    %dma_wait3A_238 = arith.constant 0 : i32
    %dma_wait3A_239 = tpu.memref_slice %arg19[%dma_wait3A_237, %dma_wait3A_238] : memref<10112x16xf32, #tpu.memory_space<vmem_shared>> -> memref<10112x16xf32, #tpu.memory_space<vmem_shared>>
    %dma_wait3A_240 = tpu.memref_slice %arg21[%dma_wait3A_229] : memref<8x!tpu.dma_semaphore, #tpu.memory_space<semaphore_mem>> -> memref<1x!tpu.dma_semaphore, #tpu.memory_space<semaphore_mem>>
    %dma_wait3A_241 = tpu.memref_squeeze %dma_wait3A_240 : memref<1x!tpu.dma_semaphore, #tpu.memory_space<semaphore_mem>> -> memref<!tpu.dma_semaphore, #tpu.memory_space<semaphore_mem>>
    tpu.wait_indirect_dma semaphore(%dma_wait3A_241 : memref<!tpu.dma_semaphore, #tpu.memory_space<semaphore_mem>>) src(%dma_wait3A_233 : memref<128x16xf32, #tpu.memory_space<vmem>>) dst(%dma_wait3A_239 : memref<10112x16xf32, #tpu.memory_space<vmem_shared>>)
    %dma_wait3A_242 = arith.constant 3 : i32
    %dma_wait3A_243 = arith.constant 155 : i32
    %dma_wait3A_244 = arith.constant 3 : i32
    %dma_wait3A_245 = arith.constant 0 : i32
    %dma_wait3A_246 = arith.constant 0 : i32
    %dma_wait3A_247 = tpu.memref_slice %arg12[%dma_wait3A_242, %dma_wait3A_245, %dma_wait3A_246] : memref<8x128x16xf32, #tpu.memory_space<vmem>> -> memref<1x128x16xf32, #tpu.memory_space<vmem>>
    %dma_wait3A_248 = tpu.memref_squeeze %dma_wait3A_247 : memref<1x128x16xf32, #tpu.memory_space<vmem>> -> memref<128x16xf32, #tpu.memory_space<vmem>>
    %dma_wait3A_249 = arith.constant 0 : i32
    %dma_wait3A_250 = tpu.memref_slice %arg11[%dma_wait3A_243, %dma_wait3A_249] : memref<157x128xi32, #tpu.memory_space<vmem>> -> memref<1x128xi32, #tpu.memory_space<vmem>>
    %dma_wait3A_251 = tpu.memref_squeeze %dma_wait3A_250 : memref<1x128xi32, #tpu.memory_space<vmem>> -> memref<128xi32, #tpu.memory_space<vmem>>
    %dma_wait3A_252 = arith.constant 0 : i32
    %dma_wait3A_253 = arith.constant 0 : i32
    %dma_wait3A_254 = tpu.memref_slice %arg19[%dma_wait3A_252, %dma_wait3A_253] : memref<10112x16xf32, #tpu.memory_space<vmem_shared>> -> memref<10112x16xf32, #tpu.memory_space<vmem_shared>>
    %dma_wait3A_255 = tpu.memref_slice %arg21[%dma_wait3A_244] : memref<8x!tpu.dma_semaphore, #tpu.memory_space<semaphore_mem>> -> memref<1x!tpu.dma_semaphore, #tpu.memory_space<semaphore_mem>>
    %dma_wait3A_256 = tpu.memref_squeeze %dma_wait3A_255 : memref<1x!tpu.dma_semaphore, #tpu.memory_space<semaphore_mem>> -> memref<!tpu.dma_semaphore, #tpu.memory_space<semaphore_mem>>
    tpu.wait_indirect_dma semaphore(%dma_wait3A_256 : memref<!tpu.dma_semaphore, #tpu.memory_space<semaphore_mem>>) src(%dma_wait3A_248 : memref<128x16xf32, #tpu.memory_space<vmem>>) dst(%dma_wait3A_254 : memref<10112x16xf32, #tpu.memory_space<vmem_shared>>)
    %dma_wait3A_257 = arith.constant 4 : i32
    %dma_wait3A_258 = arith.constant 156 : i32
    %dma_wait3A_259 = arith.constant 4 : i32
    %dma_wait3A_260 = arith.constant 0 : i32
    %dma_wait3A_261 = arith.constant 0 : i32
    %dma_wait3A_262 = tpu.memref_slice %arg12[%dma_wait3A_257, %dma_wait3A_260, %dma_wait3A_261] : memref<8x128x16xf32, #tpu.memory_space<vmem>> -> memref<1x128x16xf32, #tpu.memory_space<vmem>>
    %dma_wait3A_263 = tpu.memref_squeeze %dma_wait3A_262 : memref<1x128x16xf32, #tpu.memory_space<vmem>> -> memref<128x16xf32, #tpu.memory_space<vmem>>
    %dma_wait3A_264 = arith.constant 0 : i32
    %dma_wait3A_265 = tpu.memref_slice %arg11[%dma_wait3A_258, %dma_wait3A_264] : memref<157x128xi32, #tpu.memory_space<vmem>> -> memref<1x128xi32, #tpu.memory_space<vmem>>
    %dma_wait3A_266 = tpu.memref_squeeze %dma_wait3A_265 : memref<1x128xi32, #tpu.memory_space<vmem>> -> memref<128xi32, #tpu.memory_space<vmem>>
    %dma_wait3A_267 = arith.constant 0 : i32
    %dma_wait3A_268 = arith.constant 0 : i32
    %dma_wait3A_269 = tpu.memref_slice %arg19[%dma_wait3A_267, %dma_wait3A_268] : memref<10112x16xf32, #tpu.memory_space<vmem_shared>> -> memref<10112x16xf32, #tpu.memory_space<vmem_shared>>
    %dma_wait3A_270 = tpu.memref_slice %arg21[%dma_wait3A_259] : memref<8x!tpu.dma_semaphore, #tpu.memory_space<semaphore_mem>> -> memref<1x!tpu.dma_semaphore, #tpu.memory_space<semaphore_mem>>
    %dma_wait3A_271 = tpu.memref_squeeze %dma_wait3A_270 : memref<1x!tpu.dma_semaphore, #tpu.memory_space<semaphore_mem>> -> memref<!tpu.dma_semaphore, #tpu.memory_space<semaphore_mem>>
    tpu.wait_indirect_dma semaphore(%dma_wait3A_271 : memref<!tpu.dma_semaphore, #tpu.memory_space<semaphore_mem>>) src(%dma_wait3A_263 : memref<128x16xf32, #tpu.memory_space<vmem>>) dst(%dma_wait3A_269 : memref<10112x16xf32, #tpu.memory_space<vmem_shared>>)
    %barrier3A_272 = arith.constant 0 : index
    tpu.barrier barrier_id(%barrier3A_272)
    "tpu.region"() ({
      %run_scoped3A = tpu.sem_alloc : memref<!tpu.dma_semaphore, #tpu.memory_space<semaphore_mem>>
      %dma_start3A_273 = arith.constant 0 : i32
      %dma_start3A_274 = tpu.memref_slice %arg8[%arg0, %mul3A_2, %dma_start3A_273] : memref<2x10112x16xf32, #tpu.memory_space<hbm>> -> memref<1x632x16xf32, #tpu.memory_space<hbm>>
      %dma_start3A_275 = tpu.memref_squeeze %dma_start3A_274 : memref<1x632x16xf32, #tpu.memory_space<hbm>> -> memref<632x16xf32, #tpu.memory_space<hbm>>
      %dma_start3A_276 = arith.constant 0 : i32
      %dma_start3A_277 = tpu.memref_slice %arg19[%mul3A_2, %dma_start3A_276] : memref<10112x16xf32, #tpu.memory_space<vmem_shared>> -> memref<632x16xf32, #tpu.memory_space<vmem_shared>>
      tpu.enqueue_dma source(%dma_start3A_277 : memref<632x16xf32, #tpu.memory_space<vmem_shared>>) target(%dma_start3A_275 : memref<632x16xf32, #tpu.memory_space<hbm>>) target_semaphore(%run_scoped3A : memref<!tpu.dma_semaphore, #tpu.memory_space<semaphore_mem>>)
      %dma_wait3A_278 = arith.constant 0 : i32
      %dma_wait3A_279 = tpu.memref_slice %arg8[%arg0, %mul3A_2, %dma_wait3A_278] : memref<2x10112x16xf32, #tpu.memory_space<hbm>> -> memref<1x632x16xf32, #tpu.memory_space<hbm>>
      %dma_wait3A_280 = tpu.memref_squeeze %dma_wait3A_279 : memref<1x632x16xf32, #tpu.memory_space<hbm>> -> memref<632x16xf32, #tpu.memory_space<hbm>>
      %dma_wait3A_281 = arith.constant 0 : i32
      %dma_wait3A_282 = tpu.memref_slice %arg19[%mul3A_2, %dma_wait3A_281] : memref<10112x16xf32, #tpu.memory_space<vmem_shared>> -> memref<632x16xf32, #tpu.memory_space<vmem_shared>>
      tpu.wait_dma2 semaphore(%run_scoped3A : memref<!tpu.dma_semaphore, #tpu.memory_space<semaphore_mem>>) src(%dma_wait3A_282 : memref<632x16xf32, #tpu.memory_space<vmem_shared>>) dst(%dma_wait3A_280 : memref<632x16xf32, #tpu.memory_space<hbm>>)
      tpu.yield
    }) : () -> ()
    return
  }
}

module attributes {stable_mosaic.version = 14 : i64} {
  func.func @_matmul_kernel(%arg0: i32, %arg1: memref<1000x3703xf32, #tpu.memory_space<vmem>>, %arg2: memref<3703x16xf32, #tpu.memory_space<vmem>>, %arg3: memref<1000x16xf32, #tpu.memory_space<vmem>>) attributes {dimension_semantics = [#tpu.dimension_semantics<arbitrary>], iteration_bounds = array<i64: 10>, scalar_prefetch = 0 : i64, scratch_operands = 0 : i64, tpu.core_type = #tpu.core_type<tc>, window_params = [{transform_indices = @transform_0, window_bounds = array<i64: 1000, 3703>}, {pipeline_mode = #tpu.pipeline_mode<synchronous>, transform_indices = @transform_1, window_bounds = array<i64: 3703, 16>}, {transform_indices = @transform_2, window_bounds = array<i64: 1000, 16>}]} {
    %get3A = arith.constant 0 : index
    %get3A_0 = arith.constant 0 : index
    %get3A_1 = vector.load %arg1[%get3A, %get3A_0] : memref<1000x3703xf32, #tpu.memory_space<vmem>>, vector<1000x3703xf32>
    %get3A_2 = arith.constant 0 : index
    %get3A_3 = arith.constant 0 : index
    %get3A_4 = vector.load %arg2[%get3A_2, %get3A_3] : memref<3703x16xf32, #tpu.memory_space<vmem>>, vector<3703x16xf32>
    %dot_general3A = arith.constant dense<0.000000e+00> : vector<1000x16xf32>
    %dot_general3A_5 = tpu.matmul %get3A_1, %get3A_4, %dot_general3A {dimension_numbers = #tpu.dot_dimension_numbers<[1], [0], [0], [1], [0, 0, 1, 1], [], []>, transpose_lhs_hint = false} : vector<1000x3703xf32>, vector<3703x16xf32>, vector<1000x16xf32> -> vector<1000x16xf32>
    %swap3A = arith.constant 0 : index
    %swap3A_6 = arith.constant 0 : index
    %swap3A_7 = vector.load %arg3[%swap3A, %swap3A_6] : memref<1000x16xf32, #tpu.memory_space<vmem>>, vector<1000x16xf32>
    tpu.vector_store %arg3[%swap3A, %swap3A_6], %dot_general3A_5 {strides = array<i32>} : memref<1000x16xf32, #tpu.memory_space<vmem>>, vector<1000x16xf32>,
    return
  }
  func.func @transform_0(%arg0: i32) -> (i32, i32) {
    %c0_i32 = arith.constant 0 : i32
    %c0_i32_0 = arith.constant 0 : i32
    return %arg0, %c0_i32 : i32, i32
  }
  func.func @transform_1(%arg0: i32) -> (i32, i32) {
    %c0_i32 = arith.constant 0 : i32
    %c0_i32_0 = arith.constant 0 : i32
    %c0_i32_1 = arith.constant 0 : i32
    return %c0_i32, %c0_i32_0 : i32, i32
  }
  func.func @transform_2(%arg0: i32) -> (i32, i32) {
    %c0_i32 = arith.constant 0 : i32
    %c0_i32_0 = arith.constant 0 : i32
    return %arg0, %c0_i32 : i32, i32
  }
}

module attributes {stable_mosaic.version = 14 : i64} {
  func.func @_final_kernel(%arg0: memref<2x10112x16xf32, #tpu.memory_space<vmem>>, %arg1: memref<10112x16xf32, #tpu.memory_space<vmem>>, %arg2: memref<10112x16xf32, #tpu.memory_space<vmem>>, %arg3: memref<16x6xf32, #tpu.memory_space<vmem>>, %arg4: memref<1x6xf32, #tpu.memory_space<vmem>>, %arg5: memref<10000x6xf32, #tpu.memory_space<vmem>>) attributes {dimension_semantics = [], scalar_prefetch = 0 : i64, scratch_operands = 0 : i64, tpu.core_type = #tpu.core_type<tc>} {
    %get3A = arith.constant 0 : index
    %get3A_0 = arith.constant 0 : index
    %get3A_1 = arith.constant 0 : index
    %get3A_2 = vector.load %arg0[%get3A, %get3A_0, %get3A_1] : memref<2x10112x16xf32, #tpu.memory_space<vmem>>, vector<1x10000x16xf32>
    %get3A_3 = vector.shape_cast %get3A_2 : vector<1x10000x16xf32> to vector<10000x16xf32>
    %get3A_4 = arith.constant 1 : index
    %get3A_5 = arith.constant 0 : index
    %get3A_6 = arith.constant 0 : index
    %get3A_7 = vector.load %arg0[%get3A_4, %get3A_5, %get3A_6] : memref<2x10112x16xf32, #tpu.memory_space<vmem>>, vector<1x10000x16xf32>
    %get3A_8 = vector.shape_cast %get3A_7 : vector<1x10000x16xf32> to vector<10000x16xf32>
    %add3A = arith.addf %get3A_3, %get3A_8 : vector<10000x16xf32>
    %get3A_9 = arith.constant 0 : index
    %get3A_10 = arith.constant 0 : index
    %get3A_11 = vector.load %arg2[%get3A_9, %get3A_10] : memref<10112x16xf32, #tpu.memory_space<vmem>>, vector<10000x16xf32>
    %get3A_12 = arith.constant 0 : index
    %get3A_13 = arith.constant 0 : index
    %get3A_14 = vector.load %arg1[%get3A_12, %get3A_13] : memref<10112x16xf32, #tpu.memory_space<vmem>>, vector<10000x16xf32>
    %add3A_15 = arith.addf %add3A, %get3A_14 : vector<10000x16xf32>
    %mul3A = arith.mulf %get3A_11, %add3A_15 : vector<10000x16xf32>
    %get3A_16 = arith.constant 0 : index
    %get3A_17 = arith.constant 0 : index
    %get3A_18 = vector.load %arg3[%get3A_16, %get3A_17] : memref<16x6xf32, #tpu.memory_space<vmem>>, vector<16x6xf32>
    %dot_general3A = arith.constant dense<0.000000e+00> : vector<10000x6xf32>
    %dot_general3A_19 = tpu.matmul %mul3A, %get3A_18, %dot_general3A {dimension_numbers = #tpu.dot_dimension_numbers<[1], [0], [0], [1], [0, 0, 1, 1], [], []>, transpose_lhs_hint = false} : vector<10000x16xf32>, vector<16x6xf32>, vector<10000x6xf32> -> vector<10000x6xf32>
    %get3A_20 = arith.constant 0 : index
    %get3A_21 = arith.constant 0 : index
    %get3A_22 = vector.load %arg4[%get3A_20, %get3A_21] : memref<1x6xf32, #tpu.memory_space<vmem>>, vector<1x6xf32>
    %add3A_23 = vector.broadcast %get3A_22 : vector<1x6xf32> to vector<10000x6xf32>
    %add3A_24 = arith.addf %dot_general3A_19, %add3A_23 : vector<10000x6xf32>
    %swap3A = arith.constant 0 : index
    %swap3A_25 = arith.constant 0 : index
    %swap3A_26 = vector.load %arg5[%swap3A, %swap3A_25] : memref<10000x6xf32, #tpu.memory_space<vmem>>, vector<10000x6xf32>
    tpu.vector_store %arg5[%swap3A, %swap3A_25], %add3A_24 {strides = array<i32>} : memref<10000x6xf32, #tpu.memory_space<vmem>>, vector<10000x6xf32>,
    return
  }
}

</mosaic_0001>

<sc_bundles>
// kernel: kernel.10.cloned.1.call-start
scs
__scs_entry_jumppad:
0x0: {  	(pc) =	sbr.rel $0x88, $3  }
0x1: {  	(tag) =	ssettag $0x0;
	lr =	simm.s32 $0x1  }
0x2: {  	[smem:$0x3F9B] =	sst lr;
	_ =	strace $0xD0000000  }
0x3: {  	_ = 	snop  }
0x4: {  	_ = 	snop  }
0x5: {  	_ = 	snop  }
0x6: {  	_ = 	snop  }
0x7: {  	_ = 	snop  }
__scs_overlays_trampoline_lowered:
0x8: {  	[smem:$0x3FAA] =	sst s0  }
0x9: {  	[smem:$0x3FAB] =	sst s1  }
0xa: {  	[smem:$0x3FAC] =	sst s2  }
0xb: {  	[smem:$0x3FAD] =	sst s3  }
0xc: {  	[smem:$0x3FAE] =	sst s4  }
0xd: {  	[smem:$0x3FAF] =	sst s5  }
0xe: {  	[smem:$0x3FB0] =	sst s6  }
0xf: {  	[smem:$0x3FB1] =	sst s7  }
0x10: {  	[smem:$0x3FB2] =	sst s8  }
0x11: {  	[smem:$0x3FB3] =	sst s9;
	s0 =	simm.s32 @!p0 $0x0  }
0x12: {  	s1 =	sld [smem:$0x3F99];
	s0 =	simm.s32 @p0 $0x1  }
0x13: {  	[smem:$0x3FB4] =	sst s0;
	s0 =	simm.s32 @!p1 $0x0  }
0x14: {  	s2 =	sld [smem:$0x3F98];
	s0 =	simm.s32 @p1 $0x1  }
0x15: {  	[smem:$0x3FB5] =	sst s0;
	s0 =	simm.s32 @!p2 $0x0  }
0x16: {  	s3 =	sld [smem:$0x3FDB];
	s0 =	simm.s32 @p2 $0x1  }
0x17: {  	s4 =	simm.s32 $0x1BF5;
	[smem:$0x3FB7] =	sst s0  }
0x18: {  	s0 =	sld [smem:$0x3F9A];
	_ =	swait.ge [sflag:s4], $0x0  }
0x19: {  	s7 =	sld [smem:$0x3F9B]  }
0x1a: {  	s8 =	sadd.s32 $0xFFFFE003, lr  }
0x1b: {  	s9 =	sadd.s32 $0xFFFFFEF7, lr;
	s5 =	simm.s32 $0xFFFFFFFF;
	p2 =	slt.u32 s8, $0xFFFFF086  }
0x1c: {  	p1 =	slt.u32 s9, $0xF7A;
	s5 =	simm.s32 @!p2 $0x0  }
0x1d: {  	s5 =	simm.s32 @p1 $0x1;
	p0 =	seq.s32 s7, s2  }
0x1e: {  	s7 =	smul.u32 @!p0 $0xF7A, s2;
	p2 =	seq.s32 @!p0 s5, $0x0  }
0x1f: {  	s9 =	smul.u32 $0xF7A, s1;
	s8 =	simm.s32 @!p0 $0x1BF5;
	p2 =	por !p2, p0  }
0x20: {  	[sflag:s8] =	ssyncset.s32 @!p0 $0xFFFFF086;
	s6 =	sadd.s32 @!p0 s3, s7;
	s7 =	simm.s32 @!p0 $0x108  }
0x21: {  	s3 =	sadd.s32 s3, s9;
	s6 =	sadd.s32 @!p0 $0x88, s6;
	s7 =	simm.s32 @p2 $0x1082  }
0x22: {  	[simem:s7], [sflag:s8] =	dma.local @!p0 [hbm:s6], $0xF7A  }
0x23: {  	s9 =	sor.u32 $0xD0000000, s2;
	s6 =	simm.s32 $0x108;
	_ =	swait.ge @!p0 [sflag:s8], $0x0  }
0x24: {  	s3 =	sadd.s32 $0x88, s3;
	s6 =	simm.s32 @!p1 $0x1082;
	[sflag:s4] =	ssyncset.s32 $0xFFFFF086  }
0x25: {  	[simem:s6], [sflag:s4] =	dma.local [hbm:s3], $0xF7A  }
0x26: {  	[smem:$0x3F9B] =	sst s1;
	(tag) =	ssettag s2;
	_ =	strace s9  }
0x27: {  	s1 =	sld [smem:$0x3FAB]  }
0x28: {  	s2 =	sld [smem:$0x3FAC]  }
0x29: {  	s4 =	sld [smem:$0x3FAE]  }
0x2a: {  	p0 =	seq.s32 s5, $0x0;
	s5 =	sld [smem:$0x3FAF]  }
0x2b: {  	s6 =	sld [smem:$0x3FB0]  }
0x2c: {  	s7 =	sld [smem:$0x3FB1]  }
0x2d: {  	s3 =	simm.s32 $0x108;
	s8 =	sld [smem:$0x3FB2]  }
0x2e: {  	s3 =	simm.s32 @!p0 $0x1082;
	s9 =	sld [smem:$0x3FB3]  }
0x2f: {  	lr =	sadd.s32 s0, s3;
	s0 =	sld [smem:$0x3FAA]  }
0x30: {  	s3 =	sld [smem:$0x3FAD]  }
0x31: {  	[smem:$0x3FB6] =	sst s10  }
0x32: {  	s10 =	sld [smem:$0x3FB4];
	_ =	sdelay $0x3  }
0x33: {  	p0 =	seq.s32 s10, $0x1;
	s10 =	sld [smem:$0x3FB6];
	_ =	sdelay $0x3  }
0x34: {  	[smem:$0x3FB6] =	sst s10  }
0x35: {  	s10 =	sld [smem:$0x3FB5];
	_ =	sdelay $0x3  }
0x36: {  	p1 =	seq.s32 s10, $0x1;
	s10 =	sld [smem:$0x3FB6];
	_ =	sdelay $0x3  }
0x37: {  	[smem:$0x3FB6] =	sst s10  }
0x38: {  	s10 =	sld [smem:$0x3FB7]  }
0x39: {  	_ = 	snop;
	(pc) =	sbr.ind lr, $3  }
0x3a: {  	_ = 	snop  }
0x3b: {  	_ = 	snop  }
0x3c: {  	p2 =	seq.s32 s10, $0x1;
	s10 =	sld [smem:$0x3FB6]  }
0x3d: {  	_ =	shalt  }
0x3e: {  	_ =	shalt  }
0x3f: {  	_ =	shalt  }
0x40: {  	_ =	shalt  }
0x41: {  	_ =	shalt  }
0x42: {  	_ =	shalt  }
0x43: {  	_ =	shalt  }
0x44: {  	_ =	shalt  }
0x45: {  	_ =	shalt  }
0x46: {  	_ =	shalt  }
0x47: {  	_ =	shalt  }
0x48: {  	_ =	shalt  }
0x49: {  	_ =	shalt  }
0x4a: {  	_ =	shalt  }
0x4b: {  	_ =	shalt  }
0x4c: {  	_ =	shalt  }
0x4d: {  	_ =	shalt  }
0x4e: {  	_ =	shalt  }
0x4f: {  	_ =	shalt  }
0x50: {  	_ =	shalt  }
0x51: {  	_ =	shalt  }
0x52: {  	_ =	shalt  }
0x53: {  	_ =	shalt  }
0x54: {  	_ =	shalt  }
0x55: {  	_ =	shalt  }
0x56: {  	_ =	shalt  }
0x57: {  	_ =	shalt  }
0x58: {  	_ =	shalt  }
0x59: {  	_ =	shalt  }
0x5a: {  	_ =	shalt  }
0x5b: {  	_ =	shalt  }
0x5c: {  	_ =	shalt  }
0x5d: {  	_ =	shalt  }
0x5e: {  	_ =	shalt  }
0x5f: {  	_ =	shalt  }
0x60: {  	_ =	shalt  }
0x61: {  	_ =	shalt  }
0x62: {  	_ =	shalt  }
0x63: {  	_ =	shalt  }
0x64: {  	_ =	shalt  }
0x65: {  	_ =	shalt  }
0x66: {  	_ =	shalt  }
0x67: {  	_ =	shalt  }
0x68: {  	_ =	shalt  }
0x69: {  	_ =	shalt  }
0x6a: {  	_ =	shalt  }
0x6b: {  	_ =	shalt  }
0x6c: {  	_ =	shalt  }
0x6d: {  	_ =	shalt  }
0x6e: {  	_ =	shalt  }
0x6f: {  	_ =	shalt  }
0x70: {  	_ =	shalt  }
0x71: {  	_ =	shalt  }
0x72: {  	_ =	shalt  }
0x73: {  	_ =	shalt  }
0x74: {  	_ =	shalt  }
0x75: {  	_ =	shalt  }
0x76: {  	_ =	shalt  }
0x77: {  	_ =	shalt  }
0x78: {  	_ =	shalt  }
0x79: {  	_ =	shalt  }
0x7a: {  	_ =	shalt  }
0x7b: {  	_ =	shalt  }
0x7c: {  	_ =	shalt  }
0x7d: {  	_ =	shalt  }
0x7e: {  	_ =	shalt  }
0x7f: {  	_ =	shalt  }
0x80: {  	_ =	shalt  }
0x81: {  	_ =	shalt  }
0x82: {  	_ =	shalt  }
0x83: {  	_ =	shalt  }
0x84: {  	_ =	shalt  }
0x85: {  	_ =	shalt  }
0x86: {  	_ =	shalt  }
0x87: {  	_ =	shalt  }
.Lfunc_end0:
.L_simem_size_0:
called_computation.1_lowered:
.L_overlay_start_0:
0x88: {  	s2 =	sld [smem:$0x3FD9]  }
0x89: {  	s3 =	sld [smem:$0x3FFE];
	_ =	sdelay $0x1  }
0x8a: {  	s1 =	srdreg.scid  }
0x8b: {  	s0 =	sand.u32 $0x1, s1  }
0x8c: {  	s16 =	sshll.u32 s0, $0xA;
	s2 =	sadd.s32 s3, s2  }
0x8d: {  	s2 =	sadd.s32 s2, s16  }
0x8e: {  	[smem:$0x3FC2] =	sst s2  }
0x8f: {  	_ = 	snop  }
0x90: {  	(tm) =	ssettm $0x1  }
0x91: {  	s17 =	sld [smem:$0x3FFB];
	_ =	sdelay $0x3  }
0x92: {  	_ =	strace s17  }
0x93: {  	s2 =	sld [smem:$0x3FFC];
	_ =	sdelay $0x3  }
0x94: {  	_ =	strace s2  }
0x95: {  	s2 =	sld [smem:$0x3FFD];
	_ =	sdelay $0x3  }
0x96: {  	_ =	strace s2  }
0x97: {  	_ =	strace $0x8FFFFFFF  }
0x98: {  	s18 =	sld [smem:$0x3FDB];
	_ =	sdelay $0x1  }
0x99: {  	s19 =	simm.s32 $_scs_section_size  }
0x9a: {  	s4 =	simm.s32 $_size__tile_overlayer_lowered;
	s5 =	simm.s32 $_tile_overlayer_lowered  }
0x9b: {  	s22 =	simm.s32 $0x1BFF;
	s21 =	sshll.u32 s5, $0x1;
	s2 =	sadd.s32 s19, s18  }
0x9c: {  	s6 =	simm.s32 $0x0;
	s20 =	sshll.u32 s4, $0x1;
	s4 =	sadd.s32 s21, s2  }
0x9d: {  	[timem:s6], [sflag:s22] =	dma.local [hbm:s4], s20  }
0x9e: {  	_ =	swait.ge [sflag:s22], s20  }
0x9f: {  	s3 =	ssub.s32 $0x0, s20;
	[sflag:s22] =	ssyncset.done $0x0  }
0xa0: {  	[sflag:s22] =	ssyncadd.s32 s3;
	_ =	sdelay $0x1  }
0xa1: {  	s23 =	simm.s32 $0x1B8B  }
0xa2: {  	_ =	swait.ge [sflag:s23], $0x1  }
0xa3: {  	[sflag:s23] =	ssyncset.done $0x0  }
0xa4: {  	s25 =	simm.s32 $0x1B8E;
	s24 =	sld [smem:$0x3FFE];
	[sflag:s23] =	ssyncadd.s32 $0xFFFFFFFF  }
0xa5: {  	s26 =	simm.s32 $execute0_lowered;
	[smem:$0x3FD2] =	sst s25  }
0xa6: {  	s4 =	sshll.u32 s26, $0x1;
	_ =	strace $0x80000049;
	[dreg:$0x1] =	wrdreg $0xFFFFFFFF  }
0xa7: {  	s28 =	simm.s32 $_size_execute0_lowered;
	s2 =	sadd.s32 s2, s4;
	[dreg:$0x0] =	wrdreg $0x0  }
0xa8: {  	s4 =	sshll.u32 s28, $0x1;
	[dreg:$0x2] =	wrdreg s2  }
0xa9: {  	[dreg:$0x3] =	wrdreg s4  }
0xaa: {  	[dreg:$0x4] =	wrdreg $0xC0  }
0xab: {  	_ =	task [dreg:s6], $0x5FFFF  }
0xac: {  	[dreg:$0x1] =	wrdreg $0xFFFFFFFF  }
0xad: {  	[dreg:$0x0] =	wrdreg $0x60  }
0xae: {  	[dreg:$0x2] =	wrdreg s24  }
0xaf: {  	[dreg:$0x3] =	wrdreg $0x1A2800  }
0xb0: {  	[dreg:$0x4] =	wrdreg $0x17B000  }
0xb1: {  	[dreg:$0x5] =	wrdreg $0x9  }
0xb2: {  	_ =	task.clear_ibuf [dreg:s6], $0x6FFFF;
	_ =	strace $0x90000049  }
0xb3: {  	s29 =	simm.s32 $0x9;
	_ =	strace $0x8000004B  }
0xb4: {  	_ =	swait.ge [sflag:s29], $0x1  }
0xb5: {  	[sflag:s29] =	ssyncadd.s32 $0xFFFFFFFF  }
0xb6: {  	_ =	strace $0x9000004B  }
0xb7: {  	_ =	sfence  }
0xb8: {  	s30 =	sld [smem:$0x0];
	_ =	sdelay $0x2  }
0xb9: {  	s31 =	sshll.u32 s1, $0xD;
	s1 =	sshrl.u32 s1, $0x2  }
0xba: {  	s3 =	sand.u32 $0x4000, s31;
	s1 =	sadd.s32 s1, s30  }
0xbb: {  	s0 =	sor.u32 s3, s0;
	s1 =	sshll.u32 s1, $0x11  }
0xbc: {  	s0 =	sor.u32 s1, s0  }
0xbd: {  	s0 =	sadd.s32 $0x8F2B, s0  }
0xbe: {  	[sflag:s0] =	ssyncadd.remote.s32 $0x1  }
0xbf: {  	_ =	sfence.sel $0xFFFF  }
0xc0: {  	[dreg:$0x0] =	wrdreg $0xFFFFFFFF;
	(pc) =	sbr.abs _section_cstart, $3  }
0xc1: {  	[dreg:$0x1] =	wrdreg $0xFFFFFFFF  }
0xc2: {  	_ =	task.clear_ibuf [dreg:s6], $0x2FFFF;
	_ =	strace $0x9FFFFFFF  }
0xc3: {  	(tm) =	ssettm $0x7FFFFFFF  }
tec
execute0_lowered:
.L_overlay_start_1:
0x0: {  	(tag) =	ssettag $0x1  }
0x1: {  	s0 =	srdreg.scid  }
0x2: {  	s1 =	rddreg [dreg:$0x0];
	s6 =	stileid.u32  }
0x3: {  	s2 =	rddreg [dreg:$0x1];
	s13 =	simm.s32 $0x12C00;
	s28 =	simm.s32 $0xA  }
0x4: {  	s29 =	simm.s32 $0x80;
	s30 =	simm.s32 $0x9D00;
	s31 =	simm.s32 $0xA500  }
0x5: {  	s16 =	simm.s32 $0xAD00;
	s18 =	simm.s32 $0xB500;
	s0 =	sand.u32 $0x1, s0  }
0x6: {  	s17 =	simm.s32 $0xC500;
	s3 =	sshll.u32 s0, $0x4;
	s7 =	smul.u32 $0x27800, s0  }
0x7: {  	s21 =	ssub.s32 $0x2, s0;
	p0 =	sne.s32 s0, $0x0;
	s0 =	simm.s32 $0xCD00  }
0x8: {  	s4 =	sor.u32 s6, s3;
	s3 =	rddreg [dreg:$0x2];
	s6 =	smul.u32 $0x2780, s6  }
0x9: {  	s10 =	sshrl.u32 s21, $0x1;
	s5 =	smul.u32 $0x9D0, s4;
	s4 =	simm.s32 $0x0  }
0xa: {  	[smem:$0x7FF] =	sst s4;
	s20 =	sadd.s32 s6, s7;
	s9 =	sshrl.u32 s6, $0x3  }
0xb: {  	s7 =	ssub.s32 s21, s10;
	s8 =	sadd.s32 s5, s1;
	s5 =	sshrl.u32 s20, $0x3  }
0xc: {  	_ =	strace $0x8000004A;
	s11 =	sadd.s32 s5, s1;
	s24 =	sadd.s32 $0x2200, s8  }
0xd: {  	s1 =	sadd.s32 s9, s1;
	s8 =	sadd.s32 $0x15C00, s8;
	[dreg:$0x7] =	wrdreg s24  }
0xe: {  	s5 =	sadd.s32 s6, s2;
	s6 =	sadd.s32 s6, s3;
	[dreg:$0x8] =	wrdreg s8  }
0xf: {  	s21 =	simm.s32 $0x1;
	s9 =	sadd.s32 $0x33400, s1;
	[dreg:$0x9] =	wrdreg s6  }
0x10: {  	s15 =	smax.u32 s7, $0x1;
	s22 =	sadd.s32 $0x29600, s1;
	[dreg:$0x4] =	wrdreg s9  }
0x11: {  	s20 =	simm.s32 $0xBD00;
	s23 =	sadd.s32 $0x2E500, s1;
	[dreg:$0x5] =	wrdreg s22  }
0x12: {  	s7 =	simm.s32 $0xB;
	s25 =	sadd.s32 $0x42200, s1;
	[dreg:$0x6] =	wrdreg s23  }
.Ltmp0:
0x13: {  	s1 =	sadd.s32 $0x47200, s1;
	[dreg:$0xa] =	wrdreg s25;
	(pc) =	sbr.rel .LBB2_1-.Ltmp0, $4  }
0x14: {  	s26 =	sadd.s32 $0x38400, s11;
	s24 =	simm.s32 $0x11;
	[dreg:$0xb] =	wrdreg s1  }
0x15: {  	s6 =	simm.s32 $0xD500;
	s8 =	simm.s32 $0xC;
	[dreg:$0xc] =	wrdreg s26  }
0x16: {  	s22 =	simm.s32 $0x2;
	s23 =	simm.s32 $0x3;
	s25 =	simm.s32 $0x9  }
0x17: {  	v0 =	vimm.f32 $0.0e+00;
	s26 =	simm.s32 $0x4;
	s1 =	simm.s32 $0x5;
	s9 =	simm.s32 $0xD  }
.LBB2_14:
0x18: {  	_ =	swait.ge [sflag:s28], $0x800  }
0x19: {  	[sflag:s28] =	ssyncset.done $0x0  }
0x1a: {  	[sflag:s28] =	ssyncadd.s32 $0xFFFFF800  }
0x1b: {  	_ =	swait.ge [sflag:s7], $0x800  }
0x1c: {  	[sflag:s7] =	ssyncset.done $0x0  }
0x1d: {  	[sflag:s7] =	ssyncadd.s32 $0xFFFFF800  }
0x1e: {  	_ =	swait.ge [sflag:s8], $0x800  }
0x1f: {  	[sflag:s8] =	ssyncset.done $0x0  }
0x20: {  	[sflag:s8] =	ssyncadd.s32 $0xFFFFF800  }
0x21: {  	_ =	swait.ge [sflag:s9], $0x800  }
0x22: {  	s10 =	stileid.u32;
	[sflag:s9] =	ssyncset.done $0x0  }
0x23: {  	s11 =	sshrl.u32 s5, $0x3;
	s4 =	sadd.s32 $0x1, s4;
	[sflag:s9] =	ssyncadd.s32 $0xFFFFF800  }
0x24: {  	s10 =	sshll.u32 s10, $0x6;
	p1 =	sne.s32 s4, s15;
	[bflag:$0x0] =	sbarrier.arrive $0xFFFF  }
.Ltmp1:
0x25: {  	s10 =	sor.u32 $0x1C11, s10;
	s12 =	rddreg [dreg:$0xc];
	(pc) =	sbr.rel @!p1 .LBB2_15-.Ltmp1, $4  }
0x26: {  	[hbm:s12], [sflag:s10] =	dma.local [spmem:s11], $0x4F0  }
0x27: {  	_ =	swait.ge [sflag:s24], $0x4F0  }
0x28: {  	[sflag:s24] =	ssyncset.done $0x0  }
0x29: {  	s13 =	simm.s32 $0x12C00;
	[sflag:s24] =	ssyncadd.s32 $0xFFFFFB10  }
.LBB2_1:
0x2a: {  	s10 =	simm.s32 $0x40;
	s11 =	simm.s32 $0x0  }
.LBB2_2:
0x2b: {  	p1 =	sne.s32 s10, $0x9DC0;
	[tilespmem:s11+$0x15380] =	vst v0;
	s11 =	smov.u32 s10;
	s10 =	sadd.s32 $0x40, s10  }
.Ltmp2:
0x2c: {  	(pc) =	sbr.rel @p1 .LBB2_2-.Ltmp2, $2  }
0x2d: {  	_ =	sdelay $0x2  }
0x2e: {  	s11 =	sshra.s32 s11, $0x2  }
0x2f: {  	[tilespmem:s11+$0x15380] =	vst v0;
	s10 =	simm.s32 $0x15380  }
0x30: {  	[spmem:s5] =	stream.linear.scatter [tilespmem:s10], [sflag:$0x9], $0x2780, $0x38;
	[tilespmem:$0x1CA00] =	vst v63  }
0x31: {  	s19 =	rddreg [dreg:$0x4];
	s12 =	simm.s32 $0xDD00;
	s10 =	simm.s32 $0x0  }
0x32: {  	[tilespmem:s12], [sflag:$0x1] =	stream.linear.gather [hbm4b:s19+s10], $0x2780, $0x38;
	[tilespmem:$0x1CA00] =	vst v63  }
0x33: {  	s14 =	simm.s32 $0x10480;
	s12 =	rddreg [dreg:$0x5]  }
0x34: {  	[tilespmem:s14], [sflag:$0x2] =	stream.linear.gather [hbm4b:s12+s10], $0x2780, $0x38;
	[tilespmem:$0x1CA00] =	vst v63  }
0x35: {  	s19 =	rddreg [dreg:$0x6]  }
0x36: {  	[tilespmem:s13], [sflag:$0x3] =	stream.linear.gather [hbm4b:s19+s10], $0x2780, $0x38;
	[tilespmem:$0x1CA00] =	vst v63  }
0x37: {  	s12 =	rddreg [dreg:$0x7]  }
0x38: {  	[tilespmem:s10], [sflag:$0x4] =	stream.linear.gather [hbm4b:s12+s10], $0x4E80, $0x38;
	[tilespmem:$0x1CA00] =	vst v63  }
0x39: {  	s14 =	rddreg [dreg:$0x8];
	s19 =	simm.s32 $0x4E80  }
0x3a: {  	[tilespmem:s19], [sflag:$0xA] =	stream.linear.gather [hbm4b:s14+s10], $0x4E80, $0x38;
	[tilespmem:$0x1CA00] =	vst v63  }
0x3b: {  	_ =	swait.ge [sflag:s21], $0x2780  }
0x3c: {  	[sflag:s21] =	ssyncset.done $0x0  }
0x3d: {  	[sflag:s21] =	ssyncadd.s32 $0xFFFFD880  }
0x3e: {  	_ =	swait.ge [sflag:s22], $0x2780  }
0x3f: {  	[sflag:s22] =	ssyncset.done $0x0  }
0x40: {  	[sflag:s22] =	ssyncadd.s32 $0xFFFFD880  }
0x41: {  	_ =	swait.ge [sflag:s23], $0x2780  }
0x42: {  	[sflag:s23] =	ssyncset.done $0x0  }
0x43: {  	s19 =	simm.s32 $0x0;
	[sflag:s23] =	ssyncadd.s32 $0xFFFFD880  }
0x44: {  	v1 =	vld [tilespmem:s19+$0x104A0]  }
0x45: {  	v2 =	vld [tilespmem:s19+$0x12C20];
	_ =	sdelay $0x1  }
0x46: {  	v3 =	vld [tilespmem:s19+$0x10480]  }
0x47: {  	v4 =	vld [tilespmem:s19+$0x12C00]  }
0x48: {  	v5 =	vld [tilespmem:s19+$0x10490]  }
0x49: {  	v6 =	vld [tilespmem:s19+$0x12C10];
	v1 =	vadd.f32 v2, v1;
	_ =	sdelay $0x1  }
0x4a: {  	v2 =	vld [tilespmem:s19+$0x104B0];
	v1 =	vadd.f32 $1.000000000e+00, v1  }
0x4b: {  	v3 =	vadd.f32 v4, v3;
	v4 =	vld [tilespmem:s19+$0x12C30]  }
0x4c: {  	v7 =	vshrl.u32 v1, $0x1;
	v1 =	vmul.f32 $5.000000000e-01, v1  }
0x4d: {  	v5 =	vadd.f32 v6, v5;
	v3 =	vadd.f32 $1.000000000e+00, v3;
	v6 =	vsub.s32 $0x5F3759DF, v7  }
0x4e: {  	v7 =	vmul.f32 v6, v1  }
0x4f: {  	v5 =	vadd.f32 $1.000000000e+00, v5;
	v8 =	vshrl.u32 v3, $0x1;
	v3 =	vmul.f32 $5.000000000e-01, v3  }
0x50: {  	v8 =	vsub.s32 $0x5F3759DF, v8;
	v2 =	vadd.f32 v4, v2;
	v7 =	vmul.f32 v6, v7  }
0x51: {  	v9 =	vshrl.u32 v5, $0x1;
	v10 =	vmul.f32 $5.000000000e-01, v5;
	v4 =	vmul.f32 v8, v3  }
0x52: {  	v5 =	vsub.s32 $0x5F3759DF, v9;
	v2 =	vadd.f32 $1.000000000e+00, v2;
	v7 =	vsub.f32 $1.500000000e+00, v7  }
0x53: {  	v9 =	vmul.f32 v5, v10;
	v4 =	vmul.f32 v8, v4  }
0x54: {  	v11 =	vmul.f32 $5.000000000e-01, v2;
	v6 =	vmul.f32 v6, v7;
	v7 =	vshrl.u32 v2, $0x1  }
0x55: {  	v2 =	vsub.f32 $1.500000000e+00, v4;
	v4 =	vmul.f32 v5, v9;
	v7 =	vsub.s32 $0x5F3759DF, v7  }
0x56: {  	v9 =	vmul.f32 v6, v1;
	v12 =	vmul.f32 v7, v11  }
0x57: {  	v2 =	vmul.f32 v8, v2;
	v4 =	vsub.f32 $1.500000000e+00, v4  }
0x58: {  	v8 =	vmul.f32 v9, v6;
	v9 =	vmul.f32 v7, v12  }
0x59: {  	v61 =	vmul.f32 v2, v3;
	v4 =	vmul.f32 v5, v4  }
0x5a: {  	v5 =	vsub.f32 $1.500000000e+00, v8;
	v8 =	vsub.f32 $1.500000000e+00, v9  }
0x5b: {  	v9 =	vmul.f32 v61, v2;
	v62 =	vmul.f32 v4, v10  }
0x5c: {  	v6 =	vmul.f32 v5, v6;
	v7 =	vmul.f32 v7, v8  }
0x5d: {  	v5 =	vsub.f32 $1.500000000e+00, v9;
	v8 =	vmul.f32 v62, v4  }
0x5e: {  	v1 =	vmul.f32 v6, v1;
	v9 =	vmul.f32 v7, v11  }
0x5f: {  	v5 =	vmul.f32 v5, v2;
	v2 =	vsub.f32 $1.500000000e+00, v8  }
0x60: {  	v1 =	vmul.f32 v1, v6;
	v8 =	vmul.f32 v9, v7  }
0x61: {  	v63 =	vld [tilespmem:s19+$0xDD20];
	v9 =	vmul.f32 v5, v3;
	v2 =	vmul.f32 v2, v4  }
0x62: {  	v4 =	vsub.f32 $1.500000000e+00, v1;
	v8 =	vsub.f32 $1.500000000e+00, v8  }
0x63: {  	v9 =	vmul.f32 v9, v5;
	v10 =	vmul.f32 v2, v10  }
0x64: {  	v3 =	vld [tilespmem:s19+$0xDD00];
	v13 =	vmul.f32 v4, v6;
	v4 =	vmul.f32 v8, v7  }
0x65: {  	v1 =	vld [tilespmem:s19+$0xDD30];
	v7 =	vmul.f32 v10, v2  }
0x66: {  	s11 =	simm.s32 $0x100;
	s10 =	simm.s32 $0x200;
	v6 =	vld [tilespmem:s19+$0xDD10];
	v10 =	vsub.f32 $1.500000000e+00, v9;
	[tilespmem:s19+$0x104A0] =	vst v13;
	v9 =	vmul.f32 v13, v63;
	v8 =	vmul.f32 v4, v11  }
.LBB2_4:
0x67: {  	p1 =	sne.s32 s10, $0x9D00  }
0x68: {  	s12 =	sshra.s32 s11, $0x2;
	v5 =	vmul.f32 v10, v5;
	v7 =	vsub.f32 $1.500000000e+00, v7;
	s11 =	smov.u32 s10;
	s10 =	sadd.s32 $0x100, s10  }
0x69: {  	v10 =	vld [tilespmem:s12+$0x104A0];
	[tilespmem:s19+$0x12C20] =	vst v9;
	v8 =	vmul.f32 v8, v4  }
0x6a: {  	v9 =	vld [tilespmem:s12+$0x12C20];
	[tilespmem:s19+$0x10480] =	vst v5;
	v3 =	vmul.f32 v5, v3;
	v2 =	vmul.f32 v7, v2  }
0x6b: {  	v5 =	vsub.f32 $1.500000000e+00, v8  }
0x6c: {  	v7 =	vld [tilespmem:s12+$0x10480];
	[tilespmem:s19+$0x12C00] =	vst v3;
	v3 =	vmul.f32 v2, v6  }
0x6d: {  	v6 =	vld [tilespmem:s12+$0x12C00];
	[tilespmem:s19+$0x10490] =	vst v2;
	v2 =	vmul.f32 v5, v4  }
0x6e: {  	v4 =	vld [tilespmem:s12+$0x10490];
	[tilespmem:s19+$0x12C10] =	vst v3  }
0x6f: {  	v3 =	vld [tilespmem:s12+$0x12C10];
	v5 =	vadd.f32 v9, v10;
	[tilespmem:s19+$0x104B0] =	vst v2;
	v1 =	vmul.f32 v2, v1;
	_ =	sdelay $0x1  }
0x70: {  	v2 =	vadd.f32 $1.000000000e+00, v5;
	v5 =	vld [tilespmem:s12+$0x104B0];
	[tilespmem:s19+$0x12C30] =	vst v1;
	s19 =	smov.u32 s12  }
0x71: {  	v1 =	vadd.f32 v6, v7;
	v6 =	vld [tilespmem:s19+$0x12C30]  }
0x72: {  	v7 =	vshrl.u32 v2, $0x1;
	v2 =	vmul.f32 $5.000000000e-01, v2  }
0x73: {  	v1 =	vadd.f32 $1.000000000e+00, v1;
	v3 =	vadd.f32 v3, v4;
	v4 =	vsub.s32 $0x5F3759DF, v7  }
0x74: {  	v7 =	vmul.f32 v4, v2  }
0x75: {  	v8 =	vshrl.u32 v1, $0x1;
	v1 =	vmul.f32 $5.000000000e-01, v1;
	v3 =	vadd.f32 $1.000000000e+00, v3  }
0x76: {  	v8 =	vsub.s32 $0x5F3759DF, v8;
	v7 =	vmul.f32 v4, v7;
	v5 =	vadd.f32 v6, v5  }
0x77: {  	v6 =	vmul.f32 v8, v1;
	v9 =	vshrl.u32 v3, $0x1;
	v10 =	vmul.f32 $5.000000000e-01, v3  }
0x78: {  	v3 =	vsub.s32 $0x5F3759DF, v9;
	v7 =	vsub.f32 $1.500000000e+00, v7;
	v5 =	vadd.f32 $1.000000000e+00, v5  }
0x79: {  	v6 =	vmul.f32 v8, v6;
	v9 =	vmul.f32 v3, v10  }
0x7a: {  	v4 =	vmul.f32 v4, v7;
	v7 =	vshrl.u32 v5, $0x1;
	v11 =	vmul.f32 $5.000000000e-01, v5  }
0x7b: {  	v5 =	vsub.f32 $1.500000000e+00, v6;
	v6 =	vmul.f32 v3, v9;
	v7 =	vsub.s32 $0x5F3759DF, v7  }
0x7c: {  	v9 =	vmul.f32 v4, v2;
	v12 =	vmul.f32 v7, v11  }
0x7d: {  	v5 =	vmul.f32 v8, v5;
	v6 =	vsub.f32 $1.500000000e+00, v6  }
0x7e: {  	v8 =	vmul.f32 v9, v4;
	v9 =	vmul.f32 v7, v12  }
0x7f: {  	v12 =	vmul.f32 v5, v1;
	v6 =	vmul.f32 v3, v6  }
0x80: {  	v3 =	vsub.f32 $1.500000000e+00, v8;
	v8 =	vsub.f32 $1.500000000e+00, v9  }
0x81: {  	v9 =	vmul.f32 v12, v5;
	v12 =	vmul.f32 v6, v10  }
0x82: {  	v4 =	vmul.f32 v3, v4;
	v7 =	vmul.f32 v7, v8  }
0x83: {  	v3 =	vsub.f32 $1.500000000e+00, v9;
	v8 =	vmul.f32 v12, v6  }
0x84: {  	v2 =	vmul.f32 v4, v2;
	v9 =	vmul.f32 v7, v11  }
0x85: {  	v5 =	vmul.f32 v3, v5;
	v8 =	vsub.f32 $1.500000000e+00, v8  }
0x86: {  	v3 =	vld [tilespmem:s19+$0xDD00];
	v12 =	vmul.f32 v2, v4;
	v9 =	vmul.f32 v9, v7  }
0x87: {  	v1 =	vmul.f32 v5, v1;
	v2 =	vmul.f32 v8, v6;
	v8 =	vld [tilespmem:s19+$0xDD20]  }
.Ltmp3:
0x88: {  	v12 =	vsub.f32 $1.500000000e+00, v12;
	v9 =	vsub.f32 $1.500000000e+00, v9;
	(pc) =	sbr.rel @p1 .LBB2_4-.Ltmp3, $4  }
0x89: {  	v13 =	vmul.f32 v1, v5;
	v14 =	vmul.f32 v2, v10;
	v1 =	vld [tilespmem:s19+$0xDD30]  }
0x8a: {  	v6 =	vld [tilespmem:s19+$0xDD10];
	v12 =	vmul.f32 v12, v4;
	v4 =	vmul.f32 v9, v7  }
0x8b: {  	v10 =	vsub.f32 $1.500000000e+00, v13;
	v7 =	vmul.f32 v14, v2  }
0x8c: {  	[tilespmem:s19+$0x104A0] =	vst v12;
	v9 =	vmul.f32 v12, v8;
	v8 =	vmul.f32 v4, v11  }
0x8d: {  	v5 =	vmul.f32 v10, v5  }
0x8e: {  	s10 =	sshra.s32 s11, $0x2;
	v7 =	vsub.f32 $1.500000000e+00, v7;
	v8 =	vmul.f32 v8, v4  }
0x8f: {  	v11 =	vld [tilespmem:s10+$0x104A0];
	[tilespmem:s19+$0x12C20] =	vst v9;
	v3 =	vmul.f32 v5, v3  }
0x90: {  	v9 =	vld [tilespmem:s10+$0x12C20];
	[tilespmem:s19+$0x10480] =	vst v5;
	v2 =	vmul.f32 v7, v2;
	v33 =	vsub.f32 $1.500000000e+00, v8  }
0x91: {  	v32 =	vld [tilespmem:s10+$0x10480];
	[tilespmem:s19+$0x12C00] =	vst v3  }
0x92: {  	v6 =	vmul.f32 v2, v6;
	v3 =	vld [tilespmem:s10+$0x12C00];
	v34 =	vmul.f32 v33, v4  }
0x93: {  	[tilespmem:s19+$0x10490] =	vst v2  }
0x94: {  	v2 =	vld [tilespmem:s10+$0x10490];
	[tilespmem:s19+$0x12C10] =	vst v6;
	v1 =	vmul.f32 v34, v1  }
0x95: {  	v6 =	vld [tilespmem:s10+$0x12C10];
	[tilespmem:s19+$0x104B0] =	vst v34;
	v35 =	vadd.f32 v9, v11  }
0x96: {  	v36 =	vld [tilespmem:s10+$0x104B0];
	[tilespmem:s19+$0x12C30] =	vst v1  }
0x97: {  	v1 =	vadd.f32 $1.000000000e+00, v35;
	v3 =	vadd.f32 v3, v32;
	v37 =	vld [tilespmem:s10+$0x12C30];
	_ =	sdelay $0x1  }
0x98: {  	v38 =	vshrl.u32 v1, $0x1;
	v1 =	vmul.f32 $5.000000000e-01, v1;
	v3 =	vadd.f32 $1.000000000e+00, v3  }
0x99: {  	v2 =	vadd.f32 v6, v2;
	v5 =	vsub.s32 $0x5F3759DF, v38  }
0x9a: {  	v39 =	vmul.f32 v5, v1;
	v40 =	vshrl.u32 v3, $0x1;
	v3 =	vmul.f32 $5.000000000e-01, v3  }
0x9b: {  	v2 =	vadd.f32 $1.000000000e+00, v2;
	v8 =	vsub.s32 $0x5F3759DF, v40;
	v4 =	vadd.f32 v37, v36  }
0x9c: {  	v6 =	vmul.f32 v5, v39;
	v41 =	vmul.f32 v8, v3  }
0x9d: {  	v42 =	vshrl.u32 v2, $0x1;
	v2 =	vmul.f32 $5.000000000e-01, v2;
	v4 =	vadd.f32 $1.000000000e+00, v4  }
0x9e: {  	v9 =	vsub.s32 $0x5F3759DF, v42;
	v6 =	vsub.f32 $1.500000000e+00, v6;
	v7 =	vmul.f32 v8, v41  }
0x9f: {  	v43 =	vmul.f32 v9, v2;
	v44 =	vshrl.u32 v4, $0x1;
	v4 =	vmul.f32 $5.000000000e-01, v4  }
0xa0: {  	v5 =	vmul.f32 v5, v6;
	v45 =	vsub.f32 $1.500000000e+00, v7;
	v46 =	vsub.s32 $0x5F3759DF, v44  }
0xa1: {  	v10 =	vmul.f32 v9, v43;
	v11 =	vmul.f32 v46, v4  }
0xa2: {  	v12 =	vmul.f32 v5, v1;
	v6 =	vmul.f32 v8, v45  }
0xa3: {  	v47 =	vsub.f32 $1.500000000e+00, v10;
	v48 =	vmul.f32 v46, v11  }
0xa4: {  	v49 =	vmul.f32 v12, v5;
	v50 =	vmul.f32 v6, v3  }
0xa5: {  	v8 =	vmul.f32 v9, v47;
	v51 =	vsub.f32 $1.500000000e+00, v48  }
0xa6: {  	v52 =	vsub.f32 $1.500000000e+00, v49;
	v53 =	vmul.f32 v50, v6  }
0xa7: {  	v54 =	vmul.f32 v8, v2;
	v7 =	vmul.f32 v46, v51  }
0xa8: {  	v5 =	vmul.f32 v52, v5;
	v55 =	vsub.f32 $1.500000000e+00, v53  }
0xa9: {  	v56 =	vmul.f32 v54, v8;
	v57 =	vmul.f32 v7, v4  }
0xaa: {  	v1 =	vmul.f32 v5, v1;
	v6 =	vmul.f32 v55, v6  }
0xab: {  	v58 =	vsub.f32 $1.500000000e+00, v56;
	v59 =	vmul.f32 v57, v7  }
0xac: {  	v1 =	vmul.f32 v1, v5;
	v3 =	vmul.f32 v6, v3  }
0xad: {  	v60 =	vld [tilespmem:s10+$0xDD20];
	v8 =	vmul.f32 v58, v8;
	v10 =	vsub.f32 $1.500000000e+00, v59  }
0xae: {  	v1 =	vsub.f32 $1.500000000e+00, v1;
	v3 =	vmul.f32 v3, v6  }
0xaf: {  	v2 =	vmul.f32 v8, v2;
	v7 =	vmul.f32 v10, v7  }
0xb0: {  	v61 =	vld [tilespmem:s10+$0xDD00];
	v1 =	vmul.f32 v1, v5  }
0xb1: {  	v3 =	vsub.f32 $1.500000000e+00, v3;
	v2 =	vmul.f32 v2, v8;
	v4 =	vmul.f32 v7, v4  }
0xb2: {  	v62 =	vld [tilespmem:s10+$0xDD10];
	v9 =	vmul.f32 v1, v60  }
0xb3: {  	v3 =	vmul.f32 v3, v6;
	v2 =	vsub.f32 $1.500000000e+00, v2;
	v4 =	vmul.f32 v4, v7  }
0xb4: {  	v63 =	vld [tilespmem:s10+$0xDD30];
	[tilespmem:s10+$0x104A0] =	vst v1  }
0xb5: {  	[tilespmem:s10+$0x12C20] =	vst v9;
	v1 =	vmul.f32 v3, v61;
	v2 =	vmul.f32 v2, v8;
	v4 =	vsub.f32 $1.500000000e+00, v4  }
0xb6: {  	[tilespmem:s10+$0x10480] =	vst v3  }
0xb7: {  	[tilespmem:s10+$0x12C00] =	vst v1;
	v1 =	vmul.f32 v2, v62;
	v3 =	vmul.f32 v4, v7  }
0xb8: {  	[tilespmem:s10+$0x10490] =	vst v2  }
0xb9: {  	[tilespmem:s10+$0x12C10] =	vst v1;
	v1 =	vmul.f32 v3, v63  }
0xba: {  	[tilespmem:s10+$0x104B0] =	vst v3  }
0xbb: {  	s12 =	rddreg [dreg:$0x9];
	[tilespmem:s10+$0x12C30] =	vst v1  }
0xbc: {  	[spmem:s12] =	stream.linear.scatter [tilespmem:s13], [sflag:$0x11], $0x2780, $0x38;
	[tilespmem:$0x1CA00] =	vst v63  }
0xbd: {  	_ =	swait.ge [sflag:s24], $0x2780  }
0xbe: {  	s11 =	simm.s32 @!p0 $0x12C00;
	[sflag:s24] =	ssyncset.done $0x0  }
0xbf: {  	s10 =	simm.s32 @!p0 $0x0;
	s12 =	rddreg [dreg:$0xa];
	[sflag:s24] =	ssyncadd.s32 $0xFFFFD880  }
0xc0: {  	[hbm4b:s12+s10] =	stream.linear.scatter @!p0 [tilespmem:s11], [sflag:$0x11], $0x2780, $0x38;
	[tilespmem:$0x1CA00] =	vst v63  }
0xc1: {  	s11 =	simm.s32 @!p0 $0x11  }
0xc2: {  	_ =	swait.ge @!p0 [sflag:s11], $0x2780  }
0xc3: {  	[sflag:s11] =	ssyncset.done @!p0 $0x0  }
0xc4: {  	s12 =	simm.s32 @!p0 $0x10480;
	s13 =	rddreg [dreg:$0xb];
	[sflag:s11] =	ssyncadd.s32 @!p0 $0xFFFFD880  }
0xc5: {  	[hbm4b:s13+s10] =	stream.linear.scatter @!p0 [tilespmem:s12], [sflag:$0x11], $0x2780, $0x38;
	[tilespmem:$0x1CA00] =	vst v63  }
0xc6: {  	_ =	swait.ge @!p0 [sflag:s11], $0x2780  }
0xc7: {  	[sflag:s11] =	ssyncset.done @!p0 $0x0  }
0xc8: {  	[sflag:s11] =	ssyncadd.s32 @!p0 $0xFFFFD880  }
0xc9: {  	_ =	swait.ge [sflag:s25], $0x2780  }
0xca: {  	[sflag:s25] =	ssyncset.done $0x0  }
0xcb: {  	[sflag:s25] =	ssyncadd.s32 $0xFFFFD880  }
0xcc: {  	_ =	swait.ge [sflag:s26], $0x4E80  }
0xcd: {  	[sflag:s26] =	ssyncset.done $0x0  }
0xce: {  	[sflag:s26] =	ssyncadd.s32 $0xFFFFB180  }
0xcf: {  	_ =	swait.ge [sflag:s28], $0x4E80  }
0xd0: {  	[sflag:s28] =	ssyncset.done $0x0  }
0xd1: {  	[sflag:s28] =	ssyncadd.s32 $0xFFFFB180  }
0xd2: {  	s19 =	simm.s32 $0x0;
	[bflag:$0x0] =	sbarrier.arrive $0xFFFF  }
0xd3: {  	[tilespmem:s30], [sflag:$0x1] =	stream.indirect.gather [spmem:s3], $0x10, s19, s29, $0xb8;
	[tilespmem:$0x1CA00] =	vst v63  }
0xd4: {  	_ = 	snop  }
0xd5: {  	[tilespmem:s31], [sflag:$0x2] =	stream.indirect.gather [spmem:s3], $0x10, s29, s29, $0xb8;
	[tilespmem:$0x1CA00] =	vst v63  }
0xd6: {  	s13 =	simm.s32 $0x100  }
0xd7: {  	[tilespmem:s16], [sflag:$0x3] =	stream.indirect.gather [spmem:s3], $0x10, s13, s29, $0xb8;
	[tilespmem:$0x1CA00] =	vst v63  }
0xd8: {  	s14 =	simm.s32 $0x180;
	s10 =	simm.s32 $0x7  }
0xd9: {  	[tilespmem:s18], [sflag:$0x4] =	stream.indirect.gather [spmem:s3], $0x10, s14, s29, $0xb8;
	[tilespmem:$0x1CA00] =	vst v63  }
.LBB2_6:
0xda: {  	_ =	swait.ge [sflag:s21], $0x800  }
0xdb: {  	s11 =	sshra.s32 s19, $0x2;
	[sflag:s21] =	ssyncset.done $0x0  }
0xdc: {  	p1 =	seq.s32 s19, $0x0;
	s12 =	sadd.s32 $0x4E80, s11;
	[sflag:s21] =	ssyncadd.s32 $0xFFFFF800  }
0xdd: {  	[spmem:s2] =	stream.indirect.scatter.add.f32 [tilespmem:s30], [sflag:$0x9], $0x10, s12, s29, $0xb8;
	[tilespmem:$0x1CA00] =	vst v63  }
0xde: {  	s12 =	simm.s32 @!p1 $0xD  }
0xdf: {  	s13 =	sadd.s32 @!p1 $0x800, s19;
	_ =	swait.ge @!p1 [sflag:s12], $0x800  }
0xe0: {  	s13 =	simm.s32 @p1 $0x800;
	[sflag:s12] =	ssyncset.done @!p1 $0x0  }
0xe1: {  	[sflag:s12] =	ssyncadd.s32 @!p1 $0xFFFFF800;
	s12 =	sshra.s32 s13, $0x2  }
0xe2: {  	[tilespmem:s20], [sflag:$0x5] =	stream.indirect.gather [spmem:s3], $0x10, s12, s29, $0xb8;
	[tilespmem:$0x1CA00] =	vst v63  }
0xe3: {  	s13 =	sadd.s32 @!p1 $0xFFFFFFFE, s10;
	_ =	swait.ge [sflag:s22], $0x800  }
0xe4: {  	p2 =	sgt.u32 @!p1 s13, $0x9C;
	[sflag:s22] =	ssyncset.done $0x0  }
0xe5: {  	s14 =	sadd.s32 $0x4F00, s11;
	p2 =	por p1, !p2;
	[sflag:s22] =	ssyncadd.s32 $0xFFFFF800  }
0xe6: {  	[spmem:s2] =	stream.indirect.scatter.add.f32 [tilespmem:s31], [sflag:$0xA], $0x10, s14, s29, $0xb8;
	[tilespmem:$0x1CA00] =	vst v63  }
.Ltmp4:
0xe7: {  	_ = 	snop;
	(pc) =	sbr.rel @!p2 .LBB2_8-.Ltmp4, $4  }
0xe8: {  	s14 =	simm.s32 @!p1 $0xE  }
0xe9: {  	_ =	swait.ge @!p1 [sflag:s14], $0x800  }
0xea: {  	[sflag:s14] =	ssyncset.done @!p1 $0x0  }
0xeb: {  	[sflag:s14] =	ssyncadd.s32 @!p1 $0xFFFFF800;
	s14 =	simm.s32 @!p1 $0x13400  }
0xec: {  	s13 =	simm.s32 @p1 $0x5  }
0xed: {  	s13 =	sshll.u32 s13, $0x7  }
0xee: {  	s14 =	sadd.s32 $0x400, s19;
	s13 =	sand.u32 $0x3FFFFF80, s13  }
0xef: {  	[tilespmem:s17], [sflag:$0x6] =	stream.indirect.gather [spmem:s3], $0x10, s13, s29, $0xb8;
	[tilespmem:$0x1CA00] =	vst v63  }
.LBB2_8:
0xf0: {  	_ =	swait.ge [sflag:s23], $0x800  }
0xf1: {  	s13 =	sshra.s32 s14, $0x2;
	[sflag:s23] =	ssyncset.done $0x0  }
0xf2: {  	s13 =	sadd.s32 $0x4E80, s13;
	[sflag:s23] =	ssyncadd.s32 $0xFFFFF800  }
0xf3: {  	[spmem:s2] =	stream.indirect.scatter.add.f32 [tilespmem:s16], [sflag:$0xB], $0x10, s13, s29, $0xb8;
	[tilespmem:$0x1CA00] =	vst v63  }
0xf4: {  	s13 =	sadd.s32 @!p1 $0xFFFFFFFF, s10  }
0xf5: {  	p2 =	sgt.u32 @!p1 s13, $0x9C  }
0xf6: {  	p2 =	por p1, !p2  }
.Ltmp5:
0xf7: {  	_ = 	snop;
	(pc) =	sbr.rel @!p2 .LBB2_10-.Ltmp5, $4  }
0xf8: {  	s14 =	simm.s32 @!p1 $0xF  }
0xf9: {  	_ =	swait.ge @!p1 [sflag:s14], $0x800  }
0xfa: {  	[sflag:s14] =	ssyncset.done @!p1 $0x0  }
0xfb: {  	[sflag:s14] =	ssyncadd.s32 @!p1 $0xFFFFF800  }
0xfc: {  	s13 =	simm.s32 @p1 $0x6  }
0xfd: {  	s13 =	sshll.u32 s13, $0x7  }
0xfe: {  	s13 =	sand.u32 $0x3FFFFF80, s13  }
0xff: {  	[tilespmem:s0], [sflag:$0x7] =	stream.indirect.gather [spmem:s3], $0x10, s13, s29, $0xb8;
	[tilespmem:$0x1CA00] =	vst v63  }
.LBB2_10:
0x100: {  	_ =	swait.ge [sflag:s26], $0x800  }
0x101: {  	p2 =	sgt.u32 @!p1 s10, $0x9C;
	[sflag:s26] =	ssyncset.done $0x0  }
0x102: {  	s13 =	sadd.s32 $0x5000, s11;
	p2 =	por p1, !p2;
	[sflag:s26] =	ssyncadd.s32 $0xFFFFF800  }
0x103: {  	[spmem:s2] =	stream.indirect.scatter.add.f32 [tilespmem:s18], [sflag:$0xC], $0x10, s13, s29, $0xb8;
	[tilespmem:$0x1CA00] =	vst v63  }
.Ltmp6:
0x104: {  	_ = 	snop;
	(pc) =	sbr.rel @!p2 .LBB2_12-.Ltmp6, $4  }
0x105: {  	s13 =	simm.s32 @!p1 $0x10  }
0x106: {  	_ =	swait.ge @!p1 [sflag:s13], $0x800  }
0x107: {  	[sflag:s13] =	ssyncset.done @!p1 $0x0  }
0x108: {  	[sflag:s13] =	ssyncadd.s32 @!p1 $0xFFFFF800  }
0x109: {  	s13 =	smov.u32 s10  }
0x10a: {  	s13 =	simm.s32 @p1 $0x7  }
0x10b: {  	s13 =	sshll.u32 s13, $0x7  }
0x10c: {  	s13 =	sand.u32 $0x3FFFFF80, s13  }
0x10d: {  	[tilespmem:s6], [sflag:$0x8] =	stream.indirect.gather [spmem:s3], $0x10, s13, s29, $0xb8;
	[tilespmem:$0x1CA00] =	vst v63  }
.LBB2_12:
0x10e: {  	_ =	swait.ge [sflag:s1], $0x800  }
0x10f: {  	p1 =	seq.s32 s19, $0x13000;
	[sflag:s1] =	ssyncset.done $0x0  }
.Ltmp7:
0x110: {  	s12 =	sadd.s32 $0x4E80, s12;
	[sflag:s1] =	ssyncadd.s32 $0xFFFFF800;
	(pc) =	sbr.rel @p1 .LBB2_14-.Ltmp7, $4  }
0x111: {  	[spmem:s2] =	stream.indirect.scatter.add.f32 [tilespmem:s20], [sflag:$0xD], $0x10, s12, s29, $0xb8;
	[tilespmem:$0x1CA00] =	vst v63  }
0x112: {  	_ =	swait.ge [sflag:s25], $0x800  }
0x113: {  	[sflag:s25] =	ssyncset.done $0x0  }
0x114: {  	[sflag:s25] =	ssyncadd.s32 $0xFFFFF800  }
0x115: {  	s11 =	sadd.s32 $0x400, s11;
	s14 =	sadd.s32 $0xFFFFFFFE, s10  }
0x116: {  	[tilespmem:s30], [sflag:$0x1] =	stream.indirect.gather [spmem:s3], $0x10, s11, s29, $0xb8;
	[tilespmem:$0x1CA00] =	vst v63  }
0x117: {  	p1 =	sgt.u32 s14, $0x9C  }
0x118: {  	s11 =	simm.s32 @!p1 $0x6  }
0x119: {  	_ =	swait.ge @!p1 [sflag:s11], $0x800  }
0x11a: {  	[sflag:s11] =	ssyncset.done @!p1 $0x0  }
0x11b: {  	[sflag:s11] =	ssyncadd.s32 @!p1 $0xFFFFF800;
	s11 =	sshra.s32 @!p1 s19, $0x2  }
0x11c: {  	s13 =	simm.s32 @!p1 $0x80;
	s14 =	simm.s32 @!p1 $0xC500;
	s12 =	sadd.s32 @!p1 $0x5100, s11  }
0x11d: {  	[spmem:s2] =	stream.indirect.scatter.add.f32 @!p1 [tilespmem:s14], [sflag:$0xE], $0x10, s12, s13, $0xb8;
	[tilespmem:$0x1CA00] =	vst v63  }
0x11e: {  	s12 =	simm.s32 @!p1 $0xA  }
0x11f: {  	_ =	swait.ge @!p1 [sflag:s12], $0x800  }
0x120: {  	[sflag:s12] =	ssyncset.done @!p1 $0x0  }
0x121: {  	s14 =	simm.s32 @!p1 $0xA500;
	[sflag:s12] =	ssyncadd.s32 @!p1 $0xFFFFF800;
	s12 =	sadd.s32 @!p1 $0x480, s11  }
0x122: {  	[tilespmem:s14], [sflag:$0x2] =	stream.indirect.gather @!p1 [spmem:s3], $0x10, s12, s13, $0xb8;
	[tilespmem:$0x1CA00] =	vst v63  }
0x123: {  	s12 =	simm.s32 @!p1 $0x7  }
0x124: {  	_ =	swait.ge @!p1 [sflag:s12], $0x800  }
0x125: {  	[sflag:s12] =	ssyncset.done @!p1 $0x0  }
0x126: {  	s14 =	simm.s32 @!p1 $0xCD00;
	[sflag:s12] =	ssyncadd.s32 @!p1 $0xFFFFF800;
	s12 =	sadd.s32 @!p1 $0x5180, s11  }
0x127: {  	[spmem:s2] =	stream.indirect.scatter.add.f32 @!p1 [tilespmem:s14], [sflag:$0xF], $0x10, s12, s13, $0xb8;
	[tilespmem:$0x1CA00] =	vst v63  }
0x128: {  	s12 =	simm.s32 @!p1 $0xB  }
0x129: {  	_ =	swait.ge @!p1 [sflag:s12], $0x800  }
0x12a: {  	[sflag:s12] =	ssyncset.done @!p1 $0x0  }
0x12b: {  	s14 =	simm.s32 @!p1 $0xAD00;
	[sflag:s12] =	ssyncadd.s32 @!p1 $0xFFFFF800;
	s12 =	sadd.s32 @!p1 $0x500, s11  }
0x12c: {  	[tilespmem:s14], [sflag:$0x3] =	stream.indirect.gather @!p1 [spmem:s3], $0x10, s12, s13, $0xb8;
	[tilespmem:$0x1CA00] =	vst v63  }
0x12d: {  	s12 =	simm.s32 @!p1 $0x8  }
0x12e: {  	_ =	swait.ge @!p1 [sflag:s12], $0x800  }
0x12f: {  	[sflag:s12] =	ssyncset.done @!p1 $0x0  }
0x130: {  	s14 =	simm.s32 @!p1 $0xD500;
	[sflag:s12] =	ssyncadd.s32 @!p1 $0xFFFFF800;
	s12 =	sadd.s32 @!p1 $0x5200, s11  }
0x131: {  	[spmem:s2] =	stream.indirect.scatter.add.f32 @!p1 [tilespmem:s14], [sflag:$0x10], $0x10, s12, s13, $0xb8;
	[tilespmem:$0x1CA00] =	vst v63  }
.Ltmp8:
0x132: {  	s12 =	simm.s32 @!p1 $0xC;
	(pc) =	sbr.rel .LBB2_6-.Ltmp8, $4  }
0x133: {  	_ =	swait.ge @!p1 [sflag:s12], $0x800  }
0x134: {  	s10 =	sadd.s32 $0x8, s10;
	s19 =	sadd.s32 $0x1000, s19;
	[sflag:s12] =	ssyncset.done @!p1 $0x0  }
0x135: {  	s11 =	sadd.s32 @!p1 $0x580, s11;
	[sflag:s12] =	ssyncadd.s32 @!p1 $0xFFFFF800;
	s12 =	simm.s32 @!p1 $0xB500  }
0x136: {  	[tilespmem:s12], [sflag:$0x4] =	stream.indirect.gather @!p1 [spmem:s3], $0x10, s11, s13, $0xb8;
	[tilespmem:$0x1CA00] =	vst v63  }
.LBB2_15:
0x137: {  	_ =	sfence.sel $0x180000  }
0x138: {  	[bflag:$0x0] =	sbarrier.arrive $0xFFFF  }
0x139: {  	_ =	strace $0x9000004A  }
0x13a: {  	s0 =	stileid.u32;
	[bflag:$0x2] =	sbarrier.arrive $0xFFFF  }
0x13b: {  	p0 =	sne.s32 s0, $0x0;
	s0 =	rddreg [dreg:$0x3]  }
0x13c: {  	s0 =	sadd.s32 @!p0 $0x100000, s0  }
0x13d: {  	[sflag:s0] =	ssyncadd.tile.s32 @!p0 $0x1;
	_ =	shalt  }
.Lfunc_end2:
_tile_overlayer_lowered:
.L_overlay_start_2:
0x13e: {  	(tag) =	ssettag $0x2  }
0x13f: {  	s0 =	rddreg [dreg:$0x0];
	s2 =	stileid.u32  }
0x140: {  	s1 =	rddreg [dreg:$0x1];
	p0 =	sne.s32 s2, $0x0  }
0x141: {  	s3 =	rddreg [dreg:$0x2];
	[bflag:$0x3] =	sbarrier.arrive $0xFFFF;
	s2 =	simm.s32 @!p0 $0x1C11  }
0x142: {  	[timem:s3], [sflag:s2] =	dma.local @!p0 [hbm:s0], s1  }
0x143: {  	s0 =	simm.s32 @!p0 $0x11  }
0x144: {  	_ =	swait.ge @!p0 [sflag:s0], s1  }
0x145: {  	s1 =	ssub.s32 @!p0 $0x0, s1;
	[sflag:s0] =	ssyncset.done @!p0 $0x0  }
0x146: {  	[sflag:s0] =	ssyncadd.s32 @!p0 s1  }
0x147: {  	[bflag:$0x3] =	sbarrier.arrive $0xFFFF  }
0x148: {  	_ =	shalt  }

// kernel: kernel.13.cloned.1.call-start
scs
__scs_entry_jumppad:
0x0: {  	(pc) =	sbr.rel $0x88, $3  }
0x1: {  	(tag) =	ssettag $0x0;
	lr =	simm.s32 $0x1  }
0x2: {  	[smem:$0x3F9B] =	sst lr;
	_ =	strace $0xD0000000  }
0x3: {  	_ = 	snop  }
0x4: {  	_ = 	snop  }
0x5: {  	_ = 	snop  }
0x6: {  	_ = 	snop  }
0x7: {  	_ = 	snop  }
__scs_overlays_trampoline_lowered:
0x8: {  	[smem:$0x3FAA] =	sst s0  }
0x9: {  	[smem:$0x3FAB] =	sst s1  }
0xa: {  	[smem:$0x3FAC] =	sst s2  }
0xb: {  	[smem:$0x3FAD] =	sst s3  }
0xc: {  	[smem:$0x3FAE] =	sst s4  }
0xd: {  	[smem:$0x3FAF] =	sst s5  }
0xe: {  	[smem:$0x3FB0] =	sst s6  }
0xf: {  	[smem:$0x3FB1] =	sst s7  }
0x10: {  	[smem:$0x3FB2] =	sst s8  }
0x11: {  	[smem:$0x3FB3] =	sst s9;
	s0 =	simm.s32 @!p0 $0x0  }
0x12: {  	s1 =	sld [smem:$0x3F99];
	s0 =	simm.s32 @p0 $0x1  }
0x13: {  	[smem:$0x3FB4] =	sst s0;
	s0 =	simm.s32 @!p1 $0x0  }
0x14: {  	s2 =	sld [smem:$0x3F98];
	s0 =	simm.s32 @p1 $0x1  }
0x15: {  	[smem:$0x3FB5] =	sst s0;
	s0 =	simm.s32 @!p2 $0x0  }
0x16: {  	s3 =	sld [smem:$0x3FDB];
	s0 =	simm.s32 @p2 $0x1  }
0x17: {  	s4 =	simm.s32 $0x1BF5;
	[smem:$0x3FB7] =	sst s0  }
0x18: {  	s0 =	sld [smem:$0x3F9A];
	_ =	swait.ge [sflag:s4], $0x0  }
0x19: {  	s7 =	sld [smem:$0x3F9B]  }
0x1a: {  	s8 =	sadd.s32 $0xFFFFE003, lr  }
0x1b: {  	s9 =	sadd.s32 $0xFFFFFEF7, lr;
	s5 =	simm.s32 $0xFFFFFFFF;
	p2 =	slt.u32 s8, $0xFFFFF086  }
0x1c: {  	p1 =	slt.u32 s9, $0xF7A;
	s5 =	simm.s32 @!p2 $0x0  }
0x1d: {  	s5 =	simm.s32 @p1 $0x1;
	p0 =	seq.s32 s7, s2  }
0x1e: {  	s7 =	smul.u32 @!p0 $0xF7A, s2;
	p2 =	seq.s32 @!p0 s5, $0x0  }
0x1f: {  	s9 =	smul.u32 $0xF7A, s1;
	s8 =	simm.s32 @!p0 $0x1BF5;
	p2 =	por !p2, p0  }
0x20: {  	[sflag:s8] =	ssyncset.s32 @!p0 $0xFFFFF086;
	s6 =	sadd.s32 @!p0 s3, s7;
	s7 =	simm.s32 @!p0 $0x108  }
0x21: {  	s3 =	sadd.s32 s3, s9;
	s6 =	sadd.s32 @!p0 $0x88, s6;
	s7 =	simm.s32 @p2 $0x1082  }
0x22: {  	[simem:s7], [sflag:s8] =	dma.local @!p0 [hbm:s6], $0xF7A  }
0x23: {  	s9 =	sor.u32 $0xD0000000, s2;
	s6 =	simm.s32 $0x108;
	_ =	swait.ge @!p0 [sflag:s8], $0x0  }
0x24: {  	s3 =	sadd.s32 $0x88, s3;
	s6 =	simm.s32 @!p1 $0x1082;
	[sflag:s4] =	ssyncset.s32 $0xFFFFF086  }
0x25: {  	[simem:s6], [sflag:s4] =	dma.local [hbm:s3], $0xF7A  }
0x26: {  	[smem:$0x3F9B] =	sst s1;
	(tag) =	ssettag s2;
	_ =	strace s9  }
0x27: {  	s1 =	sld [smem:$0x3FAB]  }
0x28: {  	s2 =	sld [smem:$0x3FAC]  }
0x29: {  	s4 =	sld [smem:$0x3FAE]  }
0x2a: {  	p0 =	seq.s32 s5, $0x0;
	s5 =	sld [smem:$0x3FAF]  }
0x2b: {  	s6 =	sld [smem:$0x3FB0]  }
0x2c: {  	s7 =	sld [smem:$0x3FB1]  }
0x2d: {  	s3 =	simm.s32 $0x108;
	s8 =	sld [smem:$0x3FB2]  }
0x2e: {  	s3 =	simm.s32 @!p0 $0x1082;
	s9 =	sld [smem:$0x3FB3]  }
0x2f: {  	lr =	sadd.s32 s0, s3;
	s0 =	sld [smem:$0x3FAA]  }
0x30: {  	s3 =	sld [smem:$0x3FAD]  }
0x31: {  	[smem:$0x3FB6] =	sst s10  }
0x32: {  	s10 =	sld [smem:$0x3FB4];
	_ =	sdelay $0x3  }
0x33: {  	p0 =	seq.s32 s10, $0x1;
	s10 =	sld [smem:$0x3FB6];
	_ =	sdelay $0x3  }
0x34: {  	[smem:$0x3FB6] =	sst s10  }
0x35: {  	s10 =	sld [smem:$0x3FB5];
	_ =	sdelay $0x3  }
0x36: {  	p1 =	seq.s32 s10, $0x1;
	s10 =	sld [smem:$0x3FB6];
	_ =	sdelay $0x3  }
0x37: {  	[smem:$0x3FB6] =	sst s10  }
0x38: {  	s10 =	sld [smem:$0x3FB7]  }
0x39: {  	_ = 	snop;
	(pc) =	sbr.ind lr, $3  }
0x3a: {  	_ = 	snop  }
0x3b: {  	_ = 	snop  }
0x3c: {  	p2 =	seq.s32 s10, $0x1;
	s10 =	sld [smem:$0x3FB6]  }
0x3d: {  	_ =	shalt  }
0x3e: {  	_ =	shalt  }
0x3f: {  	_ =	shalt  }
0x40: {  	_ =	shalt  }
0x41: {  	_ =	shalt  }
0x42: {  	_ =	shalt  }
0x43: {  	_ =	shalt  }
0x44: {  	_ =	shalt  }
0x45: {  	_ =	shalt  }
0x46: {  	_ =	shalt  }
0x47: {  	_ =	shalt  }
0x48: {  	_ =	shalt  }
0x49: {  	_ =	shalt  }
0x4a: {  	_ =	shalt  }
0x4b: {  	_ =	shalt  }
0x4c: {  	_ =	shalt  }
0x4d: {  	_ =	shalt  }
0x4e: {  	_ =	shalt  }
0x4f: {  	_ =	shalt  }
0x50: {  	_ =	shalt  }
0x51: {  	_ =	shalt  }
0x52: {  	_ =	shalt  }
0x53: {  	_ =	shalt  }
0x54: {  	_ =	shalt  }
0x55: {  	_ =	shalt  }
0x56: {  	_ =	shalt  }
0x57: {  	_ =	shalt  }
0x58: {  	_ =	shalt  }
0x59: {  	_ =	shalt  }
0x5a: {  	_ =	shalt  }
0x5b: {  	_ =	shalt  }
0x5c: {  	_ =	shalt  }
0x5d: {  	_ =	shalt  }
0x5e: {  	_ =	shalt  }
0x5f: {  	_ =	shalt  }
0x60: {  	_ =	shalt  }
0x61: {  	_ =	shalt  }
0x62: {  	_ =	shalt  }
0x63: {  	_ =	shalt  }
0x64: {  	_ =	shalt  }
0x65: {  	_ =	shalt  }
0x66: {  	_ =	shalt  }
0x67: {  	_ =	shalt  }
0x68: {  	_ =	shalt  }
0x69: {  	_ =	shalt  }
0x6a: {  	_ =	shalt  }
0x6b: {  	_ =	shalt  }
0x6c: {  	_ =	shalt  }
0x6d: {  	_ =	shalt  }
0x6e: {  	_ =	shalt  }
0x6f: {  	_ =	shalt  }
0x70: {  	_ =	shalt  }
0x71: {  	_ =	shalt  }
0x72: {  	_ =	shalt  }
0x73: {  	_ =	shalt  }
0x74: {  	_ =	shalt  }
0x75: {  	_ =	shalt  }
0x76: {  	_ =	shalt  }
0x77: {  	_ =	shalt  }
0x78: {  	_ =	shalt  }
0x79: {  	_ =	shalt  }
0x7a: {  	_ =	shalt  }
0x7b: {  	_ =	shalt  }
0x7c: {  	_ =	shalt  }
0x7d: {  	_ =	shalt  }
0x7e: {  	_ =	shalt  }
0x7f: {  	_ =	shalt  }
0x80: {  	_ =	shalt  }
0x81: {  	_ =	shalt  }
0x82: {  	_ =	shalt  }
0x83: {  	_ =	shalt  }
0x84: {  	_ =	shalt  }
0x85: {  	_ =	shalt  }
0x86: {  	_ =	shalt  }
0x87: {  	_ =	shalt  }
.Lfunc_end0:
.L_simem_size_0:
called_computation.2_lowered:
.L_overlay_start_0:
0x88: {  	s2 =	sld [smem:$0x3FD9]  }
0x89: {  	s3 =	sld [smem:$0x3FFE];
	_ =	sdelay $0x1  }
0x8a: {  	s1 =	srdreg.scid  }
0x8b: {  	s0 =	sand.u32 $0x1, s1  }
0x8c: {  	s17 =	sshll.u32 s0, $0xA;
	s2 =	sadd.s32 s3, s2  }
0x8d: {  	s2 =	sadd.s32 s2, s17  }
0x8e: {  	[smem:$0x3FC2] =	sst s2  }
0x8f: {  	_ = 	snop  }
0x90: {  	s2 =	sld [smem:$0x3FC6];
	(tm) =	ssettm $0x1  }
0x91: {  	s18 =	sld [smem:$0x3FFB];
	_ =	sdelay $0x3  }
0x92: {  	_ =	strace s18  }
0x93: {  	s3 =	sld [smem:$0x3FFC];
	_ =	sdelay $0x3  }
0x94: {  	_ =	strace s3  }
0x95: {  	s3 =	sld [smem:$0x3FFD];
	_ =	sdelay $0x3  }
0x96: {  	_ =	strace s3  }
0x97: {  	_ =	strace $0x8FFFFFFF  }
0x98: {  	s19 =	sld [smem:$0x3FDB];
	_ =	sdelay $0x1  }
0x99: {  	s4 =	simm.s32 $_scs_section_size  }
0x9a: {  	s5 =	simm.s32 $_size__tile_overlayer_lowered;
	s6 =	simm.s32 $_tile_overlayer_lowered  }
0x9b: {  	s22 =	simm.s32 $0x1BFF;
	s21 =	sshll.u32 s6, $0x1;
	s3 =	sadd.s32 s4, s19  }
0x9c: {  	s7 =	simm.s32 $0x0;
	s20 =	sshll.u32 s5, $0x1;
	s5 =	sadd.s32 s21, s3  }
0x9d: {  	[timem:s7], [sflag:s22] =	dma.local [hbm:s5], s20  }
0x9e: {  	_ =	swait.ge [sflag:s22], s20  }
0x9f: {  	s4 =	ssub.s32 $0x0, s20;
	[sflag:s22] =	ssyncset.done $0x0  }
0xa0: {  	[sflag:s22] =	ssyncadd.s32 s4;
	_ =	sdelay $0x1  }
0xa1: {  	s23 =	simm.s32 $0x1B8B  }
0xa2: {  	_ =	swait.ge [sflag:s23], $0x1  }
0xa3: {  	[sflag:s23] =	ssyncset.done $0x0  }
0xa4: {  	s25 =	simm.s32 $0x1B8E;
	s24 =	sld [smem:$0x3FFE];
	[sflag:s23] =	ssyncadd.s32 $0xFFFFFFFF  }
0xa5: {  	s26 =	simm.s32 $execute0_lowered;
	[smem:$0x3FD2] =	sst s25  }
0xa6: {  	s5 =	sshll.u32 s26, $0x1;
	_ =	strace $0x8000004C;
	[dreg:$0x1] =	wrdreg $0xFFFFFFFF  }
0xa7: {  	s28 =	simm.s32 $_size_execute0_lowered;
	s3 =	sadd.s32 s3, s5;
	[dreg:$0x0] =	wrdreg $0x0  }
0xa8: {  	s5 =	sshll.u32 s28, $0x1;
	[dreg:$0x2] =	wrdreg s3  }
0xa9: {  	[dreg:$0x3] =	wrdreg s5  }
0xaa: {  	[dreg:$0x4] =	wrdreg $0xC0  }
0xab: {  	_ =	task [dreg:s7], $0x5FFFF  }
0xac: {  	[dreg:$0x1] =	wrdreg $0xFFFFFFFF  }
0xad: {  	[dreg:$0x0] =	wrdreg $0x60  }
0xae: {  	[dreg:$0x2] =	wrdreg s24  }
0xaf: {  	[dreg:$0x3] =	wrdreg s2  }
0xb0: {  	[dreg:$0x4] =	wrdreg $0x1CA000  }
0xb1: {  	[dreg:$0x5] =	wrdreg $0x1A2800  }
0xb2: {  	[dreg:$0x6] =	wrdreg $0x9  }
0xb3: {  	_ =	task.clear_ibuf [dreg:s7], $0x7FFFF;
	_ =	strace $0x9000004C  }
0xb4: {  	s29 =	simm.s32 $0x9;
	_ =	strace $0x8000004E  }
0xb5: {  	_ =	swait.ge [sflag:s29], $0x1  }
0xb6: {  	[sflag:s29] =	ssyncadd.s32 $0xFFFFFFFF  }
0xb7: {  	_ =	strace $0x9000004E  }
0xb8: {  	_ =	sfence  }
0xb9: {  	s30 =	sld [smem:$0x0];
	_ =	sdelay $0x2  }
0xba: {  	s31 =	sshll.u32 s1, $0xD;
	s1 =	sshrl.u32 s1, $0x2  }
0xbb: {  	s3 =	sand.u32 $0x4000, s31;
	s1 =	sadd.s32 s1, s30  }
0xbc: {  	s0 =	sor.u32 s3, s0;
	s1 =	sshll.u32 s1, $0x11  }
0xbd: {  	s0 =	sor.u32 s1, s0  }
0xbe: {  	s0 =	sadd.s32 $0x8F2B, s0  }
0xbf: {  	[sflag:s0] =	ssyncadd.remote.s32 $0x1  }
0xc0: {  	_ =	sfence.sel $0xFFFF  }
0xc1: {  	[dreg:$0x0] =	wrdreg $0xFFFFFFFF;
	(pc) =	sbr.abs _section_cstart, $3  }
0xc2: {  	[dreg:$0x1] =	wrdreg $0xFFFFFFFF  }
0xc3: {  	_ =	task.clear_ibuf [dreg:s7], $0x2FFFF;
	_ =	strace $0x9FFFFFFF  }
0xc4: {  	(tm) =	ssettm $0x7FFFFFFF  }
0xc5: {  	_ =	shalt  }
tec
execute0_lowered:
.L_overlay_start_1:
0x0: {  	(tag) =	ssettag $0x1  }
0x1: {  	s0 =	rddreg [dreg:$0x0]  }
0x2: {  	s3 =	rddreg [dreg:$0x2];
	s1 =	srdreg.scid  }
0x3: {  	s4 =	rddreg [dreg:$0x3];
	s6 =	stileid.u32;
	s5 =	simm.s32 $0x0  }
0x4: {  	s15 =	simm.s32 $0x12C00;
	s28 =	simm.s32 $0x4;
	s29 =	simm.s32 $0x9  }
0x5: {  	s30 =	simm.s32 $0xA;
	s31 =	simm.s32 $0xB;
	s17 =	simm.s32 $0xD  }
0x6: {  	s1 =	sand.u32 $0x1, s1;
	s7 =	smul.u32 $0x2780, s6;
	[smem:$0x7FF] =	sst s5  }
0x7: {  	s2 =	sshll.u32 s1, $0x4;
	s18 =	smul.u32 $0x27800, s1;
	_ =	strace $0x8000004D  }
0x8: {  	s8 =	ssub.s32 $0x2, s1;
	p0 =	sne.s32 s1, $0x0;
	s1 =	simm.s32 $0xBD00  }
0x9: {  	s2 =	sor.u32 s6, s2;
	s19 =	sshrl.u32 s7, $0x3;
	s10 =	sshrl.u32 s8, $0x1  }
0xa: {  	s25 =	sadd.s32 s7, s4;
	s2 =	smul.u32 $0x9D0, s2;
	s6 =	sadd.s32 s7, s18  }
0xb: {  	s8 =	ssub.s32 s8, s10;
	[dreg:$0xb] =	wrdreg s25;
	s6 =	sshrl.u32 s6, $0x3  }
0xc: {  	s2 =	sadd.s32 s2, s0;
	s9 =	sadd.s32 s6, s0;
	s0 =	sadd.s32 s19, s0  }
0xd: {  	s25 =	simm.s32 $0x2;
	s18 =	simm.s32 $0xA500;
	s20 =	sadd.s32 $0x42200, s0  }
0xe: {  	s10 =	simm.s32 $0xC;
	s21 =	sadd.s32 $0x38400, s0;
	[dreg:$0x5] =	wrdreg s20  }
0xf: {  	s16 =	smax.u32 s8, $0x1;
	s22 =	sadd.s32 $0x3D300, s0;
	[dreg:$0x6] =	wrdreg s21  }
0x10: {  	s8 =	simm.s32 $0xCD00;
	s23 =	sadd.s32 $0x47200, s0;
	[dreg:$0x7] =	wrdreg s22  }
0x11: {  	s6 =	sadd.s32 s7, s3;
	s24 =	sadd.s32 $0x2200, s2;
	[dreg:$0x8] =	wrdreg s23  }
0x12: {  	s19 =	simm.s32 $0xAD00;
	s2 =	sadd.s32 $0x15C00, s2;
	[dreg:$0x9] =	wrdreg s24  }
.Ltmp0:
0x13: {  	s0 =	sadd.s32 $0x29600, s0;
	[dreg:$0xa] =	wrdreg s2;
	(pc) =	sbr.rel .LBB2_1-.Ltmp0, $4  }
0x14: {  	s7 =	simm.s32 $0xC500;
	s26 =	sadd.s32 $0x4C200, s9;
	[dreg:$0xc] =	wrdreg s0  }
0x15: {  	s9 =	simm.s32 $0xD500;
	[dreg:$0xd] =	wrdreg s26;
	s23 =	simm.s32 $0x11  }
0x16: {  	s24 =	simm.s32 $0x1;
	s26 =	simm.s32 $0x3;
	s0 =	simm.s32 $0x80  }
0x17: {  	v0 =	vimm.f32 $0.0e+00;
	s2 =	simm.s32 $0x9D00;
	s22 =	simm.s32 $0xB500;
	s21 =	simm.s32 $0x5  }
.LBB2_14:
0x18: {  	_ =	swait.ge [sflag:s30], $0x800  }
0x19: {  	[sflag:s30] =	ssyncset.done $0x0  }
0x1a: {  	[sflag:s30] =	ssyncadd.s32 $0xFFFFF800  }
0x1b: {  	_ =	swait.ge [sflag:s31], $0x800  }
0x1c: {  	[sflag:s31] =	ssyncset.done $0x0  }
0x1d: {  	[sflag:s31] =	ssyncadd.s32 $0xFFFFF800  }
0x1e: {  	_ =	swait.ge [sflag:s10], $0x800  }
0x1f: {  	[sflag:s10] =	ssyncset.done $0x0  }
0x20: {  	[sflag:s10] =	ssyncadd.s32 $0xFFFFF800  }
0x21: {  	_ =	swait.ge [sflag:s17], $0x800  }
0x22: {  	s11 =	stileid.u32;
	[sflag:s17] =	ssyncset.done $0x0  }
0x23: {  	s12 =	sshrl.u32 s6, $0x3;
	s5 =	sadd.s32 $0x1, s5;
	[sflag:s17] =	ssyncadd.s32 $0xFFFFF800  }
0x24: {  	s11 =	sshll.u32 s11, $0x6;
	p1 =	sne.s32 s5, s16;
	[bflag:$0x0] =	sbarrier.arrive $0xFFFF  }
.Ltmp1:
0x25: {  	s11 =	sor.u32 $0x1C11, s11;
	s13 =	rddreg [dreg:$0xd];
	(pc) =	sbr.rel @!p1 .LBB2_15-.Ltmp1, $4  }
0x26: {  	[hbm:s13], [sflag:s11] =	dma.local [spmem:s12], $0x4F0  }
0x27: {  	_ =	swait.ge [sflag:s23], $0x4F0  }
0x28: {  	[sflag:s23] =	ssyncset.done $0x0  }
0x29: {  	s15 =	simm.s32 $0x12C00;
	[sflag:s23] =	ssyncadd.s32 $0xFFFFFB10  }
.LBB2_1:
0x2a: {  	s11 =	simm.s32 $0x40;
	s12 =	simm.s32 $0x0  }
.LBB2_2:
0x2b: {  	p1 =	sne.s32 s11, $0x9DC0;
	[tilespmem:s12+$0x17B00] =	vst v0;
	s12 =	smov.u32 s11;
	s11 =	sadd.s32 $0x40, s11  }
.Ltmp2:
0x2c: {  	(pc) =	sbr.rel @p1 .LBB2_2-.Ltmp2, $2  }
0x2d: {  	_ =	sdelay $0x2  }
0x2e: {  	s12 =	sshra.s32 s12, $0x2  }
0x2f: {  	[tilespmem:s12+$0x17B00] =	vst v0;
	s13 =	simm.s32 $0x17B00  }
0x30: {  	[spmem:s6] =	stream.linear.scatter [tilespmem:s13], [sflag:$0x9], $0x2780, $0x38;
	[tilespmem:$0x1F180] =	vst v63  }
0x31: {  	s11 =	simm.s32 $0x0;
	s20 =	rddreg [dreg:$0x5];
	s14 =	simm.s32 $0xDD00  }
0x32: {  	[tilespmem:s14], [sflag:$0x1] =	stream.linear.gather [hbm4b:s20+s11], $0x2780, $0x38;
	[tilespmem:$0x1F180] =	vst v63  }
0x33: {  	s14 =	rddreg [dreg:$0x6];
	s20 =	simm.s32 $0x10480  }
0x34: {  	[tilespmem:s20], [sflag:$0x2] =	stream.linear.gather [hbm4b:s14+s11], $0x2780, $0x38;
	[tilespmem:$0x1F180] =	vst v63  }
0x35: {  	s20 =	rddreg [dreg:$0x7]  }
0x36: {  	[tilespmem:s15], [sflag:$0x3] =	stream.linear.gather [hbm4b:s20+s11], $0x2780, $0x38;
	[tilespmem:$0x1F180] =	vst v63  }
0x37: {  	s14 =	rddreg [dreg:$0x8];
	s20 =	simm.s32 $0x15380  }
0x38: {  	[tilespmem:s20], [sflag:$0x4] =	stream.linear.gather [hbm4b:s14+s11], $0x2780, $0x38;
	[tilespmem:$0x1F180] =	vst v63  }
0x39: {  	s20 =	rddreg [dreg:$0x9]  }
0x3a: {  	[tilespmem:s11], [sflag:$0xA] =	stream.linear.gather [hbm4b:s20+s11], $0x4E80, $0x38;
	[tilespmem:$0x1F180] =	vst v63  }
0x3b: {  	s14 =	rddreg [dreg:$0xa];
	s20 =	simm.s32 $0x4E80  }
0x3c: {  	[tilespmem:s20], [sflag:$0xB] =	stream.linear.gather [hbm4b:s14+s11], $0x4E80, $0x38;
	[tilespmem:$0x1F180] =	vst v63  }
0x3d: {  	s20 =	rddreg [dreg:$0x1]  }
0x3e: {  	[tilespmem:s13], [sflag:$0x11] =	stream.linear.gather [hbm4b:s20+s11], $0x10, $0x38;
	[tilespmem:$0x1F180] =	vst v63  }
0x3f: {  	_ =	swait.ge [sflag:s23], $0x10  }
0x40: {  	[sflag:s23] =	ssyncset.done $0x0  }
0x41: {  	[sflag:s23] =	ssyncadd.s32 $0xFFFFFFF0  }
0x42: {  	v1 =	vld [tilespmem:$0x17B00];
	_ =	swait.ge [sflag:s24], $0x2780  }
0x43: {  	[sflag:s24] =	ssyncset.done $0x0  }
0x44: {  	[sflag:s24] =	ssyncadd.s32 $0xFFFFD880  }
0x45: {  	_ =	swait.ge [sflag:s25], $0x2780  }
0x46: {  	[sflag:s25] =	ssyncset.done $0x0  }
0x47: {  	[sflag:s25] =	ssyncadd.s32 $0xFFFFD880  }
0x48: {  	_ =	swait.ge [sflag:s26], $0x2780  }
0x49: {  	[sflag:s26] =	ssyncset.done $0x0  }
0x4a: {  	[sflag:s26] =	ssyncadd.s32 $0xFFFFD880  }
0x4b: {  	_ =	swait.ge [sflag:s28], $0x2780  }
0x4c: {  	[sflag:s28] =	ssyncset.done $0x0  }
0x4d: {  	s11 =	simm.s32 $0x0;
	[sflag:s28] =	ssyncadd.s32 $0xFFFFD880  }
0x4e: {  	v3 =	vld [tilespmem:s11+$0x15380]  }
0x4f: {  	v2 =	vld [tilespmem:s11+$0x15390]  }
0x50: {  	v5 =	vld [tilespmem:s11+$0xDD00]  }
0x51: {  	v4 =	vld [tilespmem:s11+$0xDD10]  }
0x52: {  	v7 =	vld [tilespmem:s11+$0x10480]  }
0x53: {  	v8 =	vld [tilespmem:s11+$0x10490]  }
0x54: {  	v9 =	vld [tilespmem:s11+$0x104A0]  }
0x55: {  	v6 =	vld [tilespmem:s11+$0x104B0]  }
0x56: {  	v11 =	vld [tilespmem:s11+$0x12C00]  }
0x57: {  	v12 =	vld [tilespmem:s11+$0x12C10]  }
0x58: {  	s12 =	simm.s32 $0x100;
	v10 =	vld [tilespmem:s11+$0x12C20]  }
.LBB2_4:
0x59: {  	p1 =	sne.s32 s12, $0x9D00;
	v13 =	vld [tilespmem:s11+$0x12C30]  }
0x5a: {  	v14 =	vld [tilespmem:s11+$0xDD20]  }
0x5b: {  	v7 =	vadd.f32 v11, v7;
	v11 =	vld [tilespmem:s11+$0xDD30]  }
0x5c: {  	v8 =	vadd.f32 v12, v8;
	v12 =	vld [tilespmem:s11+$0x153A0]  }
0x5d: {  	v5 =	vadd.f32 v5, v7;
	v7 =	vadd.f32 v10, v9;
	v10 =	vld [tilespmem:s11+$0x153B0]  }
0x5e: {  	s13 =	sshra.s32 s12, $0x2;
	v4 =	vadd.f32 v4, v8;
	v6 =	vadd.f32 v13, v6  }
0x5f: {  	v9 =	vld [tilespmem:s13+$0x15380];
	v8 =	vmul.f32 v5, v3;
	v7 =	vadd.f32 v14, v7  }
0x60: {  	v13 =	vld [tilespmem:s13+$0x15390];
	v14 =	vmul.f32 v4, v2;
	v6 =	vadd.f32 v11, v6  }
0x61: {  	v5 =	vld [tilespmem:s13+$0xDD00];
	v8 =	vadd.f32 v8, v1;
	v11 =	vmul.f32 v7, v12  }
0x62: {  	v4 =	vld [tilespmem:s13+$0xDD10];
	v14 =	vadd.f32 v14, v1;
	v6 =	vmul.f32 v6, v10  }
0x63: {  	v7 =	vld [tilespmem:s13+$0x10480];
	v15 =	vmax.f32 v8, $0.0e+00;
	v11 =	vadd.f32 v11, v1  }
0x64: {  	v8 =	vld [tilespmem:s13+$0x10490];
	v15 =	vmul.f32 v15, v3;
	v14 =	vmax.f32 v14, $0.0e+00;
	v16 =	vadd.f32 v6, v1;
	v3 =	vmovc v9  }
.Ltmp3:
0x65: {  	v9 =	vld [tilespmem:s13+$0x104A0];
	v14 =	vmul.f32 v14, v2;
	v11 =	vmax.f32 v11, $0.0e+00;
	v2 =	vmov v13;
	(pc) =	sbr.rel @p1 .LBB2_4-.Ltmp3, $4  }
0x66: {  	v6 =	vld [tilespmem:s13+$0x104B0];
	[tilespmem:s11+$0x12C00] =	vst v15;
	v13 =	vmul.f32 v11, v12;
	v12 =	vmax.f32 v16, $0.0e+00  }
0x67: {  	v11 =	vld [tilespmem:s13+$0x12C00];
	[tilespmem:s11+$0x12C10] =	vst v14;
	v14 =	vmul.f32 v12, v10  }
0x68: {  	v12 =	vld [tilespmem:s13+$0x12C10];
	[tilespmem:s11+$0x12C20] =	vst v13  }
0x69: {  	s12 =	sadd.s32 $0x100, s12;
	v10 =	vld [tilespmem:s13+$0x12C20];
	[tilespmem:s11+$0x12C30] =	vst v14;
	s11 =	smov.u32 s13  }
0x6a: {  	v13 =	vld [tilespmem:s11+$0x12C30]  }
0x6b: {  	v14 =	vld [tilespmem:s11+$0xDD20]  }
0x6c: {  	v59 =	vld [tilespmem:s11+$0xDD30];
	v7 =	vadd.f32 v11, v7  }
0x6d: {  	v60 =	vld [tilespmem:s11+$0x153A0];
	v8 =	vadd.f32 v12, v8  }
0x6e: {  	v62 =	vld [tilespmem:s11+$0x153B0];
	v5 =	vadd.f32 v5, v7;
	v61 =	vadd.f32 v10, v9  }
0x6f: {  	v4 =	vadd.f32 v4, v8;
	v6 =	vadd.f32 v13, v6  }
0x70: {  	v5 =	vmul.f32 v5, v3;
	v7 =	vadd.f32 v14, v61  }
0x71: {  	v4 =	vmul.f32 v4, v2;
	v6 =	vadd.f32 v59, v6  }
0x72: {  	v5 =	vadd.f32 v5, v1;
	v7 =	vmul.f32 v7, v60  }
0x73: {  	v4 =	vadd.f32 v4, v1;
	v6 =	vmul.f32 v6, v62  }
0x74: {  	v5 =	vmax.f32 v5, $0.0e+00;
	v7 =	vadd.f32 v7, v1  }
0x75: {  	v3 =	vmul.f32 v5, v3;
	v4 =	vmax.f32 v4, $0.0e+00;
	v1 =	vadd.f32 v6, v1  }
0x76: {  	v2 =	vmul.f32 v4, v2;
	v63 =	vmax.f32 v7, $0.0e+00  }
0x77: {  	[tilespmem:s11+$0x12C00] =	vst v3;
	v3 =	vmul.f32 v63, v60;
	v1 =	vmax.f32 v1, $0.0e+00  }
0x78: {  	[tilespmem:s11+$0x12C10] =	vst v2;
	v1 =	vmul.f32 v1, v62  }
0x79: {  	[tilespmem:s11+$0x12C20] =	vst v3  }
0x7a: {  	s14 =	rddreg [dreg:$0xb];
	[tilespmem:s11+$0x12C30] =	vst v1  }
0x7b: {  	[spmem:s14] =	stream.linear.scatter [tilespmem:s15], [sflag:$0x11], $0x2780, $0x38;
	[tilespmem:$0x1F180] =	vst v63  }
0x7c: {  	_ =	swait.ge [sflag:s23], $0x2780  }
0x7d: {  	s12 =	simm.s32 @!p0 $0x12C00;
	[sflag:s23] =	ssyncset.done $0x0  }
0x7e: {  	s11 =	simm.s32 @!p0 $0x0;
	s13 =	rddreg [dreg:$0xc];
	[sflag:s23] =	ssyncadd.s32 $0xFFFFD880  }
0x7f: {  	[hbm4b:s13+s11] =	stream.linear.scatter @!p0 [tilespmem:s12], [sflag:$0x11], $0x2780, $0x38;
	[tilespmem:$0x1F180] =	vst v63  }
0x80: {  	s11 =	simm.s32 @!p0 $0x11  }
0x81: {  	_ =	swait.ge @!p0 [sflag:s11], $0x2780  }
0x82: {  	[sflag:s11] =	ssyncset.done @!p0 $0x0  }
0x83: {  	[sflag:s11] =	ssyncadd.s32 @!p0 $0xFFFFD880  }
0x84: {  	_ =	swait.ge [sflag:s29], $0x2780  }
0x85: {  	[sflag:s29] =	ssyncset.done $0x0  }
0x86: {  	[sflag:s29] =	ssyncadd.s32 $0xFFFFD880  }
0x87: {  	_ =	swait.ge [sflag:s30], $0x4E80  }
0x88: {  	[sflag:s30] =	ssyncset.done $0x0  }
0x89: {  	[sflag:s30] =	ssyncadd.s32 $0xFFFFB180  }
0x8a: {  	_ =	swait.ge [sflag:s31], $0x4E80  }
0x8b: {  	[sflag:s31] =	ssyncset.done $0x0  }
0x8c: {  	[sflag:s31] =	ssyncadd.s32 $0xFFFFB180  }
0x8d: {  	s11 =	simm.s32 $0x0;
	[bflag:$0x0] =	sbarrier.arrive $0xFFFF  }
0x8e: {  	[tilespmem:s2], [sflag:$0x1] =	stream.indirect.gather [spmem:s4], $0x10, s11, s0, $0xb8;
	[tilespmem:$0x1F180] =	vst v63  }
0x8f: {  	_ = 	snop  }
0x90: {  	[tilespmem:s18], [sflag:$0x2] =	stream.indirect.gather [spmem:s4], $0x10, s0, s0, $0xb8;
	[tilespmem:$0x1F180] =	vst v63  }
0x91: {  	s15 =	simm.s32 $0x100  }
0x92: {  	[tilespmem:s19], [sflag:$0x3] =	stream.indirect.gather [spmem:s4], $0x10, s15, s0, $0xb8;
	[tilespmem:$0x1F180] =	vst v63  }
0x93: {  	s20 =	simm.s32 $0x180;
	s12 =	simm.s32 $0x7  }
0x94: {  	[tilespmem:s22], [sflag:$0x4] =	stream.indirect.gather [spmem:s4], $0x10, s20, s0, $0xb8;
	[tilespmem:$0x1F180] =	vst v63  }
.LBB2_6:
0x95: {  	_ =	swait.ge [sflag:s24], $0x800  }
0x96: {  	s13 =	sshra.s32 s11, $0x2;
	[sflag:s24] =	ssyncset.done $0x0  }
0x97: {  	p1 =	seq.s32 s11, $0x0;
	s14 =	sadd.s32 $0x4E80, s13;
	[sflag:s24] =	ssyncadd.s32 $0xFFFFF800  }
0x98: {  	[spmem:s3] =	stream.indirect.scatter.add.f32 [tilespmem:s2], [sflag:$0x9], $0x10, s14, s0, $0xb8;
	[tilespmem:$0x1F180] =	vst v63  }
0x99: {  	s14 =	simm.s32 @!p1 $0xD  }
0x9a: {  	s15 =	sadd.s32 @!p1 $0x800, s11;
	_ =	swait.ge @!p1 [sflag:s14], $0x800  }
0x9b: {  	s15 =	simm.s32 @p1 $0x800;
	[sflag:s14] =	ssyncset.done @!p1 $0x0  }
0x9c: {  	s20 =	sshra.s32 s15, $0x2;
	[sflag:s14] =	ssyncadd.s32 @!p1 $0xFFFFF800  }
0x9d: {  	[tilespmem:s1], [sflag:$0x5] =	stream.indirect.gather [spmem:s4], $0x10, s20, s0, $0xb8;
	[tilespmem:$0x1F180] =	vst v63  }
0x9e: {  	s14 =	sadd.s32 @!p1 $0xFFFFFFFE, s12;
	_ =	swait.ge [sflag:s25], $0x800  }
0x9f: {  	p2 =	sgt.u32 @!p1 s14, $0x9C;
	[sflag:s25] =	ssyncset.done $0x0  }
0xa0: {  	s15 =	sadd.s32 $0x4F00, s13;
	p2 =	por p1, !p2;
	[sflag:s25] =	ssyncadd.s32 $0xFFFFF800  }
0xa1: {  	[spmem:s3] =	stream.indirect.scatter.add.f32 [tilespmem:s18], [sflag:$0xA], $0x10, s15, s0, $0xb8;
	[tilespmem:$0x1F180] =	vst v63  }
.Ltmp4:
0xa2: {  	_ = 	snop;
	(pc) =	sbr.rel @!p2 .LBB2_8-.Ltmp4, $4  }
0xa3: {  	s15 =	simm.s32 @!p1 $0xE  }
0xa4: {  	_ =	swait.ge @!p1 [sflag:s15], $0x800  }
0xa5: {  	[sflag:s15] =	ssyncset.done @!p1 $0x0  }
0xa6: {  	[sflag:s15] =	ssyncadd.s32 @!p1 $0xFFFFF800;
	s15 =	simm.s32 @!p1 $0x13400  }
0xa7: {  	s14 =	simm.s32 @p1 $0x5  }
0xa8: {  	s14 =	sshll.u32 s14, $0x7  }
0xa9: {  	s15 =	sadd.s32 $0x400, s11;
	s14 =	sand.u32 $0x3FFFFF80, s14  }
0xaa: {  	[tilespmem:s7], [sflag:$0x6] =	stream.indirect.gather [spmem:s4], $0x10, s14, s0, $0xb8;
	[tilespmem:$0x1F180] =	vst v63  }
.LBB2_8:
0xab: {  	_ =	swait.ge [sflag:s26], $0x800  }
0xac: {  	s14 =	sshra.s32 s15, $0x2;
	[sflag:s26] =	ssyncset.done $0x0  }
0xad: {  	s14 =	sadd.s32 $0x4E80, s14;
	[sflag:s26] =	ssyncadd.s32 $0xFFFFF800  }
0xae: {  	[spmem:s3] =	stream.indirect.scatter.add.f32 [tilespmem:s19], [sflag:$0xB], $0x10, s14, s0, $0xb8;
	[tilespmem:$0x1F180] =	vst v63  }
0xaf: {  	s14 =	sadd.s32 @!p1 $0xFFFFFFFF, s12  }
0xb0: {  	p2 =	sgt.u32 @!p1 s14, $0x9C  }
0xb1: {  	p2 =	por p1, !p2  }
.Ltmp5:
0xb2: {  	_ = 	snop;
	(pc) =	sbr.rel @!p2 .LBB2_10-.Ltmp5, $4  }
0xb3: {  	s15 =	simm.s32 @!p1 $0xF  }
0xb4: {  	_ =	swait.ge @!p1 [sflag:s15], $0x800  }
0xb5: {  	[sflag:s15] =	ssyncset.done @!p1 $0x0  }
0xb6: {  	[sflag:s15] =	ssyncadd.s32 @!p1 $0xFFFFF800  }
0xb7: {  	s14 =	simm.s32 @p1 $0x6  }
0xb8: {  	s14 =	sshll.u32 s14, $0x7  }
0xb9: {  	s14 =	sand.u32 $0x3FFFFF80, s14  }
0xba: {  	[tilespmem:s8], [sflag:$0x7] =	stream.indirect.gather [spmem:s4], $0x10, s14, s0, $0xb8;
	[tilespmem:$0x1F180] =	vst v63  }
.LBB2_10:
0xbb: {  	_ =	swait.ge [sflag:s28], $0x800  }
0xbc: {  	p2 =	sgt.u32 @!p1 s12, $0x9C;
	[sflag:s28] =	ssyncset.done $0x0  }
0xbd: {  	s14 =	sadd.s32 $0x5000, s13;
	p2 =	por p1, !p2;
	[sflag:s28] =	ssyncadd.s32 $0xFFFFF800  }
0xbe: {  	[spmem:s3] =	stream.indirect.scatter.add.f32 [tilespmem:s22], [sflag:$0xC], $0x10, s14, s0, $0xb8;
	[tilespmem:$0x1F180] =	vst v63  }
.Ltmp6:
0xbf: {  	_ = 	snop;
	(pc) =	sbr.rel @!p2 .LBB2_12-.Ltmp6, $4  }
0xc0: {  	s14 =	simm.s32 @!p1 $0x10  }
0xc1: {  	_ =	swait.ge @!p1 [sflag:s14], $0x800  }
0xc2: {  	[sflag:s14] =	ssyncset.done @!p1 $0x0  }
0xc3: {  	[sflag:s14] =	ssyncadd.s32 @!p1 $0xFFFFF800  }
0xc4: {  	s14 =	smov.u32 s12  }
0xc5: {  	s14 =	simm.s32 @p1 $0x7  }
0xc6: {  	s14 =	sshll.u32 s14, $0x7  }
0xc7: {  	s14 =	sand.u32 $0x3FFFFF80, s14  }
0xc8: {  	[tilespmem:s9], [sflag:$0x8] =	stream.indirect.gather [spmem:s4], $0x10, s14, s0, $0xb8;
	[tilespmem:$0x1F180] =	vst v63  }
.LBB2_12:
0xc9: {  	_ =	swait.ge [sflag:s21], $0x800  }
0xca: {  	p1 =	seq.s32 s11, $0x13000;
	[sflag:s21] =	ssyncset.done $0x0  }
.Ltmp7:
0xcb: {  	s14 =	sadd.s32 $0x4E80, s20;
	[sflag:s21] =	ssyncadd.s32 $0xFFFFF800;
	(pc) =	sbr.rel @p1 .LBB2_14-.Ltmp7, $4  }
0xcc: {  	[spmem:s3] =	stream.indirect.scatter.add.f32 [tilespmem:s1], [sflag:$0xD], $0x10, s14, s0, $0xb8;
	[tilespmem:$0x1F180] =	vst v63  }
0xcd: {  	_ =	swait.ge [sflag:s29], $0x800  }
0xce: {  	[sflag:s29] =	ssyncset.done $0x0  }
0xcf: {  	[sflag:s29] =	ssyncadd.s32 $0xFFFFF800  }
0xd0: {  	s13 =	sadd.s32 $0x400, s13;
	s20 =	sadd.s32 $0xFFFFFFFE, s12  }
0xd1: {  	[tilespmem:s2], [sflag:$0x1] =	stream.indirect.gather [spmem:s4], $0x10, s13, s0, $0xb8;
	[tilespmem:$0x1F180] =	vst v63  }
0xd2: {  	p1 =	sgt.u32 s20, $0x9C  }
0xd3: {  	s13 =	simm.s32 @!p1 $0x6  }
0xd4: {  	_ =	swait.ge @!p1 [sflag:s13], $0x800  }
0xd5: {  	[sflag:s13] =	ssyncset.done @!p1 $0x0  }
0xd6: {  	[sflag:s13] =	ssyncadd.s32 @!p1 $0xFFFFF800;
	s13 =	sshra.s32 @!p1 s11, $0x2  }
0xd7: {  	s15 =	simm.s32 @!p1 $0x80;
	s20 =	simm.s32 @!p1 $0xC500;
	s14 =	sadd.s32 @!p1 $0x5100, s13  }
0xd8: {  	[spmem:s3] =	stream.indirect.scatter.add.f32 @!p1 [tilespmem:s20], [sflag:$0xE], $0x10, s14, s15, $0xb8;
	[tilespmem:$0x1F180] =	vst v63  }
0xd9: {  	s14 =	simm.s32 @!p1 $0xA  }
0xda: {  	_ =	swait.ge @!p1 [sflag:s14], $0x800  }
0xdb: {  	[sflag:s14] =	ssyncset.done @!p1 $0x0  }
0xdc: {  	s20 =	simm.s32 @!p1 $0xA500;
	[sflag:s14] =	ssyncadd.s32 @!p1 $0xFFFFF800;
	s14 =	sadd.s32 @!p1 $0x480, s13  }
0xdd: {  	[tilespmem:s20], [sflag:$0x2] =	stream.indirect.gather @!p1 [spmem:s4], $0x10, s14, s15, $0xb8;
	[tilespmem:$0x1F180] =	vst v63  }
0xde: {  	s14 =	simm.s32 @!p1 $0x7  }
0xdf: {  	_ =	swait.ge @!p1 [sflag:s14], $0x800  }
0xe0: {  	[sflag:s14] =	ssyncset.done @!p1 $0x0  }
0xe1: {  	s20 =	simm.s32 @!p1 $0xCD00;
	[sflag:s14] =	ssyncadd.s32 @!p1 $0xFFFFF800;
	s14 =	sadd.s32 @!p1 $0x5180, s13  }
0xe2: {  	[spmem:s3] =	stream.indirect.scatter.add.f32 @!p1 [tilespmem:s20], [sflag:$0xF], $0x10, s14, s15, $0xb8;
	[tilespmem:$0x1F180] =	vst v63  }
0xe3: {  	s14 =	simm.s32 @!p1 $0xB  }
0xe4: {  	_ =	swait.ge @!p1 [sflag:s14], $0x800  }
0xe5: {  	[sflag:s14] =	ssyncset.done @!p1 $0x0  }
0xe6: {  	s20 =	simm.s32 @!p1 $0xAD00;
	[sflag:s14] =	ssyncadd.s32 @!p1 $0xFFFFF800;
	s14 =	sadd.s32 @!p1 $0x500, s13  }
0xe7: {  	[tilespmem:s20], [sflag:$0x3] =	stream.indirect.gather @!p1 [spmem:s4], $0x10, s14, s15, $0xb8;
	[tilespmem:$0x1F180] =	vst v63  }
0xe8: {  	s14 =	simm.s32 @!p1 $0x8  }
0xe9: {  	_ =	swait.ge @!p1 [sflag:s14], $0x800  }
0xea: {  	[sflag:s14] =	ssyncset.done @!p1 $0x0  }
0xeb: {  	s20 =	simm.s32 @!p1 $0xD500;
	[sflag:s14] =	ssyncadd.s32 @!p1 $0xFFFFF800;
	s14 =	sadd.s32 @!p1 $0x5200, s13  }
0xec: {  	[spmem:s3] =	stream.indirect.scatter.add.f32 @!p1 [tilespmem:s20], [sflag:$0x10], $0x10, s14, s15, $0xb8;
	[tilespmem:$0x1F180] =	vst v63  }
.Ltmp8:
0xed: {  	s14 =	simm.s32 @!p1 $0xC;
	(pc) =	sbr.rel .LBB2_6-.Ltmp8, $4  }
0xee: {  	_ =	swait.ge @!p1 [sflag:s14], $0x800  }
0xef: {  	s12 =	sadd.s32 $0x8, s12;
	s11 =	sadd.s32 $0x1000, s11;
	[sflag:s14] =	ssyncset.done @!p1 $0x0  }
0xf0: {  	s13 =	sadd.s32 @!p1 $0x580, s13;
	[sflag:s14] =	ssyncadd.s32 @!p1 $0xFFFFF800;
	s14 =	simm.s32 @!p1 $0xB500  }
0xf1: {  	[tilespmem:s14], [sflag:$0x4] =	stream.indirect.gather @!p1 [spmem:s4], $0x10, s13, s15, $0xb8;
	[tilespmem:$0x1F180] =	vst v63  }
.LBB2_15:
0xf2: {  	_ =	sfence.sel $0x180000  }
0xf3: {  	[bflag:$0x0] =	sbarrier.arrive $0xFFFF  }
0xf4: {  	_ =	strace $0x9000004D  }
0xf5: {  	s0 =	stileid.u32;
	[bflag:$0x2] =	sbarrier.arrive $0xFFFF  }
0xf6: {  	p0 =	sne.s32 s0, $0x0;
	s0 =	rddreg [dreg:$0x4]  }
0xf7: {  	s0 =	sadd.s32 @!p0 $0x100000, s0  }
0xf8: {  	[sflag:s0] =	ssyncadd.tile.s32 @!p0 $0x1;
	_ =	shalt  }
.Lfunc_end2:
_tile_overlayer_lowered:
.L_overlay_start_2:
0xf9: {  	(tag) =	ssettag $0x2  }
0xfa: {  	s0 =	rddreg [dreg:$0x0];
	s2 =	stileid.u32  }
0xfb: {  	s1 =	rddreg [dreg:$0x1];
	p0 =	sne.s32 s2, $0x0  }
0xfc: {  	s3 =	rddreg [dreg:$0x2];
	[bflag:$0x3] =	sbarrier.arrive $0xFFFF;
	s2 =	simm.s32 @!p0 $0x1C11  }
0xfd: {  	[timem:s3], [sflag:s2] =	dma.local @!p0 [hbm:s0], s1  }
0xfe: {  	s0 =	simm.s32 @!p0 $0x11  }
0xff: {  	_ =	swait.ge @!p0 [sflag:s0], s1  }
0x100: {  	s1 =	ssub.s32 @!p0 $0x0, s1;
	[sflag:s0] =	ssyncset.done @!p0 $0x0  }
0x101: {  	[sflag:s0] =	ssyncadd.s32 @!p0 s1  }
0x102: {  	[bflag:$0x3] =	sbarrier.arrive $0xFFFF  }
0x103: {  	_ =	shalt  }

// kernel: kernel.7.cloned.1.call-start
scs
__scs_entry_jumppad:
0x0: {  	(pc) =	sbr.rel $0x88, $3  }
0x1: {  	(tag) =	ssettag $0x0;
	lr =	simm.s32 $0x1  }
0x2: {  	[smem:$0x3F9B] =	sst lr;
	_ =	strace $0xD0000000  }
0x3: {  	_ = 	snop  }
0x4: {  	_ = 	snop  }
0x5: {  	_ = 	snop  }
0x6: {  	_ = 	snop  }
0x7: {  	_ = 	snop  }
__scs_overlays_trampoline_lowered:
0x8: {  	[smem:$0x3FAA] =	sst s0  }
0x9: {  	[smem:$0x3FAB] =	sst s1  }
0xa: {  	[smem:$0x3FAC] =	sst s2  }
0xb: {  	[smem:$0x3FAD] =	sst s3  }
0xc: {  	[smem:$0x3FAE] =	sst s4  }
0xd: {  	[smem:$0x3FAF] =	sst s5  }
0xe: {  	[smem:$0x3FB0] =	sst s6  }
0xf: {  	[smem:$0x3FB1] =	sst s7  }
0x10: {  	[smem:$0x3FB2] =	sst s8  }
0x11: {  	[smem:$0x3FB3] =	sst s9;
	s0 =	simm.s32 @!p0 $0x0  }
0x12: {  	s1 =	sld [smem:$0x3F99];
	s0 =	simm.s32 @p0 $0x1  }
0x13: {  	[smem:$0x3FB4] =	sst s0;
	s0 =	simm.s32 @!p1 $0x0  }
0x14: {  	s2 =	sld [smem:$0x3F98];
	s0 =	simm.s32 @p1 $0x1  }
0x15: {  	[smem:$0x3FB5] =	sst s0;
	s0 =	simm.s32 @!p2 $0x0  }
0x16: {  	s3 =	sld [smem:$0x3FDB];
	s0 =	simm.s32 @p2 $0x1  }
0x17: {  	s4 =	simm.s32 $0x1BF5;
	[smem:$0x3FB7] =	sst s0  }
0x18: {  	s0 =	sld [smem:$0x3F9A];
	_ =	swait.ge [sflag:s4], $0x0  }
0x19: {  	s7 =	sld [smem:$0x3F9B]  }
0x1a: {  	s8 =	sadd.s32 $0xFFFFE003, lr  }
0x1b: {  	s9 =	sadd.s32 $0xFFFFFEF7, lr;
	s5 =	simm.s32 $0xFFFFFFFF;
	p2 =	slt.u32 s8, $0xFFFFF086  }
0x1c: {  	p1 =	slt.u32 s9, $0xF7A;
	s5 =	simm.s32 @!p2 $0x0  }
0x1d: {  	s5 =	simm.s32 @p1 $0x1;
	p0 =	seq.s32 s7, s2  }
0x1e: {  	s7 =	smul.u32 @!p0 $0xF7A, s2;
	p2 =	seq.s32 @!p0 s5, $0x0  }
0x1f: {  	s9 =	smul.u32 $0xF7A, s1;
	s8 =	simm.s32 @!p0 $0x1BF5;
	p2 =	por !p2, p0  }
0x20: {  	[sflag:s8] =	ssyncset.s32 @!p0 $0xFFFFF086;
	s6 =	sadd.s32 @!p0 s3, s7;
	s7 =	simm.s32 @!p0 $0x108  }
0x21: {  	s3 =	sadd.s32 s3, s9;
	s6 =	sadd.s32 @!p0 $0x88, s6;
	s7 =	simm.s32 @p2 $0x1082  }
0x22: {  	[simem:s7], [sflag:s8] =	dma.local @!p0 [hbm:s6], $0xF7A  }
0x23: {  	s9 =	sor.u32 $0xD0000000, s2;
	s6 =	simm.s32 $0x108;
	_ =	swait.ge @!p0 [sflag:s8], $0x0  }
0x24: {  	s3 =	sadd.s32 $0x88, s3;
	s6 =	simm.s32 @!p1 $0x1082;
	[sflag:s4] =	ssyncset.s32 $0xFFFFF086  }
0x25: {  	[simem:s6], [sflag:s4] =	dma.local [hbm:s3], $0xF7A  }
0x26: {  	[smem:$0x3F9B] =	sst s1;
	(tag) =	ssettag s2;
	_ =	strace s9  }
0x27: {  	s1 =	sld [smem:$0x3FAB]  }
0x28: {  	s2 =	sld [smem:$0x3FAC]  }
0x29: {  	s4 =	sld [smem:$0x3FAE]  }
0x2a: {  	p0 =	seq.s32 s5, $0x0;
	s5 =	sld [smem:$0x3FAF]  }
0x2b: {  	s6 =	sld [smem:$0x3FB0]  }
0x2c: {  	s7 =	sld [smem:$0x3FB1]  }
0x2d: {  	s3 =	simm.s32 $0x108;
	s8 =	sld [smem:$0x3FB2]  }
0x2e: {  	s3 =	simm.s32 @!p0 $0x1082;
	s9 =	sld [smem:$0x3FB3]  }
0x2f: {  	lr =	sadd.s32 s0, s3;
	s0 =	sld [smem:$0x3FAA]  }
0x30: {  	s3 =	sld [smem:$0x3FAD]  }
0x31: {  	[smem:$0x3FB6] =	sst s10  }
0x32: {  	s10 =	sld [smem:$0x3FB4];
	_ =	sdelay $0x3  }
0x33: {  	p0 =	seq.s32 s10, $0x1;
	s10 =	sld [smem:$0x3FB6];
	_ =	sdelay $0x3  }
0x34: {  	[smem:$0x3FB6] =	sst s10  }
0x35: {  	s10 =	sld [smem:$0x3FB5];
	_ =	sdelay $0x3  }
0x36: {  	p1 =	seq.s32 s10, $0x1;
	s10 =	sld [smem:$0x3FB6];
	_ =	sdelay $0x3  }
0x37: {  	[smem:$0x3FB6] =	sst s10  }
0x38: {  	s10 =	sld [smem:$0x3FB7]  }
0x39: {  	_ = 	snop;
	(pc) =	sbr.ind lr, $3  }
0x3a: {  	_ = 	snop  }
0x3b: {  	_ = 	snop  }
0x3c: {  	p2 =	seq.s32 s10, $0x1;
	s10 =	sld [smem:$0x3FB6]  }
0x3d: {  	_ =	shalt  }
0x3e: {  	_ =	shalt  }
0x3f: {  	_ =	shalt  }
0x40: {  	_ =	shalt  }
0x41: {  	_ =	shalt  }
0x42: {  	_ =	shalt  }
0x43: {  	_ =	shalt  }
0x44: {  	_ =	shalt  }
0x45: {  	_ =	shalt  }
0x46: {  	_ =	shalt  }
0x47: {  	_ =	shalt  }
0x48: {  	_ =	shalt  }
0x49: {  	_ =	shalt  }
0x4a: {  	_ =	shalt  }
0x4b: {  	_ =	shalt  }
0x4c: {  	_ =	shalt  }
0x4d: {  	_ =	shalt  }
0x4e: {  	_ =	shalt  }
0x4f: {  	_ =	shalt  }
0x50: {  	_ =	shalt  }
0x51: {  	_ =	shalt  }
0x52: {  	_ =	shalt  }
0x53: {  	_ =	shalt  }
0x54: {  	_ =	shalt  }
0x55: {  	_ =	shalt  }
0x56: {  	_ =	shalt  }
0x57: {  	_ =	shalt  }
0x58: {  	_ =	shalt  }
0x59: {  	_ =	shalt  }
0x5a: {  	_ =	shalt  }
0x5b: {  	_ =	shalt  }
0x5c: {  	_ =	shalt  }
0x5d: {  	_ =	shalt  }
0x5e: {  	_ =	shalt  }
0x5f: {  	_ =	shalt  }
0x60: {  	_ =	shalt  }
0x61: {  	_ =	shalt  }
0x62: {  	_ =	shalt  }
0x63: {  	_ =	shalt  }
0x64: {  	_ =	shalt  }
0x65: {  	_ =	shalt  }
0x66: {  	_ =	shalt  }
0x67: {  	_ =	shalt  }
0x68: {  	_ =	shalt  }
0x69: {  	_ =	shalt  }
0x6a: {  	_ =	shalt  }
0x6b: {  	_ =	shalt  }
0x6c: {  	_ =	shalt  }
0x6d: {  	_ =	shalt  }
0x6e: {  	_ =	shalt  }
0x6f: {  	_ =	shalt  }
0x70: {  	_ =	shalt  }
0x71: {  	_ =	shalt  }
0x72: {  	_ =	shalt  }
0x73: {  	_ =	shalt  }
0x74: {  	_ =	shalt  }
0x75: {  	_ =	shalt  }
0x76: {  	_ =	shalt  }
0x77: {  	_ =	shalt  }
0x78: {  	_ =	shalt  }
0x79: {  	_ =	shalt  }
0x7a: {  	_ =	shalt  }
0x7b: {  	_ =	shalt  }
0x7c: {  	_ =	shalt  }
0x7d: {  	_ =	shalt  }
0x7e: {  	_ =	shalt  }
0x7f: {  	_ =	shalt  }
0x80: {  	_ =	shalt  }
0x81: {  	_ =	shalt  }
0x82: {  	_ =	shalt  }
0x83: {  	_ =	shalt  }
0x84: {  	_ =	shalt  }
0x85: {  	_ =	shalt  }
0x86: {  	_ =	shalt  }
0x87: {  	_ =	shalt  }
.Lfunc_end0:
.L_simem_size_0:
called_computation_lowered:
.L_overlay_start_0:
0x88: {  	s2 =	sld [smem:$0x3FD9]  }
0x89: {  	s3 =	sld [smem:$0x3FFE];
	_ =	sdelay $0x1  }
0x8a: {  	s1 =	srdreg.scid  }
0x8b: {  	s0 =	sand.u32 $0x1, s1  }
0x8c: {  	s16 =	sshll.u32 s0, $0xA;
	s2 =	sadd.s32 s3, s2  }
0x8d: {  	s2 =	sadd.s32 s2, s16  }
0x8e: {  	[smem:$0x3FC2] =	sst s2  }
0x8f: {  	_ = 	snop  }
0x90: {  	(tm) =	ssettm $0x1  }
0x91: {  	s17 =	sld [smem:$0x3FFB];
	_ =	sdelay $0x3  }
0x92: {  	_ =	strace s17  }
0x93: {  	s2 =	sld [smem:$0x3FFC];
	_ =	sdelay $0x3  }
0x94: {  	_ =	strace s2  }
0x95: {  	s2 =	sld [smem:$0x3FFD];
	_ =	sdelay $0x3  }
0x96: {  	_ =	strace s2  }
0x97: {  	_ =	strace $0x8FFFFFFF  }
0x98: {  	s18 =	sld [smem:$0x3FDB];
	_ =	sdelay $0x1  }
0x99: {  	s19 =	simm.s32 $_scs_section_size  }
0x9a: {  	s4 =	simm.s32 $_size__tile_overlayer_lowered;
	s5 =	simm.s32 $_tile_overlayer_lowered  }
0x9b: {  	s22 =	simm.s32 $0x1BFF;
	s21 =	sshll.u32 s5, $0x1;
	s2 =	sadd.s32 s19, s18  }
0x9c: {  	s6 =	simm.s32 $0x0;
	s20 =	sshll.u32 s4, $0x1;
	s4 =	sadd.s32 s21, s2  }
0x9d: {  	[timem:s6], [sflag:s22] =	dma.local [hbm:s4], s20  }
0x9e: {  	_ =	swait.ge [sflag:s22], s20  }
0x9f: {  	s3 =	ssub.s32 $0x0, s20;
	[sflag:s22] =	ssyncset.done $0x0  }
0xa0: {  	[sflag:s22] =	ssyncadd.s32 s3;
	_ =	sdelay $0x1  }
0xa1: {  	s23 =	simm.s32 $0x1B8B  }
0xa2: {  	_ =	swait.ge [sflag:s23], $0x1  }
0xa3: {  	[sflag:s23] =	ssyncset.done $0x0  }
0xa4: {  	s25 =	simm.s32 $0x1B8E;
	s24 =	sld [smem:$0x3FFE];
	[sflag:s23] =	ssyncadd.s32 $0xFFFFFFFF  }
0xa5: {  	s26 =	simm.s32 $execute0_lowered;
	[smem:$0x3FD2] =	sst s25  }
0xa6: {  	s4 =	sshll.u32 s26, $0x1;
	_ =	strace $0x80000046;
	[dreg:$0x1] =	wrdreg $0xFFFFFFFF  }
0xa7: {  	s28 =	simm.s32 $_size_execute0_lowered;
	s2 =	sadd.s32 s2, s4;
	[dreg:$0x0] =	wrdreg $0x0  }
0xa8: {  	s4 =	sshll.u32 s28, $0x1;
	[dreg:$0x2] =	wrdreg s2  }
0xa9: {  	[dreg:$0x3] =	wrdreg s4  }
0xaa: {  	[dreg:$0x4] =	wrdreg $0xC0  }
0xab: {  	_ =	task [dreg:s6], $0x5FFFF  }
0xac: {  	[dreg:$0x1] =	wrdreg $0xFFFFFFFF  }
0xad: {  	[dreg:$0x0] =	wrdreg $0x60  }
0xae: {  	[dreg:$0x2] =	wrdreg s24  }
0xaf: {  	[dreg:$0x3] =	wrdreg $0x7E000  }
0xb0: {  	[dreg:$0x4] =	wrdreg $0x9  }
0xb1: {  	_ =	task.clear_ibuf [dreg:s6], $0x5FFFF;
	_ =	strace $0x90000046  }
0xb2: {  	s29 =	simm.s32 $0x9;
	_ =	strace $0x80000048  }
0xb3: {  	_ =	swait.ge [sflag:s29], $0x1  }
0xb4: {  	[sflag:s29] =	ssyncadd.s32 $0xFFFFFFFF  }
0xb5: {  	_ =	strace $0x90000048  }
0xb6: {  	_ =	sfence  }
0xb7: {  	s30 =	sld [smem:$0x0];
	_ =	sdelay $0x2  }
0xb8: {  	s31 =	sshll.u32 s1, $0xD;
	s1 =	sshrl.u32 s1, $0x2  }
0xb9: {  	s3 =	sand.u32 $0x4000, s31;
	s1 =	sadd.s32 s1, s30  }
0xba: {  	s0 =	sor.u32 s3, s0;
	s1 =	sshll.u32 s1, $0x11  }
0xbb: {  	s0 =	sor.u32 s1, s0  }
0xbc: {  	s0 =	sadd.s32 $0x8F2B, s0  }
0xbd: {  	[sflag:s0] =	ssyncadd.remote.s32 $0x1  }
0xbe: {  	_ =	sfence.sel $0xFFFF  }
0xbf: {  	[dreg:$0x0] =	wrdreg $0xFFFFFFFF;
	(pc) =	sbr.abs _section_cstart, $3  }
0xc0: {  	[dreg:$0x1] =	wrdreg $0xFFFFFFFF  }
0xc1: {  	_ =	task.clear_ibuf [dreg:s6], $0x2FFFF;
	_ =	strace $0x9FFFFFFF  }
0xc2: {  	(tm) =	ssettm $0x7FFFFFFF  }
0xc3: {  	_ =	shalt  }
tec
execute0_lowered:
.L_overlay_start_1:
0x0: {  	(tag) =	ssettag $0x1  }
0x1: {  	s4 =	rddreg [dreg:$0x0]  }
0x2: {  	s2 =	rddreg [dreg:$0x1];
	s3 =	srdreg.scid  }
0x3: {  	s1 =	stileid.u32;
	s0 =	rddreg [dreg:$0x2];
	s10 =	simm.s32 $0x80  }
0x4: {  	s11 =	simm.s32 $0x4E80;
	s12 =	simm.s32 $0x1;
	s5 =	sand.u32 $0x1, s3  }
0x5: {  	s6 =	smul.u32 $0x2780, s1;
	s3 =	simm.s32 $0x0;
	s13 =	sshll.u32 s1, $0x6  }
0x6: {  	s7 =	sshll.u32 s5, $0x4;
	s8 =	smul.u32 $0x27800, s5;
	[smem:$0x7FF] =	sst s3  }
0x7: {  	s5 =	ssub.s32 $0x2, s5;
	s13 =	sor.u32 $0x1C02, s13;
	s7 =	sor.u32 s1, s7  }
0x8: {  	s9 =	sshrl.u32 s5, $0x1;
	s7 =	smul.u32 $0x9D0, s7;
	s8 =	sadd.s32 s6, s8  }
0x9: {  	_ =	strace $0x80000047;
	s9 =	ssub.s32 s5, s9;
	s8 =	sshrl.u32 s8, $0x3  }
0xa: {  	s7 =	sadd.s32 s7, s4;
	s8 =	sadd.s32 s8, s4;
	s4 =	sadd.s32 s6, s2  }
0xb: {  	s5 =	sadd.s32 $0x15C00, s7;
	s6 =	sadd.s32 $0x29600, s8;
	s7 =	smax.u32 s9, $0x1  }
0xc: {  	v0 =	vimm.f32 $0.0e+00;
	v1 =	vimm.f32 $1.000000000e+00;
	s8 =	simm.s32 $0x5680;
	s9 =	simm.s32 $0x2;
	s14 =	sshrl.u32 s4, $0x3  }
.LBB2_1:
0xd: {  	s15 =	simm.s32 $0x40;
	s16 =	simm.s32 $0x0  }
.LBB2_2:
0xe: {  	p0 =	sne.s32 s15, $0x9DC0;
	[tilespmem:s16+$0x5680] =	vst v0;
	s16 =	smov.u32 s15;
	s15 =	sadd.s32 $0x40, s15  }
.Ltmp0:
0xf: {  	(pc) =	sbr.rel @p0 .LBB2_2-.Ltmp0, $2  }
0x10: {  	_ =	sdelay $0x2  }
0x11: {  	s16 =	sshra.s32 s16, $0x2  }
0x12: {  	[tilespmem:s16+$0x5680] =	vst v0  }
0x13: {  	[spmem:s4] =	stream.linear.scatter [tilespmem:s8], [sflag:$0x2], $0x2780, $0x38;
	[tilespmem:$0xA580] =	vst v63  }
0x14: {  	_ =	swait.ge [sflag:s9], $0x2780  }
0x15: {  	[sflag:s9] =	ssyncset.done $0x0  }
0x16: {  	s15 =	simm.s32 $0x40;
	s16 =	simm.s32 $0x0;
	[sflag:s9] =	ssyncadd.s32 $0xFFFFD880  }
.LBB2_4:
0x17: {  	p0 =	sne.s32 s15, $0x1FC0;
	[tilespmem:s16+$0x4E80] =	vst v1;
	s16 =	smov.u32 s15;
	s15 =	sadd.s32 $0x40, s15  }
.Ltmp1:
0x18: {  	(pc) =	sbr.rel @p0 .LBB2_4-.Ltmp1, $2  }
0x19: {  	_ =	sdelay $0x2  }
0x1a: {  	s16 =	sshra.s32 s16, $0x2  }
0x1b: {  	[tilespmem:s16+$0x4E80] =	vst v1;
	s15 =	simm.s32 $0x0  }
0x1c: {  	[tilespmem:s15], [sflag:$0x2] =	stream.linear.gather [hbm4b:s5+s15], $0x4E80, $0x38;
	[tilespmem:$0xA580] =	vst v63  }
0x1d: {  	_ =	swait.ge [sflag:s9], $0x4E80  }
0x1e: {  	[sflag:s9] =	ssyncset.done $0x0  }
0x1f: {  	[sflag:s9] =	ssyncadd.s32 $0xFFFFB180  }
0x20: {  	[bflag:$0x0] =	sbarrier.arrive $0xFFFF  }
.LBB2_6:
0x21: {  	p0 =	sne.s32 s15, $0x13800  }
.Ltmp2:
0x22: {  	_ = 	snop;
	(pc) =	sbr.rel @p0 .LBB2_6-.Ltmp2, $3  }
0x23: {  	_ =	sdelay $0x1  }
0x24: {  	s16 =	sshra.s32 s15, $0x2;
	s15 =	sadd.s32 $0x200, s15  }
0x25: {  	[spmem:s2] =	stream.indirect.scatter.add.f32 [tilespmem:s11], [sflag:$0x1], $0x10, s16, s10, $0xb8;
	[tilespmem:$0xA580] =	vst v63  }
0x26: {  	_ =	swait.ge [sflag:s12], $0x800  }
0x27: {  	s15 =	simm.s32 $0x9C;
	[sflag:s12] =	ssyncset.done $0x0  }
.LBB2_8:
0x28: {  	p0 =	sne.s32 s15, $0x1;
	s15 =	sadd.s32 $0xFFFFFFFF, s15;
	[sflag:s12] =	ssyncadd.s32 $0xFFFFF800  }
.Ltmp3:
0x29: {  	(pc) =	sbr.rel @p0 .LBB2_8-.Ltmp3, $3  }
0x2a: {  	_ =	sdelay $0x1  }
0x2b: {  	_ =	swait.ge [sflag:s12], $0x800  }
0x2c: {  	[sflag:s12] =	ssyncset.done $0x0  }
0x2d: {  	s3 =	sadd.s32 $0x1, s3  }
0x2e: {  	[sflag:s12] =	ssyncadd.s32 $0xFFFFF800;
	p0 =	sne.s32 s3, s7  }
.Ltmp4:
0x2f: {  	[bflag:$0x0] =	sbarrier.arrive $0xFFFF;
	(pc) =	sbr.rel @p0 .LBB2_1-.Ltmp4, $4  }
0x30: {  	[hbm:s6], [sflag:s13] =	dma.local [spmem:s14], $0x4F0  }
0x31: {  	_ =	swait.ge [sflag:s9], $0x4F0  }
0x32: {  	[sflag:s9] =	ssyncset.done $0x0  }
0x33: {  	[sflag:s9] =	ssyncadd.s32 $0xFFFFFB10  }
0x34: {  	_ =	sfence.sel $0x180000  }
0x35: {  	[bflag:$0x0] =	sbarrier.arrive $0xFFFF  }
0x36: {  	p0 =	sne.s32 s1, $0x0;
	_ =	strace $0x90000047  }
0x37: {  	s0 =	sadd.s32 @!p0 $0x100000, s0;
	[bflag:$0x2] =	sbarrier.arrive $0xFFFF  }
0x38: {  	[sflag:s0] =	ssyncadd.tile.s32 @!p0 $0x1;
	_ =	shalt  }
.Lfunc_end2:
_tile_overlayer_lowered:
.L_overlay_start_2:
0x39: {  	(tag) =	ssettag $0x2  }
0x3a: {  	s0 =	rddreg [dreg:$0x0];
	s2 =	stileid.u32  }
0x3b: {  	s1 =	rddreg [dreg:$0x1];
	p0 =	sne.s32 s2, $0x0  }
0x3c: {  	s3 =	rddreg [dreg:$0x2];
	[bflag:$0x3] =	sbarrier.arrive $0xFFFF;
	s2 =	simm.s32 @!p0 $0x1C02  }
0x3d: {  	[timem:s3], [sflag:s2] =	dma.local @!p0 [hbm:s0], s1  }
0x3e: {  	s0 =	simm.s32 @!p0 $0x2  }
0x3f: {  	_ =	swait.ge @!p0 [sflag:s0], s1  }
0x40: {  	s1 =	ssub.s32 @!p0 $0x0, s1;
	[sflag:s0] =	ssyncset.done @!p0 $0x0  }
0x41: {  	[sflag:s0] =	ssyncadd.s32 @!p0 s1  }
0x42: {  	[bflag:$0x3] =	sbarrier.arrive $0xFFFF  }
0x43: {  	_ =	shalt  }

</sc_bundles>
